<compile_context>
chip_gen: v7x
topology: tpu7x:2x2x1
jax: 0.10.2.dev20260603
libtpu: 0.0.44.dev20260713+nightly
codegen_flags: <defaults>
</compile_context>

<pallas_src>
import jax
import jax.numpy as jnp
from jax import lax
from jax.experimental import pallas as pl
from jax.experimental.pallas import tpu as pltpu
from jax.experimental.pallas import tpu_sc as plsc

B, L, H = 1024, 200, 128
N = B * L
NW = 32
TPW = N // NW
RPW = B // NW
G = 64
NG = TPW // G
NBUF = 4
NH = H // 16


def _body(ids_hbm, wte_hbm, wpe_hbm, gamma_hbm, beta_hbm, out_hbm,
          ids_v, pos_v, wpe_sh,
          wte0, wte1, wte2, wte3, wpe0, wpe1, wpe2, wpe3,
          out0, out1, out2, out3, g_v, b_v,
          sw0, sw1, sw2, sw3, sp0, sp1, sp2, sp3, so0, so1, so2, so3):
    cid = lax.axis_index("c")
    sid = lax.axis_index("s")
    wid = sid * 2 + cid
    base = pl.multiple_of(wid * TPW, 8)

    wte_b, wpe_b, out_b = ([wte0, wte1, wte2, wte3], [wpe0, wpe1, wpe2, wpe3],
                           [out0, out1, out2, out3])
    sw, sp, so = [sw0, sw1, sw2, sw3], [sp0, sp1, sp2, sp3], [so0, so1, so2, so3]

    @pl.when(sid == 0)
    def _():
        pltpu.sync_copy(wpe_hbm, wpe_sh)

    pltpu.sync_copy(ids_hbm.at[pl.ds(base, TPW)], ids_v)
    pltpu.sync_copy(gamma_hbm, g_v)
    pltpu.sync_copy(beta_hbm, b_v)

    gs = [g_v[pl.ds(16 * i, 16)] for i in range(NH)]
    bs = [b_v[pl.ds(16 * i, 16)] for i in range(NH)]

    def pos_chunk(off, carry):
        ch = ids_v[pl.ds(off, 16)]
        m = (ch != 0).astype(jnp.int32)
        cs = jnp.cumsum(m)
        pos_v[pl.ds(off, 16)] = (carry + cs) * m
        return m

    def row_body(r, x):
        off0 = r * L
        carry = jnp.int32(0)
        for c in range(11):
            m = pos_chunk(pl.multiple_of(off0 + c * 16, 8), carry)
            carry = carry + jnp.sum(m)
        m = pos_chunk(pl.multiple_of(off0 + 176, 8), carry)
        first8 = jnp.where(lax.iota(jnp.int32, 16) < 8, m, 0)
        carry2 = carry + jnp.sum(first8)
        pos_chunk(pl.multiple_of(off0 + 184, 8), carry2)
        return x

    def fire_wte(g, b):
        goff = pl.multiple_of(g * G, 8)
        pltpu.async_copy(wte_hbm.at[ids_v.at[pl.ds(goff, G)]], wte_b[b], sw[b])

    def fire_wpe(g, b):
        goff = pl.multiple_of(g * G, 8)
        pltpu.async_copy(wpe_sh.at[pos_v.at[pl.ds(goff, G)]], wpe_b[b], sp[b])

    def fire(g, b):
        fire_wte(g, b)
        fire_wpe(g, b)

    for b in range(NBUF):
        fire_wte(jnp.int32(b), b)

    lax.fori_loop(0, RPW, row_body, jnp.int32(0))

    plsc.subcore_barrier()

    for b in range(NBUF):
        fire_wpe(jnp.int32(b), b)

    def compute(b, goff):
        wte_v, wpe_v, out_v = wte_b[b], wpe_b[b], out_b[b]

        def tok_body(t, y):
            e = [wte_v[t, pl.ds(16 * i, 16)] + wpe_v[t, pl.ds(16 * i, 16)]
                 for i in range(NH)]
            s1 = ((e[0] + e[1]) + (e[2] + e[3])) + ((e[4] + e[5]) + (e[6] + e[7]))
            sq = [v * v for v in e]
            s2 = ((sq[0] + sq[1]) + (sq[2] + sq[3])) + ((sq[4] + sq[5]) + (sq[6] + sq[7]))
            mean = jnp.sum(s1) * (1.0 / H)
            var = jnp.sum(s2) * (1.0 / H) - mean * mean
            xv = var + 1e-5
            xi = lax.bitcast_convert_type(xv, jnp.int32)
            yi = jnp.int32(0x5F3759DF) - lax.shift_right_arithmetic(xi, 1)
            r = lax.bitcast_convert_type(yi, jnp.float32)
            for _ in range(3):
                r = r * (1.5 - 0.5 * xv * r * r)
            for i in range(NH):
                out_v[t, pl.ds(16 * i, 16)] = (e[i] - mean) * r * gs[i] + bs[i]
            return y

        lax.fori_loop(0, G, tok_body, jnp.int32(0))

    def pair_body(p, x):
        for b in range(NBUF):
            g = p * NBUF + b
            goff = pl.multiple_of(g * G, 8)
            pltpu.make_async_copy(
                wte_hbm.at[ids_v.at[pl.ds(0, G)]], wte_b[b], sw[b]).wait()
            pltpu.make_async_copy(
                wpe_sh.at[pos_v.at[pl.ds(0, G)]], wpe_b[b], sp[b]).wait()

            @pl.when(g >= NBUF)
            def _():
                pltpu.make_async_copy(
                    out_b[b], out_hbm.at[pl.ds(base, G)], so[b]).wait()

            compute(b, goff)
            pltpu.async_copy(out_b[b], out_hbm.at[pl.ds(base + goff, G)], so[b])

            @pl.when(g + NBUF < NG)
            def _():
                fire(g + NBUF, b)
        return x

    lax.fori_loop(0, NG // NBUF, pair_body, jnp.int32(0))

    for b in range(NBUF):
        pltpu.make_async_copy(out_b[b], out_hbm.at[pl.ds(base, G)], so[b]).wait()


@jax.jit
def _run(ids, wte, wpe, gamma, beta):
    mesh = plsc.VectorSubcoreMesh(core_axis_name="c", subcore_axis_name="s")
    f = pl.kernel(
        _body,
        out_type=jax.ShapeDtypeStruct((N, H), jnp.float32),
        mesh=mesh,
        scratch_types=[
            pltpu.VMEM((TPW,), jnp.int32),
            pltpu.VMEM((TPW,), jnp.int32),
            pltpu.VMEM_SHARED((512, H), jnp.float32),
        ]
        + [pltpu.VMEM((G, H), jnp.float32)] * (3 * NBUF)
        + [
            pltpu.VMEM((H,), jnp.float32),
            pltpu.VMEM((H,), jnp.float32),
        ]
        + [pltpu.SemaphoreType.DMA] * (3 * NBUF),
        compiler_params=pltpu.CompilerParams(needs_layout_passes=False),
    )
    return f(ids, wte, wpe, gamma, beta)


def kernel(input_ids, wte, wpe, ln_gamma, ln_beta):
    ids = input_ids.reshape(-1).astype(jnp.int32)
    out = _run(ids, wte, wpe, ln_gamma, ln_beta)
    return out.reshape(input_ids.shape + (H,))

# --- scband reference (transcript-rebuilt; emitter-appended) ---
"""Pipeline reference for scband-embeddings-60567628808560 (READ-ONLY COPY).

The authoritative reference and input builder live on the scoring server;
editing this copy changes nothing except your own understanding.
"""

import jax, jax.numpy as jnp
import numpy as np

VOCAB = 100000
HIDDEN = 128
MAX_POS = 512
PAD = 0
B, L = 1024, 200

def setup_inputs(seed: int = 0) -> dict:
    key = jax.random.key(seed)
    k0, k1, k2 = jax.random.split(key, 3)
    input_ids = jax.random.randint(k0, (B, L), 0, VOCAB, dtype=jnp.int64)
    wte = jax.random.normal(k1, (VOCAB, HIDDEN), dtype=jnp.float32) * 0.02
    wte = wte.at[PAD].set(0.0)  # padding_idx row zeroed (torch nn.Embedding padding_idx init)
    wpe = jax.random.normal(k2, (MAX_POS, HIDDEN), dtype=jnp.float32) * 0.02
    wpe = wpe.at[PAD].set(0.0)
    ln_gamma = jnp.ones((HIDDEN,), dtype=jnp.float32)
    ln_beta = jnp.zeros((HIDDEN,), dtype=jnp.float32)
    return {"input_ids": input_ids, "wte": wte, "wpe": wpe, "ln_gamma": ln_gamma, "ln_beta": ln_beta}

def reference(input_ids, wte, wpe, ln_gamma, ln_beta):
    mask = (input_ids != PAD).astype(jnp.int32)
    position_ids = (jnp.cumsum(mask, axis=1) * mask).astype(input_ids.dtype)
    inputs_embeds = jnp.take(wte, input_ids, axis=0)
    position_embeds = jnp.take(wpe, position_ids, axis=0)
    embeddings = inputs_embeds + position_embeds
    mean = jnp.mean(embeddings, axis=-1, keepdims=True)
    var = jnp.var(embeddings, axis=-1, keepdims=True)
    normed = (embeddings - mean) / jnp.sqrt(var + 1e-5)
    out = normed * ln_gamma + ln_beta
    # dropout p=0.0 (eval / identity)
    return out

if __name__ == "__main__":
    import jax
    _d = setup_inputs()
    print(jax.jit(kernel)(*tuple(_d.values())))

</pallas_src>

<mosaic_0001>
#map = affine_map<(d0, d1) -> (0)>
#map1 = affine_map<(d0, d1) -> (0, 0)>
module attributes {stable_mosaic.version = 14 : i64} {
  func.func @_body(%arg0: i32, %arg1: i32, %arg2: memref<204800xi32, #tpu.memory_space<hbm>>, %arg3: memref<100000x128xf32, #tpu.memory_space<hbm>>, %arg4: memref<512x128xf32, #tpu.memory_space<hbm>>, %arg5: memref<128xf32, #tpu.memory_space<hbm>>, %arg6: memref<128xf32, #tpu.memory_space<hbm>>, %arg7: memref<204800x128xf32, #tpu.memory_space<hbm>>, %arg8: memref<6400xi32, #tpu.memory_space<vmem>>, %arg9: memref<6400xi32, #tpu.memory_space<vmem>>, %arg10: memref<512x128xf32, #tpu.memory_space<vmem_shared>>, %arg11: memref<64x128xf32, #tpu.memory_space<vmem>>, %arg12: memref<64x128xf32, #tpu.memory_space<vmem>>, %arg13: memref<64x128xf32, #tpu.memory_space<vmem>>, %arg14: memref<64x128xf32, #tpu.memory_space<vmem>>, %arg15: memref<64x128xf32, #tpu.memory_space<vmem>>, %arg16: memref<64x128xf32, #tpu.memory_space<vmem>>, %arg17: memref<64x128xf32, #tpu.memory_space<vmem>>, %arg18: memref<64x128xf32, #tpu.memory_space<vmem>>, %arg19: memref<64x128xf32, #tpu.memory_space<vmem>>, %arg20: memref<64x128xf32, #tpu.memory_space<vmem>>, %arg21: memref<64x128xf32, #tpu.memory_space<vmem>>, %arg22: memref<64x128xf32, #tpu.memory_space<vmem>>, %arg23: memref<128xf32, #tpu.memory_space<vmem>>, %arg24: memref<128xf32, #tpu.memory_space<vmem>>, %arg25: memref<!tpu.dma_semaphore, #tpu.memory_space<semaphore_mem>>, %arg26: memref<!tpu.dma_semaphore, #tpu.memory_space<semaphore_mem>>, %arg27: memref<!tpu.dma_semaphore, #tpu.memory_space<semaphore_mem>>, %arg28: memref<!tpu.dma_semaphore, #tpu.memory_space<semaphore_mem>>, %arg29: memref<!tpu.dma_semaphore, #tpu.memory_space<semaphore_mem>>, %arg30: memref<!tpu.dma_semaphore, #tpu.memory_space<semaphore_mem>>, %arg31: memref<!tpu.dma_semaphore, #tpu.memory_space<semaphore_mem>>, %arg32: memref<!tpu.dma_semaphore, #tpu.memory_space<semaphore_mem>>, %arg33: memref<!tpu.dma_semaphore, #tpu.memory_space<semaphore_mem>>, %arg34: memref<!tpu.dma_semaphore, #tpu.memory_space<semaphore_mem>>, %arg35: memref<!tpu.dma_semaphore, #tpu.memory_space<semaphore_mem>>, %arg36: memref<!tpu.dma_semaphore, #tpu.memory_space<semaphore_mem>>) attributes {dimension_semantics = [#tpu.dimension_semantics<core_parallel>, #tpu.dimension_semantics<subcore_parallel>], iteration_bounds = array<i64: 2, 16>, scalar_prefetch = 0 : i64, scratch_operands = 29 : i64, tpu.core_type = #tpu.core_type<sc_vector_subcore>, window_params = [{transform_indices = #map}, {transform_indices = #map1}, {transform_indices = #map1}, {transform_indices = #map}, {transform_indices = #map}, {transform_indices = #map1}]} {
    %mul3A = arith.constant 2 : i32
    %mul3A_0 = arith.muli %arg1, %mul3A : i32
    %add3A = arith.addi %mul3A_0, %arg0 : i32
    %mul3A_1 = arith.constant 6400 : i32
    %mul3A_2 = arith.muli %add3A, %mul3A_1 : i32
    %multiple_of3A = tpu.assume_multiple %mul3A_2, 8 : i32
    %eq3A = arith.constant 0 : i32
    %eq3A_3 = arith.cmpi eq, %arg1, %eq3A : i32
    %convert_element_type3A = arith.extui %eq3A_3 : i1 to i32
    %cond3A = arith.constant 0 : i32
    %cond3A_4 = arith.cmpi ne, %convert_element_type3A, %cond3A : i32
    scf.if %cond3A_4 {
      "tpu.region"() ({
        %run_scoped3A = tpu.sem_alloc : memref<!tpu.dma_semaphore, #tpu.memory_space<semaphore_mem>>
        tpu.enqueue_dma source(%arg4 : memref<512x128xf32, #tpu.memory_space<hbm>>) target(%arg10 : memref<512x128xf32, #tpu.memory_space<vmem_shared>>) target_semaphore(%run_scoped3A : memref<!tpu.dma_semaphore, #tpu.memory_space<semaphore_mem>>)
        tpu.wait_dma2 semaphore(%run_scoped3A : memref<!tpu.dma_semaphore, #tpu.memory_space<semaphore_mem>>) src(%arg4 : memref<512x128xf32, #tpu.memory_space<hbm>>) dst(%arg10 : memref<512x128xf32, #tpu.memory_space<vmem_shared>>)
        tpu.yield
      }) : () -> ()
    } else {
    }
    "tpu.region"() ({
      %run_scoped3A = tpu.sem_alloc : memref<!tpu.dma_semaphore, #tpu.memory_space<semaphore_mem>>
      %dma_start3A_125 = tpu.memref_slice %arg2[%multiple_of3A] : memref<204800xi32, #tpu.memory_space<hbm>> -> memref<6400xi32, #tpu.memory_space<hbm>>
      %dma_start3A_126 = tpu.memref_slice %arg2[%multiple_of3A] : memref<204800xi32, #tpu.memory_space<hbm>> -> memref<6400xi32, #tpu.memory_space<hbm>>
      tpu.enqueue_dma source(%dma_start3A_126 : memref<6400xi32, #tpu.memory_space<hbm>>) target(%arg8 : memref<6400xi32, #tpu.memory_space<vmem>>) target_semaphore(%run_scoped3A : memref<!tpu.dma_semaphore, #tpu.memory_space<semaphore_mem>>)
      %dma_wait3A_127 = tpu.memref_slice %arg2[%multiple_of3A] : memref<204800xi32, #tpu.memory_space<hbm>> -> memref<6400xi32, #tpu.memory_space<hbm>>
      %dma_wait3A_128 = tpu.memref_slice %arg2[%multiple_of3A] : memref<204800xi32, #tpu.memory_space<hbm>> -> memref<6400xi32, #tpu.memory_space<hbm>>
      tpu.wait_dma2 semaphore(%run_scoped3A : memref<!tpu.dma_semaphore, #tpu.memory_space<semaphore_mem>>) src(%dma_wait3A_128 : memref<6400xi32, #tpu.memory_space<hbm>>) dst(%arg8 : memref<6400xi32, #tpu.memory_space<vmem>>)
      tpu.yield
    }) : () -> ()
    "tpu.region"() ({
      %run_scoped3A = tpu.sem_alloc : memref<!tpu.dma_semaphore, #tpu.memory_space<semaphore_mem>>
      tpu.enqueue_dma source(%arg5 : memref<128xf32, #tpu.memory_space<hbm>>) target(%arg23 : memref<128xf32, #tpu.memory_space<vmem>>) target_semaphore(%run_scoped3A : memref<!tpu.dma_semaphore, #tpu.memory_space<semaphore_mem>>)
      tpu.wait_dma2 semaphore(%run_scoped3A : memref<!tpu.dma_semaphore, #tpu.memory_space<semaphore_mem>>) src(%arg5 : memref<128xf32, #tpu.memory_space<hbm>>) dst(%arg23 : memref<128xf32, #tpu.memory_space<vmem>>)
      tpu.yield
    }) : () -> ()
    "tpu.region"() ({
      %run_scoped3A = tpu.sem_alloc : memref<!tpu.dma_semaphore, #tpu.memory_space<semaphore_mem>>
      tpu.enqueue_dma source(%arg6 : memref<128xf32, #tpu.memory_space<hbm>>) target(%arg24 : memref<128xf32, #tpu.memory_space<vmem>>) target_semaphore(%run_scoped3A : memref<!tpu.dma_semaphore, #tpu.memory_space<semaphore_mem>>)
      tpu.wait_dma2 semaphore(%run_scoped3A : memref<!tpu.dma_semaphore, #tpu.memory_space<semaphore_mem>>) src(%arg6 : memref<128xf32, #tpu.memory_space<hbm>>) dst(%arg24 : memref<128xf32, #tpu.memory_space<vmem>>)
      tpu.yield
    }) : () -> ()
    %get3A = arith.constant 0 : index
    %get3A_5 = tpu.vector_load %arg23[%get3A] {strides = array<i32>} : memref<128xf32, #tpu.memory_space<vmem>>, vector<16xf32>,
    %get3A_6 = arith.constant 16 : index
    %get3A_7 = tpu.vector_load %arg23[%get3A_6] {strides = array<i32>} : memref<128xf32, #tpu.memory_space<vmem>>, vector<16xf32>,
    %get3A_8 = arith.constant 32 : index
    %get3A_9 = tpu.vector_load %arg23[%get3A_8] {strides = array<i32>} : memref<128xf32, #tpu.memory_space<vmem>>, vector<16xf32>,
    %get3A_10 = arith.constant 48 : index
    %get3A_11 = tpu.vector_load %arg23[%get3A_10] {strides = array<i32>} : memref<128xf32, #tpu.memory_space<vmem>>, vector<16xf32>,
    %get3A_12 = arith.constant 64 : index
    %get3A_13 = tpu.vector_load %arg23[%get3A_12] {strides = array<i32>} : memref<128xf32, #tpu.memory_space<vmem>>, vector<16xf32>,
    %get3A_14 = arith.constant 80 : index
    %get3A_15 = tpu.vector_load %arg23[%get3A_14] {strides = array<i32>} : memref<128xf32, #tpu.memory_space<vmem>>, vector<16xf32>,
    %get3A_16 = arith.constant 96 : index
    %get3A_17 = tpu.vector_load %arg23[%get3A_16] {strides = array<i32>} : memref<128xf32, #tpu.memory_space<vmem>>, vector<16xf32>,
    %get3A_18 = arith.constant 112 : index
    %get3A_19 = tpu.vector_load %arg23[%get3A_18] {strides = array<i32>} : memref<128xf32, #tpu.memory_space<vmem>>, vector<16xf32>,
    %get3A_20 = arith.constant 0 : index
    %get3A_21 = tpu.vector_load %arg24[%get3A_20] {strides = array<i32>} : memref<128xf32, #tpu.memory_space<vmem>>, vector<16xf32>,
    %get3A_22 = arith.constant 16 : index
    %get3A_23 = tpu.vector_load %arg24[%get3A_22] {strides = array<i32>} : memref<128xf32, #tpu.memory_space<vmem>>, vector<16xf32>,
    %get3A_24 = arith.constant 32 : index
    %get3A_25 = tpu.vector_load %arg24[%get3A_24] {strides = array<i32>} : memref<128xf32, #tpu.memory_space<vmem>>, vector<16xf32>,
    %get3A_26 = arith.constant 48 : index
    %get3A_27 = tpu.vector_load %arg24[%get3A_26] {strides = array<i32>} : memref<128xf32, #tpu.memory_space<vmem>>, vector<16xf32>,
    %get3A_28 = arith.constant 64 : index
    %get3A_29 = tpu.vector_load %arg24[%get3A_28] {strides = array<i32>} : memref<128xf32, #tpu.memory_space<vmem>>, vector<16xf32>,
    %get3A_30 = arith.constant 80 : index
    %get3A_31 = tpu.vector_load %arg24[%get3A_30] {strides = array<i32>} : memref<128xf32, #tpu.memory_space<vmem>>, vector<16xf32>,
    %get3A_32 = arith.constant 96 : index
    %get3A_33 = tpu.vector_load %arg24[%get3A_32] {strides = array<i32>} : memref<128xf32, #tpu.memory_space<vmem>>, vector<16xf32>,
    %get3A_34 = arith.constant 112 : index
    %get3A_35 = tpu.vector_load %arg24[%get3A_34] {strides = array<i32>} : memref<128xf32, #tpu.memory_space<vmem>>, vector<16xf32>,
    %mul3A_36 = arith.constant 0 : i32
    %mul3A_37 = arith.constant 64 : i32
    %mul3A_38 = arith.muli %mul3A_36, %mul3A_37 : i32
    %multiple_of3A_39 = tpu.assume_multiple %mul3A_38, 8 : i32
    %dma_start3A = tpu.memref_slice %arg8[%multiple_of3A_39] : memref<6400xi32, #tpu.memory_space<vmem>> -> memref<64xi32, #tpu.memory_space<vmem>>
    %dma_start3A_40 = arith.constant 0 : i32
    %dma_start3A_41 = arith.constant 0 : i32
    %dma_start3A_42 = tpu.memref_slice %arg3[%dma_start3A_40, %dma_start3A_41] : memref<100000x128xf32, #tpu.memory_space<hbm>> -> memref<100000x128xf32, #tpu.memory_space<hbm>>
    tpu.enqueue_indirect_dma source(%dma_start3A_42 : memref<100000x128xf32, #tpu.memory_space<hbm>>) target(%arg11 : memref<64x128xf32, #tpu.memory_space<vmem>>) offsets(%dma_start3A : memref<64xi32, #tpu.memory_space<vmem>>) semaphore(%arg25 : memref<!tpu.dma_semaphore, #tpu.memory_space<semaphore_mem>>)
    %mul3A_43 = arith.constant 1 : i32
    %mul3A_44 = arith.constant 64 : i32
    %mul3A_45 = arith.muli %mul3A_43, %mul3A_44 : i32
    %multiple_of3A_46 = tpu.assume_multiple %mul3A_45, 8 : i32
    %dma_start3A_47 = tpu.memref_slice %arg8[%multiple_of3A_46] : memref<6400xi32, #tpu.memory_space<vmem>> -> memref<64xi32, #tpu.memory_space<vmem>>
    %dma_start3A_48 = arith.constant 0 : i32
    %dma_start3A_49 = arith.constant 0 : i32
    %dma_start3A_50 = tpu.memref_slice %arg3[%dma_start3A_48, %dma_start3A_49] : memref<100000x128xf32, #tpu.memory_space<hbm>> -> memref<100000x128xf32, #tpu.memory_space<hbm>>
    tpu.enqueue_indirect_dma source(%dma_start3A_50 : memref<100000x128xf32, #tpu.memory_space<hbm>>) target(%arg12 : memref<64x128xf32, #tpu.memory_space<vmem>>) offsets(%dma_start3A_47 : memref<64xi32, #tpu.memory_space<vmem>>) semaphore(%arg26 : memref<!tpu.dma_semaphore, #tpu.memory_space<semaphore_mem>>)
    %mul3A_51 = arith.constant 2 : i32
    %mul3A_52 = arith.constant 64 : i32
    %mul3A_53 = arith.muli %mul3A_51, %mul3A_52 : i32
    %multiple_of3A_54 = tpu.assume_multiple %mul3A_53, 8 : i32
    %dma_start3A_55 = tpu.memref_slice %arg8[%multiple_of3A_54] : memref<6400xi32, #tpu.memory_space<vmem>> -> memref<64xi32, #tpu.memory_space<vmem>>
    %dma_start3A_56 = arith.constant 0 : i32
    %dma_start3A_57 = arith.constant 0 : i32
    %dma_start3A_58 = tpu.memref_slice %arg3[%dma_start3A_56, %dma_start3A_57] : memref<100000x128xf32, #tpu.memory_space<hbm>> -> memref<100000x128xf32, #tpu.memory_space<hbm>>
    tpu.enqueue_indirect_dma source(%dma_start3A_58 : memref<100000x128xf32, #tpu.memory_space<hbm>>) target(%arg13 : memref<64x128xf32, #tpu.memory_space<vmem>>) offsets(%dma_start3A_55 : memref<64xi32, #tpu.memory_space<vmem>>) semaphore(%arg27 : memref<!tpu.dma_semaphore, #tpu.memory_space<semaphore_mem>>)
    %mul3A_59 = arith.constant 3 : i32
    %mul3A_60 = arith.constant 64 : i32
    %mul3A_61 = arith.muli %mul3A_59, %mul3A_60 : i32
    %multiple_of3A_62 = tpu.assume_multiple %mul3A_61, 8 : i32
    %dma_start3A_63 = tpu.memref_slice %arg8[%multiple_of3A_62] : memref<6400xi32, #tpu.memory_space<vmem>> -> memref<64xi32, #tpu.memory_space<vmem>>
    %dma_start3A_64 = arith.constant 0 : i32
    %dma_start3A_65 = arith.constant 0 : i32
    %dma_start3A_66 = tpu.memref_slice %arg3[%dma_start3A_64, %dma_start3A_65] : memref<100000x128xf32, #tpu.memory_space<hbm>> -> memref<100000x128xf32, #tpu.memory_space<hbm>>
    tpu.enqueue_indirect_dma source(%dma_start3A_66 : memref<100000x128xf32, #tpu.memory_space<hbm>>) target(%arg14 : memref<64x128xf32, #tpu.memory_space<vmem>>) offsets(%dma_start3A_63 : memref<64xi32, #tpu.memory_space<vmem>>) semaphore(%arg28 : memref<!tpu.dma_semaphore, #tpu.memory_space<semaphore_mem>>)
    %scan3A = arith.constant 0 : i32
    %scan3A_67 = arith.constant 0 : i32
    %scan3A_68 = arith.constant 32 : i32
    %scan3A_69 = arith.addi %scan3A_67, %scan3A_68 : i32
    %scan3A_70 = arith.constant 1 : i32
    scf.for %scan3A_125 = %scan3A_67 to %scan3A_69 step %scan3A_70  : i32 {
      %mul3A_126 = arith.constant 200 : i32
      %mul3A_127 = arith.muli %scan3A_125, %mul3A_126 : i32
      %add3A_128 = arith.constant 0 : i32
      %add3A_129 = arith.addi %mul3A_127, %add3A_128 : i32
      %multiple_of3A_130 = tpu.assume_multiple %add3A_129, 8 : i32
      %get3A_131 = arith.index_cast %multiple_of3A_130 : i32 to index
      %get3A_132 = tpu.vector_load %arg8[%get3A_131] {strides = array<i32>} : memref<6400xi32, #tpu.memory_space<vmem>>, vector<16xi32>,
      %ne3A = arith.constant 0 : i32
      %ne3A_133 = vector.broadcast %ne3A : i32 to vector<16xi32>
      %ne3A_134 = arith.cmpi ne, %get3A_132, %ne3A_133 : vector<16xi32>
      %convert_element_type3A_135 = arith.extui %ne3A_134 : vector<16xi1> to vector<16xi32>
      %cumsum3A = arith.constant true
      %cumsum3A_136 = vector.broadcast %cumsum3A : i1 to vector<16xi1>
      %cumsum3A_137 = tpu.scan <sum>, %convert_element_type3A_135 masked %cumsum3A_136 : vector<16xi32>, vector<16xi1> -> vector<16xi32>
      %add3A_138 = arith.constant 0 : i32
      %add3A_139 = vector.broadcast %add3A_138 : i32 to vector<16xi32>
      %add3A_140 = arith.addi %add3A_139, %cumsum3A_137 : vector<16xi32>
      %mul3A_141 = arith.muli %add3A_140, %convert_element_type3A_135 : vector<16xi32>
      %swap3A = arith.index_cast %multiple_of3A_130 : i32 to index
      %swap3A_142 = tpu.vector_load %arg9[%swap3A] {strides = array<i32>} : memref<6400xi32, #tpu.memory_space<vmem>>, vector<16xi32>,
      tpu.vector_store %arg9[%swap3A], %mul3A_141 {strides = array<i32>} : memref<6400xi32, #tpu.memory_space<vmem>>, vector<16xi32>,
      %reduce_sum3A = arith.constant true
      %reduce_sum3A_143 = vector.broadcast %reduce_sum3A : i1 to vector<16xi1>
      %reduce_sum3A_144 = tpu.scan <sum>, %convert_element_type3A_135 masked %reduce_sum3A_143 : vector<16xi32>, vector<16xi1> -> vector<16xi32>
      %reduce_sum3A_145 = vector.extract %reduce_sum3A_144[15] : i32 from vector<16xi32>
      %add3A_146 = arith.constant 0 : i32
      %add3A_147 = arith.addi %add3A_146, %reduce_sum3A_145 : i32
      %add3A_148 = arith.constant 16 : i32
      %add3A_149 = arith.addi %mul3A_127, %add3A_148 : i32
      %multiple_of3A_150 = tpu.assume_multiple %add3A_149, 8 : i32
      %get3A_151 = arith.index_cast %multiple_of3A_150 : i32 to index
      %get3A_152 = tpu.vector_load %arg8[%get3A_151] {strides = array<i32>} : memref<6400xi32, #tpu.memory_space<vmem>>, vector<16xi32>,
      %ne3A_153 = arith.constant 0 : i32
      %ne3A_154 = vector.broadcast %ne3A_153 : i32 to vector<16xi32>
      %ne3A_155 = arith.cmpi ne, %get3A_152, %ne3A_154 : vector<16xi32>
      %convert_element_type3A_156 = arith.extui %ne3A_155 : vector<16xi1> to vector<16xi32>
      %cumsum3A_157 = arith.constant true
      %cumsum3A_158 = vector.broadcast %cumsum3A_157 : i1 to vector<16xi1>
      %cumsum3A_159 = tpu.scan <sum>, %convert_element_type3A_156 masked %cumsum3A_158 : vector<16xi32>, vector<16xi1> -> vector<16xi32>
      %add3A_160 = vector.broadcast %add3A_147 : i32 to vector<16xi32>
      %add3A_161 = arith.addi %add3A_160, %cumsum3A_159 : vector<16xi32>
      %mul3A_162 = arith.muli %add3A_161, %convert_element_type3A_156 : vector<16xi32>
      %swap3A_163 = arith.index_cast %multiple_of3A_150 : i32 to index
      %swap3A_164 = tpu.vector_load %arg9[%swap3A_163] {strides = array<i32>} : memref<6400xi32, #tpu.memory_space<vmem>>, vector<16xi32>,
      tpu.vector_store %arg9[%swap3A_163], %mul3A_162 {strides = array<i32>} : memref<6400xi32, #tpu.memory_space<vmem>>, vector<16xi32>,
      %reduce_sum3A_165 = arith.constant true
      %reduce_sum3A_166 = vector.broadcast %reduce_sum3A_165 : i1 to vector<16xi1>
      %reduce_sum3A_167 = tpu.scan <sum>, %convert_element_type3A_156 masked %reduce_sum3A_166 : vector<16xi32>, vector<16xi1> -> vector<16xi32>
      %reduce_sum3A_168 = vector.extract %reduce_sum3A_167[15] : i32 from vector<16xi32>
      %add3A_169 = arith.addi %add3A_147, %reduce_sum3A_168 : i32
      %add3A_170 = arith.constant 32 : i32
      %add3A_171 = arith.addi %mul3A_127, %add3A_170 : i32
      %multiple_of3A_172 = tpu.assume_multiple %add3A_171, 8 : i32
      %get3A_173 = arith.index_cast %multiple_of3A_172 : i32 to index
      %get3A_174 = tpu.vector_load %arg8[%get3A_173] {strides = array<i32>} : memref<6400xi32, #tpu.memory_space<vmem>>, vector<16xi32>,
      %ne3A_175 = arith.constant 0 : i32
      %ne3A_176 = vector.broadcast %ne3A_175 : i32 to vector<16xi32>
      %ne3A_177 = arith.cmpi ne, %get3A_174, %ne3A_176 : vector<16xi32>
      %convert_element_type3A_178 = arith.extui %ne3A_177 : vector<16xi1> to vector<16xi32>
      %cumsum3A_179 = arith.constant true
      %cumsum3A_180 = vector.broadcast %cumsum3A_179 : i1 to vector<16xi1>
      %cumsum3A_181 = tpu.scan <sum>, %convert_element_type3A_178 masked %cumsum3A_180 : vector<16xi32>, vector<16xi1> -> vector<16xi32>
      %add3A_182 = vector.broadcast %add3A_169 : i32 to vector<16xi32>
      %add3A_183 = arith.addi %add3A_182, %cumsum3A_181 : vector<16xi32>
      %mul3A_184 = arith.muli %add3A_183, %convert_element_type3A_178 : vector<16xi32>
      %swap3A_185 = arith.index_cast %multiple_of3A_172 : i32 to index
      %swap3A_186 = tpu.vector_load %arg9[%swap3A_185] {strides = array<i32>} : memref<6400xi32, #tpu.memory_space<vmem>>, vector<16xi32>,
      tpu.vector_store %arg9[%swap3A_185], %mul3A_184 {strides = array<i32>} : memref<6400xi32, #tpu.memory_space<vmem>>, vector<16xi32>,
      %reduce_sum3A_187 = arith.constant true
      %reduce_sum3A_188 = vector.broadcast %reduce_sum3A_187 : i1 to vector<16xi1>
      %reduce_sum3A_189 = tpu.scan <sum>, %convert_element_type3A_178 masked %reduce_sum3A_188 : vector<16xi32>, vector<16xi1> -> vector<16xi32>
      %reduce_sum3A_190 = vector.extract %reduce_sum3A_189[15] : i32 from vector<16xi32>
      %add3A_191 = arith.addi %add3A_169, %reduce_sum3A_190 : i32
      %add3A_192 = arith.constant 48 : i32
      %add3A_193 = arith.addi %mul3A_127, %add3A_192 : i32
      %multiple_of3A_194 = tpu.assume_multiple %add3A_193, 8 : i32
      %get3A_195 = arith.index_cast %multiple_of3A_194 : i32 to index
      %get3A_196 = tpu.vector_load %arg8[%get3A_195] {strides = array<i32>} : memref<6400xi32, #tpu.memory_space<vmem>>, vector<16xi32>,
      %ne3A_197 = arith.constant 0 : i32
      %ne3A_198 = vector.broadcast %ne3A_197 : i32 to vector<16xi32>
      %ne3A_199 = arith.cmpi ne, %get3A_196, %ne3A_198 : vector<16xi32>
      %convert_element_type3A_200 = arith.extui %ne3A_199 : vector<16xi1> to vector<16xi32>
      %cumsum3A_201 = arith.constant true
      %cumsum3A_202 = vector.broadcast %cumsum3A_201 : i1 to vector<16xi1>
      %cumsum3A_203 = tpu.scan <sum>, %convert_element_type3A_200 masked %cumsum3A_202 : vector<16xi32>, vector<16xi1> -> vector<16xi32>
      %add3A_204 = vector.broadcast %add3A_191 : i32 to vector<16xi32>
      %add3A_205 = arith.addi %add3A_204, %cumsum3A_203 : vector<16xi32>
      %mul3A_206 = arith.muli %add3A_205, %convert_element_type3A_200 : vector<16xi32>
      %swap3A_207 = arith.index_cast %multiple_of3A_194 : i32 to index
      %swap3A_208 = tpu.vector_load %arg9[%swap3A_207] {strides = array<i32>} : memref<6400xi32, #tpu.memory_space<vmem>>, vector<16xi32>,
      tpu.vector_store %arg9[%swap3A_207], %mul3A_206 {strides = array<i32>} : memref<6400xi32, #tpu.memory_space<vmem>>, vector<16xi32>,
      %reduce_sum3A_209 = arith.constant true
      %reduce_sum3A_210 = vector.broadcast %reduce_sum3A_209 : i1 to vector<16xi1>
      %reduce_sum3A_211 = tpu.scan <sum>, %convert_element_type3A_200 masked %reduce_sum3A_210 : vector<16xi32>, vector<16xi1> -> vector<16xi32>
      %reduce_sum3A_212 = vector.extract %reduce_sum3A_211[15] : i32 from vector<16xi32>
      %add3A_213 = arith.addi %add3A_191, %reduce_sum3A_212 : i32
      %add3A_214 = arith.constant 64 : i32
      %add3A_215 = arith.addi %mul3A_127, %add3A_214 : i32
      %multiple_of3A_216 = tpu.assume_multiple %add3A_215, 8 : i32
      %get3A_217 = arith.index_cast %multiple_of3A_216 : i32 to index
      %get3A_218 = tpu.vector_load %arg8[%get3A_217] {strides = array<i32>} : memref<6400xi32, #tpu.memory_space<vmem>>, vector<16xi32>,
      %ne3A_219 = arith.constant 0 : i32
      %ne3A_220 = vector.broadcast %ne3A_219 : i32 to vector<16xi32>
      %ne3A_221 = arith.cmpi ne, %get3A_218, %ne3A_220 : vector<16xi32>
      %convert_element_type3A_222 = arith.extui %ne3A_221 : vector<16xi1> to vector<16xi32>
      %cumsum3A_223 = arith.constant true
      %cumsum3A_224 = vector.broadcast %cumsum3A_223 : i1 to vector<16xi1>
      %cumsum3A_225 = tpu.scan <sum>, %convert_element_type3A_222 masked %cumsum3A_224 : vector<16xi32>, vector<16xi1> -> vector<16xi32>
      %add3A_226 = vector.broadcast %add3A_213 : i32 to vector<16xi32>
      %add3A_227 = arith.addi %add3A_226, %cumsum3A_225 : vector<16xi32>
      %mul3A_228 = arith.muli %add3A_227, %convert_element_type3A_222 : vector<16xi32>
      %swap3A_229 = arith.index_cast %multiple_of3A_216 : i32 to index
      %swap3A_230 = tpu.vector_load %arg9[%swap3A_229] {strides = array<i32>} : memref<6400xi32, #tpu.memory_space<vmem>>, vector<16xi32>,
      tpu.vector_store %arg9[%swap3A_229], %mul3A_228 {strides = array<i32>} : memref<6400xi32, #tpu.memory_space<vmem>>, vector<16xi32>,
      %reduce_sum3A_231 = arith.constant true
      %reduce_sum3A_232 = vector.broadcast %reduce_sum3A_231 : i1 to vector<16xi1>
      %reduce_sum3A_233 = tpu.scan <sum>, %convert_element_type3A_222 masked %reduce_sum3A_232 : vector<16xi32>, vector<16xi1> -> vector<16xi32>
      %reduce_sum3A_234 = vector.extract %reduce_sum3A_233[15] : i32 from vector<16xi32>
      %add3A_235 = arith.addi %add3A_213, %reduce_sum3A_234 : i32
      %add3A_236 = arith.constant 80 : i32
      %add3A_237 = arith.addi %mul3A_127, %add3A_236 : i32
      %multiple_of3A_238 = tpu.assume_multiple %add3A_237, 8 : i32
      %get3A_239 = arith.index_cast %multiple_of3A_238 : i32 to index
      %get3A_240 = tpu.vector_load %arg8[%get3A_239] {strides = array<i32>} : memref<6400xi32, #tpu.memory_space<vmem>>, vector<16xi32>,
      %ne3A_241 = arith.constant 0 : i32
      %ne3A_242 = vector.broadcast %ne3A_241 : i32 to vector<16xi32>
      %ne3A_243 = arith.cmpi ne, %get3A_240, %ne3A_242 : vector<16xi32>
      %convert_element_type3A_244 = arith.extui %ne3A_243 : vector<16xi1> to vector<16xi32>
      %cumsum3A_245 = arith.constant true
      %cumsum3A_246 = vector.broadcast %cumsum3A_245 : i1 to vector<16xi1>
      %cumsum3A_247 = tpu.scan <sum>, %convert_element_type3A_244 masked %cumsum3A_246 : vector<16xi32>, vector<16xi1> -> vector<16xi32>
      %add3A_248 = vector.broadcast %add3A_235 : i32 to vector<16xi32>
      %add3A_249 = arith.addi %add3A_248, %cumsum3A_247 : vector<16xi32>
      %mul3A_250 = arith.muli %add3A_249, %convert_element_type3A_244 : vector<16xi32>
      %swap3A_251 = arith.index_cast %multiple_of3A_238 : i32 to index
      %swap3A_252 = tpu.vector_load %arg9[%swap3A_251] {strides = array<i32>} : memref<6400xi32, #tpu.memory_space<vmem>>, vector<16xi32>,
      tpu.vector_store %arg9[%swap3A_251], %mul3A_250 {strides = array<i32>} : memref<6400xi32, #tpu.memory_space<vmem>>, vector<16xi32>,
      %reduce_sum3A_253 = arith.constant true
      %reduce_sum3A_254 = vector.broadcast %reduce_sum3A_253 : i1 to vector<16xi1>
      %reduce_sum3A_255 = tpu.scan <sum>, %convert_element_type3A_244 masked %reduce_sum3A_254 : vector<16xi32>, vector<16xi1> -> vector<16xi32>
      %reduce_sum3A_256 = vector.extract %reduce_sum3A_255[15] : i32 from vector<16xi32>
      %add3A_257 = arith.addi %add3A_235, %reduce_sum3A_256 : i32
      %add3A_258 = arith.constant 96 : i32
      %add3A_259 = arith.addi %mul3A_127, %add3A_258 : i32
      %multiple_of3A_260 = tpu.assume_multiple %add3A_259, 8 : i32
      %get3A_261 = arith.index_cast %multiple_of3A_260 : i32 to index
      %get3A_262 = tpu.vector_load %arg8[%get3A_261] {strides = array<i32>} : memref<6400xi32, #tpu.memory_space<vmem>>, vector<16xi32>,
      %ne3A_263 = arith.constant 0 : i32
      %ne3A_264 = vector.broadcast %ne3A_263 : i32 to vector<16xi32>
      %ne3A_265 = arith.cmpi ne, %get3A_262, %ne3A_264 : vector<16xi32>
      %convert_element_type3A_266 = arith.extui %ne3A_265 : vector<16xi1> to vector<16xi32>
      %cumsum3A_267 = arith.constant true
      %cumsum3A_268 = vector.broadcast %cumsum3A_267 : i1 to vector<16xi1>
      %cumsum3A_269 = tpu.scan <sum>, %convert_element_type3A_266 masked %cumsum3A_268 : vector<16xi32>, vector<16xi1> -> vector<16xi32>
      %add3A_270 = vector.broadcast %add3A_257 : i32 to vector<16xi32>
      %add3A_271 = arith.addi %add3A_270, %cumsum3A_269 : vector<16xi32>
      %mul3A_272 = arith.muli %add3A_271, %convert_element_type3A_266 : vector<16xi32>
      %swap3A_273 = arith.index_cast %multiple_of3A_260 : i32 to index
      %swap3A_274 = tpu.vector_load %arg9[%swap3A_273] {strides = array<i32>} : memref<6400xi32, #tpu.memory_space<vmem>>, vector<16xi32>,
      tpu.vector_store %arg9[%swap3A_273], %mul3A_272 {strides = array<i32>} : memref<6400xi32, #tpu.memory_space<vmem>>, vector<16xi32>,
      %reduce_sum3A_275 = arith.constant true
      %reduce_sum3A_276 = vector.broadcast %reduce_sum3A_275 : i1 to vector<16xi1>
      %reduce_sum3A_277 = tpu.scan <sum>, %convert_element_type3A_266 masked %reduce_sum3A_276 : vector<16xi32>, vector<16xi1> -> vector<16xi32>
      %reduce_sum3A_278 = vector.extract %reduce_sum3A_277[15] : i32 from vector<16xi32>
      %add3A_279 = arith.addi %add3A_257, %reduce_sum3A_278 : i32
      %add3A_280 = arith.constant 112 : i32
      %add3A_281 = arith.addi %mul3A_127, %add3A_280 : i32
      %multiple_of3A_282 = tpu.assume_multiple %add3A_281, 8 : i32
      %get3A_283 = arith.index_cast %multiple_of3A_282 : i32 to index
      %get3A_284 = tpu.vector_load %arg8[%get3A_283] {strides = array<i32>} : memref<6400xi32, #tpu.memory_space<vmem>>, vector<16xi32>,
      %ne3A_285 = arith.constant 0 : i32
      %ne3A_286 = vector.broadcast %ne3A_285 : i32 to vector<16xi32>
      %ne3A_287 = arith.cmpi ne, %get3A_284, %ne3A_286 : vector<16xi32>
      %convert_element_type3A_288 = arith.extui %ne3A_287 : vector<16xi1> to vector<16xi32>
      %cumsum3A_289 = arith.constant true
      %cumsum3A_290 = vector.broadcast %cumsum3A_289 : i1 to vector<16xi1>
      %cumsum3A_291 = tpu.scan <sum>, %convert_element_type3A_288 masked %cumsum3A_290 : vector<16xi32>, vector<16xi1> -> vector<16xi32>
      %add3A_292 = vector.broadcast %add3A_279 : i32 to vector<16xi32>
      %add3A_293 = arith.addi %add3A_292, %cumsum3A_291 : vector<16xi32>
      %mul3A_294 = arith.muli %add3A_293, %convert_element_type3A_288 : vector<16xi32>
      %swap3A_295 = arith.index_cast %multiple_of3A_282 : i32 to index
      %swap3A_296 = tpu.vector_load %arg9[%swap3A_295] {strides = array<i32>} : memref<6400xi32, #tpu.memory_space<vmem>>, vector<16xi32>,
      tpu.vector_store %arg9[%swap3A_295], %mul3A_294 {strides = array<i32>} : memref<6400xi32, #tpu.memory_space<vmem>>, vector<16xi32>,
      %reduce_sum3A_297 = arith.constant true
      %reduce_sum3A_298 = vector.broadcast %reduce_sum3A_297 : i1 to vector<16xi1>
      %reduce_sum3A_299 = tpu.scan <sum>, %convert_element_type3A_288 masked %reduce_sum3A_298 : vector<16xi32>, vector<16xi1> -> vector<16xi32>
      %reduce_sum3A_300 = vector.extract %reduce_sum3A_299[15] : i32 from vector<16xi32>
      %add3A_301 = arith.addi %add3A_279, %reduce_sum3A_300 : i32
      %add3A_302 = arith.constant 128 : i32
      %add3A_303 = arith.addi %mul3A_127, %add3A_302 : i32
      %multiple_of3A_304 = tpu.assume_multiple %add3A_303, 8 : i32
      %get3A_305 = arith.index_cast %multiple_of3A_304 : i32 to index
      %get3A_306 = tpu.vector_load %arg8[%get3A_305] {strides = array<i32>} : memref<6400xi32, #tpu.memory_space<vmem>>, vector<16xi32>,
      %ne3A_307 = arith.constant 0 : i32
      %ne3A_308 = vector.broadcast %ne3A_307 : i32 to vector<16xi32>
      %ne3A_309 = arith.cmpi ne, %get3A_306, %ne3A_308 : vector<16xi32>
      %convert_element_type3A_310 = arith.extui %ne3A_309 : vector<16xi1> to vector<16xi32>
      %cumsum3A_311 = arith.constant true
      %cumsum3A_312 = vector.broadcast %cumsum3A_311 : i1 to vector<16xi1>
      %cumsum3A_313 = tpu.scan <sum>, %convert_element_type3A_310 masked %cumsum3A_312 : vector<16xi32>, vector<16xi1> -> vector<16xi32>
      %add3A_314 = vector.broadcast %add3A_301 : i32 to vector<16xi32>
      %add3A_315 = arith.addi %add3A_314, %cumsum3A_313 : vector<16xi32>
      %mul3A_316 = arith.muli %add3A_315, %convert_element_type3A_310 : vector<16xi32>
      %swap3A_317 = arith.index_cast %multiple_of3A_304 : i32 to index
      %swap3A_318 = tpu.vector_load %arg9[%swap3A_317] {strides = array<i32>} : memref<6400xi32, #tpu.memory_space<vmem>>, vector<16xi32>,
      tpu.vector_store %arg9[%swap3A_317], %mul3A_316 {strides = array<i32>} : memref<6400xi32, #tpu.memory_space<vmem>>, vector<16xi32>,
      %reduce_sum3A_319 = arith.constant true
      %reduce_sum3A_320 = vector.broadcast %reduce_sum3A_319 : i1 to vector<16xi1>
      %reduce_sum3A_321 = tpu.scan <sum>, %convert_element_type3A_310 masked %reduce_sum3A_320 : vector<16xi32>, vector<16xi1> -> vector<16xi32>
      %reduce_sum3A_322 = vector.extract %reduce_sum3A_321[15] : i32 from vector<16xi32>
      %add3A_323 = arith.addi %add3A_301, %reduce_sum3A_322 : i32
      %add3A_324 = arith.constant 144 : i32
      %add3A_325 = arith.addi %mul3A_127, %add3A_324 : i32
      %multiple_of3A_326 = tpu.assume_multiple %add3A_325, 8 : i32
      %get3A_327 = arith.index_cast %multiple_of3A_326 : i32 to index
      %get3A_328 = tpu.vector_load %arg8[%get3A_327] {strides = array<i32>} : memref<6400xi32, #tpu.memory_space<vmem>>, vector<16xi32>,
      %ne3A_329 = arith.constant 0 : i32
      %ne3A_330 = vector.broadcast %ne3A_329 : i32 to vector<16xi32>
      %ne3A_331 = arith.cmpi ne, %get3A_328, %ne3A_330 : vector<16xi32>
      %convert_element_type3A_332 = arith.extui %ne3A_331 : vector<16xi1> to vector<16xi32>
      %cumsum3A_333 = arith.constant true
      %cumsum3A_334 = vector.broadcast %cumsum3A_333 : i1 to vector<16xi1>
      %cumsum3A_335 = tpu.scan <sum>, %convert_element_type3A_332 masked %cumsum3A_334 : vector<16xi32>, vector<16xi1> -> vector<16xi32>
      %add3A_336 = vector.broadcast %add3A_323 : i32 to vector<16xi32>
      %add3A_337 = arith.addi %add3A_336, %cumsum3A_335 : vector<16xi32>
      %mul3A_338 = arith.muli %add3A_337, %convert_element_type3A_332 : vector<16xi32>
      %swap3A_339 = arith.index_cast %multiple_of3A_326 : i32 to index
      %swap3A_340 = tpu.vector_load %arg9[%swap3A_339] {strides = array<i32>} : memref<6400xi32, #tpu.memory_space<vmem>>, vector<16xi32>,
      tpu.vector_store %arg9[%swap3A_339], %mul3A_338 {strides = array<i32>} : memref<6400xi32, #tpu.memory_space<vmem>>, vector<16xi32>,
      %reduce_sum3A_341 = arith.constant true
      %reduce_sum3A_342 = vector.broadcast %reduce_sum3A_341 : i1 to vector<16xi1>
      %reduce_sum3A_343 = tpu.scan <sum>, %convert_element_type3A_332 masked %reduce_sum3A_342 : vector<16xi32>, vector<16xi1> -> vector<16xi32>
      %reduce_sum3A_344 = vector.extract %reduce_sum3A_343[15] : i32 from vector<16xi32>
      %add3A_345 = arith.addi %add3A_323, %reduce_sum3A_344 : i32
      %add3A_346 = arith.constant 160 : i32
      %add3A_347 = arith.addi %mul3A_127, %add3A_346 : i32
      %multiple_of3A_348 = tpu.assume_multiple %add3A_347, 8 : i32
      %get3A_349 = arith.index_cast %multiple_of3A_348 : i32 to index
      %get3A_350 = tpu.vector_load %arg8[%get3A_349] {strides = array<i32>} : memref<6400xi32, #tpu.memory_space<vmem>>, vector<16xi32>,
      %ne3A_351 = arith.constant 0 : i32
      %ne3A_352 = vector.broadcast %ne3A_351 : i32 to vector<16xi32>
      %ne3A_353 = arith.cmpi ne, %get3A_350, %ne3A_352 : vector<16xi32>
      %convert_element_type3A_354 = arith.extui %ne3A_353 : vector<16xi1> to vector<16xi32>
      %cumsum3A_355 = arith.constant true
      %cumsum3A_356 = vector.broadcast %cumsum3A_355 : i1 to vector<16xi1>
      %cumsum3A_357 = tpu.scan <sum>, %convert_element_type3A_354 masked %cumsum3A_356 : vector<16xi32>, vector<16xi1> -> vector<16xi32>
      %add3A_358 = vector.broadcast %add3A_345 : i32 to vector<16xi32>
      %add3A_359 = arith.addi %add3A_358, %cumsum3A_357 : vector<16xi32>
      %mul3A_360 = arith.muli %add3A_359, %convert_element_type3A_354 : vector<16xi32>
      %swap3A_361 = arith.index_cast %multiple_of3A_348 : i32 to index
      %swap3A_362 = tpu.vector_load %arg9[%swap3A_361] {strides = array<i32>} : memref<6400xi32, #tpu.memory_space<vmem>>, vector<16xi32>,
      tpu.vector_store %arg9[%swap3A_361], %mul3A_360 {strides = array<i32>} : memref<6400xi32, #tpu.memory_space<vmem>>, vector<16xi32>,
      %reduce_sum3A_363 = arith.constant true
      %reduce_sum3A_364 = vector.broadcast %reduce_sum3A_363 : i1 to vector<16xi1>
      %reduce_sum3A_365 = tpu.scan <sum>, %convert_element_type3A_354 masked %reduce_sum3A_364 : vector<16xi32>, vector<16xi1> -> vector<16xi32>
      %reduce_sum3A_366 = vector.extract %reduce_sum3A_365[15] : i32 from vector<16xi32>
      %add3A_367 = arith.addi %add3A_345, %reduce_sum3A_366 : i32
      %add3A_368 = arith.constant 176 : i32
      %add3A_369 = arith.addi %mul3A_127, %add3A_368 : i32
      %multiple_of3A_370 = tpu.assume_multiple %add3A_369, 8 : i32
      %get3A_371 = arith.index_cast %multiple_of3A_370 : i32 to index
      %get3A_372 = tpu.vector_load %arg8[%get3A_371] {strides = array<i32>} : memref<6400xi32, #tpu.memory_space<vmem>>, vector<16xi32>,
      %ne3A_373 = arith.constant 0 : i32
      %ne3A_374 = vector.broadcast %ne3A_373 : i32 to vector<16xi32>
      %ne3A_375 = arith.cmpi ne, %get3A_372, %ne3A_374 : vector<16xi32>
      %convert_element_type3A_376 = arith.extui %ne3A_375 : vector<16xi1> to vector<16xi32>
      %cumsum3A_377 = arith.constant true
      %cumsum3A_378 = vector.broadcast %cumsum3A_377 : i1 to vector<16xi1>
      %cumsum3A_379 = tpu.scan <sum>, %convert_element_type3A_376 masked %cumsum3A_378 : vector<16xi32>, vector<16xi1> -> vector<16xi32>
      %add3A_380 = vector.broadcast %add3A_367 : i32 to vector<16xi32>
      %add3A_381 = arith.addi %add3A_380, %cumsum3A_379 : vector<16xi32>
      %mul3A_382 = arith.muli %add3A_381, %convert_element_type3A_376 : vector<16xi32>
      %swap3A_383 = arith.index_cast %multiple_of3A_370 : i32 to index
      %swap3A_384 = tpu.vector_load %arg9[%swap3A_383] {strides = array<i32>} : memref<6400xi32, #tpu.memory_space<vmem>>, vector<16xi32>,
      tpu.vector_store %arg9[%swap3A_383], %mul3A_382 {strides = array<i32>} : memref<6400xi32, #tpu.memory_space<vmem>>, vector<16xi32>,
      %iota3A = tpu.iota {dimensions = array<i32: 0>} : vector<16xi32>
      %lt3A = arith.constant 8 : i32
      %lt3A_385 = vector.broadcast %lt3A : i32 to vector<16xi32>
      %lt3A_386 = arith.cmpi slt, %iota3A, %lt3A_385 : vector<16xi32>
      %jit3A = arith.constant 0 : i32
      %broadcast_in_dim3A = vector.broadcast %jit3A : i32 to vector<16xi32>
      %select_n3A = arith.select %lt3A_386, %convert_element_type3A_376, %broadcast_in_dim3A : vector<16xi1>, vector<16xi32>
      %reduce_sum3A_387 = arith.constant true
      %reduce_sum3A_388 = vector.broadcast %reduce_sum3A_387 : i1 to vector<16xi1>
      %reduce_sum3A_389 = tpu.scan <sum>, %select_n3A masked %reduce_sum3A_388 : vector<16xi32>, vector<16xi1> -> vector<16xi32>
      %reduce_sum3A_390 = vector.extract %reduce_sum3A_389[15] : i32 from vector<16xi32>
      %add3A_391 = arith.addi %add3A_367, %reduce_sum3A_390 : i32
      %add3A_392 = arith.constant 184 : i32
      %add3A_393 = arith.addi %mul3A_127, %add3A_392 : i32
      %multiple_of3A_394 = tpu.assume_multiple %add3A_393, 8 : i32
      %get3A_395 = arith.index_cast %multiple_of3A_394 : i32 to index
      %get3A_396 = tpu.vector_load %arg8[%get3A_395] {strides = array<i32>} : memref<6400xi32, #tpu.memory_space<vmem>>, vector<16xi32>,
      %ne3A_397 = arith.constant 0 : i32
      %ne3A_398 = vector.broadcast %ne3A_397 : i32 to vector<16xi32>
      %ne3A_399 = arith.cmpi ne, %get3A_396, %ne3A_398 : vector<16xi32>
      %convert_element_type3A_400 = arith.extui %ne3A_399 : vector<16xi1> to vector<16xi32>
      %cumsum3A_401 = arith.constant true
      %cumsum3A_402 = vector.broadcast %cumsum3A_401 : i1 to vector<16xi1>
      %cumsum3A_403 = tpu.scan <sum>, %convert_element_type3A_400 masked %cumsum3A_402 : vector<16xi32>, vector<16xi1> -> vector<16xi32>
      %add3A_404 = vector.broadcast %add3A_391 : i32 to vector<16xi32>
      %add3A_405 = arith.addi %add3A_404, %cumsum3A_403 : vector<16xi32>
      %mul3A_406 = arith.muli %add3A_405, %convert_element_type3A_400 : vector<16xi32>
      %swap3A_407 = arith.index_cast %multiple_of3A_394 : i32 to index
      %swap3A_408 = tpu.vector_load %arg9[%swap3A_407] {strides = array<i32>} : memref<6400xi32, #tpu.memory_space<vmem>>, vector<16xi32>,
      tpu.vector_store %arg9[%swap3A_407], %mul3A_406 {strides = array<i32>} : memref<6400xi32, #tpu.memory_space<vmem>>, vector<16xi32>,
    }
    %scan3A_71 = arith.constant 32 : i32
    %barrier3A = arith.constant 0 : index
    tpu.barrier barrier_id(%barrier3A)
    %mul3A_72 = arith.constant 0 : i32
    %mul3A_73 = arith.constant 64 : i32
    %mul3A_74 = arith.muli %mul3A_72, %mul3A_73 : i32
    %multiple_of3A_75 = tpu.assume_multiple %mul3A_74, 8 : i32
    %dma_start3A_76 = tpu.memref_slice %arg9[%multiple_of3A_75] : memref<6400xi32, #tpu.memory_space<vmem>> -> memref<64xi32, #tpu.memory_space<vmem>>
    %dma_start3A_77 = arith.constant 0 : i32
    %dma_start3A_78 = arith.constant 0 : i32
    %dma_start3A_79 = tpu.memref_slice %arg10[%dma_start3A_77, %dma_start3A_78] : memref<512x128xf32, #tpu.memory_space<vmem_shared>> -> memref<512x128xf32, #tpu.memory_space<vmem_shared>>
    tpu.enqueue_indirect_dma source(%dma_start3A_79 : memref<512x128xf32, #tpu.memory_space<vmem_shared>>) target(%arg15 : memref<64x128xf32, #tpu.memory_space<vmem>>) offsets(%dma_start3A_76 : memref<64xi32, #tpu.memory_space<vmem>>) semaphore(%arg29 : memref<!tpu.dma_semaphore, #tpu.memory_space<semaphore_mem>>)
    %mul3A_80 = arith.constant 1 : i32
    %mul3A_81 = arith.constant 64 : i32
    %mul3A_82 = arith.muli %mul3A_80, %mul3A_81 : i32
    %multiple_of3A_83 = tpu.assume_multiple %mul3A_82, 8 : i32
    %dma_start3A_84 = tpu.memref_slice %arg9[%multiple_of3A_83] : memref<6400xi32, #tpu.memory_space<vmem>> -> memref<64xi32, #tpu.memory_space<vmem>>
    %dma_start3A_85 = arith.constant 0 : i32
    %dma_start3A_86 = arith.constant 0 : i32
    %dma_start3A_87 = tpu.memref_slice %arg10[%dma_start3A_85, %dma_start3A_86] : memref<512x128xf32, #tpu.memory_space<vmem_shared>> -> memref<512x128xf32, #tpu.memory_space<vmem_shared>>
    tpu.enqueue_indirect_dma source(%dma_start3A_87 : memref<512x128xf32, #tpu.memory_space<vmem_shared>>) target(%arg16 : memref<64x128xf32, #tpu.memory_space<vmem>>) offsets(%dma_start3A_84 : memref<64xi32, #tpu.memory_space<vmem>>) semaphore(%arg30 : memref<!tpu.dma_semaphore, #tpu.memory_space<semaphore_mem>>)
    %mul3A_88 = arith.constant 2 : i32
    %mul3A_89 = arith.constant 64 : i32
    %mul3A_90 = arith.muli %mul3A_88, %mul3A_89 : i32
    %multiple_of3A_91 = tpu.assume_multiple %mul3A_90, 8 : i32
    %dma_start3A_92 = tpu.memref_slice %arg9[%multiple_of3A_91] : memref<6400xi32, #tpu.memory_space<vmem>> -> memref<64xi32, #tpu.memory_space<vmem>>
    %dma_start3A_93 = arith.constant 0 : i32
    %dma_start3A_94 = arith.constant 0 : i32
    %dma_start3A_95 = tpu.memref_slice %arg10[%dma_start3A_93, %dma_start3A_94] : memref<512x128xf32, #tpu.memory_space<vmem_shared>> -> memref<512x128xf32, #tpu.memory_space<vmem_shared>>
    tpu.enqueue_indirect_dma source(%dma_start3A_95 : memref<512x128xf32, #tpu.memory_space<vmem_shared>>) target(%arg17 : memref<64x128xf32, #tpu.memory_space<vmem>>) offsets(%dma_start3A_92 : memref<64xi32, #tpu.memory_space<vmem>>) semaphore(%arg31 : memref<!tpu.dma_semaphore, #tpu.memory_space<semaphore_mem>>)
    %mul3A_96 = arith.constant 3 : i32
    %mul3A_97 = arith.constant 64 : i32
    %mul3A_98 = arith.muli %mul3A_96, %mul3A_97 : i32
    %multiple_of3A_99 = tpu.assume_multiple %mul3A_98, 8 : i32
    %dma_start3A_100 = tpu.memref_slice %arg9[%multiple_of3A_99] : memref<6400xi32, #tpu.memory_space<vmem>> -> memref<64xi32, #tpu.memory_space<vmem>>
    %dma_start3A_101 = arith.constant 0 : i32
    %dma_start3A_102 = arith.constant 0 : i32
    %dma_start3A_103 = tpu.memref_slice %arg10[%dma_start3A_101, %dma_start3A_102] : memref<512x128xf32, #tpu.memory_space<vmem_shared>> -> memref<512x128xf32, #tpu.memory_space<vmem_shared>>
    tpu.enqueue_indirect_dma source(%dma_start3A_103 : memref<512x128xf32, #tpu.memory_space<vmem_shared>>) target(%arg18 : memref<64x128xf32, #tpu.memory_space<vmem>>) offsets(%dma_start3A_100 : memref<64xi32, #tpu.memory_space<vmem>>) semaphore(%arg32 : memref<!tpu.dma_semaphore, #tpu.memory_space<semaphore_mem>>)
    %scan3A_104 = arith.constant 0 : i32
    %scan3A_105 = arith.constant 0 : i32
    %scan3A_106 = arith.constant 25 : i32
    %scan3A_107 = arith.addi %scan3A_105, %scan3A_106 : i32
    %scan3A_108 = arith.constant 1 : i32
    scf.for %scan3A_125 = %scan3A_105 to %scan3A_107 step %scan3A_108  : i32 {
      %mul3A_126 = arith.constant 4 : i32
      %mul3A_127 = arith.muli %scan3A_125, %mul3A_126 : i32
      %add3A_128 = arith.constant 0 : i32
      %add3A_129 = arith.addi %mul3A_127, %add3A_128 : i32
      %mul3A_130 = arith.constant 64 : i32
      %mul3A_131 = arith.muli %add3A_129, %mul3A_130 : i32
      %multiple_of3A_132 = tpu.assume_multiple %mul3A_131, 8 : i32
      %dma_wait3A_133 = arith.constant 0 : i32
      %dma_wait3A_134 = tpu.memref_slice %arg8[%dma_wait3A_133] : memref<6400xi32, #tpu.memory_space<vmem>> -> memref<64xi32, #tpu.memory_space<vmem>>
      %dma_wait3A_135 = arith.constant 0 : i32
      %dma_wait3A_136 = arith.constant 0 : i32
      %dma_wait3A_137 = tpu.memref_slice %arg3[%dma_wait3A_135, %dma_wait3A_136] : memref<100000x128xf32, #tpu.memory_space<hbm>> -> memref<100000x128xf32, #tpu.memory_space<hbm>>
      tpu.wait_indirect_dma semaphore(%arg25 : memref<!tpu.dma_semaphore, #tpu.memory_space<semaphore_mem>>) src(%dma_wait3A_137 : memref<100000x128xf32, #tpu.memory_space<hbm>>) dst(%arg11 : memref<64x128xf32, #tpu.memory_space<vmem>>)
      %dma_wait3A_138 = arith.constant 0 : i32
      %dma_wait3A_139 = tpu.memref_slice %arg9[%dma_wait3A_138] : memref<6400xi32, #tpu.memory_space<vmem>> -> memref<64xi32, #tpu.memory_space<vmem>>
      %dma_wait3A_140 = arith.constant 0 : i32
      %dma_wait3A_141 = arith.constant 0 : i32
      %dma_wait3A_142 = tpu.memref_slice %arg10[%dma_wait3A_140, %dma_wait3A_141] : memref<512x128xf32, #tpu.memory_space<vmem_shared>> -> memref<512x128xf32, #tpu.memory_space<vmem_shared>>
      tpu.wait_indirect_dma semaphore(%arg29 : memref<!tpu.dma_semaphore, #tpu.memory_space<semaphore_mem>>) src(%dma_wait3A_142 : memref<512x128xf32, #tpu.memory_space<vmem_shared>>) dst(%arg15 : memref<64x128xf32, #tpu.memory_space<vmem>>)
      %ge3A = arith.constant 4 : i32
      %ge3A_143 = arith.cmpi sge, %add3A_129, %ge3A : i32
      %convert_element_type3A_144 = arith.extui %ge3A_143 : i1 to i32
      %cond3A_145 = arith.constant 0 : i32
      %cond3A_146 = arith.cmpi ne, %convert_element_type3A_144, %cond3A_145 : i32
      scf.if %cond3A_146 {
        %dma_wait3A_284 = arith.constant 0 : i32
        %dma_wait3A_285 = tpu.memref_slice %arg7[%multiple_of3A, %dma_wait3A_284] : memref<204800x128xf32, #tpu.memory_space<hbm>> -> memref<64x128xf32, #tpu.memory_space<hbm>>
        %dma_wait3A_286 = arith.constant 0 : i32
        %dma_wait3A_287 = tpu.memref_slice %arg7[%multiple_of3A, %dma_wait3A_286] : memref<204800x128xf32, #tpu.memory_space<hbm>> -> memref<64x128xf32, #tpu.memory_space<hbm>>
        tpu.wait_dma2 semaphore(%arg33 : memref<!tpu.dma_semaphore, #tpu.memory_space<semaphore_mem>>) src(%arg19 : memref<64x128xf32, #tpu.memory_space<vmem>>) dst(%dma_wait3A_287 : memref<64x128xf32, #tpu.memory_space<hbm>>)
      } else {
      }
      %scan3A_147 = arith.constant 0 : i32
      %scan3A_148 = arith.constant 0 : i32
      %scan3A_149 = arith.constant 64 : i32
      %scan3A_150 = arith.addi %scan3A_148, %scan3A_149 : i32
      %scan3A_151 = arith.constant 1 : i32
      scf.for %scan3A_284 = %scan3A_148 to %scan3A_150 step %scan3A_151  : i32 {
        %get3A_285 = arith.index_cast %scan3A_284 : i32 to index
        %get3A_286 = arith.constant 0 : index
        %get3A_287 = tpu.vector_load %arg11[%get3A_285, %get3A_286] {strides = array<i32>} : memref<64x128xf32, #tpu.memory_space<vmem>>, vector<16xf32>,
        %get3A_288 = arith.index_cast %scan3A_284 : i32 to index
        %get3A_289 = arith.constant 0 : index
        %get3A_290 = tpu.vector_load %arg15[%get3A_288, %get3A_289] {strides = array<i32>} : memref<64x128xf32, #tpu.memory_space<vmem>>, vector<16xf32>,
        %add3A_291 = arith.addf %get3A_287, %get3A_290 : vector<16xf32>
        %get3A_292 = arith.index_cast %scan3A_284 : i32 to index
        %get3A_293 = arith.constant 16 : index
        %get3A_294 = tpu.vector_load %arg11[%get3A_292, %get3A_293] {strides = array<i32>} : memref<64x128xf32, #tpu.memory_space<vmem>>, vector<16xf32>,
        %get3A_295 = arith.index_cast %scan3A_284 : i32 to index
        %get3A_296 = arith.constant 16 : index
        %get3A_297 = tpu.vector_load %arg15[%get3A_295, %get3A_296] {strides = array<i32>} : memref<64x128xf32, #tpu.memory_space<vmem>>, vector<16xf32>,
        %add3A_298 = arith.addf %get3A_294, %get3A_297 : vector<16xf32>
        %get3A_299 = arith.index_cast %scan3A_284 : i32 to index
        %get3A_300 = arith.constant 32 : index
        %get3A_301 = tpu.vector_load %arg11[%get3A_299, %get3A_300] {strides = array<i32>} : memref<64x128xf32, #tpu.memory_space<vmem>>, vector<16xf32>,
        %get3A_302 = arith.index_cast %scan3A_284 : i32 to index
        %get3A_303 = arith.constant 32 : index
        %get3A_304 = tpu.vector_load %arg15[%get3A_302, %get3A_303] {strides = array<i32>} : memref<64x128xf32, #tpu.memory_space<vmem>>, vector<16xf32>,
        %add3A_305 = arith.addf %get3A_301, %get3A_304 : vector<16xf32>
        %get3A_306 = arith.index_cast %scan3A_284 : i32 to index
        %get3A_307 = arith.constant 48 : index
        %get3A_308 = tpu.vector_load %arg11[%get3A_306, %get3A_307] {strides = array<i32>} : memref<64x128xf32, #tpu.memory_space<vmem>>, vector<16xf32>,
        %get3A_309 = arith.index_cast %scan3A_284 : i32 to index
        %get3A_310 = arith.constant 48 : index
        %get3A_311 = tpu.vector_load %arg15[%get3A_309, %get3A_310] {strides = array<i32>} : memref<64x128xf32, #tpu.memory_space<vmem>>, vector<16xf32>,
        %add3A_312 = arith.addf %get3A_308, %get3A_311 : vector<16xf32>
        %get3A_313 = arith.index_cast %scan3A_284 : i32 to index
        %get3A_314 = arith.constant 64 : index
        %get3A_315 = tpu.vector_load %arg11[%get3A_313, %get3A_314] {strides = array<i32>} : memref<64x128xf32, #tpu.memory_space<vmem>>, vector<16xf32>,
        %get3A_316 = arith.index_cast %scan3A_284 : i32 to index
        %get3A_317 = arith.constant 64 : index
        %get3A_318 = tpu.vector_load %arg15[%get3A_316, %get3A_317] {strides = array<i32>} : memref<64x128xf32, #tpu.memory_space<vmem>>, vector<16xf32>,
        %add3A_319 = arith.addf %get3A_315, %get3A_318 : vector<16xf32>
        %get3A_320 = arith.index_cast %scan3A_284 : i32 to index
        %get3A_321 = arith.constant 80 : index
        %get3A_322 = tpu.vector_load %arg11[%get3A_320, %get3A_321] {strides = array<i32>} : memref<64x128xf32, #tpu.memory_space<vmem>>, vector<16xf32>,
        %get3A_323 = arith.index_cast %scan3A_284 : i32 to index
        %get3A_324 = arith.constant 80 : index
        %get3A_325 = tpu.vector_load %arg15[%get3A_323, %get3A_324] {strides = array<i32>} : memref<64x128xf32, #tpu.memory_space<vmem>>, vector<16xf32>,
        %add3A_326 = arith.addf %get3A_322, %get3A_325 : vector<16xf32>
        %get3A_327 = arith.index_cast %scan3A_284 : i32 to index
        %get3A_328 = arith.constant 96 : index
        %get3A_329 = tpu.vector_load %arg11[%get3A_327, %get3A_328] {strides = array<i32>} : memref<64x128xf32, #tpu.memory_space<vmem>>, vector<16xf32>,
        %get3A_330 = arith.index_cast %scan3A_284 : i32 to index
        %get3A_331 = arith.constant 96 : index
        %get3A_332 = tpu.vector_load %arg15[%get3A_330, %get3A_331] {strides = array<i32>} : memref<64x128xf32, #tpu.memory_space<vmem>>, vector<16xf32>,
        %add3A_333 = arith.addf %get3A_329, %get3A_332 : vector<16xf32>
        %get3A_334 = arith.index_cast %scan3A_284 : i32 to index
        %get3A_335 = arith.constant 112 : index
        %get3A_336 = tpu.vector_load %arg11[%get3A_334, %get3A_335] {strides = array<i32>} : memref<64x128xf32, #tpu.memory_space<vmem>>, vector<16xf32>,
        %get3A_337 = arith.index_cast %scan3A_284 : i32 to index
        %get3A_338 = arith.constant 112 : index
        %get3A_339 = tpu.vector_load %arg15[%get3A_337, %get3A_338] {strides = array<i32>} : memref<64x128xf32, #tpu.memory_space<vmem>>, vector<16xf32>,
        %add3A_340 = arith.addf %get3A_336, %get3A_339 : vector<16xf32>
        %add3A_341 = arith.addf %add3A_291, %add3A_298 : vector<16xf32>
        %add3A_342 = arith.addf %add3A_305, %add3A_312 : vector<16xf32>
        %add3A_343 = arith.addf %add3A_341, %add3A_342 : vector<16xf32>
        %add3A_344 = arith.addf %add3A_319, %add3A_326 : vector<16xf32>
        %add3A_345 = arith.addf %add3A_333, %add3A_340 : vector<16xf32>
        %add3A_346 = arith.addf %add3A_344, %add3A_345 : vector<16xf32>
        %add3A_347 = arith.addf %add3A_343, %add3A_346 : vector<16xf32>
        %mul3A_348 = arith.mulf %add3A_291, %add3A_291 : vector<16xf32>
        %mul3A_349 = arith.mulf %add3A_298, %add3A_298 : vector<16xf32>
        %mul3A_350 = arith.mulf %add3A_305, %add3A_305 : vector<16xf32>
        %mul3A_351 = arith.mulf %add3A_312, %add3A_312 : vector<16xf32>
        %mul3A_352 = arith.mulf %add3A_319, %add3A_319 : vector<16xf32>
        %mul3A_353 = arith.mulf %add3A_326, %add3A_326 : vector<16xf32>
        %mul3A_354 = arith.mulf %add3A_333, %add3A_333 : vector<16xf32>
        %mul3A_355 = arith.mulf %add3A_340, %add3A_340 : vector<16xf32>
        %add3A_356 = arith.addf %mul3A_348, %mul3A_349 : vector<16xf32>
        %add3A_357 = arith.addf %mul3A_350, %mul3A_351 : vector<16xf32>
        %add3A_358 = arith.addf %add3A_356, %add3A_357 : vector<16xf32>
        %add3A_359 = arith.addf %mul3A_352, %mul3A_353 : vector<16xf32>
        %add3A_360 = arith.addf %mul3A_354, %mul3A_355 : vector<16xf32>
        %add3A_361 = arith.addf %add3A_359, %add3A_360 : vector<16xf32>
        %add3A_362 = arith.addf %add3A_358, %add3A_361 : vector<16xf32>
        %reduce_sum3A = arith.constant true
        %reduce_sum3A_363 = vector.broadcast %reduce_sum3A : i1 to vector<16xi1>
        %reduce_sum3A_364 = tpu.scan <sum>, %add3A_347 masked %reduce_sum3A_363 : vector<16xf32>, vector<16xi1> -> vector<16xf32>
        %reduce_sum3A_365 = vector.extract %reduce_sum3A_364[15] : f32 from vector<16xf32>
        %mul3A_366 = arith.constant 7.812500e-03 : f32
        %mul3A_367 = arith.mulf %reduce_sum3A_365, %mul3A_366 : f32
        %reduce_sum3A_368 = arith.constant true
        %reduce_sum3A_369 = vector.broadcast %reduce_sum3A_368 : i1 to vector<16xi1>
        %reduce_sum3A_370 = tpu.scan <sum>, %add3A_362 masked %reduce_sum3A_369 : vector<16xf32>, vector<16xi1> -> vector<16xf32>
        %reduce_sum3A_371 = vector.extract %reduce_sum3A_370[15] : f32 from vector<16xf32>
        %mul3A_372 = arith.constant 7.812500e-03 : f32
        %mul3A_373 = arith.mulf %reduce_sum3A_371, %mul3A_372 : f32
        %mul3A_374 = arith.mulf %mul3A_367, %mul3A_367 : f32
        %sub3A = arith.subf %mul3A_373, %mul3A_374 : f32
        %add3A_375 = arith.constant 9.99999974E-6 : f32
        %add3A_376 = arith.addf %sub3A, %add3A_375 : f32
        %bitcast_convert_type3A = arith.bitcast %add3A_376 : f32 to i32
        %shift_right_arithmetic3A = arith.constant 1 : i32
        %shift_right_arithmetic3A_377 = arith.shrsi %bitcast_convert_type3A, %shift_right_arithmetic3A : i32
        %sub3A_378 = arith.constant 1597463007 : i32
        %sub3A_379 = arith.subi %sub3A_378, %shift_right_arithmetic3A_377 : i32
        %bitcast_convert_type3A_380 = arith.bitcast %sub3A_379 : i32 to f32
        %mul3A_381 = arith.constant 5.000000e-01 : f32
        %mul3A_382 = arith.mulf %mul3A_381, %add3A_376 : f32
        %mul3A_383 = arith.mulf %mul3A_382, %bitcast_convert_type3A_380 : f32
        %mul3A_384 = arith.mulf %mul3A_383, %bitcast_convert_type3A_380 : f32
        %sub3A_385 = arith.constant 1.500000e+00 : f32
        %sub3A_386 = arith.subf %sub3A_385, %mul3A_384 : f32
        %mul3A_387 = arith.mulf %bitcast_convert_type3A_380, %sub3A_386 : f32
        %mul3A_388 = arith.constant 5.000000e-01 : f32
        %mul3A_389 = arith.mulf %mul3A_388, %add3A_376 : f32
        %mul3A_390 = arith.mulf %mul3A_389, %mul3A_387 : f32
        %mul3A_391 = arith.mulf %mul3A_390, %mul3A_387 : f32
        %sub3A_392 = arith.constant 1.500000e+00 : f32
        %sub3A_393 = arith.subf %sub3A_392, %mul3A_391 : f32
        %mul3A_394 = arith.mulf %mul3A_387, %sub3A_393 : f32
        %mul3A_395 = arith.constant 5.000000e-01 : f32
        %mul3A_396 = arith.mulf %mul3A_395, %add3A_376 : f32
        %mul3A_397 = arith.mulf %mul3A_396, %mul3A_394 : f32
        %mul3A_398 = arith.mulf %mul3A_397, %mul3A_394 : f32
        %sub3A_399 = arith.constant 1.500000e+00 : f32
        %sub3A_400 = arith.subf %sub3A_399, %mul3A_398 : f32
        %mul3A_401 = arith.mulf %mul3A_394, %sub3A_400 : f32
        %sub3A_402 = vector.broadcast %mul3A_367 : f32 to vector<16xf32>
        %sub3A_403 = arith.subf %add3A_291, %sub3A_402 : vector<16xf32>
        %mul3A_404 = vector.broadcast %mul3A_401 : f32 to vector<16xf32>
        %mul3A_405 = arith.mulf %sub3A_403, %mul3A_404 : vector<16xf32>
        %mul3A_406 = arith.mulf %mul3A_405, %get3A_5 : vector<16xf32>
        %add3A_407 = arith.addf %mul3A_406, %get3A_21 : vector<16xf32>
        %swap3A = arith.index_cast %scan3A_284 : i32 to index
        %swap3A_408 = arith.constant 0 : index
        %swap3A_409 = tpu.vector_load %arg19[%swap3A, %swap3A_408] {strides = array<i32>} : memref<64x128xf32, #tpu.memory_space<vmem>>, vector<16xf32>,
        tpu.vector_store %arg19[%swap3A, %swap3A_408], %add3A_407 {strides = array<i32>} : memref<64x128xf32, #tpu.memory_space<vmem>>, vector<16xf32>,
        %sub3A_410 = vector.broadcast %mul3A_367 : f32 to vector<16xf32>
        %sub3A_411 = arith.subf %add3A_298, %sub3A_410 : vector<16xf32>
        %mul3A_412 = vector.broadcast %mul3A_401 : f32 to vector<16xf32>
        %mul3A_413 = arith.mulf %sub3A_411, %mul3A_412 : vector<16xf32>
        %mul3A_414 = arith.mulf %mul3A_413, %get3A_7 : vector<16xf32>
        %add3A_415 = arith.addf %mul3A_414, %get3A_23 : vector<16xf32>
        %swap3A_416 = arith.index_cast %scan3A_284 : i32 to index
        %swap3A_417 = arith.constant 16 : index
        %swap3A_418 = tpu.vector_load %arg19[%swap3A_416, %swap3A_417] {strides = array<i32>} : memref<64x128xf32, #tpu.memory_space<vmem>>, vector<16xf32>,
        tpu.vector_store %arg19[%swap3A_416, %swap3A_417], %add3A_415 {strides = array<i32>} : memref<64x128xf32, #tpu.memory_space<vmem>>, vector<16xf32>,
        %sub3A_419 = vector.broadcast %mul3A_367 : f32 to vector<16xf32>
        %sub3A_420 = arith.subf %add3A_305, %sub3A_419 : vector<16xf32>
        %mul3A_421 = vector.broadcast %mul3A_401 : f32 to vector<16xf32>
        %mul3A_422 = arith.mulf %sub3A_420, %mul3A_421 : vector<16xf32>
        %mul3A_423 = arith.mulf %mul3A_422, %get3A_9 : vector<16xf32>
        %add3A_424 = arith.addf %mul3A_423, %get3A_25 : vector<16xf32>
        %swap3A_425 = arith.index_cast %scan3A_284 : i32 to index
        %swap3A_426 = arith.constant 32 : index
        %swap3A_427 = tpu.vector_load %arg19[%swap3A_425, %swap3A_426] {strides = array<i32>} : memref<64x128xf32, #tpu.memory_space<vmem>>, vector<16xf32>,
        tpu.vector_store %arg19[%swap3A_425, %swap3A_426], %add3A_424 {strides = array<i32>} : memref<64x128xf32, #tpu.memory_space<vmem>>, vector<16xf32>,
        %sub3A_428 = vector.broadcast %mul3A_367 : f32 to vector<16xf32>
        %sub3A_429 = arith.subf %add3A_312, %sub3A_428 : vector<16xf32>
        %mul3A_430 = vector.broadcast %mul3A_401 : f32 to vector<16xf32>
        %mul3A_431 = arith.mulf %sub3A_429, %mul3A_430 : vector<16xf32>
        %mul3A_432 = arith.mulf %mul3A_431, %get3A_11 : vector<16xf32>
        %add3A_433 = arith.addf %mul3A_432, %get3A_27 : vector<16xf32>
        %swap3A_434 = arith.index_cast %scan3A_284 : i32 to index
        %swap3A_435 = arith.constant 48 : index
        %swap3A_436 = tpu.vector_load %arg19[%swap3A_434, %swap3A_435] {strides = array<i32>} : memref<64x128xf32, #tpu.memory_space<vmem>>, vector<16xf32>,
        tpu.vector_store %arg19[%swap3A_434, %swap3A_435], %add3A_433 {strides = array<i32>} : memref<64x128xf32, #tpu.memory_space<vmem>>, vector<16xf32>,
        %sub3A_437 = vector.broadcast %mul3A_367 : f32 to vector<16xf32>
        %sub3A_438 = arith.subf %add3A_319, %sub3A_437 : vector<16xf32>
        %mul3A_439 = vector.broadcast %mul3A_401 : f32 to vector<16xf32>
        %mul3A_440 = arith.mulf %sub3A_438, %mul3A_439 : vector<16xf32>
        %mul3A_441 = arith.mulf %mul3A_440, %get3A_13 : vector<16xf32>
        %add3A_442 = arith.addf %mul3A_441, %get3A_29 : vector<16xf32>
        %swap3A_443 = arith.index_cast %scan3A_284 : i32 to index
        %swap3A_444 = arith.constant 64 : index
        %swap3A_445 = tpu.vector_load %arg19[%swap3A_443, %swap3A_444] {strides = array<i32>} : memref<64x128xf32, #tpu.memory_space<vmem>>, vector<16xf32>,
        tpu.vector_store %arg19[%swap3A_443, %swap3A_444], %add3A_442 {strides = array<i32>} : memref<64x128xf32, #tpu.memory_space<vmem>>, vector<16xf32>,
        %sub3A_446 = vector.broadcast %mul3A_367 : f32 to vector<16xf32>
        %sub3A_447 = arith.subf %add3A_326, %sub3A_446 : vector<16xf32>
        %mul3A_448 = vector.broadcast %mul3A_401 : f32 to vector<16xf32>
        %mul3A_449 = arith.mulf %sub3A_447, %mul3A_448 : vector<16xf32>
        %mul3A_450 = arith.mulf %mul3A_449, %get3A_15 : vector<16xf32>
        %add3A_451 = arith.addf %mul3A_450, %get3A_31 : vector<16xf32>
        %swap3A_452 = arith.index_cast %scan3A_284 : i32 to index
        %swap3A_453 = arith.constant 80 : index
        %swap3A_454 = tpu.vector_load %arg19[%swap3A_452, %swap3A_453] {strides = array<i32>} : memref<64x128xf32, #tpu.memory_space<vmem>>, vector<16xf32>,
        tpu.vector_store %arg19[%swap3A_452, %swap3A_453], %add3A_451 {strides = array<i32>} : memref<64x128xf32, #tpu.memory_space<vmem>>, vector<16xf32>,
        %sub3A_455 = vector.broadcast %mul3A_367 : f32 to vector<16xf32>
        %sub3A_456 = arith.subf %add3A_333, %sub3A_455 : vector<16xf32>
        %mul3A_457 = vector.broadcast %mul3A_401 : f32 to vector<16xf32>
        %mul3A_458 = arith.mulf %sub3A_456, %mul3A_457 : vector<16xf32>
        %mul3A_459 = arith.mulf %mul3A_458, %get3A_17 : vector<16xf32>
        %add3A_460 = arith.addf %mul3A_459, %get3A_33 : vector<16xf32>
        %swap3A_461 = arith.index_cast %scan3A_284 : i32 to index
        %swap3A_462 = arith.constant 96 : index
        %swap3A_463 = tpu.vector_load %arg19[%swap3A_461, %swap3A_462] {strides = array<i32>} : memref<64x128xf32, #tpu.memory_space<vmem>>, vector<16xf32>,
        tpu.vector_store %arg19[%swap3A_461, %swap3A_462], %add3A_460 {strides = array<i32>} : memref<64x128xf32, #tpu.memory_space<vmem>>, vector<16xf32>,
        %sub3A_464 = vector.broadcast %mul3A_367 : f32 to vector<16xf32>
        %sub3A_465 = arith.subf %add3A_340, %sub3A_464 : vector<16xf32>
        %mul3A_466 = vector.broadcast %mul3A_401 : f32 to vector<16xf32>
        %mul3A_467 = arith.mulf %sub3A_465, %mul3A_466 : vector<16xf32>
        %mul3A_468 = arith.mulf %mul3A_467, %get3A_19 : vector<16xf32>
        %add3A_469 = arith.addf %mul3A_468, %get3A_35 : vector<16xf32>
        %swap3A_470 = arith.index_cast %scan3A_284 : i32 to index
        %swap3A_471 = arith.constant 112 : index
        %swap3A_472 = tpu.vector_load %arg19[%swap3A_470, %swap3A_471] {strides = array<i32>} : memref<64x128xf32, #tpu.memory_space<vmem>>, vector<16xf32>,
        tpu.vector_store %arg19[%swap3A_470, %swap3A_471], %add3A_469 {strides = array<i32>} : memref<64x128xf32, #tpu.memory_space<vmem>>, vector<16xf32>,
      }
      %scan3A_152 = arith.constant 64 : i32
      %add3A_153 = arith.addi %multiple_of3A, %multiple_of3A_132 : i32
      %dma_start3A_154 = arith.constant 0 : i32
      %dma_start3A_155 = tpu.memref_slice %arg7[%add3A_153, %dma_start3A_154] : memref<204800x128xf32, #tpu.memory_space<hbm>> -> memref<64x128xf32, #tpu.memory_space<hbm>>
      %dma_start3A_156 = arith.constant 0 : i32
      %dma_start3A_157 = tpu.memref_slice %arg7[%add3A_153, %dma_start3A_156] : memref<204800x128xf32, #tpu.memory_space<hbm>> -> memref<64x128xf32, #tpu.memory_space<hbm>>
      tpu.enqueue_dma source(%arg19 : memref<64x128xf32, #tpu.memory_space<vmem>>) target(%dma_start3A_157 : memref<64x128xf32, #tpu.memory_space<hbm>>) target_semaphore(%arg33 : memref<!tpu.dma_semaphore, #tpu.memory_space<semaphore_mem>>)
      %add3A_158 = arith.constant 4 : i32
      %add3A_159 = arith.addi %add3A_129, %add3A_158 : i32
      %lt3A = arith.constant 100 : i32
      %lt3A_160 = arith.cmpi slt, %add3A_159, %lt3A : i32
      %convert_element_type3A_161 = arith.extui %lt3A_160 : i1 to i32
      %cond3A_162 = arith.constant 0 : i32
      %cond3A_163 = arith.cmpi ne, %convert_element_type3A_161, %cond3A_162 : i32
      scf.if %cond3A_163 {
        %add3A_284 = arith.constant 4 : i32
        %add3A_285 = arith.addi %add3A_129, %add3A_284 : i32
        %mul3A_286 = arith.constant 64 : i32
        %mul3A_287 = arith.muli %add3A_285, %mul3A_286 : i32
        %multiple_of3A_288 = tpu.assume_multiple %mul3A_287, 8 : i32
        %dma_start3A_289 = tpu.memref_slice %arg8[%multiple_of3A_288] : memref<6400xi32, #tpu.memory_space<vmem>> -> memref<64xi32, #tpu.memory_space<vmem>>
        %dma_start3A_290 = arith.constant 0 : i32
        %dma_start3A_291 = arith.constant 0 : i32
        %dma_start3A_292 = tpu.memref_slice %arg3[%dma_start3A_290, %dma_start3A_291] : memref<100000x128xf32, #tpu.memory_space<hbm>> -> memref<100000x128xf32, #tpu.memory_space<hbm>>
        tpu.enqueue_indirect_dma source(%dma_start3A_292 : memref<100000x128xf32, #tpu.memory_space<hbm>>) target(%arg11 : memref<64x128xf32, #tpu.memory_space<vmem>>) offsets(%dma_start3A_289 : memref<64xi32, #tpu.memory_space<vmem>>) semaphore(%arg25 : memref<!tpu.dma_semaphore, #tpu.memory_space<semaphore_mem>>)
        %mul3A_293 = arith.constant 64 : i32
        %mul3A_294 = arith.muli %add3A_285, %mul3A_293 : i32
        %multiple_of3A_295 = tpu.assume_multiple %mul3A_294, 8 : i32
        %dma_start3A_296 = tpu.memref_slice %arg9[%multiple_of3A_295] : memref<6400xi32, #tpu.memory_space<vmem>> -> memref<64xi32, #tpu.memory_space<vmem>>
        %dma_start3A_297 = arith.constant 0 : i32
        %dma_start3A_298 = arith.constant 0 : i32
        %dma_start3A_299 = tpu.memref_slice %arg10[%dma_start3A_297, %dma_start3A_298] : memref<512x128xf32, #tpu.memory_space<vmem_shared>> -> memref<512x128xf32, #tpu.memory_space<vmem_shared>>
        tpu.enqueue_indirect_dma source(%dma_start3A_299 : memref<512x128xf32, #tpu.memory_space<vmem_shared>>) target(%arg15 : memref<64x128xf32, #tpu.memory_space<vmem>>) offsets(%dma_start3A_296 : memref<64xi32, #tpu.memory_space<vmem>>) semaphore(%arg29 : memref<!tpu.dma_semaphore, #tpu.memory_space<semaphore_mem>>)
      } else {
      }
      %mul3A_164 = arith.constant 4 : i32
      %mul3A_165 = arith.muli %scan3A_125, %mul3A_164 : i32
      %add3A_166 = arith.constant 1 : i32
      %add3A_167 = arith.addi %mul3A_165, %add3A_166 : i32
      %mul3A_168 = arith.constant 64 : i32
      %mul3A_169 = arith.muli %add3A_167, %mul3A_168 : i32
      %multiple_of3A_170 = tpu.assume_multiple %mul3A_169, 8 : i32
      %dma_wait3A_171 = arith.constant 0 : i32
      %dma_wait3A_172 = tpu.memref_slice %arg8[%dma_wait3A_171] : memref<6400xi32, #tpu.memory_space<vmem>> -> memref<64xi32, #tpu.memory_space<vmem>>
      %dma_wait3A_173 = arith.constant 0 : i32
      %dma_wait3A_174 = arith.constant 0 : i32
      %dma_wait3A_175 = tpu.memref_slice %arg3[%dma_wait3A_173, %dma_wait3A_174] : memref<100000x128xf32, #tpu.memory_space<hbm>> -> memref<100000x128xf32, #tpu.memory_space<hbm>>
      tpu.wait_indirect_dma semaphore(%arg26 : memref<!tpu.dma_semaphore, #tpu.memory_space<semaphore_mem>>) src(%dma_wait3A_175 : memref<100000x128xf32, #tpu.memory_space<hbm>>) dst(%arg12 : memref<64x128xf32, #tpu.memory_space<vmem>>)
      %dma_wait3A_176 = arith.constant 0 : i32
      %dma_wait3A_177 = tpu.memref_slice %arg9[%dma_wait3A_176] : memref<6400xi32, #tpu.memory_space<vmem>> -> memref<64xi32, #tpu.memory_space<vmem>>
      %dma_wait3A_178 = arith.constant 0 : i32
      %dma_wait3A_179 = arith.constant 0 : i32
      %dma_wait3A_180 = tpu.memref_slice %arg10[%dma_wait3A_178, %dma_wait3A_179] : memref<512x128xf32, #tpu.memory_space<vmem_shared>> -> memref<512x128xf32, #tpu.memory_space<vmem_shared>>
      tpu.wait_indirect_dma semaphore(%arg30 : memref<!tpu.dma_semaphore, #tpu.memory_space<semaphore_mem>>) src(%dma_wait3A_180 : memref<512x128xf32, #tpu.memory_space<vmem_shared>>) dst(%arg16 : memref<64x128xf32, #tpu.memory_space<vmem>>)
      %ge3A_181 = arith.constant 4 : i32
      %ge3A_182 = arith.cmpi sge, %add3A_167, %ge3A_181 : i32
      %convert_element_type3A_183 = arith.extui %ge3A_182 : i1 to i32
      %cond3A_184 = arith.constant 0 : i32
      %cond3A_185 = arith.cmpi ne, %convert_element_type3A_183, %cond3A_184 : i32
      scf.if %cond3A_185 {
        %dma_wait3A_284 = arith.constant 0 : i32
        %dma_wait3A_285 = tpu.memref_slice %arg7[%multiple_of3A, %dma_wait3A_284] : memref<204800x128xf32, #tpu.memory_space<hbm>> -> memref<64x128xf32, #tpu.memory_space<hbm>>
        %dma_wait3A_286 = arith.constant 0 : i32
        %dma_wait3A_287 = tpu.memref_slice %arg7[%multiple_of3A, %dma_wait3A_286] : memref<204800x128xf32, #tpu.memory_space<hbm>> -> memref<64x128xf32, #tpu.memory_space<hbm>>
        tpu.wait_dma2 semaphore(%arg34 : memref<!tpu.dma_semaphore, #tpu.memory_space<semaphore_mem>>) src(%arg20 : memref<64x128xf32, #tpu.memory_space<vmem>>) dst(%dma_wait3A_287 : memref<64x128xf32, #tpu.memory_space<hbm>>)
      } else {
      }
      %scan3A_186 = arith.constant 0 : i32
      %scan3A_187 = arith.constant 0 : i32
      %scan3A_188 = arith.constant 64 : i32
      %scan3A_189 = arith.addi %scan3A_187, %scan3A_188 : i32
      %scan3A_190 = arith.constant 1 : i32
      scf.for %scan3A_284 = %scan3A_187 to %scan3A_189 step %scan3A_190  : i32 {
        %get3A_285 = arith.index_cast %scan3A_284 : i32 to index
        %get3A_286 = arith.constant 0 : index
        %get3A_287 = tpu.vector_load %arg12[%get3A_285, %get3A_286] {strides = array<i32>} : memref<64x128xf32, #tpu.memory_space<vmem>>, vector<16xf32>,
        %get3A_288 = arith.index_cast %scan3A_284 : i32 to index
        %get3A_289 = arith.constant 0 : index
        %get3A_290 = tpu.vector_load %arg16[%get3A_288, %get3A_289] {strides = array<i32>} : memref<64x128xf32, #tpu.memory_space<vmem>>, vector<16xf32>,
        %add3A_291 = arith.addf %get3A_287, %get3A_290 : vector<16xf32>
        %get3A_292 = arith.index_cast %scan3A_284 : i32 to index
        %get3A_293 = arith.constant 16 : index
        %get3A_294 = tpu.vector_load %arg12[%get3A_292, %get3A_293] {strides = array<i32>} : memref<64x128xf32, #tpu.memory_space<vmem>>, vector<16xf32>,
        %get3A_295 = arith.index_cast %scan3A_284 : i32 to index
        %get3A_296 = arith.constant 16 : index
        %get3A_297 = tpu.vector_load %arg16[%get3A_295, %get3A_296] {strides = array<i32>} : memref<64x128xf32, #tpu.memory_space<vmem>>, vector<16xf32>,
        %add3A_298 = arith.addf %get3A_294, %get3A_297 : vector<16xf32>
        %get3A_299 = arith.index_cast %scan3A_284 : i32 to index
        %get3A_300 = arith.constant 32 : index
        %get3A_301 = tpu.vector_load %arg12[%get3A_299, %get3A_300] {strides = array<i32>} : memref<64x128xf32, #tpu.memory_space<vmem>>, vector<16xf32>,
        %get3A_302 = arith.index_cast %scan3A_284 : i32 to index
        %get3A_303 = arith.constant 32 : index
        %get3A_304 = tpu.vector_load %arg16[%get3A_302, %get3A_303] {strides = array<i32>} : memref<64x128xf32, #tpu.memory_space<vmem>>, vector<16xf32>,
        %add3A_305 = arith.addf %get3A_301, %get3A_304 : vector<16xf32>
        %get3A_306 = arith.index_cast %scan3A_284 : i32 to index
        %get3A_307 = arith.constant 48 : index
        %get3A_308 = tpu.vector_load %arg12[%get3A_306, %get3A_307] {strides = array<i32>} : memref<64x128xf32, #tpu.memory_space<vmem>>, vector<16xf32>,
        %get3A_309 = arith.index_cast %scan3A_284 : i32 to index
        %get3A_310 = arith.constant 48 : index
        %get3A_311 = tpu.vector_load %arg16[%get3A_309, %get3A_310] {strides = array<i32>} : memref<64x128xf32, #tpu.memory_space<vmem>>, vector<16xf32>,
        %add3A_312 = arith.addf %get3A_308, %get3A_311 : vector<16xf32>
        %get3A_313 = arith.index_cast %scan3A_284 : i32 to index
        %get3A_314 = arith.constant 64 : index
        %get3A_315 = tpu.vector_load %arg12[%get3A_313, %get3A_314] {strides = array<i32>} : memref<64x128xf32, #tpu.memory_space<vmem>>, vector<16xf32>,
        %get3A_316 = arith.index_cast %scan3A_284 : i32 to index
        %get3A_317 = arith.constant 64 : index
        %get3A_318 = tpu.vector_load %arg16[%get3A_316, %get3A_317] {strides = array<i32>} : memref<64x128xf32, #tpu.memory_space<vmem>>, vector<16xf32>,
        %add3A_319 = arith.addf %get3A_315, %get3A_318 : vector<16xf32>
        %get3A_320 = arith.index_cast %scan3A_284 : i32 to index
        %get3A_321 = arith.constant 80 : index
        %get3A_322 = tpu.vector_load %arg12[%get3A_320, %get3A_321] {strides = array<i32>} : memref<64x128xf32, #tpu.memory_space<vmem>>, vector<16xf32>,
        %get3A_323 = arith.index_cast %scan3A_284 : i32 to index
        %get3A_324 = arith.constant 80 : index
        %get3A_325 = tpu.vector_load %arg16[%get3A_323, %get3A_324] {strides = array<i32>} : memref<64x128xf32, #tpu.memory_space<vmem>>, vector<16xf32>,
        %add3A_326 = arith.addf %get3A_322, %get3A_325 : vector<16xf32>
        %get3A_327 = arith.index_cast %scan3A_284 : i32 to index
        %get3A_328 = arith.constant 96 : index
        %get3A_329 = tpu.vector_load %arg12[%get3A_327, %get3A_328] {strides = array<i32>} : memref<64x128xf32, #tpu.memory_space<vmem>>, vector<16xf32>,
        %get3A_330 = arith.index_cast %scan3A_284 : i32 to index
        %get3A_331 = arith.constant 96 : index
        %get3A_332 = tpu.vector_load %arg16[%get3A_330, %get3A_331] {strides = array<i32>} : memref<64x128xf32, #tpu.memory_space<vmem>>, vector<16xf32>,
        %add3A_333 = arith.addf %get3A_329, %get3A_332 : vector<16xf32>
        %get3A_334 = arith.index_cast %scan3A_284 : i32 to index
        %get3A_335 = arith.constant 112 : index
        %get3A_336 = tpu.vector_load %arg12[%get3A_334, %get3A_335] {strides = array<i32>} : memref<64x128xf32, #tpu.memory_space<vmem>>, vector<16xf32>,
        %get3A_337 = arith.index_cast %scan3A_284 : i32 to index
        %get3A_338 = arith.constant 112 : index
        %get3A_339 = tpu.vector_load %arg16[%get3A_337, %get3A_338] {strides = array<i32>} : memref<64x128xf32, #tpu.memory_space<vmem>>, vector<16xf32>,
        %add3A_340 = arith.addf %get3A_336, %get3A_339 : vector<16xf32>
        %add3A_341 = arith.addf %add3A_291, %add3A_298 : vector<16xf32>
        %add3A_342 = arith.addf %add3A_305, %add3A_312 : vector<16xf32>
        %add3A_343 = arith.addf %add3A_341, %add3A_342 : vector<16xf32>
        %add3A_344 = arith.addf %add3A_319, %add3A_326 : vector<16xf32>
        %add3A_345 = arith.addf %add3A_333, %add3A_340 : vector<16xf32>
        %add3A_346 = arith.addf %add3A_344, %add3A_345 : vector<16xf32>
        %add3A_347 = arith.addf %add3A_343, %add3A_346 : vector<16xf32>
        %mul3A_348 = arith.mulf %add3A_291, %add3A_291 : vector<16xf32>
        %mul3A_349 = arith.mulf %add3A_298, %add3A_298 : vector<16xf32>
        %mul3A_350 = arith.mulf %add3A_305, %add3A_305 : vector<16xf32>
        %mul3A_351 = arith.mulf %add3A_312, %add3A_312 : vector<16xf32>
        %mul3A_352 = arith.mulf %add3A_319, %add3A_319 : vector<16xf32>
        %mul3A_353 = arith.mulf %add3A_326, %add3A_326 : vector<16xf32>
        %mul3A_354 = arith.mulf %add3A_333, %add3A_333 : vector<16xf32>
        %mul3A_355 = arith.mulf %add3A_340, %add3A_340 : vector<16xf32>
        %add3A_356 = arith.addf %mul3A_348, %mul3A_349 : vector<16xf32>
        %add3A_357 = arith.addf %mul3A_350, %mul3A_351 : vector<16xf32>
        %add3A_358 = arith.addf %add3A_356, %add3A_357 : vector<16xf32>
        %add3A_359 = arith.addf %mul3A_352, %mul3A_353 : vector<16xf32>
        %add3A_360 = arith.addf %mul3A_354, %mul3A_355 : vector<16xf32>
        %add3A_361 = arith.addf %add3A_359, %add3A_360 : vector<16xf32>
        %add3A_362 = arith.addf %add3A_358, %add3A_361 : vector<16xf32>
        %reduce_sum3A = arith.constant true
        %reduce_sum3A_363 = vector.broadcast %reduce_sum3A : i1 to vector<16xi1>
        %reduce_sum3A_364 = tpu.scan <sum>, %add3A_347 masked %reduce_sum3A_363 : vector<16xf32>, vector<16xi1> -> vector<16xf32>
        %reduce_sum3A_365 = vector.extract %reduce_sum3A_364[15] : f32 from vector<16xf32>
        %mul3A_366 = arith.constant 7.812500e-03 : f32
        %mul3A_367 = arith.mulf %reduce_sum3A_365, %mul3A_366 : f32
        %reduce_sum3A_368 = arith.constant true
        %reduce_sum3A_369 = vector.broadcast %reduce_sum3A_368 : i1 to vector<16xi1>
        %reduce_sum3A_370 = tpu.scan <sum>, %add3A_362 masked %reduce_sum3A_369 : vector<16xf32>, vector<16xi1> -> vector<16xf32>
        %reduce_sum3A_371 = vector.extract %reduce_sum3A_370[15] : f32 from vector<16xf32>
        %mul3A_372 = arith.constant 7.812500e-03 : f32
        %mul3A_373 = arith.mulf %reduce_sum3A_371, %mul3A_372 : f32
        %mul3A_374 = arith.mulf %mul3A_367, %mul3A_367 : f32
        %sub3A = arith.subf %mul3A_373, %mul3A_374 : f32
        %add3A_375 = arith.constant 9.99999974E-6 : f32
        %add3A_376 = arith.addf %sub3A, %add3A_375 : f32
        %bitcast_convert_type3A = arith.bitcast %add3A_376 : f32 to i32
        %shift_right_arithmetic3A = arith.constant 1 : i32
        %shift_right_arithmetic3A_377 = arith.shrsi %bitcast_convert_type3A, %shift_right_arithmetic3A : i32
        %sub3A_378 = arith.constant 1597463007 : i32
        %sub3A_379 = arith.subi %sub3A_378, %shift_right_arithmetic3A_377 : i32
        %bitcast_convert_type3A_380 = arith.bitcast %sub3A_379 : i32 to f32
        %mul3A_381 = arith.constant 5.000000e-01 : f32
        %mul3A_382 = arith.mulf %mul3A_381, %add3A_376 : f32
        %mul3A_383 = arith.mulf %mul3A_382, %bitcast_convert_type3A_380 : f32
        %mul3A_384 = arith.mulf %mul3A_383, %bitcast_convert_type3A_380 : f32
        %sub3A_385 = arith.constant 1.500000e+00 : f32
        %sub3A_386 = arith.subf %sub3A_385, %mul3A_384 : f32
        %mul3A_387 = arith.mulf %bitcast_convert_type3A_380, %sub3A_386 : f32
        %mul3A_388 = arith.constant 5.000000e-01 : f32
        %mul3A_389 = arith.mulf %mul3A_388, %add3A_376 : f32
        %mul3A_390 = arith.mulf %mul3A_389, %mul3A_387 : f32
        %mul3A_391 = arith.mulf %mul3A_390, %mul3A_387 : f32
        %sub3A_392 = arith.constant 1.500000e+00 : f32
        %sub3A_393 = arith.subf %sub3A_392, %mul3A_391 : f32
        %mul3A_394 = arith.mulf %mul3A_387, %sub3A_393 : f32
        %mul3A_395 = arith.constant 5.000000e-01 : f32
        %mul3A_396 = arith.mulf %mul3A_395, %add3A_376 : f32
        %mul3A_397 = arith.mulf %mul3A_396, %mul3A_394 : f32
        %mul3A_398 = arith.mulf %mul3A_397, %mul3A_394 : f32
        %sub3A_399 = arith.constant 1.500000e+00 : f32
        %sub3A_400 = arith.subf %sub3A_399, %mul3A_398 : f32
        %mul3A_401 = arith.mulf %mul3A_394, %sub3A_400 : f32
        %sub3A_402 = vector.broadcast %mul3A_367 : f32 to vector<16xf32>
        %sub3A_403 = arith.subf %add3A_291, %sub3A_402 : vector<16xf32>
        %mul3A_404 = vector.broadcast %mul3A_401 : f32 to vector<16xf32>
        %mul3A_405 = arith.mulf %sub3A_403, %mul3A_404 : vector<16xf32>
        %mul3A_406 = arith.mulf %mul3A_405, %get3A_5 : vector<16xf32>
        %add3A_407 = arith.addf %mul3A_406, %get3A_21 : vector<16xf32>
        %swap3A = arith.index_cast %scan3A_284 : i32 to index
        %swap3A_408 = arith.constant 0 : index
        %swap3A_409 = tpu.vector_load %arg20[%swap3A, %swap3A_408] {strides = array<i32>} : memref<64x128xf32, #tpu.memory_space<vmem>>, vector<16xf32>,
        tpu.vector_store %arg20[%swap3A, %swap3A_408], %add3A_407 {strides = array<i32>} : memref<64x128xf32, #tpu.memory_space<vmem>>, vector<16xf32>,
        %sub3A_410 = vector.broadcast %mul3A_367 : f32 to vector<16xf32>
        %sub3A_411 = arith.subf %add3A_298, %sub3A_410 : vector<16xf32>
        %mul3A_412 = vector.broadcast %mul3A_401 : f32 to vector<16xf32>
        %mul3A_413 = arith.mulf %sub3A_411, %mul3A_412 : vector<16xf32>
        %mul3A_414 = arith.mulf %mul3A_413, %get3A_7 : vector<16xf32>
        %add3A_415 = arith.addf %mul3A_414, %get3A_23 : vector<16xf32>
        %swap3A_416 = arith.index_cast %scan3A_284 : i32 to index
        %swap3A_417 = arith.constant 16 : index
        %swap3A_418 = tpu.vector_load %arg20[%swap3A_416, %swap3A_417] {strides = array<i32>} : memref<64x128xf32, #tpu.memory_space<vmem>>, vector<16xf32>,
        tpu.vector_store %arg20[%swap3A_416, %swap3A_417], %add3A_415 {strides = array<i32>} : memref<64x128xf32, #tpu.memory_space<vmem>>, vector<16xf32>,
        %sub3A_419 = vector.broadcast %mul3A_367 : f32 to vector<16xf32>
        %sub3A_420 = arith.subf %add3A_305, %sub3A_419 : vector<16xf32>
        %mul3A_421 = vector.broadcast %mul3A_401 : f32 to vector<16xf32>
        %mul3A_422 = arith.mulf %sub3A_420, %mul3A_421 : vector<16xf32>
        %mul3A_423 = arith.mulf %mul3A_422, %get3A_9 : vector<16xf32>
        %add3A_424 = arith.addf %mul3A_423, %get3A_25 : vector<16xf32>
        %swap3A_425 = arith.index_cast %scan3A_284 : i32 to index
        %swap3A_426 = arith.constant 32 : index
        %swap3A_427 = tpu.vector_load %arg20[%swap3A_425, %swap3A_426] {strides = array<i32>} : memref<64x128xf32, #tpu.memory_space<vmem>>, vector<16xf32>,
        tpu.vector_store %arg20[%swap3A_425, %swap3A_426], %add3A_424 {strides = array<i32>} : memref<64x128xf32, #tpu.memory_space<vmem>>, vector<16xf32>,
        %sub3A_428 = vector.broadcast %mul3A_367 : f32 to vector<16xf32>
        %sub3A_429 = arith.subf %add3A_312, %sub3A_428 : vector<16xf32>
        %mul3A_430 = vector.broadcast %mul3A_401 : f32 to vector<16xf32>
        %mul3A_431 = arith.mulf %sub3A_429, %mul3A_430 : vector<16xf32>
        %mul3A_432 = arith.mulf %mul3A_431, %get3A_11 : vector<16xf32>
        %add3A_433 = arith.addf %mul3A_432, %get3A_27 : vector<16xf32>
        %swap3A_434 = arith.index_cast %scan3A_284 : i32 to index
        %swap3A_435 = arith.constant 48 : index
        %swap3A_436 = tpu.vector_load %arg20[%swap3A_434, %swap3A_435] {strides = array<i32>} : memref<64x128xf32, #tpu.memory_space<vmem>>, vector<16xf32>,
        tpu.vector_store %arg20[%swap3A_434, %swap3A_435], %add3A_433 {strides = array<i32>} : memref<64x128xf32, #tpu.memory_space<vmem>>, vector<16xf32>,
        %sub3A_437 = vector.broadcast %mul3A_367 : f32 to vector<16xf32>
        %sub3A_438 = arith.subf %add3A_319, %sub3A_437 : vector<16xf32>
        %mul3A_439 = vector.broadcast %mul3A_401 : f32 to vector<16xf32>
        %mul3A_440 = arith.mulf %sub3A_438, %mul3A_439 : vector<16xf32>
        %mul3A_441 = arith.mulf %mul3A_440, %get3A_13 : vector<16xf32>
        %add3A_442 = arith.addf %mul3A_441, %get3A_29 : vector<16xf32>
        %swap3A_443 = arith.index_cast %scan3A_284 : i32 to index
        %swap3A_444 = arith.constant 64 : index
        %swap3A_445 = tpu.vector_load %arg20[%swap3A_443, %swap3A_444] {strides = array<i32>} : memref<64x128xf32, #tpu.memory_space<vmem>>, vector<16xf32>,
        tpu.vector_store %arg20[%swap3A_443, %swap3A_444], %add3A_442 {strides = array<i32>} : memref<64x128xf32, #tpu.memory_space<vmem>>, vector<16xf32>,
        %sub3A_446 = vector.broadcast %mul3A_367 : f32 to vector<16xf32>
        %sub3A_447 = arith.subf %add3A_326, %sub3A_446 : vector<16xf32>
        %mul3A_448 = vector.broadcast %mul3A_401 : f32 to vector<16xf32>
        %mul3A_449 = arith.mulf %sub3A_447, %mul3A_448 : vector<16xf32>
        %mul3A_450 = arith.mulf %mul3A_449, %get3A_15 : vector<16xf32>
        %add3A_451 = arith.addf %mul3A_450, %get3A_31 : vector<16xf32>
        %swap3A_452 = arith.index_cast %scan3A_284 : i32 to index
        %swap3A_453 = arith.constant 80 : index
        %swap3A_454 = tpu.vector_load %arg20[%swap3A_452, %swap3A_453] {strides = array<i32>} : memref<64x128xf32, #tpu.memory_space<vmem>>, vector<16xf32>,
        tpu.vector_store %arg20[%swap3A_452, %swap3A_453], %add3A_451 {strides = array<i32>} : memref<64x128xf32, #tpu.memory_space<vmem>>, vector<16xf32>,
        %sub3A_455 = vector.broadcast %mul3A_367 : f32 to vector<16xf32>
        %sub3A_456 = arith.subf %add3A_333, %sub3A_455 : vector<16xf32>
        %mul3A_457 = vector.broadcast %mul3A_401 : f32 to vector<16xf32>
        %mul3A_458 = arith.mulf %sub3A_456, %mul3A_457 : vector<16xf32>
        %mul3A_459 = arith.mulf %mul3A_458, %get3A_17 : vector<16xf32>
        %add3A_460 = arith.addf %mul3A_459, %get3A_33 : vector<16xf32>
        %swap3A_461 = arith.index_cast %scan3A_284 : i32 to index
        %swap3A_462 = arith.constant 96 : index
        %swap3A_463 = tpu.vector_load %arg20[%swap3A_461, %swap3A_462] {strides = array<i32>} : memref<64x128xf32, #tpu.memory_space<vmem>>, vector<16xf32>,
        tpu.vector_store %arg20[%swap3A_461, %swap3A_462], %add3A_460 {strides = array<i32>} : memref<64x128xf32, #tpu.memory_space<vmem>>, vector<16xf32>,
        %sub3A_464 = vector.broadcast %mul3A_367 : f32 to vector<16xf32>
        %sub3A_465 = arith.subf %add3A_340, %sub3A_464 : vector<16xf32>
        %mul3A_466 = vector.broadcast %mul3A_401 : f32 to vector<16xf32>
        %mul3A_467 = arith.mulf %sub3A_465, %mul3A_466 : vector<16xf32>
        %mul3A_468 = arith.mulf %mul3A_467, %get3A_19 : vector<16xf32>
        %add3A_469 = arith.addf %mul3A_468, %get3A_35 : vector<16xf32>
        %swap3A_470 = arith.index_cast %scan3A_284 : i32 to index
        %swap3A_471 = arith.constant 112 : index
        %swap3A_472 = tpu.vector_load %arg20[%swap3A_470, %swap3A_471] {strides = array<i32>} : memref<64x128xf32, #tpu.memory_space<vmem>>, vector<16xf32>,
        tpu.vector_store %arg20[%swap3A_470, %swap3A_471], %add3A_469 {strides = array<i32>} : memref<64x128xf32, #tpu.memory_space<vmem>>, vector<16xf32>,
      }
      %scan3A_191 = arith.constant 64 : i32
      %add3A_192 = arith.addi %multiple_of3A, %multiple_of3A_170 : i32
      %dma_start3A_193 = arith.constant 0 : i32
      %dma_start3A_194 = tpu.memref_slice %arg7[%add3A_192, %dma_start3A_193] : memref<204800x128xf32, #tpu.memory_space<hbm>> -> memref<64x128xf32, #tpu.memory_space<hbm>>
      %dma_start3A_195 = arith.constant 0 : i32
      %dma_start3A_196 = tpu.memref_slice %arg7[%add3A_192, %dma_start3A_195] : memref<204800x128xf32, #tpu.memory_space<hbm>> -> memref<64x128xf32, #tpu.memory_space<hbm>>
      tpu.enqueue_dma source(%arg20 : memref<64x128xf32, #tpu.memory_space<vmem>>) target(%dma_start3A_196 : memref<64x128xf32, #tpu.memory_space<hbm>>) target_semaphore(%arg34 : memref<!tpu.dma_semaphore, #tpu.memory_space<semaphore_mem>>)
      %add3A_197 = arith.constant 4 : i32
      %add3A_198 = arith.addi %add3A_167, %add3A_197 : i32
      %lt3A_199 = arith.constant 100 : i32
      %lt3A_200 = arith.cmpi slt, %add3A_198, %lt3A_199 : i32
      %convert_element_type3A_201 = arith.extui %lt3A_200 : i1 to i32
      %cond3A_202 = arith.constant 0 : i32
      %cond3A_203 = arith.cmpi ne, %convert_element_type3A_201, %cond3A_202 : i32
      scf.if %cond3A_203 {
        %add3A_284 = arith.constant 4 : i32
        %add3A_285 = arith.addi %add3A_167, %add3A_284 : i32
        %mul3A_286 = arith.constant 64 : i32
        %mul3A_287 = arith.muli %add3A_285, %mul3A_286 : i32
        %multiple_of3A_288 = tpu.assume_multiple %mul3A_287, 8 : i32
        %dma_start3A_289 = tpu.memref_slice %arg8[%multiple_of3A_288] : memref<6400xi32, #tpu.memory_space<vmem>> -> memref<64xi32, #tpu.memory_space<vmem>>
        %dma_start3A_290 = arith.constant 0 : i32
        %dma_start3A_291 = arith.constant 0 : i32
        %dma_start3A_292 = tpu.memref_slice %arg3[%dma_start3A_290, %dma_start3A_291] : memref<100000x128xf32, #tpu.memory_space<hbm>> -> memref<100000x128xf32, #tpu.memory_space<hbm>>
        tpu.enqueue_indirect_dma source(%dma_start3A_292 : memref<100000x128xf32, #tpu.memory_space<hbm>>) target(%arg12 : memref<64x128xf32, #tpu.memory_space<vmem>>) offsets(%dma_start3A_289 : memref<64xi32, #tpu.memory_space<vmem>>) semaphore(%arg26 : memref<!tpu.dma_semaphore, #tpu.memory_space<semaphore_mem>>)
        %mul3A_293 = arith.constant 64 : i32
        %mul3A_294 = arith.muli %add3A_285, %mul3A_293 : i32
        %multiple_of3A_295 = tpu.assume_multiple %mul3A_294, 8 : i32
        %dma_start3A_296 = tpu.memref_slice %arg9[%multiple_of3A_295] : memref<6400xi32, #tpu.memory_space<vmem>> -> memref<64xi32, #tpu.memory_space<vmem>>
        %dma_start3A_297 = arith.constant 0 : i32
        %dma_start3A_298 = arith.constant 0 : i32
        %dma_start3A_299 = tpu.memref_slice %arg10[%dma_start3A_297, %dma_start3A_298] : memref<512x128xf32, #tpu.memory_space<vmem_shared>> -> memref<512x128xf32, #tpu.memory_space<vmem_shared>>
        tpu.enqueue_indirect_dma source(%dma_start3A_299 : memref<512x128xf32, #tpu.memory_space<vmem_shared>>) target(%arg16 : memref<64x128xf32, #tpu.memory_space<vmem>>) offsets(%dma_start3A_296 : memref<64xi32, #tpu.memory_space<vmem>>) semaphore(%arg30 : memref<!tpu.dma_semaphore, #tpu.memory_space<semaphore_mem>>)
      } else {
      }
      %mul3A_204 = arith.constant 4 : i32
      %mul3A_205 = arith.muli %scan3A_125, %mul3A_204 : i32
      %add3A_206 = arith.constant 2 : i32
      %add3A_207 = arith.addi %mul3A_205, %add3A_206 : i32
      %mul3A_208 = arith.constant 64 : i32
      %mul3A_209 = arith.muli %add3A_207, %mul3A_208 : i32
      %multiple_of3A_210 = tpu.assume_multiple %mul3A_209, 8 : i32
      %dma_wait3A_211 = arith.constant 0 : i32
      %dma_wait3A_212 = tpu.memref_slice %arg8[%dma_wait3A_211] : memref<6400xi32, #tpu.memory_space<vmem>> -> memref<64xi32, #tpu.memory_space<vmem>>
      %dma_wait3A_213 = arith.constant 0 : i32
      %dma_wait3A_214 = arith.constant 0 : i32
      %dma_wait3A_215 = tpu.memref_slice %arg3[%dma_wait3A_213, %dma_wait3A_214] : memref<100000x128xf32, #tpu.memory_space<hbm>> -> memref<100000x128xf32, #tpu.memory_space<hbm>>
      tpu.wait_indirect_dma semaphore(%arg27 : memref<!tpu.dma_semaphore, #tpu.memory_space<semaphore_mem>>) src(%dma_wait3A_215 : memref<100000x128xf32, #tpu.memory_space<hbm>>) dst(%arg13 : memref<64x128xf32, #tpu.memory_space<vmem>>)
      %dma_wait3A_216 = arith.constant 0 : i32
      %dma_wait3A_217 = tpu.memref_slice %arg9[%dma_wait3A_216] : memref<6400xi32, #tpu.memory_space<vmem>> -> memref<64xi32, #tpu.memory_space<vmem>>
      %dma_wait3A_218 = arith.constant 0 : i32
      %dma_wait3A_219 = arith.constant 0 : i32
      %dma_wait3A_220 = tpu.memref_slice %arg10[%dma_wait3A_218, %dma_wait3A_219] : memref<512x128xf32, #tpu.memory_space<vmem_shared>> -> memref<512x128xf32, #tpu.memory_space<vmem_shared>>
      tpu.wait_indirect_dma semaphore(%arg31 : memref<!tpu.dma_semaphore, #tpu.memory_space<semaphore_mem>>) src(%dma_wait3A_220 : memref<512x128xf32, #tpu.memory_space<vmem_shared>>) dst(%arg17 : memref<64x128xf32, #tpu.memory_space<vmem>>)
      %ge3A_221 = arith.constant 4 : i32
      %ge3A_222 = arith.cmpi sge, %add3A_207, %ge3A_221 : i32
      %convert_element_type3A_223 = arith.extui %ge3A_222 : i1 to i32
      %cond3A_224 = arith.constant 0 : i32
      %cond3A_225 = arith.cmpi ne, %convert_element_type3A_223, %cond3A_224 : i32
      scf.if %cond3A_225 {
        %dma_wait3A_284 = arith.constant 0 : i32
        %dma_wait3A_285 = tpu.memref_slice %arg7[%multiple_of3A, %dma_wait3A_284] : memref<204800x128xf32, #tpu.memory_space<hbm>> -> memref<64x128xf32, #tpu.memory_space<hbm>>
        %dma_wait3A_286 = arith.constant 0 : i32
        %dma_wait3A_287 = tpu.memref_slice %arg7[%multiple_of3A, %dma_wait3A_286] : memref<204800x128xf32, #tpu.memory_space<hbm>> -> memref<64x128xf32, #tpu.memory_space<hbm>>
        tpu.wait_dma2 semaphore(%arg35 : memref<!tpu.dma_semaphore, #tpu.memory_space<semaphore_mem>>) src(%arg21 : memref<64x128xf32, #tpu.memory_space<vmem>>) dst(%dma_wait3A_287 : memref<64x128xf32, #tpu.memory_space<hbm>>)
      } else {
      }
      %scan3A_226 = arith.constant 0 : i32
      %scan3A_227 = arith.constant 0 : i32
      %scan3A_228 = arith.constant 64 : i32
      %scan3A_229 = arith.addi %scan3A_227, %scan3A_228 : i32
      %scan3A_230 = arith.constant 1 : i32
      scf.for %scan3A_284 = %scan3A_227 to %scan3A_229 step %scan3A_230  : i32 {
        %get3A_285 = arith.index_cast %scan3A_284 : i32 to index
        %get3A_286 = arith.constant 0 : index
        %get3A_287 = tpu.vector_load %arg13[%get3A_285, %get3A_286] {strides = array<i32>} : memref<64x128xf32, #tpu.memory_space<vmem>>, vector<16xf32>,
        %get3A_288 = arith.index_cast %scan3A_284 : i32 to index
        %get3A_289 = arith.constant 0 : index
        %get3A_290 = tpu.vector_load %arg17[%get3A_288, %get3A_289] {strides = array<i32>} : memref<64x128xf32, #tpu.memory_space<vmem>>, vector<16xf32>,
        %add3A_291 = arith.addf %get3A_287, %get3A_290 : vector<16xf32>
        %get3A_292 = arith.index_cast %scan3A_284 : i32 to index
        %get3A_293 = arith.constant 16 : index
        %get3A_294 = tpu.vector_load %arg13[%get3A_292, %get3A_293] {strides = array<i32>} : memref<64x128xf32, #tpu.memory_space<vmem>>, vector<16xf32>,
        %get3A_295 = arith.index_cast %scan3A_284 : i32 to index
        %get3A_296 = arith.constant 16 : index
        %get3A_297 = tpu.vector_load %arg17[%get3A_295, %get3A_296] {strides = array<i32>} : memref<64x128xf32, #tpu.memory_space<vmem>>, vector<16xf32>,
        %add3A_298 = arith.addf %get3A_294, %get3A_297 : vector<16xf32>
        %get3A_299 = arith.index_cast %scan3A_284 : i32 to index
        %get3A_300 = arith.constant 32 : index
        %get3A_301 = tpu.vector_load %arg13[%get3A_299, %get3A_300] {strides = array<i32>} : memref<64x128xf32, #tpu.memory_space<vmem>>, vector<16xf32>,
        %get3A_302 = arith.index_cast %scan3A_284 : i32 to index
        %get3A_303 = arith.constant 32 : index
        %get3A_304 = tpu.vector_load %arg17[%get3A_302, %get3A_303] {strides = array<i32>} : memref<64x128xf32, #tpu.memory_space<vmem>>, vector<16xf32>,
        %add3A_305 = arith.addf %get3A_301, %get3A_304 : vector<16xf32>
        %get3A_306 = arith.index_cast %scan3A_284 : i32 to index
        %get3A_307 = arith.constant 48 : index
        %get3A_308 = tpu.vector_load %arg13[%get3A_306, %get3A_307] {strides = array<i32>} : memref<64x128xf32, #tpu.memory_space<vmem>>, vector<16xf32>,
        %get3A_309 = arith.index_cast %scan3A_284 : i32 to index
        %get3A_310 = arith.constant 48 : index
        %get3A_311 = tpu.vector_load %arg17[%get3A_309, %get3A_310] {strides = array<i32>} : memref<64x128xf32, #tpu.memory_space<vmem>>, vector<16xf32>,
        %add3A_312 = arith.addf %get3A_308, %get3A_311 : vector<16xf32>
        %get3A_313 = arith.index_cast %scan3A_284 : i32 to index
        %get3A_314 = arith.constant 64 : index
        %get3A_315 = tpu.vector_load %arg13[%get3A_313, %get3A_314] {strides = array<i32>} : memref<64x128xf32, #tpu.memory_space<vmem>>, vector<16xf32>,
        %get3A_316 = arith.index_cast %scan3A_284 : i32 to index
        %get3A_317 = arith.constant 64 : index
        %get3A_318 = tpu.vector_load %arg17[%get3A_316, %get3A_317] {strides = array<i32>} : memref<64x128xf32, #tpu.memory_space<vmem>>, vector<16xf32>,
        %add3A_319 = arith.addf %get3A_315, %get3A_318 : vector<16xf32>
        %get3A_320 = arith.index_cast %scan3A_284 : i32 to index
        %get3A_321 = arith.constant 80 : index
        %get3A_322 = tpu.vector_load %arg13[%get3A_320, %get3A_321] {strides = array<i32>} : memref<64x128xf32, #tpu.memory_space<vmem>>, vector<16xf32>,
        %get3A_323 = arith.index_cast %scan3A_284 : i32 to index
        %get3A_324 = arith.constant 80 : index
        %get3A_325 = tpu.vector_load %arg17[%get3A_323, %get3A_324] {strides = array<i32>} : memref<64x128xf32, #tpu.memory_space<vmem>>, vector<16xf32>,
        %add3A_326 = arith.addf %get3A_322, %get3A_325 : vector<16xf32>
        %get3A_327 = arith.index_cast %scan3A_284 : i32 to index
        %get3A_328 = arith.constant 96 : index
        %get3A_329 = tpu.vector_load %arg13[%get3A_327, %get3A_328] {strides = array<i32>} : memref<64x128xf32, #tpu.memory_space<vmem>>, vector<16xf32>,
        %get3A_330 = arith.index_cast %scan3A_284 : i32 to index
        %get3A_331 = arith.constant 96 : index
        %get3A_332 = tpu.vector_load %arg17[%get3A_330, %get3A_331] {strides = array<i32>} : memref<64x128xf32, #tpu.memory_space<vmem>>, vector<16xf32>,
        %add3A_333 = arith.addf %get3A_329, %get3A_332 : vector<16xf32>
        %get3A_334 = arith.index_cast %scan3A_284 : i32 to index
        %get3A_335 = arith.constant 112 : index
        %get3A_336 = tpu.vector_load %arg13[%get3A_334, %get3A_335] {strides = array<i32>} : memref<64x128xf32, #tpu.memory_space<vmem>>, vector<16xf32>,
        %get3A_337 = arith.index_cast %scan3A_284 : i32 to index
        %get3A_338 = arith.constant 112 : index
        %get3A_339 = tpu.vector_load %arg17[%get3A_337, %get3A_338] {strides = array<i32>} : memref<64x128xf32, #tpu.memory_space<vmem>>, vector<16xf32>,
        %add3A_340 = arith.addf %get3A_336, %get3A_339 : vector<16xf32>
        %add3A_341 = arith.addf %add3A_291, %add3A_298 : vector<16xf32>
        %add3A_342 = arith.addf %add3A_305, %add3A_312 : vector<16xf32>
        %add3A_343 = arith.addf %add3A_341, %add3A_342 : vector<16xf32>
        %add3A_344 = arith.addf %add3A_319, %add3A_326 : vector<16xf32>
        %add3A_345 = arith.addf %add3A_333, %add3A_340 : vector<16xf32>
        %add3A_346 = arith.addf %add3A_344, %add3A_345 : vector<16xf32>
        %add3A_347 = arith.addf %add3A_343, %add3A_346 : vector<16xf32>
        %mul3A_348 = arith.mulf %add3A_291, %add3A_291 : vector<16xf32>
        %mul3A_349 = arith.mulf %add3A_298, %add3A_298 : vector<16xf32>
        %mul3A_350 = arith.mulf %add3A_305, %add3A_305 : vector<16xf32>
        %mul3A_351 = arith.mulf %add3A_312, %add3A_312 : vector<16xf32>
        %mul3A_352 = arith.mulf %add3A_319, %add3A_319 : vector<16xf32>
        %mul3A_353 = arith.mulf %add3A_326, %add3A_326 : vector<16xf32>
        %mul3A_354 = arith.mulf %add3A_333, %add3A_333 : vector<16xf32>
        %mul3A_355 = arith.mulf %add3A_340, %add3A_340 : vector<16xf32>
        %add3A_356 = arith.addf %mul3A_348, %mul3A_349 : vector<16xf32>
        %add3A_357 = arith.addf %mul3A_350, %mul3A_351 : vector<16xf32>
        %add3A_358 = arith.addf %add3A_356, %add3A_357 : vector<16xf32>
        %add3A_359 = arith.addf %mul3A_352, %mul3A_353 : vector<16xf32>
        %add3A_360 = arith.addf %mul3A_354, %mul3A_355 : vector<16xf32>
        %add3A_361 = arith.addf %add3A_359, %add3A_360 : vector<16xf32>
        %add3A_362 = arith.addf %add3A_358, %add3A_361 : vector<16xf32>
        %reduce_sum3A = arith.constant true
        %reduce_sum3A_363 = vector.broadcast %reduce_sum3A : i1 to vector<16xi1>
        %reduce_sum3A_364 = tpu.scan <sum>, %add3A_347 masked %reduce_sum3A_363 : vector<16xf32>, vector<16xi1> -> vector<16xf32>
        %reduce_sum3A_365 = vector.extract %reduce_sum3A_364[15] : f32 from vector<16xf32>
        %mul3A_366 = arith.constant 7.812500e-03 : f32
        %mul3A_367 = arith.mulf %reduce_sum3A_365, %mul3A_366 : f32
        %reduce_sum3A_368 = arith.constant true
        %reduce_sum3A_369 = vector.broadcast %reduce_sum3A_368 : i1 to vector<16xi1>
        %reduce_sum3A_370 = tpu.scan <sum>, %add3A_362 masked %reduce_sum3A_369 : vector<16xf32>, vector<16xi1> -> vector<16xf32>
        %reduce_sum3A_371 = vector.extract %reduce_sum3A_370[15] : f32 from vector<16xf32>
        %mul3A_372 = arith.constant 7.812500e-03 : f32
        %mul3A_373 = arith.mulf %reduce_sum3A_371, %mul3A_372 : f32
        %mul3A_374 = arith.mulf %mul3A_367, %mul3A_367 : f32
        %sub3A = arith.subf %mul3A_373, %mul3A_374 : f32
        %add3A_375 = arith.constant 9.99999974E-6 : f32
        %add3A_376 = arith.addf %sub3A, %add3A_375 : f32
        %bitcast_convert_type3A = arith.bitcast %add3A_376 : f32 to i32
        %shift_right_arithmetic3A = arith.constant 1 : i32
        %shift_right_arithmetic3A_377 = arith.shrsi %bitcast_convert_type3A, %shift_right_arithmetic3A : i32
        %sub3A_378 = arith.constant 1597463007 : i32
        %sub3A_379 = arith.subi %sub3A_378, %shift_right_arithmetic3A_377 : i32
        %bitcast_convert_type3A_380 = arith.bitcast %sub3A_379 : i32 to f32
        %mul3A_381 = arith.constant 5.000000e-01 : f32
        %mul3A_382 = arith.mulf %mul3A_381, %add3A_376 : f32
        %mul3A_383 = arith.mulf %mul3A_382, %bitcast_convert_type3A_380 : f32
        %mul3A_384 = arith.mulf %mul3A_383, %bitcast_convert_type3A_380 : f32
        %sub3A_385 = arith.constant 1.500000e+00 : f32
        %sub3A_386 = arith.subf %sub3A_385, %mul3A_384 : f32
        %mul3A_387 = arith.mulf %bitcast_convert_type3A_380, %sub3A_386 : f32
        %mul3A_388 = arith.constant 5.000000e-01 : f32
        %mul3A_389 = arith.mulf %mul3A_388, %add3A_376 : f32
        %mul3A_390 = arith.mulf %mul3A_389, %mul3A_387 : f32
        %mul3A_391 = arith.mulf %mul3A_390, %mul3A_387 : f32
        %sub3A_392 = arith.constant 1.500000e+00 : f32
        %sub3A_393 = arith.subf %sub3A_392, %mul3A_391 : f32
        %mul3A_394 = arith.mulf %mul3A_387, %sub3A_393 : f32
        %mul3A_395 = arith.constant 5.000000e-01 : f32
        %mul3A_396 = arith.mulf %mul3A_395, %add3A_376 : f32
        %mul3A_397 = arith.mulf %mul3A_396, %mul3A_394 : f32
        %mul3A_398 = arith.mulf %mul3A_397, %mul3A_394 : f32
        %sub3A_399 = arith.constant 1.500000e+00 : f32
        %sub3A_400 = arith.subf %sub3A_399, %mul3A_398 : f32
        %mul3A_401 = arith.mulf %mul3A_394, %sub3A_400 : f32
        %sub3A_402 = vector.broadcast %mul3A_367 : f32 to vector<16xf32>
        %sub3A_403 = arith.subf %add3A_291, %sub3A_402 : vector<16xf32>
        %mul3A_404 = vector.broadcast %mul3A_401 : f32 to vector<16xf32>
        %mul3A_405 = arith.mulf %sub3A_403, %mul3A_404 : vector<16xf32>
        %mul3A_406 = arith.mulf %mul3A_405, %get3A_5 : vector<16xf32>
        %add3A_407 = arith.addf %mul3A_406, %get3A_21 : vector<16xf32>
        %swap3A = arith.index_cast %scan3A_284 : i32 to index
        %swap3A_408 = arith.constant 0 : index
        %swap3A_409 = tpu.vector_load %arg21[%swap3A, %swap3A_408] {strides = array<i32>} : memref<64x128xf32, #tpu.memory_space<vmem>>, vector<16xf32>,
        tpu.vector_store %arg21[%swap3A, %swap3A_408], %add3A_407 {strides = array<i32>} : memref<64x128xf32, #tpu.memory_space<vmem>>, vector<16xf32>,
        %sub3A_410 = vector.broadcast %mul3A_367 : f32 to vector<16xf32>
        %sub3A_411 = arith.subf %add3A_298, %sub3A_410 : vector<16xf32>
        %mul3A_412 = vector.broadcast %mul3A_401 : f32 to vector<16xf32>
        %mul3A_413 = arith.mulf %sub3A_411, %mul3A_412 : vector<16xf32>
        %mul3A_414 = arith.mulf %mul3A_413, %get3A_7 : vector<16xf32>
        %add3A_415 = arith.addf %mul3A_414, %get3A_23 : vector<16xf32>
        %swap3A_416 = arith.index_cast %scan3A_284 : i32 to index
        %swap3A_417 = arith.constant 16 : index
        %swap3A_418 = tpu.vector_load %arg21[%swap3A_416, %swap3A_417] {strides = array<i32>} : memref<64x128xf32, #tpu.memory_space<vmem>>, vector<16xf32>,
        tpu.vector_store %arg21[%swap3A_416, %swap3A_417], %add3A_415 {strides = array<i32>} : memref<64x128xf32, #tpu.memory_space<vmem>>, vector<16xf32>,
        %sub3A_419 = vector.broadcast %mul3A_367 : f32 to vector<16xf32>
        %sub3A_420 = arith.subf %add3A_305, %sub3A_419 : vector<16xf32>
        %mul3A_421 = vector.broadcast %mul3A_401 : f32 to vector<16xf32>
        %mul3A_422 = arith.mulf %sub3A_420, %mul3A_421 : vector<16xf32>
        %mul3A_423 = arith.mulf %mul3A_422, %get3A_9 : vector<16xf32>
        %add3A_424 = arith.addf %mul3A_423, %get3A_25 : vector<16xf32>
        %swap3A_425 = arith.index_cast %scan3A_284 : i32 to index
        %swap3A_426 = arith.constant 32 : index
        %swap3A_427 = tpu.vector_load %arg21[%swap3A_425, %swap3A_426] {strides = array<i32>} : memref<64x128xf32, #tpu.memory_space<vmem>>, vector<16xf32>,
        tpu.vector_store %arg21[%swap3A_425, %swap3A_426], %add3A_424 {strides = array<i32>} : memref<64x128xf32, #tpu.memory_space<vmem>>, vector<16xf32>,
        %sub3A_428 = vector.broadcast %mul3A_367 : f32 to vector<16xf32>
        %sub3A_429 = arith.subf %add3A_312, %sub3A_428 : vector<16xf32>
        %mul3A_430 = vector.broadcast %mul3A_401 : f32 to vector<16xf32>
        %mul3A_431 = arith.mulf %sub3A_429, %mul3A_430 : vector<16xf32>
        %mul3A_432 = arith.mulf %mul3A_431, %get3A_11 : vector<16xf32>
        %add3A_433 = arith.addf %mul3A_432, %get3A_27 : vector<16xf32>
        %swap3A_434 = arith.index_cast %scan3A_284 : i32 to index
        %swap3A_435 = arith.constant 48 : index
        %swap3A_436 = tpu.vector_load %arg21[%swap3A_434, %swap3A_435] {strides = array<i32>} : memref<64x128xf32, #tpu.memory_space<vmem>>, vector<16xf32>,
        tpu.vector_store %arg21[%swap3A_434, %swap3A_435], %add3A_433 {strides = array<i32>} : memref<64x128xf32, #tpu.memory_space<vmem>>, vector<16xf32>,
        %sub3A_437 = vector.broadcast %mul3A_367 : f32 to vector<16xf32>
        %sub3A_438 = arith.subf %add3A_319, %sub3A_437 : vector<16xf32>
        %mul3A_439 = vector.broadcast %mul3A_401 : f32 to vector<16xf32>
        %mul3A_440 = arith.mulf %sub3A_438, %mul3A_439 : vector<16xf32>
        %mul3A_441 = arith.mulf %mul3A_440, %get3A_13 : vector<16xf32>
        %add3A_442 = arith.addf %mul3A_441, %get3A_29 : vector<16xf32>
        %swap3A_443 = arith.index_cast %scan3A_284 : i32 to index
        %swap3A_444 = arith.constant 64 : index
        %swap3A_445 = tpu.vector_load %arg21[%swap3A_443, %swap3A_444] {strides = array<i32>} : memref<64x128xf32, #tpu.memory_space<vmem>>, vector<16xf32>,
        tpu.vector_store %arg21[%swap3A_443, %swap3A_444], %add3A_442 {strides = array<i32>} : memref<64x128xf32, #tpu.memory_space<vmem>>, vector<16xf32>,
        %sub3A_446 = vector.broadcast %mul3A_367 : f32 to vector<16xf32>
        %sub3A_447 = arith.subf %add3A_326, %sub3A_446 : vector<16xf32>
        %mul3A_448 = vector.broadcast %mul3A_401 : f32 to vector<16xf32>
        %mul3A_449 = arith.mulf %sub3A_447, %mul3A_448 : vector<16xf32>
        %mul3A_450 = arith.mulf %mul3A_449, %get3A_15 : vector<16xf32>
        %add3A_451 = arith.addf %mul3A_450, %get3A_31 : vector<16xf32>
        %swap3A_452 = arith.index_cast %scan3A_284 : i32 to index
        %swap3A_453 = arith.constant 80 : index
        %swap3A_454 = tpu.vector_load %arg21[%swap3A_452, %swap3A_453] {strides = array<i32>} : memref<64x128xf32, #tpu.memory_space<vmem>>, vector<16xf32>,
        tpu.vector_store %arg21[%swap3A_452, %swap3A_453], %add3A_451 {strides = array<i32>} : memref<64x128xf32, #tpu.memory_space<vmem>>, vector<16xf32>,
        %sub3A_455 = vector.broadcast %mul3A_367 : f32 to vector<16xf32>
        %sub3A_456 = arith.subf %add3A_333, %sub3A_455 : vector<16xf32>
        %mul3A_457 = vector.broadcast %mul3A_401 : f32 to vector<16xf32>
        %mul3A_458 = arith.mulf %sub3A_456, %mul3A_457 : vector<16xf32>
        %mul3A_459 = arith.mulf %mul3A_458, %get3A_17 : vector<16xf32>
        %add3A_460 = arith.addf %mul3A_459, %get3A_33 : vector<16xf32>
        %swap3A_461 = arith.index_cast %scan3A_284 : i32 to index
        %swap3A_462 = arith.constant 96 : index
        %swap3A_463 = tpu.vector_load %arg21[%swap3A_461, %swap3A_462] {strides = array<i32>} : memref<64x128xf32, #tpu.memory_space<vmem>>, vector<16xf32>,
        tpu.vector_store %arg21[%swap3A_461, %swap3A_462], %add3A_460 {strides = array<i32>} : memref<64x128xf32, #tpu.memory_space<vmem>>, vector<16xf32>,
        %sub3A_464 = vector.broadcast %mul3A_367 : f32 to vector<16xf32>
        %sub3A_465 = arith.subf %add3A_340, %sub3A_464 : vector<16xf32>
        %mul3A_466 = vector.broadcast %mul3A_401 : f32 to vector<16xf32>
        %mul3A_467 = arith.mulf %sub3A_465, %mul3A_466 : vector<16xf32>
        %mul3A_468 = arith.mulf %mul3A_467, %get3A_19 : vector<16xf32>
        %add3A_469 = arith.addf %mul3A_468, %get3A_35 : vector<16xf32>
        %swap3A_470 = arith.index_cast %scan3A_284 : i32 to index
        %swap3A_471 = arith.constant 112 : index
        %swap3A_472 = tpu.vector_load %arg21[%swap3A_470, %swap3A_471] {strides = array<i32>} : memref<64x128xf32, #tpu.memory_space<vmem>>, vector<16xf32>,
        tpu.vector_store %arg21[%swap3A_470, %swap3A_471], %add3A_469 {strides = array<i32>} : memref<64x128xf32, #tpu.memory_space<vmem>>, vector<16xf32>,
      }
      %scan3A_231 = arith.constant 64 : i32
      %add3A_232 = arith.addi %multiple_of3A, %multiple_of3A_210 : i32
      %dma_start3A_233 = arith.constant 0 : i32
      %dma_start3A_234 = tpu.memref_slice %arg7[%add3A_232, %dma_start3A_233] : memref<204800x128xf32, #tpu.memory_space<hbm>> -> memref<64x128xf32, #tpu.memory_space<hbm>>
      %dma_start3A_235 = arith.constant 0 : i32
      %dma_start3A_236 = tpu.memref_slice %arg7[%add3A_232, %dma_start3A_235] : memref<204800x128xf32, #tpu.memory_space<hbm>> -> memref<64x128xf32, #tpu.memory_space<hbm>>
      tpu.enqueue_dma source(%arg21 : memref<64x128xf32, #tpu.memory_space<vmem>>) target(%dma_start3A_236 : memref<64x128xf32, #tpu.memory_space<hbm>>) target_semaphore(%arg35 : memref<!tpu.dma_semaphore, #tpu.memory_space<semaphore_mem>>)
      %add3A_237 = arith.constant 4 : i32
      %add3A_238 = arith.addi %add3A_207, %add3A_237 : i32
      %lt3A_239 = arith.constant 100 : i32
      %lt3A_240 = arith.cmpi slt, %add3A_238, %lt3A_239 : i32
      %convert_element_type3A_241 = arith.extui %lt3A_240 : i1 to i32
      %cond3A_242 = arith.constant 0 : i32
      %cond3A_243 = arith.cmpi ne, %convert_element_type3A_241, %cond3A_242 : i32
      scf.if %cond3A_243 {
        %add3A_284 = arith.constant 4 : i32
        %add3A_285 = arith.addi %add3A_207, %add3A_284 : i32
        %mul3A_286 = arith.constant 64 : i32
        %mul3A_287 = arith.muli %add3A_285, %mul3A_286 : i32
        %multiple_of3A_288 = tpu.assume_multiple %mul3A_287, 8 : i32
        %dma_start3A_289 = tpu.memref_slice %arg8[%multiple_of3A_288] : memref<6400xi32, #tpu.memory_space<vmem>> -> memref<64xi32, #tpu.memory_space<vmem>>
        %dma_start3A_290 = arith.constant 0 : i32
        %dma_start3A_291 = arith.constant 0 : i32
        %dma_start3A_292 = tpu.memref_slice %arg3[%dma_start3A_290, %dma_start3A_291] : memref<100000x128xf32, #tpu.memory_space<hbm>> -> memref<100000x128xf32, #tpu.memory_space<hbm>>
        tpu.enqueue_indirect_dma source(%dma_start3A_292 : memref<100000x128xf32, #tpu.memory_space<hbm>>) target(%arg13 : memref<64x128xf32, #tpu.memory_space<vmem>>) offsets(%dma_start3A_289 : memref<64xi32, #tpu.memory_space<vmem>>) semaphore(%arg27 : memref<!tpu.dma_semaphore, #tpu.memory_space<semaphore_mem>>)
        %mul3A_293 = arith.constant 64 : i32
        %mul3A_294 = arith.muli %add3A_285, %mul3A_293 : i32
        %multiple_of3A_295 = tpu.assume_multiple %mul3A_294, 8 : i32
        %dma_start3A_296 = tpu.memref_slice %arg9[%multiple_of3A_295] : memref<6400xi32, #tpu.memory_space<vmem>> -> memref<64xi32, #tpu.memory_space<vmem>>
        %dma_start3A_297 = arith.constant 0 : i32
        %dma_start3A_298 = arith.constant 0 : i32
        %dma_start3A_299 = tpu.memref_slice %arg10[%dma_start3A_297, %dma_start3A_298] : memref<512x128xf32, #tpu.memory_space<vmem_shared>> -> memref<512x128xf32, #tpu.memory_space<vmem_shared>>
        tpu.enqueue_indirect_dma source(%dma_start3A_299 : memref<512x128xf32, #tpu.memory_space<vmem_shared>>) target(%arg17 : memref<64x128xf32, #tpu.memory_space<vmem>>) offsets(%dma_start3A_296 : memref<64xi32, #tpu.memory_space<vmem>>) semaphore(%arg31 : memref<!tpu.dma_semaphore, #tpu.memory_space<semaphore_mem>>)
      } else {
      }
      %mul3A_244 = arith.constant 4 : i32
      %mul3A_245 = arith.muli %scan3A_125, %mul3A_244 : i32
      %add3A_246 = arith.constant 3 : i32
      %add3A_247 = arith.addi %mul3A_245, %add3A_246 : i32
      %mul3A_248 = arith.constant 64 : i32
      %mul3A_249 = arith.muli %add3A_247, %mul3A_248 : i32
      %multiple_of3A_250 = tpu.assume_multiple %mul3A_249, 8 : i32
      %dma_wait3A_251 = arith.constant 0 : i32
      %dma_wait3A_252 = tpu.memref_slice %arg8[%dma_wait3A_251] : memref<6400xi32, #tpu.memory_space<vmem>> -> memref<64xi32, #tpu.memory_space<vmem>>
      %dma_wait3A_253 = arith.constant 0 : i32
      %dma_wait3A_254 = arith.constant 0 : i32
      %dma_wait3A_255 = tpu.memref_slice %arg3[%dma_wait3A_253, %dma_wait3A_254] : memref<100000x128xf32, #tpu.memory_space<hbm>> -> memref<100000x128xf32, #tpu.memory_space<hbm>>
      tpu.wait_indirect_dma semaphore(%arg28 : memref<!tpu.dma_semaphore, #tpu.memory_space<semaphore_mem>>) src(%dma_wait3A_255 : memref<100000x128xf32, #tpu.memory_space<hbm>>) dst(%arg14 : memref<64x128xf32, #tpu.memory_space<vmem>>)
      %dma_wait3A_256 = arith.constant 0 : i32
      %dma_wait3A_257 = tpu.memref_slice %arg9[%dma_wait3A_256] : memref<6400xi32, #tpu.memory_space<vmem>> -> memref<64xi32, #tpu.memory_space<vmem>>
      %dma_wait3A_258 = arith.constant 0 : i32
      %dma_wait3A_259 = arith.constant 0 : i32
      %dma_wait3A_260 = tpu.memref_slice %arg10[%dma_wait3A_258, %dma_wait3A_259] : memref<512x128xf32, #tpu.memory_space<vmem_shared>> -> memref<512x128xf32, #tpu.memory_space<vmem_shared>>
      tpu.wait_indirect_dma semaphore(%arg32 : memref<!tpu.dma_semaphore, #tpu.memory_space<semaphore_mem>>) src(%dma_wait3A_260 : memref<512x128xf32, #tpu.memory_space<vmem_shared>>) dst(%arg18 : memref<64x128xf32, #tpu.memory_space<vmem>>)
      %ge3A_261 = arith.constant 4 : i32
      %ge3A_262 = arith.cmpi sge, %add3A_247, %ge3A_261 : i32
      %convert_element_type3A_263 = arith.extui %ge3A_262 : i1 to i32
      %cond3A_264 = arith.constant 0 : i32
      %cond3A_265 = arith.cmpi ne, %convert_element_type3A_263, %cond3A_264 : i32
      scf.if %cond3A_265 {
        %dma_wait3A_284 = arith.constant 0 : i32
        %dma_wait3A_285 = tpu.memref_slice %arg7[%multiple_of3A, %dma_wait3A_284] : memref<204800x128xf32, #tpu.memory_space<hbm>> -> memref<64x128xf32, #tpu.memory_space<hbm>>
        %dma_wait3A_286 = arith.constant 0 : i32
        %dma_wait3A_287 = tpu.memref_slice %arg7[%multiple_of3A, %dma_wait3A_286] : memref<204800x128xf32, #tpu.memory_space<hbm>> -> memref<64x128xf32, #tpu.memory_space<hbm>>
        tpu.wait_dma2 semaphore(%arg36 : memref<!tpu.dma_semaphore, #tpu.memory_space<semaphore_mem>>) src(%arg22 : memref<64x128xf32, #tpu.memory_space<vmem>>) dst(%dma_wait3A_287 : memref<64x128xf32, #tpu.memory_space<hbm>>)
      } else {
      }
      %scan3A_266 = arith.constant 0 : i32
      %scan3A_267 = arith.constant 0 : i32
      %scan3A_268 = arith.constant 64 : i32
      %scan3A_269 = arith.addi %scan3A_267, %scan3A_268 : i32
      %scan3A_270 = arith.constant 1 : i32
      scf.for %scan3A_284 = %scan3A_267 to %scan3A_269 step %scan3A_270  : i32 {
        %get3A_285 = arith.index_cast %scan3A_284 : i32 to index
        %get3A_286 = arith.constant 0 : index
        %get3A_287 = tpu.vector_load %arg14[%get3A_285, %get3A_286] {strides = array<i32>} : memref<64x128xf32, #tpu.memory_space<vmem>>, vector<16xf32>,
        %get3A_288 = arith.index_cast %scan3A_284 : i32 to index
        %get3A_289 = arith.constant 0 : index
        %get3A_290 = tpu.vector_load %arg18[%get3A_288, %get3A_289] {strides = array<i32>} : memref<64x128xf32, #tpu.memory_space<vmem>>, vector<16xf32>,
        %add3A_291 = arith.addf %get3A_287, %get3A_290 : vector<16xf32>
        %get3A_292 = arith.index_cast %scan3A_284 : i32 to index
        %get3A_293 = arith.constant 16 : index
        %get3A_294 = tpu.vector_load %arg14[%get3A_292, %get3A_293] {strides = array<i32>} : memref<64x128xf32, #tpu.memory_space<vmem>>, vector<16xf32>,
        %get3A_295 = arith.index_cast %scan3A_284 : i32 to index
        %get3A_296 = arith.constant 16 : index
        %get3A_297 = tpu.vector_load %arg18[%get3A_295, %get3A_296] {strides = array<i32>} : memref<64x128xf32, #tpu.memory_space<vmem>>, vector<16xf32>,
        %add3A_298 = arith.addf %get3A_294, %get3A_297 : vector<16xf32>
        %get3A_299 = arith.index_cast %scan3A_284 : i32 to index
        %get3A_300 = arith.constant 32 : index
        %get3A_301 = tpu.vector_load %arg14[%get3A_299, %get3A_300] {strides = array<i32>} : memref<64x128xf32, #tpu.memory_space<vmem>>, vector<16xf32>,
        %get3A_302 = arith.index_cast %scan3A_284 : i32 to index
        %get3A_303 = arith.constant 32 : index
        %get3A_304 = tpu.vector_load %arg18[%get3A_302, %get3A_303] {strides = array<i32>} : memref<64x128xf32, #tpu.memory_space<vmem>>, vector<16xf32>,
        %add3A_305 = arith.addf %get3A_301, %get3A_304 : vector<16xf32>
        %get3A_306 = arith.index_cast %scan3A_284 : i32 to index
        %get3A_307 = arith.constant 48 : index
        %get3A_308 = tpu.vector_load %arg14[%get3A_306, %get3A_307] {strides = array<i32>} : memref<64x128xf32, #tpu.memory_space<vmem>>, vector<16xf32>,
        %get3A_309 = arith.index_cast %scan3A_284 : i32 to index
        %get3A_310 = arith.constant 48 : index
        %get3A_311 = tpu.vector_load %arg18[%get3A_309, %get3A_310] {strides = array<i32>} : memref<64x128xf32, #tpu.memory_space<vmem>>, vector<16xf32>,
        %add3A_312 = arith.addf %get3A_308, %get3A_311 : vector<16xf32>
        %get3A_313 = arith.index_cast %scan3A_284 : i32 to index
        %get3A_314 = arith.constant 64 : index
        %get3A_315 = tpu.vector_load %arg14[%get3A_313, %get3A_314] {strides = array<i32>} : memref<64x128xf32, #tpu.memory_space<vmem>>, vector<16xf32>,
        %get3A_316 = arith.index_cast %scan3A_284 : i32 to index
        %get3A_317 = arith.constant 64 : index
        %get3A_318 = tpu.vector_load %arg18[%get3A_316, %get3A_317] {strides = array<i32>} : memref<64x128xf32, #tpu.memory_space<vmem>>, vector<16xf32>,
        %add3A_319 = arith.addf %get3A_315, %get3A_318 : vector<16xf32>
        %get3A_320 = arith.index_cast %scan3A_284 : i32 to index
        %get3A_321 = arith.constant 80 : index
        %get3A_322 = tpu.vector_load %arg14[%get3A_320, %get3A_321] {strides = array<i32>} : memref<64x128xf32, #tpu.memory_space<vmem>>, vector<16xf32>,
        %get3A_323 = arith.index_cast %scan3A_284 : i32 to index
        %get3A_324 = arith.constant 80 : index
        %get3A_325 = tpu.vector_load %arg18[%get3A_323, %get3A_324] {strides = array<i32>} : memref<64x128xf32, #tpu.memory_space<vmem>>, vector<16xf32>,
        %add3A_326 = arith.addf %get3A_322, %get3A_325 : vector<16xf32>
        %get3A_327 = arith.index_cast %scan3A_284 : i32 to index
        %get3A_328 = arith.constant 96 : index
        %get3A_329 = tpu.vector_load %arg14[%get3A_327, %get3A_328] {strides = array<i32>} : memref<64x128xf32, #tpu.memory_space<vmem>>, vector<16xf32>,
        %get3A_330 = arith.index_cast %scan3A_284 : i32 to index
        %get3A_331 = arith.constant 96 : index
        %get3A_332 = tpu.vector_load %arg18[%get3A_330, %get3A_331] {strides = array<i32>} : memref<64x128xf32, #tpu.memory_space<vmem>>, vector<16xf32>,
        %add3A_333 = arith.addf %get3A_329, %get3A_332 : vector<16xf32>
        %get3A_334 = arith.index_cast %scan3A_284 : i32 to index
        %get3A_335 = arith.constant 112 : index
        %get3A_336 = tpu.vector_load %arg14[%get3A_334, %get3A_335] {strides = array<i32>} : memref<64x128xf32, #tpu.memory_space<vmem>>, vector<16xf32>,
        %get3A_337 = arith.index_cast %scan3A_284 : i32 to index
        %get3A_338 = arith.constant 112 : index
        %get3A_339 = tpu.vector_load %arg18[%get3A_337, %get3A_338] {strides = array<i32>} : memref<64x128xf32, #tpu.memory_space<vmem>>, vector<16xf32>,
        %add3A_340 = arith.addf %get3A_336, %get3A_339 : vector<16xf32>
        %add3A_341 = arith.addf %add3A_291, %add3A_298 : vector<16xf32>
        %add3A_342 = arith.addf %add3A_305, %add3A_312 : vector<16xf32>
        %add3A_343 = arith.addf %add3A_341, %add3A_342 : vector<16xf32>
        %add3A_344 = arith.addf %add3A_319, %add3A_326 : vector<16xf32>
        %add3A_345 = arith.addf %add3A_333, %add3A_340 : vector<16xf32>
        %add3A_346 = arith.addf %add3A_344, %add3A_345 : vector<16xf32>
        %add3A_347 = arith.addf %add3A_343, %add3A_346 : vector<16xf32>
        %mul3A_348 = arith.mulf %add3A_291, %add3A_291 : vector<16xf32>
        %mul3A_349 = arith.mulf %add3A_298, %add3A_298 : vector<16xf32>
        %mul3A_350 = arith.mulf %add3A_305, %add3A_305 : vector<16xf32>
        %mul3A_351 = arith.mulf %add3A_312, %add3A_312 : vector<16xf32>
        %mul3A_352 = arith.mulf %add3A_319, %add3A_319 : vector<16xf32>
        %mul3A_353 = arith.mulf %add3A_326, %add3A_326 : vector<16xf32>
        %mul3A_354 = arith.mulf %add3A_333, %add3A_333 : vector<16xf32>
        %mul3A_355 = arith.mulf %add3A_340, %add3A_340 : vector<16xf32>
        %add3A_356 = arith.addf %mul3A_348, %mul3A_349 : vector<16xf32>
        %add3A_357 = arith.addf %mul3A_350, %mul3A_351 : vector<16xf32>
        %add3A_358 = arith.addf %add3A_356, %add3A_357 : vector<16xf32>
        %add3A_359 = arith.addf %mul3A_352, %mul3A_353 : vector<16xf32>
        %add3A_360 = arith.addf %mul3A_354, %mul3A_355 : vector<16xf32>
        %add3A_361 = arith.addf %add3A_359, %add3A_360 : vector<16xf32>
        %add3A_362 = arith.addf %add3A_358, %add3A_361 : vector<16xf32>
        %reduce_sum3A = arith.constant true
        %reduce_sum3A_363 = vector.broadcast %reduce_sum3A : i1 to vector<16xi1>
        %reduce_sum3A_364 = tpu.scan <sum>, %add3A_347 masked %reduce_sum3A_363 : vector<16xf32>, vector<16xi1> -> vector<16xf32>
        %reduce_sum3A_365 = vector.extract %reduce_sum3A_364[15] : f32 from vector<16xf32>
        %mul3A_366 = arith.constant 7.812500e-03 : f32
        %mul3A_367 = arith.mulf %reduce_sum3A_365, %mul3A_366 : f32
        %reduce_sum3A_368 = arith.constant true
        %reduce_sum3A_369 = vector.broadcast %reduce_sum3A_368 : i1 to vector<16xi1>
        %reduce_sum3A_370 = tpu.scan <sum>, %add3A_362 masked %reduce_sum3A_369 : vector<16xf32>, vector<16xi1> -> vector<16xf32>
        %reduce_sum3A_371 = vector.extract %reduce_sum3A_370[15] : f32 from vector<16xf32>
        %mul3A_372 = arith.constant 7.812500e-03 : f32
        %mul3A_373 = arith.mulf %reduce_sum3A_371, %mul3A_372 : f32
        %mul3A_374 = arith.mulf %mul3A_367, %mul3A_367 : f32
        %sub3A = arith.subf %mul3A_373, %mul3A_374 : f32
        %add3A_375 = arith.constant 9.99999974E-6 : f32
        %add3A_376 = arith.addf %sub3A, %add3A_375 : f32
        %bitcast_convert_type3A = arith.bitcast %add3A_376 : f32 to i32
        %shift_right_arithmetic3A = arith.constant 1 : i32
        %shift_right_arithmetic3A_377 = arith.shrsi %bitcast_convert_type3A, %shift_right_arithmetic3A : i32
        %sub3A_378 = arith.constant 1597463007 : i32
        %sub3A_379 = arith.subi %sub3A_378, %shift_right_arithmetic3A_377 : i32
        %bitcast_convert_type3A_380 = arith.bitcast %sub3A_379 : i32 to f32
        %mul3A_381 = arith.constant 5.000000e-01 : f32
        %mul3A_382 = arith.mulf %mul3A_381, %add3A_376 : f32
        %mul3A_383 = arith.mulf %mul3A_382, %bitcast_convert_type3A_380 : f32
        %mul3A_384 = arith.mulf %mul3A_383, %bitcast_convert_type3A_380 : f32
        %sub3A_385 = arith.constant 1.500000e+00 : f32
        %sub3A_386 = arith.subf %sub3A_385, %mul3A_384 : f32
        %mul3A_387 = arith.mulf %bitcast_convert_type3A_380, %sub3A_386 : f32
        %mul3A_388 = arith.constant 5.000000e-01 : f32
        %mul3A_389 = arith.mulf %mul3A_388, %add3A_376 : f32
        %mul3A_390 = arith.mulf %mul3A_389, %mul3A_387 : f32
        %mul3A_391 = arith.mulf %mul3A_390, %mul3A_387 : f32
        %sub3A_392 = arith.constant 1.500000e+00 : f32
        %sub3A_393 = arith.subf %sub3A_392, %mul3A_391 : f32
        %mul3A_394 = arith.mulf %mul3A_387, %sub3A_393 : f32
        %mul3A_395 = arith.constant 5.000000e-01 : f32
        %mul3A_396 = arith.mulf %mul3A_395, %add3A_376 : f32
        %mul3A_397 = arith.mulf %mul3A_396, %mul3A_394 : f32
        %mul3A_398 = arith.mulf %mul3A_397, %mul3A_394 : f32
        %sub3A_399 = arith.constant 1.500000e+00 : f32
        %sub3A_400 = arith.subf %sub3A_399, %mul3A_398 : f32
        %mul3A_401 = arith.mulf %mul3A_394, %sub3A_400 : f32
        %sub3A_402 = vector.broadcast %mul3A_367 : f32 to vector<16xf32>
        %sub3A_403 = arith.subf %add3A_291, %sub3A_402 : vector<16xf32>
        %mul3A_404 = vector.broadcast %mul3A_401 : f32 to vector<16xf32>
        %mul3A_405 = arith.mulf %sub3A_403, %mul3A_404 : vector<16xf32>
        %mul3A_406 = arith.mulf %mul3A_405, %get3A_5 : vector<16xf32>
        %add3A_407 = arith.addf %mul3A_406, %get3A_21 : vector<16xf32>
        %swap3A = arith.index_cast %scan3A_284 : i32 to index
        %swap3A_408 = arith.constant 0 : index
        %swap3A_409 = tpu.vector_load %arg22[%swap3A, %swap3A_408] {strides = array<i32>} : memref<64x128xf32, #tpu.memory_space<vmem>>, vector<16xf32>,
        tpu.vector_store %arg22[%swap3A, %swap3A_408], %add3A_407 {strides = array<i32>} : memref<64x128xf32, #tpu.memory_space<vmem>>, vector<16xf32>,
        %sub3A_410 = vector.broadcast %mul3A_367 : f32 to vector<16xf32>
        %sub3A_411 = arith.subf %add3A_298, %sub3A_410 : vector<16xf32>
        %mul3A_412 = vector.broadcast %mul3A_401 : f32 to vector<16xf32>
        %mul3A_413 = arith.mulf %sub3A_411, %mul3A_412 : vector<16xf32>
        %mul3A_414 = arith.mulf %mul3A_413, %get3A_7 : vector<16xf32>
        %add3A_415 = arith.addf %mul3A_414, %get3A_23 : vector<16xf32>
        %swap3A_416 = arith.index_cast %scan3A_284 : i32 to index
        %swap3A_417 = arith.constant 16 : index
        %swap3A_418 = tpu.vector_load %arg22[%swap3A_416, %swap3A_417] {strides = array<i32>} : memref<64x128xf32, #tpu.memory_space<vmem>>, vector<16xf32>,
        tpu.vector_store %arg22[%swap3A_416, %swap3A_417], %add3A_415 {strides = array<i32>} : memref<64x128xf32, #tpu.memory_space<vmem>>, vector<16xf32>,
        %sub3A_419 = vector.broadcast %mul3A_367 : f32 to vector<16xf32>
        %sub3A_420 = arith.subf %add3A_305, %sub3A_419 : vector<16xf32>
        %mul3A_421 = vector.broadcast %mul3A_401 : f32 to vector<16xf32>
        %mul3A_422 = arith.mulf %sub3A_420, %mul3A_421 : vector<16xf32>
        %mul3A_423 = arith.mulf %mul3A_422, %get3A_9 : vector<16xf32>
        %add3A_424 = arith.addf %mul3A_423, %get3A_25 : vector<16xf32>
        %swap3A_425 = arith.index_cast %scan3A_284 : i32 to index
        %swap3A_426 = arith.constant 32 : index
        %swap3A_427 = tpu.vector_load %arg22[%swap3A_425, %swap3A_426] {strides = array<i32>} : memref<64x128xf32, #tpu.memory_space<vmem>>, vector<16xf32>,
        tpu.vector_store %arg22[%swap3A_425, %swap3A_426], %add3A_424 {strides = array<i32>} : memref<64x128xf32, #tpu.memory_space<vmem>>, vector<16xf32>,
        %sub3A_428 = vector.broadcast %mul3A_367 : f32 to vector<16xf32>
        %sub3A_429 = arith.subf %add3A_312, %sub3A_428 : vector<16xf32>
        %mul3A_430 = vector.broadcast %mul3A_401 : f32 to vector<16xf32>
        %mul3A_431 = arith.mulf %sub3A_429, %mul3A_430 : vector<16xf32>
        %mul3A_432 = arith.mulf %mul3A_431, %get3A_11 : vector<16xf32>
        %add3A_433 = arith.addf %mul3A_432, %get3A_27 : vector<16xf32>
        %swap3A_434 = arith.index_cast %scan3A_284 : i32 to index
        %swap3A_435 = arith.constant 48 : index
        %swap3A_436 = tpu.vector_load %arg22[%swap3A_434, %swap3A_435] {strides = array<i32>} : memref<64x128xf32, #tpu.memory_space<vmem>>, vector<16xf32>,
        tpu.vector_store %arg22[%swap3A_434, %swap3A_435], %add3A_433 {strides = array<i32>} : memref<64x128xf32, #tpu.memory_space<vmem>>, vector<16xf32>,
        %sub3A_437 = vector.broadcast %mul3A_367 : f32 to vector<16xf32>
        %sub3A_438 = arith.subf %add3A_319, %sub3A_437 : vector<16xf32>
        %mul3A_439 = vector.broadcast %mul3A_401 : f32 to vector<16xf32>
        %mul3A_440 = arith.mulf %sub3A_438, %mul3A_439 : vector<16xf32>
        %mul3A_441 = arith.mulf %mul3A_440, %get3A_13 : vector<16xf32>
        %add3A_442 = arith.addf %mul3A_441, %get3A_29 : vector<16xf32>
        %swap3A_443 = arith.index_cast %scan3A_284 : i32 to index
        %swap3A_444 = arith.constant 64 : index
        %swap3A_445 = tpu.vector_load %arg22[%swap3A_443, %swap3A_444] {strides = array<i32>} : memref<64x128xf32, #tpu.memory_space<vmem>>, vector<16xf32>,
        tpu.vector_store %arg22[%swap3A_443, %swap3A_444], %add3A_442 {strides = array<i32>} : memref<64x128xf32, #tpu.memory_space<vmem>>, vector<16xf32>,
        %sub3A_446 = vector.broadcast %mul3A_367 : f32 to vector<16xf32>
        %sub3A_447 = arith.subf %add3A_326, %sub3A_446 : vector<16xf32>
        %mul3A_448 = vector.broadcast %mul3A_401 : f32 to vector<16xf32>
        %mul3A_449 = arith.mulf %sub3A_447, %mul3A_448 : vector<16xf32>
        %mul3A_450 = arith.mulf %mul3A_449, %get3A_15 : vector<16xf32>
        %add3A_451 = arith.addf %mul3A_450, %get3A_31 : vector<16xf32>
        %swap3A_452 = arith.index_cast %scan3A_284 : i32 to index
        %swap3A_453 = arith.constant 80 : index
        %swap3A_454 = tpu.vector_load %arg22[%swap3A_452, %swap3A_453] {strides = array<i32>} : memref<64x128xf32, #tpu.memory_space<vmem>>, vector<16xf32>,
        tpu.vector_store %arg22[%swap3A_452, %swap3A_453], %add3A_451 {strides = array<i32>} : memref<64x128xf32, #tpu.memory_space<vmem>>, vector<16xf32>,
        %sub3A_455 = vector.broadcast %mul3A_367 : f32 to vector<16xf32>
        %sub3A_456 = arith.subf %add3A_333, %sub3A_455 : vector<16xf32>
        %mul3A_457 = vector.broadcast %mul3A_401 : f32 to vector<16xf32>
        %mul3A_458 = arith.mulf %sub3A_456, %mul3A_457 : vector<16xf32>
        %mul3A_459 = arith.mulf %mul3A_458, %get3A_17 : vector<16xf32>
        %add3A_460 = arith.addf %mul3A_459, %get3A_33 : vector<16xf32>
        %swap3A_461 = arith.index_cast %scan3A_284 : i32 to index
        %swap3A_462 = arith.constant 96 : index
        %swap3A_463 = tpu.vector_load %arg22[%swap3A_461, %swap3A_462] {strides = array<i32>} : memref<64x128xf32, #tpu.memory_space<vmem>>, vector<16xf32>,
        tpu.vector_store %arg22[%swap3A_461, %swap3A_462], %add3A_460 {strides = array<i32>} : memref<64x128xf32, #tpu.memory_space<vmem>>, vector<16xf32>,
        %sub3A_464 = vector.broadcast %mul3A_367 : f32 to vector<16xf32>
        %sub3A_465 = arith.subf %add3A_340, %sub3A_464 : vector<16xf32>
        %mul3A_466 = vector.broadcast %mul3A_401 : f32 to vector<16xf32>
        %mul3A_467 = arith.mulf %sub3A_465, %mul3A_466 : vector<16xf32>
        %mul3A_468 = arith.mulf %mul3A_467, %get3A_19 : vector<16xf32>
        %add3A_469 = arith.addf %mul3A_468, %get3A_35 : vector<16xf32>
        %swap3A_470 = arith.index_cast %scan3A_284 : i32 to index
        %swap3A_471 = arith.constant 112 : index
        %swap3A_472 = tpu.vector_load %arg22[%swap3A_470, %swap3A_471] {strides = array<i32>} : memref<64x128xf32, #tpu.memory_space<vmem>>, vector<16xf32>,
        tpu.vector_store %arg22[%swap3A_470, %swap3A_471], %add3A_469 {strides = array<i32>} : memref<64x128xf32, #tpu.memory_space<vmem>>, vector<16xf32>,
      }
      %scan3A_271 = arith.constant 64 : i32
      %add3A_272 = arith.addi %multiple_of3A, %multiple_of3A_250 : i32
      %dma_start3A_273 = arith.constant 0 : i32
      %dma_start3A_274 = tpu.memref_slice %arg7[%add3A_272, %dma_start3A_273] : memref<204800x128xf32, #tpu.memory_space<hbm>> -> memref<64x128xf32, #tpu.memory_space<hbm>>
      %dma_start3A_275 = arith.constant 0 : i32
      %dma_start3A_276 = tpu.memref_slice %arg7[%add3A_272, %dma_start3A_275] : memref<204800x128xf32, #tpu.memory_space<hbm>> -> memref<64x128xf32, #tpu.memory_space<hbm>>
      tpu.enqueue_dma source(%arg22 : memref<64x128xf32, #tpu.memory_space<vmem>>) target(%dma_start3A_276 : memref<64x128xf32, #tpu.memory_space<hbm>>) target_semaphore(%arg36 : memref<!tpu.dma_semaphore, #tpu.memory_space<semaphore_mem>>)
      %add3A_277 = arith.constant 4 : i32
      %add3A_278 = arith.addi %add3A_247, %add3A_277 : i32
      %lt3A_279 = arith.constant 100 : i32
      %lt3A_280 = arith.cmpi slt, %add3A_278, %lt3A_279 : i32
      %convert_element_type3A_281 = arith.extui %lt3A_280 : i1 to i32
      %cond3A_282 = arith.constant 0 : i32
      %cond3A_283 = arith.cmpi ne, %convert_element_type3A_281, %cond3A_282 : i32
      scf.if %cond3A_283 {
        %add3A_284 = arith.constant 4 : i32
        %add3A_285 = arith.addi %add3A_247, %add3A_284 : i32
        %mul3A_286 = arith.constant 64 : i32
        %mul3A_287 = arith.muli %add3A_285, %mul3A_286 : i32
        %multiple_of3A_288 = tpu.assume_multiple %mul3A_287, 8 : i32
        %dma_start3A_289 = tpu.memref_slice %arg8[%multiple_of3A_288] : memref<6400xi32, #tpu.memory_space<vmem>> -> memref<64xi32, #tpu.memory_space<vmem>>
        %dma_start3A_290 = arith.constant 0 : i32
        %dma_start3A_291 = arith.constant 0 : i32
        %dma_start3A_292 = tpu.memref_slice %arg3[%dma_start3A_290, %dma_start3A_291] : memref<100000x128xf32, #tpu.memory_space<hbm>> -> memref<100000x128xf32, #tpu.memory_space<hbm>>
        tpu.enqueue_indirect_dma source(%dma_start3A_292 : memref<100000x128xf32, #tpu.memory_space<hbm>>) target(%arg14 : memref<64x128xf32, #tpu.memory_space<vmem>>) offsets(%dma_start3A_289 : memref<64xi32, #tpu.memory_space<vmem>>) semaphore(%arg28 : memref<!tpu.dma_semaphore, #tpu.memory_space<semaphore_mem>>)
        %mul3A_293 = arith.constant 64 : i32
        %mul3A_294 = arith.muli %add3A_285, %mul3A_293 : i32
        %multiple_of3A_295 = tpu.assume_multiple %mul3A_294, 8 : i32
        %dma_start3A_296 = tpu.memref_slice %arg9[%multiple_of3A_295] : memref<6400xi32, #tpu.memory_space<vmem>> -> memref<64xi32, #tpu.memory_space<vmem>>
        %dma_start3A_297 = arith.constant 0 : i32
        %dma_start3A_298 = arith.constant 0 : i32
        %dma_start3A_299 = tpu.memref_slice %arg10[%dma_start3A_297, %dma_start3A_298] : memref<512x128xf32, #tpu.memory_space<vmem_shared>> -> memref<512x128xf32, #tpu.memory_space<vmem_shared>>
        tpu.enqueue_indirect_dma source(%dma_start3A_299 : memref<512x128xf32, #tpu.memory_space<vmem_shared>>) target(%arg18 : memref<64x128xf32, #tpu.memory_space<vmem>>) offsets(%dma_start3A_296 : memref<64xi32, #tpu.memory_space<vmem>>) semaphore(%arg32 : memref<!tpu.dma_semaphore, #tpu.memory_space<semaphore_mem>>)
      } else {
      }
    }
    %scan3A_109 = arith.constant 25 : i32
    %dma_wait3A = arith.constant 0 : i32
    %dma_wait3A_110 = tpu.memref_slice %arg7[%multiple_of3A, %dma_wait3A] : memref<204800x128xf32, #tpu.memory_space<hbm>> -> memref<64x128xf32, #tpu.memory_space<hbm>>
    %dma_wait3A_111 = arith.constant 0 : i32
    %dma_wait3A_112 = tpu.memref_slice %arg7[%multiple_of3A, %dma_wait3A_111] : memref<204800x128xf32, #tpu.memory_space<hbm>> -> memref<64x128xf32, #tpu.memory_space<hbm>>
    tpu.wait_dma2 semaphore(%arg33 : memref<!tpu.dma_semaphore, #tpu.memory_space<semaphore_mem>>) src(%arg19 : memref<64x128xf32, #tpu.memory_space<vmem>>) dst(%dma_wait3A_112 : memref<64x128xf32, #tpu.memory_space<hbm>>)
    %dma_wait3A_113 = arith.constant 0 : i32
    %dma_wait3A_114 = tpu.memref_slice %arg7[%multiple_of3A, %dma_wait3A_113] : memref<204800x128xf32, #tpu.memory_space<hbm>> -> memref<64x128xf32, #tpu.memory_space<hbm>>
    %dma_wait3A_115 = arith.constant 0 : i32
    %dma_wait3A_116 = tpu.memref_slice %arg7[%multiple_of3A, %dma_wait3A_115] : memref<204800x128xf32, #tpu.memory_space<hbm>> -> memref<64x128xf32, #tpu.memory_space<hbm>>
    tpu.wait_dma2 semaphore(%arg34 : memref<!tpu.dma_semaphore, #tpu.memory_space<semaphore_mem>>) src(%arg20 : memref<64x128xf32, #tpu.memory_space<vmem>>) dst(%dma_wait3A_116 : memref<64x128xf32, #tpu.memory_space<hbm>>)
    %dma_wait3A_117 = arith.constant 0 : i32
    %dma_wait3A_118 = tpu.memref_slice %arg7[%multiple_of3A, %dma_wait3A_117] : memref<204800x128xf32, #tpu.memory_space<hbm>> -> memref<64x128xf32, #tpu.memory_space<hbm>>
    %dma_wait3A_119 = arith.constant 0 : i32
    %dma_wait3A_120 = tpu.memref_slice %arg7[%multiple_of3A, %dma_wait3A_119] : memref<204800x128xf32, #tpu.memory_space<hbm>> -> memref<64x128xf32, #tpu.memory_space<hbm>>
    tpu.wait_dma2 semaphore(%arg35 : memref<!tpu.dma_semaphore, #tpu.memory_space<semaphore_mem>>) src(%arg21 : memref<64x128xf32, #tpu.memory_space<vmem>>) dst(%dma_wait3A_120 : memref<64x128xf32, #tpu.memory_space<hbm>>)
    %dma_wait3A_121 = arith.constant 0 : i32
    %dma_wait3A_122 = tpu.memref_slice %arg7[%multiple_of3A, %dma_wait3A_121] : memref<204800x128xf32, #tpu.memory_space<hbm>> -> memref<64x128xf32, #tpu.memory_space<hbm>>
    %dma_wait3A_123 = arith.constant 0 : i32
    %dma_wait3A_124 = tpu.memref_slice %arg7[%multiple_of3A, %dma_wait3A_123] : memref<204800x128xf32, #tpu.memory_space<hbm>> -> memref<64x128xf32, #tpu.memory_space<hbm>>
    tpu.wait_dma2 semaphore(%arg36 : memref<!tpu.dma_semaphore, #tpu.memory_space<semaphore_mem>>) src(%arg22 : memref<64x128xf32, #tpu.memory_space<vmem>>) dst(%dma_wait3A_124 : memref<64x128xf32, #tpu.memory_space<hbm>>)
    return
  }
}

</mosaic_0001>

<sc_bundles>
// kernel: _run.3.cloned.1.call-start
scs
__scs_entry_jumppad:
0x0: {  	(pc) =	sbr.rel $0x88, $3  }
0x1: {  	(tag) =	ssettag $0x0;
	lr =	simm.s32 $0x1  }
0x2: {  	[smem:$0x3F9C] =	sst lr;
	_ =	strace $0xD0000000  }
0x3: {  	_ = 	snop  }
0x4: {  	_ = 	snop  }
0x5: {  	_ = 	snop  }
0x6: {  	_ = 	snop  }
0x7: {  	_ = 	snop  }
__scs_overlays_trampoline_lowered:
0x8: {  	[smem:$0x3FAB] =	sst s0  }
0x9: {  	[smem:$0x3FAC] =	sst s1  }
0xa: {  	[smem:$0x3FAD] =	sst s2  }
0xb: {  	[smem:$0x3FAE] =	sst s3  }
0xc: {  	[smem:$0x3FAF] =	sst s4  }
0xd: {  	[smem:$0x3FB0] =	sst s5  }
0xe: {  	[smem:$0x3FB1] =	sst s6  }
0xf: {  	[smem:$0x3FB2] =	sst s7  }
0x10: {  	[smem:$0x3FB3] =	sst s8  }
0x11: {  	[smem:$0x3FB4] =	sst s9;
	s0 =	simm.s32 @!p0 $0x0  }
0x12: {  	s1 =	sld [smem:$0x3F9A];
	s0 =	simm.s32 @p0 $0x1  }
0x13: {  	[smem:$0x3FB5] =	sst s0;
	s0 =	simm.s32 @!p1 $0x0  }
0x14: {  	s2 =	sld [smem:$0x3F99];
	s0 =	simm.s32 @p1 $0x1  }
0x15: {  	[smem:$0x3FB6] =	sst s0;
	s0 =	simm.s32 @!p2 $0x0  }
0x16: {  	s3 =	sld [smem:$0x3FDB];
	s0 =	simm.s32 @p2 $0x1  }
0x17: {  	s4 =	simm.s32 $0x1BF5;
	[smem:$0x3FB8] =	sst s0  }
0x18: {  	s0 =	sld [smem:$0x3F9B];
	_ =	swait.ge [sflag:s4], $0x0  }
0x19: {  	s7 =	sld [smem:$0x3F9C]  }
0x1a: {  	s8 =	sadd.s32 $0xFFFFE003, lr  }
0x1b: {  	s9 =	sadd.s32 $0xFFFFFEF7, lr;
	s5 =	simm.s32 $0xFFFFFFFF;
	p2 =	slt.u32 s8, $0xFFFFF086  }
0x1c: {  	p1 =	slt.u32 s9, $0xF7A;
	s5 =	simm.s32 @!p2 $0x0  }
0x1d: {  	s5 =	simm.s32 @p1 $0x1;
	p0 =	seq.s32 s7, s2  }
0x1e: {  	s7 =	smul.u32 @!p0 $0xF7A, s2;
	p2 =	seq.s32 @!p0 s5, $0x0  }
0x1f: {  	s9 =	smul.u32 $0xF7A, s1;
	s8 =	simm.s32 @!p0 $0x1BF5;
	p2 =	por !p2, p0  }
0x20: {  	[sflag:s8] =	ssyncset.s32 @!p0 $0xFFFFF086;
	s6 =	sadd.s32 @!p0 s3, s7;
	s7 =	simm.s32 @!p0 $0x108  }
0x21: {  	s3 =	sadd.s32 s3, s9;
	s6 =	sadd.s32 @!p0 $0x88, s6;
	s7 =	simm.s32 @p2 $0x1082  }
0x22: {  	[simem:s7], [sflag:s8] =	dma.local @!p0 [hbm:s6], $0xF7A  }
0x23: {  	s9 =	sor.u32 $0xD0000000, s2;
	s6 =	simm.s32 $0x108;
	_ =	swait.ge @!p0 [sflag:s8], $0x0  }
0x24: {  	s3 =	sadd.s32 $0x88, s3;
	s6 =	simm.s32 @!p1 $0x1082;
	[sflag:s4] =	ssyncset.s32 $0xFFFFF086  }
0x25: {  	[simem:s6], [sflag:s4] =	dma.local [hbm:s3], $0xF7A  }
0x26: {  	[smem:$0x3F9C] =	sst s1;
	(tag) =	ssettag s2;
	_ =	strace s9  }
0x27: {  	s1 =	sld [smem:$0x3FAC]  }
0x28: {  	s2 =	sld [smem:$0x3FAD]  }
0x29: {  	s4 =	sld [smem:$0x3FAF]  }
0x2a: {  	p0 =	seq.s32 s5, $0x0;
	s5 =	sld [smem:$0x3FB0]  }
0x2b: {  	s6 =	sld [smem:$0x3FB1]  }
0x2c: {  	s7 =	sld [smem:$0x3FB2]  }
0x2d: {  	s3 =	simm.s32 $0x108;
	s8 =	sld [smem:$0x3FB3]  }
0x2e: {  	s3 =	simm.s32 @!p0 $0x1082;
	s9 =	sld [smem:$0x3FB4]  }
0x2f: {  	lr =	sadd.s32 s0, s3;
	s0 =	sld [smem:$0x3FAB]  }
0x30: {  	s3 =	sld [smem:$0x3FAE]  }
0x31: {  	[smem:$0x3FB7] =	sst s10  }
0x32: {  	s10 =	sld [smem:$0x3FB5];
	_ =	sdelay $0x3  }
0x33: {  	p0 =	seq.s32 s10, $0x1;
	s10 =	sld [smem:$0x3FB7];
	_ =	sdelay $0x3  }
0x34: {  	[smem:$0x3FB7] =	sst s10  }
0x35: {  	s10 =	sld [smem:$0x3FB6];
	_ =	sdelay $0x3  }
0x36: {  	p1 =	seq.s32 s10, $0x1;
	s10 =	sld [smem:$0x3FB7];
	_ =	sdelay $0x3  }
0x37: {  	[smem:$0x3FB7] =	sst s10  }
0x38: {  	s10 =	sld [smem:$0x3FB8]  }
0x39: {  	_ = 	snop;
	(pc) =	sbr.ind lr, $3  }
0x3a: {  	_ = 	snop  }
0x3b: {  	_ = 	snop  }
0x3c: {  	p2 =	seq.s32 s10, $0x1;
	s10 =	sld [smem:$0x3FB7]  }
0x3d: {  	_ =	shalt  }
0x3e: {  	_ =	shalt  }
0x3f: {  	_ =	shalt  }
0x40: {  	_ =	shalt  }
0x41: {  	_ =	shalt  }
0x42: {  	_ =	shalt  }
0x43: {  	_ =	shalt  }
0x44: {  	_ =	shalt  }
0x45: {  	_ =	shalt  }
0x46: {  	_ =	shalt  }
0x47: {  	_ =	shalt  }
0x48: {  	_ =	shalt  }
0x49: {  	_ =	shalt  }
0x4a: {  	_ =	shalt  }
0x4b: {  	_ =	shalt  }
0x4c: {  	_ =	shalt  }
0x4d: {  	_ =	shalt  }
0x4e: {  	_ =	shalt  }
0x4f: {  	_ =	shalt  }
0x50: {  	_ =	shalt  }
0x51: {  	_ =	shalt  }
0x52: {  	_ =	shalt  }
0x53: {  	_ =	shalt  }
0x54: {  	_ =	shalt  }
0x55: {  	_ =	shalt  }
0x56: {  	_ =	shalt  }
0x57: {  	_ =	shalt  }
0x58: {  	_ =	shalt  }
0x59: {  	_ =	shalt  }
0x5a: {  	_ =	shalt  }
0x5b: {  	_ =	shalt  }
0x5c: {  	_ =	shalt  }
0x5d: {  	_ =	shalt  }
0x5e: {  	_ =	shalt  }
0x5f: {  	_ =	shalt  }
0x60: {  	_ =	shalt  }
0x61: {  	_ =	shalt  }
0x62: {  	_ =	shalt  }
0x63: {  	_ =	shalt  }
0x64: {  	_ =	shalt  }
0x65: {  	_ =	shalt  }
0x66: {  	_ =	shalt  }
0x67: {  	_ =	shalt  }
0x68: {  	_ =	shalt  }
0x69: {  	_ =	shalt  }
0x6a: {  	_ =	shalt  }
0x6b: {  	_ =	shalt  }
0x6c: {  	_ =	shalt  }
0x6d: {  	_ =	shalt  }
0x6e: {  	_ =	shalt  }
0x6f: {  	_ =	shalt  }
0x70: {  	_ =	shalt  }
0x71: {  	_ =	shalt  }
0x72: {  	_ =	shalt  }
0x73: {  	_ =	shalt  }
0x74: {  	_ =	shalt  }
0x75: {  	_ =	shalt  }
0x76: {  	_ =	shalt  }
0x77: {  	_ =	shalt  }
0x78: {  	_ =	shalt  }
0x79: {  	_ =	shalt  }
0x7a: {  	_ =	shalt  }
0x7b: {  	_ =	shalt  }
0x7c: {  	_ =	shalt  }
0x7d: {  	_ =	shalt  }
0x7e: {  	_ =	shalt  }
0x7f: {  	_ =	shalt  }
0x80: {  	_ =	shalt  }
0x81: {  	_ =	shalt  }
0x82: {  	_ =	shalt  }
0x83: {  	_ =	shalt  }
0x84: {  	_ =	shalt  }
0x85: {  	_ =	shalt  }
0x86: {  	_ =	shalt  }
0x87: {  	_ =	shalt  }
.Lfunc_end0:
.L_simem_size_0:
called_computation_lowered:
.L_overlay_start_0:
0x88: {  	s2 =	sld [smem:$0x3FD9]  }
0x89: {  	s3 =	sld [smem:$0x3FFE];
	_ =	sdelay $0x1  }
0x8a: {  	s1 =	srdreg.scid  }
0x8b: {  	s0 =	sand.u32 $0x1, s1  }
0x8c: {  	s18 =	sshll.u32 s0, $0xA;
	s2 =	sadd.s32 s3, s2  }
0x8d: {  	s2 =	sadd.s32 s2, s18  }
0x8e: {  	[smem:$0x3FC3] =	sst s2  }
0x8f: {  	_ = 	snop  }
0x90: {  	s2 =	sld [smem:$0x3FC9]  }
0x91: {  	s19 =	sld [smem:$0x3FC8]  }
0x92: {  	s4 =	sld [smem:$0x3FC7]  }
0x93: {  	s5 =	sld [smem:$0x3FC6]  }
0x94: {  	s6 =	sld [smem:$0x3FC5]  }
0x95: {  	s7 =	sld [smem:$0x3FD0];
	(tm) =	ssettm $0x1  }
0x96: {  	s8 =	sld [smem:$0x3FFB];
	_ =	sdelay $0x3  }
0x97: {  	_ =	strace s8  }
0x98: {  	s8 =	sld [smem:$0x3FFC];
	_ =	sdelay $0x3  }
0x99: {  	_ =	strace s8  }
0x9a: {  	s8 =	sld [smem:$0x3FFD];
	_ =	sdelay $0x3  }
0x9b: {  	_ =	strace s8  }
0x9c: {  	_ =	strace $0x8FFFFFFF  }
0x9d: {  	s20 =	sld [smem:$0x3FDB];
	_ =	sdelay $0x1  }
0x9e: {  	s9 =	simm.s32 $_scs_section_size  }
0x9f: {  	s10 =	simm.s32 $_size__tile_overlayer_lowered;
	s11 =	simm.s32 $_tile_overlayer_lowered  }
0xa0: {  	s23 =	simm.s32 $0x1BFF;
	s22 =	sshll.u32 s11, $0x1;
	s8 =	sadd.s32 s9, s20  }
0xa1: {  	s12 =	simm.s32 $0x0;
	s21 =	sshll.u32 s10, $0x1;
	s10 =	sadd.s32 s22, s8  }
0xa2: {  	[timem:s12], [sflag:s23] =	dma.local [hbm:s10], s21  }
0xa3: {  	_ =	swait.ge [sflag:s23], s21  }
0xa4: {  	s9 =	ssub.s32 $0x0, s21;
	[sflag:s23] =	ssyncset.done $0x0  }
0xa5: {  	[sflag:s23] =	ssyncadd.s32 s9;
	_ =	sdelay $0x1  }
0xa6: {  	s24 =	simm.s32 $0x1B8B  }
0xa7: {  	_ =	swait.ge [sflag:s24], $0x1  }
0xa8: {  	[sflag:s24] =	ssyncset.done $0x0  }
0xa9: {  	s25 =	simm.s32 $0x1B8E;
	[sflag:s24] =	ssyncadd.s32 $0xFFFFFFFF  }
0xaa: {  	s26 =	simm.s32 $execute0_lowered;
	[smem:$0x3FD2] =	sst s25  }
0xab: {  	s9 =	sshll.u32 s26, $0x1;
	_ =	strace $0x80000046;
	[dreg:$0x1] =	wrdreg $0xFFFFFFFF  }
0xac: {  	s28 =	simm.s32 $_size_execute0_lowered;
	s8 =	sadd.s32 s8, s9;
	[dreg:$0x0] =	wrdreg $0x0  }
0xad: {  	s9 =	sshll.u32 s28, $0x1;
	[dreg:$0x2] =	wrdreg s8  }
0xae: {  	[dreg:$0x3] =	wrdreg s9  }
0xaf: {  	[dreg:$0x4] =	wrdreg $0xC0  }
0xb0: {  	_ =	task [dreg:s12], $0x5FFFF  }
0xb1: {  	[dreg:$0x1] =	wrdreg $0xFFFFFFFF  }
0xb2: {  	[dreg:$0x0] =	wrdreg $0x60  }
0xb3: {  	[dreg:$0x2] =	wrdreg s2  }
0xb4: {  	[dreg:$0x3] =	wrdreg s19  }
0xb5: {  	[dreg:$0x4] =	wrdreg s4  }
0xb6: {  	[dreg:$0x5] =	wrdreg s5  }
0xb7: {  	[dreg:$0x6] =	wrdreg s6  }
0xb8: {  	[dreg:$0x7] =	wrdreg s7  }
0xb9: {  	[dreg:$0x8] =	wrdreg $0x32000  }
0xba: {  	[dreg:$0x9] =	wrdreg $0x9  }
0xbb: {  	_ =	task.clear_ibuf [dreg:s12], $0xAFFFF;
	_ =	strace $0x90000046  }
0xbc: {  	s29 =	simm.s32 $0x9;
	_ =	strace $0x80000048  }
0xbd: {  	_ =	swait.ge [sflag:s29], $0x1  }
0xbe: {  	[sflag:s29] =	ssyncadd.s32 $0xFFFFFFFF  }
0xbf: {  	_ =	strace $0x90000048  }
0xc0: {  	_ =	sfence  }
0xc1: {  	s30 =	sld [smem:$0x0];
	_ =	sdelay $0x2  }
0xc2: {  	s31 =	sshll.u32 s1, $0xD;
	s1 =	sshrl.u32 s1, $0x2  }
0xc3: {  	s3 =	sand.u32 $0x4000, s31;
	s1 =	sadd.s32 s1, s30  }
0xc4: {  	s0 =	sor.u32 s3, s0;
	s1 =	sshll.u32 s1, $0x11  }
0xc5: {  	s0 =	sor.u32 s1, s0  }
0xc6: {  	s0 =	sadd.s32 $0x8F2B, s0  }
0xc7: {  	[sflag:s0] =	ssyncadd.remote.s32 $0x1  }
0xc8: {  	_ =	sfence.sel $0xFFFF  }
0xc9: {  	[dreg:$0x0] =	wrdreg $0xFFFFFFFF;
	(pc) =	sbr.abs _section_cstart, $3  }
0xca: {  	[dreg:$0x1] =	wrdreg $0xFFFFFFFF  }
0xcb: {  	_ =	task.clear_ibuf [dreg:s12], $0x2FFFF;
	_ =	strace $0x9FFFFFFF  }
0xcc: {  	(tm) =	ssettm $0x7FFFFFFF  }
0xcd: {  	_ =	shalt  }
tec
execute0_lowered:
.L_overlay_start_1:
0x0: {  	(tag) =	ssettag $0x1  }
0x1: {  	s1 =	rddreg [dreg:$0x0]  }
0x2: {  	s0 =	rddreg [dreg:$0x1]  }
0x3: {  	s4 =	rddreg [dreg:$0x5]  }
0x4: {  	s2 =	srdreg.scid;
	s3 =	stileid.u32  }
0x5: {  	s6 =	rddreg [dreg:$0x6];
	s2 =	sand.u32 $0x1, s2;
	s5 =	sshll.u32 s3, $0x1  }
0x6: {  	s7 =	simm.s32 $0x0;
	s17 =	simm.s32 $0x2;
	s5 =	sor.u32 s2, s5  }
0x7: {  	s19 =	simm.s32 $0x6;
	s21 =	simm.s32 $0x3;
	s8 =	smul.u32 $0x1900, s5  }
0x8: {  	s22 =	simm.s32 $0x7;
	[smem:$0x7FF] =	sst s7;
	s10 =	smul.u32 $0xC8000, s5  }
0x9: {  	s25 =	simm.s32 $0x4;
	s2 =	ssub.s32 $0x2, s2;
	_ =	strace $0x80000047  }
0xa: {  	s9 =	sshrl.u32 s2, $0x1;
	s28 =	sor.u32 $0x40, s8;
	[dreg:$0x8] =	wrdreg s10  }
0xb: {  	s2 =	ssub.s32 s2, s9;
	s29 =	sor.u32 $0x4000, s10;
	[dreg:$0xa] =	wrdreg s28  }
.Ltmp0:
0xc: {  	s30 =	sor.u32 $0xC0, s8;
	[dreg:$0xb] =	wrdreg s29;
	(pc) =	sbr.rel .LBB2_1-.Ltmp0, $4  }
0xd: {  	s26 =	sshrl.u32 s8, $0x3;
	s31 =	smax.u32 s2, $0x1;
	[dreg:$0xc] =	wrdreg s30  }
0xe: {  	p0 =	sne.s32 s3, $0x0;
	s1 =	sadd.s32 s1, s26;
	[dreg:$0xd] =	wrdreg s31  }
0xf: {  	s3 =	simm.s32 $0x5;
	[dreg:$0x9] =	wrdreg s1;
	s1 =	sshrl.u32 @!p0 s6, $0x3  }
0x10: {  	v2 =	vimm.s32 $0x0;
	vm0 =	vmmov $0xff;
	s5 =	simm.s32 $0x0;
	s26 =	simm.s32 $0x8;
	[dreg:$0xe] =	wrdreg s1  }
.LBB2_14:
0x11: {  	s1 =	simm.s32 $0x9  }
0x12: {  	_ =	swait.ge [sflag:s1], $0x2000  }
0x13: {  	[sflag:s1] =	ssyncset.done $0x0  }
0x14: {  	s29 =	simm.s32 $0xA;
	[sflag:s1] =	ssyncadd.s32 $0xFFFFE000  }
0x15: {  	_ =	swait.ge [sflag:s29], $0x2000  }
0x16: {  	[sflag:s29] =	ssyncset.done $0x0  }
0x17: {  	s30 =	simm.s32 $0xB;
	[sflag:s29] =	ssyncadd.s32 $0xFFFFE000  }
0x18: {  	_ =	swait.ge [sflag:s30], $0x2000  }
0x19: {  	[sflag:s30] =	ssyncset.done $0x0  }
0x1a: {  	s2 =	simm.s32 $0xC;
	[sflag:s30] =	ssyncadd.s32 $0xFFFFE000  }
0x1b: {  	_ =	swait.ge [sflag:s2], $0x2000  }
0x1c: {  	s5 =	rddreg [dreg:$0xf]  }
0x1d: {  	s31 =	rddreg [dreg:$0xd];
	s5 =	sadd.s32 $0x1, s5  }
0x1e: {  	p1 =	sne.s32 s5, s31  }
.Ltmp1:
0x1f: {  	_ = 	snop;
	(pc) =	sbr.rel @!p1 .LBB2_15-.Ltmp1, $3  }
0x20: {  	_ =	sdelay $0x1  }
0x21: {  	[sflag:s2] =	ssyncset.done $0x0  }
0x22: {  	v2 =	vimm.s32 $0x0;
	[sflag:s2] =	ssyncadd.s32 $0xFFFFE000  }
.LBB2_1:
0x23: {  	[dreg:$0xf] =	wrdreg s5  }
0x24: {  	s2 =	rddreg [dreg:$0x2]  }
0x25: {  	s1 =	simm.s32 @!p0 $0x1C0D;
	s5 =	rddreg [dreg:$0xe]  }
0x26: {  	[spmem:s5], [sflag:s1] =	dma.local @!p0 [hbm:s2], $0x2000  }
0x27: {  	s1 =	simm.s32 @!p0 $0xD  }
0x28: {  	_ =	swait.ge @!p0 [sflag:s1], $0x2000  }
0x29: {  	[sflag:s1] =	ssyncset.done @!p0 $0x0  }
0x2a: {  	s23 =	simm.s32 $0xD;
	s20 =	rddreg [dreg:$0x9];
	[sflag:s1] =	ssyncadd.s32 @!p0 $0xFFFFE000  }
0x2b: {  	[tilespmem:s7], [sflag:$0xD] =	stream.linear.gather [hbm4b:s20+s7], $0x1900, $0x38;
	[tilespmem:$0x1C300] =	vst v63  }
0x2c: {  	_ =	swait.ge [sflag:s23], $0x1900  }
0x2d: {  	[sflag:s23] =	ssyncset.done $0x0  }
0x2e: {  	[sflag:s23] =	ssyncadd.s32 $0xFFFFE700  }
0x2f: {  	s28 =	simm.s32 $0x1C200;
	s24 =	rddreg [dreg:$0x3]  }
0x30: {  	[tilespmem:s28], [sflag:$0xD] =	stream.linear.gather [hbm4b:s24+s7], $0x80, $0x38;
	[tilespmem:$0x1C300] =	vst v63  }
0x31: {  	_ =	swait.ge [sflag:s23], $0x80  }
0x32: {  	[sflag:s23] =	ssyncset.done $0x0  }
0x33: {  	[sflag:s23] =	ssyncadd.s32 $0xFFFFFF80  }
0x34: {  	s30 =	simm.s32 $0x1C280;
	s29 =	rddreg [dreg:$0x4]  }
0x35: {  	[tilespmem:s30], [sflag:$0xD] =	stream.linear.gather [hbm4b:s29+s7], $0x80, $0x38;
	[tilespmem:$0x1C300] =	vst v63  }
0x36: {  	_ =	swait.ge [sflag:s23], $0x80  }
0x37: {  	[sflag:s23] =	ssyncset.done $0x0  }
0x38: {  	[sflag:s23] =	ssyncadd.s32 $0xFFFFFF80  }
0x39: {  	v13 =	vld [tilespmem:$0x1C200]  }
0x3a: {  	v9 =	vld [tilespmem:$0x1C210]  }
0x3b: {  	v0 =	vld [tilespmem:$0x1C220]  }
0x3c: {  	v14 =	vld [tilespmem:$0x1C230]  }
0x3d: {  	v4 =	vld [tilespmem:$0x1C240]  }
0x3e: {  	v5 =	vld [tilespmem:$0x1C250]  }
0x3f: {  	v15 =	vld [tilespmem:$0x1C270]  }
0x40: {  	v3 =	vld [tilespmem:$0x1C280]  }
0x41: {  	v12 =	vld [tilespmem:$0x1C290]  }
0x42: {  	v6 =	vld [tilespmem:$0x1C2A0]  }
0x43: {  	[tilespmem:$0x1FFD0] =	vst v0;
	v0 =	vld [tilespmem:$0x1C260]  }
0x44: {  	v10 =	vld [tilespmem:$0x1C2B0]  }
0x45: {  	v11 =	vld [tilespmem:$0x1C2C0]  }
0x46: {  	v7 =	vld [tilespmem:$0x1C2D0]  }
0x47: {  	s31 =	simm.s32 $0x40;
	s8 =	simm.s32 $0x4200;
	v8 =	vld [tilespmem:$0x1C2F0]  }
0x48: {  	[tilespmem:$0x1FFE0] =	vst v0;
	v0 =	vld [tilespmem:$0x1C2E0];
	[tilespmem:s8], [sflag:$0x1] =	stream.indirect.gather [hbm4b:s0+s31], $0x80, s7, s31, $0xb8  }
0x49: {  	s9 =	simm.s32 $0x6200  }
0x4a: {  	[tilespmem:s9], [sflag:$0x2] =	stream.indirect.gather [hbm4b:s0+s31], $0x80, s31, s31, $0xb8;
	[tilespmem:$0x1C300] =	vst v63  }
0x4b: {  	s10 =	simm.s32 $0x80;
	s11 =	simm.s32 $0x8200  }
0x4c: {  	[tilespmem:s11], [sflag:$0x3] =	stream.indirect.gather [hbm4b:s0+s31], $0x80, s10, s31, $0xb8;
	[tilespmem:$0x1C300] =	vst v63  }
0x4d: {  	s12 =	simm.s32 $0xC0;
	s13 =	simm.s32 $0xA200;
	s5 =	simm.s32 $0x60  }
0x4e: {  	[tilespmem:s13], [sflag:$0x4] =	stream.indirect.gather [hbm4b:s0+s31], $0x80, s12, s31, $0xb8;
	[tilespmem:$0x1C300] =	vst v63  }
0x4f: {  	[tilespmem:$0x1FFF0] =	vst v0;
	v0 =	vld [tilespmem:s5+$0xFFFFFFA0];
	_ =	sdelay $0x4  }
0x50: {  	vm1 =	vne.s32 v0, $0x0  }
0x51: {  	v0 =	vsel vm1, $0x1, v2  }
0x52: {  	(xrf0) =	vadd.scan.msk.s32 $0xffff, v0;
	_ =	sdelay $0x5  }
0x53: {  	v0, _, _ =	vpop (xrf0)  }
0x54: {  	s9 =	simm.s32 $0x1960;
	v1 =	vnsel vm1, $0x0, v0  }
0x55: {  	[tilespmem:s9+$0xFFFFFFA0] =	vst v1  }
0x56: {  	v1 =	vld [tilespmem:s5+$0xFFFFFFB0];
	_ =	sdelay $0x4  }
0x57: {  	vm1 =	vne.s32 v1, $0x0  }
0x58: {  	v1 =	vsel vm1, $0x1, v2  }
0x59: {  	(xrf0) =	vadd.scan.msk.s32 $0xffff, v1;
	_ =	sdelay $0x4  }
0x5a: {  	v1 =	vbroadcast v0, $0xF  }
0x5b: {  	(v2sf) =	vpush v0, $0xF;
	v0, _, _ =	vpop (xrf0)  }
0x5c: {  	v1 =	vadd.s32 v1, v0;
	(v2sf) =	vpush v0, $0xF  }
0x5d: {  	v0 =	vnsel vm1, $0x0, v1  }
0x5e: {  	[tilespmem:s9+$0xFFFFFFB0] =	vst v0  }
0x5f: {  	v0 =	vld [tilespmem:s5+$0xFFFFFFC0];
	_ =	sdelay $0x4  }
0x60: {  	vm1 =	vne.s32 v0, $0x0  }
0x61: {  	v0 =	vsel vm1, $0x1, v2  }
0x62: {  	(xrf0) =	vadd.scan.msk.s32 $0xffff, v0;
	_ =	sdelay $0x3  }
0x63: {  	s14 =	spop (v2sf)  }
0x64: {  	s8 =	spop (v2sf)  }
0x65: {  	s1 =	sadd.s32 s14, s8;
	v0, _, _ =	vpop (xrf0)  }
0x66: {  	v1 =	vadd.s32 s1, v0;
	(v2sf) =	vpush v0, $0xF  }
0x67: {  	v0 =	vnsel vm1, $0x0, v1  }
0x68: {  	[tilespmem:s9+$0xFFFFFFC0] =	vst v0  }
0x69: {  	v0 =	vld [tilespmem:s5+$0xFFFFFFD0];
	_ =	sdelay $0x4  }
0x6a: {  	vm1 =	vne.s32 v0, $0x0  }
0x6b: {  	v0 =	vsel vm1, $0x1, v2  }
0x6c: {  	(xrf0) =	vadd.scan.msk.s32 $0xffff, v0;
	_ =	sdelay $0x4  }
0x6d: {  	s15 =	spop (v2sf)  }
0x6e: {  	s1 =	sadd.s32 s1, s15;
	v0, _, _ =	vpop (xrf0)  }
0x6f: {  	v1 =	vadd.s32 s1, v0;
	(v2sf) =	vpush v0, $0xF  }
0x70: {  	v0 =	vnsel vm1, $0x0, v1  }
0x71: {  	[tilespmem:s9+$0xFFFFFFD0] =	vst v0  }
0x72: {  	v0 =	vld [tilespmem:s5+$0xFFFFFFE0];
	_ =	sdelay $0x4  }
0x73: {  	vm1 =	vne.s32 v0, $0x0  }
0x74: {  	v0 =	vsel vm1, $0x1, v2  }
0x75: {  	(xrf0) =	vadd.scan.msk.s32 $0xffff, v0;
	_ =	sdelay $0x4  }
0x76: {  	s16 =	spop (v2sf)  }
0x77: {  	s1 =	sadd.s32 s1, s16;
	v0, _, _ =	vpop (xrf0)  }
0x78: {  	v1 =	vadd.s32 s1, v0;
	(v2sf) =	vpush v0, $0xF  }
0x79: {  	v0 =	vnsel vm1, $0x0, v1  }
0x7a: {  	[tilespmem:s9+$0xFFFFFFE0] =	vst v0  }
0x7b: {  	v0 =	vld [tilespmem:s5+$0xFFFFFFF0];
	_ =	sdelay $0x4  }
0x7c: {  	vm1 =	vne.s32 v0, $0x0  }
0x7d: {  	v0 =	vsel vm1, $0x1, v2  }
0x7e: {  	(xrf0) =	vadd.scan.msk.s32 $0xffff, v0;
	_ =	sdelay $0x4  }
0x7f: {  	s18 =	spop (v2sf)  }
0x80: {  	s1 =	sadd.s32 s1, s18;
	v0, _, _ =	vpop (xrf0)  }
0x81: {  	v1 =	vadd.s32 s1, v0;
	(v2sf) =	vpush v0, $0xF  }
0x82: {  	v0 =	vnsel vm1, $0x0, v1  }
0x83: {  	[tilespmem:s9+$0xFFFFFFF0] =	vst v0  }
0x84: {  	v0 =	vld [tilespmem:s5+$0x0];
	_ =	sdelay $0x4  }
0x85: {  	vm1 =	vne.s32 v0, $0x0  }
0x86: {  	v0 =	vsel vm1, $0x1, v2  }
0x87: {  	(xrf0) =	vadd.scan.msk.s32 $0xffff, v0;
	_ =	sdelay $0x4  }
0x88: {  	s20 =	spop (v2sf)  }
0x89: {  	s1 =	sadd.s32 s1, s20;
	v0, _, _ =	vpop (xrf0)  }
0x8a: {  	v1 =	vadd.s32 s1, v0;
	(v2sf) =	vpush v0, $0xF  }
0x8b: {  	v0 =	vnsel vm1, $0x0, v1  }
0x8c: {  	[tilespmem:s9+$0x0] =	vst v0  }
0x8d: {  	v0 =	vld [tilespmem:s5+$0x10];
	_ =	sdelay $0x4  }
0x8e: {  	vm1 =	vne.s32 v0, $0x0  }
0x8f: {  	v0 =	vsel vm1, $0x1, v2  }
0x90: {  	(xrf0) =	vadd.scan.msk.s32 $0xffff, v0;
	_ =	sdelay $0x4  }
0x91: {  	s23 =	spop (v2sf)  }
0x92: {  	s1 =	sadd.s32 s1, s23;
	v0, _, _ =	vpop (xrf0)  }
0x93: {  	v1 =	vadd.s32 s1, v0;
	(v2sf) =	vpush v0, $0xF  }
0x94: {  	v0 =	vnsel vm1, $0x0, v1  }
0x95: {  	s24 =	sand.u32 $0x1FF8, s7;
	[tilespmem:s9+$0x10] =	vst v0  }
0x96: {  	v0 =	vld [tilespmem:s24+$0x80];
	_ =	sdelay $0x4  }
0x97: {  	vm1 =	vne.s32 v0, $0x0  }
0x98: {  	v0 =	vsel vm1, $0x1, v2  }
0x99: {  	(xrf0) =	vadd.scan.msk.s32 $0xffff, v0;
	_ =	sdelay $0x4  }
0x9a: {  	s10 =	spop (v2sf)  }
0x9b: {  	s1 =	sadd.s32 s1, s10;
	v0, _, _ =	vpop (xrf0)  }
0x9c: {  	v1 =	vadd.s32 s1, v0;
	(v2sf) =	vpush v0, $0xF  }
0x9d: {  	v0 =	vnsel vm1, $0x0, v1  }
0x9e: {  	[tilespmem:s24+$0x1980] =	vst v0  }
0x9f: {  	v0 =	vld [tilespmem:s5+$0x30];
	_ =	sdelay $0x4  }
0xa0: {  	vm1 =	vne.s32 v0, $0x0  }
0xa1: {  	v0 =	vsel vm1, $0x1, v2  }
0xa2: {  	(xrf0) =	vadd.scan.msk.s32 $0xffff, v0;
	_ =	sdelay $0x4  }
0xa3: {  	s28 =	spop (v2sf)  }
0xa4: {  	s1 =	sadd.s32 s1, s28;
	v0, _, _ =	vpop (xrf0)  }
0xa5: {  	v1 =	vadd.s32 s1, v0;
	(v2sf) =	vpush v0, $0xF  }
0xa6: {  	v0 =	vnsel vm1, $0x0, v1  }
0xa7: {  	[tilespmem:s9+$0x30] =	vst v0  }
0xa8: {  	v0 =	vld [tilespmem:s5+$0x40];
	_ =	sdelay $0x4  }
0xa9: {  	vm1 =	vne.s32 v0, $0x0  }
0xaa: {  	v0 =	vsel vm1, $0x1, v2  }
0xab: {  	(xrf0) =	vadd.scan.msk.s32 $0xffff, v0;
	_ =	sdelay $0x4  }
0xac: {  	s29 =	spop (v2sf)  }
0xad: {  	s1 =	sadd.s32 s1, s29;
	v0, _, _ =	vpop (xrf0)  }
0xae: {  	v1 =	vadd.s32 s1, v0  }
0xaf: {  	(v2sf) =	vpush v0, $0xF;
	v0 =	vnsel vm1, $0x0, v1  }
0xb0: {  	[tilespmem:s9+$0x40] =	vst v0  }
0xb1: {  	v0 =	vld [tilespmem:s5+$0x50];
	_ =	sdelay $0x4  }
0xb2: {  	vm1 =	vne.s32 v0, $0x0  }
0xb3: {  	v0 =	vsel vm1, $0x1, v2  }
0xb4: {  	v1 =	vnsel vm0, $0x0, v0;
	(xrf0) =	vadd.scan.msk.s32 $0xffff, v0  }
0xb5: {  	(xrf0) =	vadd.scan.msk.s32 $0xffff, v1;
	_ =	sdelay $0x4  }
0xb6: {  	s30 =	spop (v2sf);
	v0, _, _ =	vpop (xrf0)  }
0xb7: {  	s1 =	sadd.s32 s1, s30;
	v1, _, _ =	vpop (xrf0)  }
0xb8: {  	v0 =	vadd.s32 s1, v0;
	(v2sf) =	vpush v1, $0xF  }
0xb9: {  	v0 =	vnsel vm1, $0x0, v0  }
0xba: {  	[tilespmem:s9+$0x50] =	vst v0  }
0xbb: {  	v0 =	vld [tilespmem:s5+$0x58];
	_ =	sdelay $0x4  }
0xbc: {  	vm1 =	vne.s32 v0, $0x0  }
0xbd: {  	v0 =	vsel vm1, $0x1, v2  }
0xbe: {  	(xrf0) =	vadd.scan.msk.s32 $0xffff, v0;
	_ =	sdelay $0x4  }
0xbf: {  	s31 =	spop (v2sf)  }
0xc0: {  	v0, _, _ =	vpop (xrf0);
	s1 =	sadd.s32 s1, s31  }
0xc1: {  	v0 =	vadd.s32 s1, v0  }
0xc2: {  	s13 =	simm.s32 $0xC8;
	v0 =	vnsel vm1, $0x0, v0  }
.LBB2_2:
0xc3: {  	p1 =	sne.s32 s13, $0x1838;
	[tilespmem:s9+$0x58] =	vst v0;
	s5 =	sadd.s32 $0xC8, s5;
	s9 =	sadd.s32 $0xC8, s9  }
0xc4: {  	s1 =	smov.u32 s13;
	s13 =	sadd.s32 $0xC8, s13;
	v0 =	vld [tilespmem:s5+$0xFFFFFFA0];
	_ =	sdelay $0x4  }
0xc5: {  	vm1 =	vne.s32 v0, $0x0  }
0xc6: {  	v0 =	vsel vm1, $0x1, v2  }
0xc7: {  	(xrf0) =	vadd.scan.msk.s32 $0xffff, v0;
	_ =	sdelay $0x5  }
0xc8: {  	v0, _, _ =	vpop (xrf0)  }
0xc9: {  	v1 =	vnsel vm1, $0x0, v0  }
0xca: {  	[tilespmem:s9+$0xFFFFFFA0] =	vst v1  }
0xcb: {  	v1 =	vld [tilespmem:s5+$0xFFFFFFB0];
	_ =	sdelay $0x4  }
0xcc: {  	vm1 =	vne.s32 v1, $0x0  }
0xcd: {  	v1 =	vsel vm1, $0x1, v2  }
0xce: {  	(xrf0) =	vadd.scan.msk.s32 $0xffff, v1;
	_ =	sdelay $0x4  }
0xcf: {  	v1 =	vbroadcast v0, $0xF  }
0xd0: {  	(v2sf) =	vpush v0, $0xF;
	v0, _, _ =	vpop (xrf0)  }
0xd1: {  	v1 =	vadd.s32 v1, v0;
	(v2sf) =	vpush v0, $0xF  }
0xd2: {  	v0 =	vnsel vm1, $0x0, v1  }
0xd3: {  	[tilespmem:s9+$0xFFFFFFB0] =	vst v0  }
0xd4: {  	v0 =	vld [tilespmem:s5+$0xFFFFFFC0];
	_ =	sdelay $0x4  }
0xd5: {  	vm1 =	vne.s32 v0, $0x0  }
0xd6: {  	v0 =	vsel vm1, $0x1, v2  }
0xd7: {  	(xrf0) =	vadd.scan.msk.s32 $0xffff, v0;
	_ =	sdelay $0x3  }
0xd8: {  	s8 =	spop (v2sf)  }
0xd9: {  	s10 =	spop (v2sf)  }
0xda: {  	s8 =	sadd.s32 s8, s10;
	v0, _, _ =	vpop (xrf0)  }
0xdb: {  	v1 =	vadd.s32 s8, v0;
	(v2sf) =	vpush v0, $0xF  }
0xdc: {  	v0 =	vnsel vm1, $0x0, v1  }
0xdd: {  	[tilespmem:s9+$0xFFFFFFC0] =	vst v0  }
0xde: {  	v0 =	vld [tilespmem:s5+$0xFFFFFFD0];
	_ =	sdelay $0x4  }
0xdf: {  	vm1 =	vne.s32 v0, $0x0  }
0xe0: {  	v0 =	vsel vm1, $0x1, v2  }
0xe1: {  	(xrf0) =	vadd.scan.msk.s32 $0xffff, v0;
	_ =	sdelay $0x4  }
0xe2: {  	s10 =	spop (v2sf)  }
0xe3: {  	s8 =	sadd.s32 s8, s10;
	v0, _, _ =	vpop (xrf0)  }
0xe4: {  	v1 =	vadd.s32 s8, v0;
	(v2sf) =	vpush v0, $0xF  }
0xe5: {  	v0 =	vnsel vm1, $0x0, v1  }
0xe6: {  	[tilespmem:s9+$0xFFFFFFD0] =	vst v0  }
0xe7: {  	v0 =	vld [tilespmem:s5+$0xFFFFFFE0];
	_ =	sdelay $0x4  }
0xe8: {  	vm1 =	vne.s32 v0, $0x0  }
0xe9: {  	v0 =	vsel vm1, $0x1, v2  }
0xea: {  	(xrf0) =	vadd.scan.msk.s32 $0xffff, v0;
	_ =	sdelay $0x4  }
0xeb: {  	s10 =	spop (v2sf)  }
0xec: {  	s8 =	sadd.s32 s8, s10;
	v0, _, _ =	vpop (xrf0)  }
0xed: {  	v1 =	vadd.s32 s8, v0;
	(v2sf) =	vpush v0, $0xF  }
0xee: {  	v0 =	vnsel vm1, $0x0, v1  }
0xef: {  	[tilespmem:s9+$0xFFFFFFE0] =	vst v0  }
0xf0: {  	v0 =	vld [tilespmem:s5+$0xFFFFFFF0];
	_ =	sdelay $0x4  }
0xf1: {  	vm1 =	vne.s32 v0, $0x0  }
0xf2: {  	v0 =	vsel vm1, $0x1, v2  }
0xf3: {  	(xrf0) =	vadd.scan.msk.s32 $0xffff, v0;
	_ =	sdelay $0x4  }
0xf4: {  	s10 =	spop (v2sf)  }
0xf5: {  	s8 =	sadd.s32 s8, s10;
	v0, _, _ =	vpop (xrf0)  }
0xf6: {  	v1 =	vadd.s32 s8, v0;
	(v2sf) =	vpush v0, $0xF  }
0xf7: {  	v0 =	vnsel vm1, $0x0, v1  }
0xf8: {  	[tilespmem:s9+$0xFFFFFFF0] =	vst v0  }
0xf9: {  	v0 =	vld [tilespmem:s5+$0x0];
	_ =	sdelay $0x4  }
0xfa: {  	vm1 =	vne.s32 v0, $0x0  }
0xfb: {  	v0 =	vsel vm1, $0x1, v2  }
0xfc: {  	(xrf0) =	vadd.scan.msk.s32 $0xffff, v0;
	_ =	sdelay $0x4  }
0xfd: {  	s10 =	spop (v2sf)  }
0xfe: {  	s8 =	sadd.s32 s8, s10;
	v0, _, _ =	vpop (xrf0)  }
0xff: {  	v1 =	vadd.s32 s8, v0;
	(v2sf) =	vpush v0, $0xF  }
0x100: {  	v0 =	vnsel vm1, $0x0, v1  }
0x101: {  	[tilespmem:s9+$0x0] =	vst v0  }
0x102: {  	v0 =	vld [tilespmem:s5+$0x10];
	_ =	sdelay $0x4  }
0x103: {  	vm1 =	vne.s32 v0, $0x0  }
0x104: {  	v0 =	vsel vm1, $0x1, v2  }
0x105: {  	(xrf0) =	vadd.scan.msk.s32 $0xffff, v0;
	_ =	sdelay $0x4  }
0x106: {  	s10 =	spop (v2sf)  }
0x107: {  	s8 =	sadd.s32 s8, s10;
	v0, _, _ =	vpop (xrf0)  }
0x108: {  	v1 =	vadd.s32 s8, v0;
	(v2sf) =	vpush v0, $0xF  }
0x109: {  	v0 =	vnsel vm1, $0x0, v1  }
0x10a: {  	s1 =	sand.u32 $0x1FF8, s1;
	[tilespmem:s9+$0x10] =	vst v0  }
0x10b: {  	v0 =	vld [tilespmem:s1+$0x80];
	_ =	sdelay $0x4  }
0x10c: {  	vm1 =	vne.s32 v0, $0x0  }
0x10d: {  	v0 =	vsel vm1, $0x1, v2  }
0x10e: {  	(xrf0) =	vadd.scan.msk.s32 $0xffff, v0;
	_ =	sdelay $0x4  }
0x10f: {  	s10 =	spop (v2sf)  }
0x110: {  	s8 =	sadd.s32 s8, s10;
	v0, _, _ =	vpop (xrf0)  }
0x111: {  	v1 =	vadd.s32 s8, v0;
	(v2sf) =	vpush v0, $0xF  }
0x112: {  	v0 =	vnsel vm1, $0x0, v1  }
0x113: {  	[tilespmem:s1+$0x1980] =	vst v0  }
0x114: {  	v0 =	vld [tilespmem:s5+$0x30];
	_ =	sdelay $0x4  }
0x115: {  	vm1 =	vne.s32 v0, $0x0  }
0x116: {  	v0 =	vsel vm1, $0x1, v2  }
0x117: {  	(xrf0) =	vadd.scan.msk.s32 $0xffff, v0;
	_ =	sdelay $0x4  }
0x118: {  	s1 =	spop (v2sf)  }
0x119: {  	s1 =	sadd.s32 s8, s1;
	v0, _, _ =	vpop (xrf0)  }
0x11a: {  	v1 =	vadd.s32 s1, v0;
	(v2sf) =	vpush v0, $0xF  }
0x11b: {  	v0 =	vnsel vm1, $0x0, v1  }
0x11c: {  	[tilespmem:s9+$0x30] =	vst v0  }
0x11d: {  	v0 =	vld [tilespmem:s5+$0x40];
	_ =	sdelay $0x4  }
0x11e: {  	vm1 =	vne.s32 v0, $0x0  }
0x11f: {  	v0 =	vsel vm1, $0x1, v2  }
0x120: {  	(xrf0) =	vadd.scan.msk.s32 $0xffff, v0;
	_ =	sdelay $0x4  }
0x121: {  	s8 =	spop (v2sf)  }
0x122: {  	s1 =	sadd.s32 s1, s8;
	v0, _, _ =	vpop (xrf0)  }
0x123: {  	v1 =	vadd.s32 s1, v0;
	(v2sf) =	vpush v0, $0xF  }
0x124: {  	v0 =	vnsel vm1, $0x0, v1  }
0x125: {  	[tilespmem:s9+$0x40] =	vst v0  }
0x126: {  	v0 =	vld [tilespmem:s5+$0x50];
	_ =	sdelay $0x4  }
0x127: {  	vm1 =	vne.s32 v0, $0x0  }
0x128: {  	v0 =	vsel vm1, $0x1, v2  }
0x129: {  	v1 =	vnsel vm0, $0x0, v0;
	(xrf0) =	vadd.scan.msk.s32 $0xffff, v0  }
0x12a: {  	(xrf0) =	vadd.scan.msk.s32 $0xffff, v1;
	_ =	sdelay $0x3  }
0x12b: {  	s8 =	spop (v2sf)  }
0x12c: {  	s1 =	sadd.s32 s1, s8;
	v0, _, _ =	vpop (xrf0)  }
0x12d: {  	v0 =	vadd.s32 s1, v0;
	v1, _, _ =	vpop (xrf0)  }
0x12e: {  	v0 =	vnsel vm1, $0x0, v0;
	(v2sf) =	vpush v1, $0xF  }
0x12f: {  	[tilespmem:s9+$0x50] =	vst v0  }
0x130: {  	v0 =	vld [tilespmem:s5+$0x58];
	_ =	sdelay $0x5  }
0x131: {  	vm1 =	vne.s32 v0, $0x0  }
0x132: {  	v0 =	vsel vm1, $0x1, v2  }
0x133: {  	(xrf0) =	vadd.scan.msk.s32 $0xffff, v0;
	_ =	sdelay $0x3  }
.Ltmp2:
0x134: {  	(pc) =	sbr.rel @p1 .LBB2_2-.Ltmp2, $4  }
0x135: {  	s8 =	spop (v2sf)  }
0x136: {  	s1 =	sadd.s32 s1, s8;
	v0, _, _ =	vpop (xrf0)  }
0x137: {  	v0 =	vadd.s32 s1, v0  }
0x138: {  	v0 =	vnsel vm1, $0x0, v0  }
0x139: {  	[tilespmem:$0x1FF00] =	vst v4  }
0x13a: {  	[tilespmem:$0x1FF10] =	vst v8  }
0x13b: {  	[tilespmem:s9+$0x58] =	vst v0;
	s1 =	simm.s32 $0x40  }
0x13c: {  	s2 =	simm.s32 $0x1900;
	s5 =	simm.s32 $0xC200;
	[bflag:$0x0] =	sbarrier.arrive $0xFFFF  }
0x13d: {  	[tilespmem:s5], [sflag:$0x5] =	stream.indirect.gather [spmem:s6], $0x80, s2, s1, $0xb8;
	[tilespmem:$0x1C300] =	vst v63  }
0x13e: {  	[tilespmem:$0x1FF20] =	vst v10  }
0x13f: {  	[tilespmem:$0x1FF30] =	vst v11  }
0x140: {  	[tilespmem:$0x1FF40] =	vst v7  }
0x141: {  	[tilespmem:$0x1FF50] =	vst v6  }
0x142: {  	[tilespmem:$0x1FF60] =	vst v12  }
0x143: {  	[tilespmem:$0x1FF70] =	vst v3  }
0x144: {  	[tilespmem:$0x1FF80] =	vst v15  }
0x145: {  	[tilespmem:$0x1FF90] =	vst v5  }
0x146: {  	s23 =	simm.s32 $0x1940;
	s24 =	simm.s32 $0xE200;
	[tilespmem:$0x1FFA0] =	vst v9  }
0x147: {  	v16 =	vmov v14;
	[tilespmem:s24], [sflag:$0x6] =	stream.indirect.gather [spmem:s6], $0x80, s23, s1, $0xb8;
	[tilespmem:$0x1C300] =	vst v63  }
0x148: {  	s28 =	simm.s32 $0x1980;
	s29 =	simm.s32 $0x10200;
	[tilespmem:$0x1FFB0] =	vst v16  }
0x149: {  	[tilespmem:s29], [sflag:$0x7] =	stream.indirect.gather [spmem:s6], $0x80, s28, s1, $0xb8;
	[tilespmem:$0x1C300] =	vst v63  }
0x14a: {  	s30 =	simm.s32 $0x19C0;
	s31 =	simm.s32 $0x12200;
	s13 =	simm.s32 $0x0;
	[tilespmem:$0x1FFC0] =	vst v13  }
0x14b: {  	v14 =	vmov v9;
	[tilespmem:s31], [sflag:$0x8] =	stream.indirect.gather [spmem:s6], $0x80, s30, s1, $0xb8;
	[tilespmem:$0x1C300] =	vst v63  }
.LBB2_4:
0x14c: {  	s1 =	simm.s32 $0x1  }
0x14d: {  	_ =	swait.ge [sflag:s1], $0x2000  }
0x14e: {  	[sflag:s1] =	ssyncset.done $0x0  }
0x14f: {  	[sflag:s1] =	ssyncadd.s32 $0xFFFFE000  }
0x150: {  	_ =	swait.ge [sflag:s3], $0x2000  }
0x151: {  	p1 =	seq.s32 s13, $0x0;
	[sflag:s3] =	ssyncset.done $0x0  }
0x152: {  	s1 =	simm.s32 @!p1 $0x9;
	[sflag:s3] =	ssyncadd.s32 $0xFFFFE000  }
0x153: {  	_ =	swait.ge @!p1 [sflag:s1], $0x2000  }
0x154: {  	[sflag:s1] =	ssyncset.done @!p1 $0x0  }
0x155: {  	s31 =	simm.s32 $0x0;
	[sflag:s1] =	ssyncadd.s32 @!p1 $0xFFFFE000  }
0x156: {  	v0 =	vld [tilespmem:s31+$0xC270]  }
0x157: {  	v1 =	vld [tilespmem:s31+$0xC210]  }
0x158: {  	v2 =	vld [tilespmem:s31+$0xC200]  }
0x159: {  	v17 =	vld [tilespmem:s31+$0xC230]  }
0x15a: {  	v19 =	vld [tilespmem:s31+$0xC260]  }
0x15b: {  	v23 =	vld [tilespmem:s31+$0xC250]  }
0x15c: {  	v24 =	vld [tilespmem:s31+$0xC240]  }
0x15d: {  	v20 =	vld [tilespmem:s31+$0xC220]  }
0x15e: {  	v21 =	vld [tilespmem:s31+$0x4270]  }
0x15f: {  	v18 =	vld [tilespmem:s31+$0x4210]  }
0x160: {  	v22 =	vld [tilespmem:s31+$0x4230]  }
0x161: {  	v25 =	vld [tilespmem:s31+$0x4260]  }
0x162: {  	v26 =	vld [tilespmem:s31+$0x4220]  }
0x163: {  	v28 =	vld [tilespmem:s31+$0x4200]  }
0x164: {  	v27 =	vld [tilespmem:s31+$0x4240]  }
0x165: {  	v29 =	vld [tilespmem:s31+$0x4250]  }
0x166: {  	v18 =	vadd.f32 v1, v18;
	v22 =	vadd.f32 v17, v22  }
0x167: {  	v17 =	vadd.f32 v0, v21;
	v21 =	vadd.f32 v20, v26  }
0x168: {  	v19 =	vadd.f32 v19, v25;
	v20 =	vadd.f32 v2, v28  }
0x169: {  	v24 =	vadd.f32 v24, v27;
	v0 =	vmul.f32 v18, v18;
	v1 =	vmul.f32 v22, v22  }
0x16a: {  	v27 =	vadd.f32 v23, v29;
	v25 =	vmul.f32 v17, v17;
	v2 =	vmul.f32 v21, v21  }
0x16b: {  	v23 =	vadd.f32 v22, v21;
	v28 =	vmul.f32 v19, v19;
	v29 =	vmul.f32 v20, v20  }
0x16c: {  	s29 =	simm.s32 $0x80;
	v31 =	vadd.f32 v17, v19;
	v32 =	vmul.f32 v24, v24;
	v33 =	vmul.f32 v27, v27  }
0x16d: {  	v30 =	vld [tilespmem:s29+$0xC210];
	v25 =	vadd.f32 v25, v28;
	v0 =	vadd.f32 v0, v29  }
0x16e: {  	v34 =	vld [tilespmem:s29+$0xC200];
	v1 =	vadd.f32 v1, v2;
	v2 =	vadd.f32 v33, v32  }
0x16f: {  	v61 =	vld [tilespmem:s29+$0xC260];
	v62 =	vadd.f32 v27, v24;
	v29 =	vadd.f32 v18, v20  }
0x170: {  	v35 =	vld [tilespmem:s29+$0xC250];
	v0 =	vadd.f32 v1, v0;
	v1 =	vadd.f32 v25, v2  }
0x171: {  	v63 =	vld [tilespmem:s29+$0x4260];
	v25 =	vadd.f32 v31, v62;
	v23 =	vadd.f32 v23, v29  }
0x172: {  	v36 =	vld [tilespmem:s29+$0x4220];
	v0 =	vadd.f32 v1, v0  }
0x173: {  	v37 =	vld [tilespmem:s29+$0x4240];
	v23 =	vadd.f32 v25, v23  }
0x174: {  	v38 =	vld [tilespmem:s29+$0x4200];
	(xrf2) =	vadd.scan.msk.f32 $0xffff, v0  }
0x175: {  	v26 =	vld [tilespmem:s29+$0xC270];
	(xrf2) =	vadd.scan.msk.f32 $0xffff, v23  }
0x176: {  	v2 =	vld [tilespmem:s29+$0xC240]  }
0x177: {  	v1 =	vld [tilespmem:s29+$0x4270]  }
0x178: {  	v25 =	vld [tilespmem:s29+$0x4210]  }
0x179: {  	v31 =	vld [tilespmem:s29+$0xC220]  }
0x17a: {  	v28 =	vld [tilespmem:s29+$0xC230]  }
0x17b: {  	v0 =	vld [tilespmem:s29+$0x4230]  }
0x17c: {  	v39 =	vld [tilespmem:s29+$0x4250];
	v32 =	vadd.f32 v2, v37  }
0x17d: {  	v44 =	vadd.f32 v30, v25;
	v25 =	vadd.f32 v26, v1  }
0x17e: {  	v30 =	vadd.f32 v31, v36;
	v26 =	vadd.f32 v61, v63;
	v8, _, _ =	vpop (xrf2)  }
0x17f: {  	v31 =	vadd.f32 v34, v38;
	v48 =	vmul.f32 v32, v32;
	v46, _, _ =	vpop (xrf2);
	(v2sf) =	vpush v8, $0xF  }
0x180: {  	v47 =	vadd.f32 v28, v0;
	v0 =	vmul.f32 v44, v44;
	(v2sf) =	vpush v46, $0xF  }
0x181: {  	v34 =	vadd.f32 v35, v39;
	v2 =	vmul.f32 v25, v25;
	v4 =	vmul.f32 v30, v30  }
0x182: {  	v9 =	vadd.f32 v25, v26;
	v45 =	vmul.f32 v26, v26;
	v38 =	vmul.f32 v31, v31  }
0x183: {  	s30 =	simm.s32 $0x100;
	v41 =	vmul.f32 v34, v34;
	v52 =	vadd.f32 v44, v31;
	v1 =	vmul.f32 v47, v47  }
0x184: {  	v40 =	vld [tilespmem:s30+$0xC270];
	v2 =	vadd.f32 v2, v45;
	v0 =	vadd.f32 v0, v38  }
0x185: {  	v42 =	vld [tilespmem:s30+$0xC210];
	v50 =	vadd.f32 v41, v48;
	v1 =	vadd.f32 v1, v4  }
0x186: {  	v49 =	vld [tilespmem:s30+$0xC200];
	v53 =	vadd.f32 v34, v32;
	v28 =	vadd.f32 v47, v30  }
0x187: {  	v51 =	vld [tilespmem:s30+$0xC230];
	v0 =	vadd.f32 v1, v0;
	v1 =	vadd.f32 v2, v50  }
0x188: {  	v54 =	vld [tilespmem:s30+$0xC260];
	v55 =	vadd.f32 v9, v53;
	v28 =	vadd.f32 v28, v52  }
0x189: {  	v56 =	vld [tilespmem:s30+$0xC240];
	v0 =	vadd.f32 v1, v0  }
0x18a: {  	v57 =	vld [tilespmem:s30+$0x4270];
	v28 =	vadd.f32 v55, v28  }
0x18b: {  	v58 =	vld [tilespmem:s30+$0x4210];
	(xrf2) =	vadd.scan.msk.f32 $0xffff, v0  }
0x18c: {  	v0 =	vld [tilespmem:s30+$0x4230];
	(xrf2) =	vadd.scan.msk.f32 $0xffff, v28  }
0x18d: {  	v59 =	vld [tilespmem:s30+$0x4260]  }
0x18e: {  	v43 =	vld [tilespmem:s30+$0x4240];
	s18 =	spop (v2sf)  }
0x18f: {  	v45 =	vld [tilespmem:s30+$0x4200];
	s8 =	spop (v2sf)  }
0x190: {  	v2 =	vld [tilespmem:s30+$0xC250];
	s8 =	smul.f32 $7.812500000e-03, s8  }
0x191: {  	v9 =	vadd.f32 v51, v0;
	v0 =	vld [tilespmem:s30+$0x4250];
	s1 =	smul.f32 $7.812500000e-03, s18  }
0x192: {  	v1 =	vld [tilespmem:s30+$0xC220];
	s9 =	smul.f32 s8, s8  }
0x193: {  	v43 =	vadd.f32 v56, v43;
	v28 =	vld [tilespmem:s30+$0x4220]  }
0x194: {  	s5 =	simm.s32 $0x180;
	v33 =	vadd.f32 v40, v57;
	v8 =	vmov v15;
	v15 =	vadd.f32 v42, v58;
	s1 =	ssub.f32 s1, s9  }
0x195: {  	v56 =	vld [tilespmem:s5+$0xC220];
	v42 =	vadd.f32 v54, v59;
	v36 =	vadd.f32 v49, v45;
	v46, _, _ =	vpop (xrf2)  }
0x196: {  	v40 =	vld [tilespmem:s5+$0xC210];
	v60 =	vmul.f32 v33, v33;
	v45 =	vadd.f32 v2, v0;
	v0, _, _ =	vpop (xrf2);
	(v2sf) =	vpush v46, $0xF;
	s1 =	sadd.f32 $9.999999740e-06, s1  }
0x197: {  	v63 =	vmul.f32 v43, v43;
	v38 =	vld [tilespmem:s5+$0xC270];
	v4 =	vmovc v7;
	v7 =	vmovc v6;
	v49 =	vmul.f32 v42, v42;
	(v2sf) =	vpush v0, $0xF  }
0x198: {  	v6 =	vmovc v12;
	v52 =	vld [tilespmem:s5+$0xC260];
	v48 =	vadd.f32 v33, v42;
	v50 =	vmul.f32 v36, v36;
	v12 =	vadd.f32 v1, v28;
	s20 =	sshra.s32 s1, $0x1;
	s1 =	smul.f32 $5.000000000e-01, s1  }
0x199: {  	v55 =	vld [tilespmem:s5+$0xC240];
	v39 =	vadd.f32 v60, v49;
	v1 =	vmul.f32 v15, v15;
	v28 =	vmul.f32 v9, v9;
	s9 =	ssub.s32 $0x5F3759DF, s20  }
0x19a: {  	v60 =	vld [tilespmem:s5+$0x4270];
	v61 =	vadd.f32 v9, v12;
	v62 =	vmul.f32 v12, v12;
	v54 =	vadd.f32 v45, v43;
	s23 =	smul.f32 s9, s1  }
0x19b: {  	v51 =	vld [tilespmem:s5+$0xC200];
	v1 =	vadd.f32 v1, v50;
	v0 =	vadd.f32 v15, v36;
	v35 =	vmul.f32 v45, v45  }
0x19c: {  	v2 =	vld [tilespmem:s5+$0xC230];
	v28 =	vadd.f32 v28, v62;
	v59 =	vadd.f32 v48, v54;
	v54 =	vmov s8;
	s8 =	smul.f32 s9, s23  }
0x19d: {  	v62 =	vld [tilespmem:s5+$0x4230];
	v50 =	vadd.f32 v35, v63;
	v0 =	vadd.f32 v61, v0  }
0x19e: {  	v1 =	vadd.f32 v28, v1;
	v61 =	vld [tilespmem:s5+$0x4210];
	s8 =	ssub.f32 $1.500000000e+00, s8  }
0x19f: {  	v63 =	vld [tilespmem:s5+$0x4200];
	v28 =	vadd.f32 v39, v50;
	v0 =	vadd.f32 v59, v0  }
0x1a0: {  	v23 =	vsub.f32 v24, v54;
	v49 =	vsub.f32 v27, v54;
	v24 =	vld [tilespmem:s5+$0x4220];
	s8 =	smul.f32 s9, s8  }
0x1a1: {  	v48 =	vsub.f32 v19, v54;
	v57 =	vsub.f32 v17, v54;
	v27 =	vld [tilespmem:s5+$0x4240]  }
0x1a2: {  	v19 =	vadd.f32 v38, v60;
	v1 =	vadd.f32 v28, v1;
	v28 =	vld [tilespmem:s5+$0x4260];
	s14 =	smul.f32 s8, s1  }
0x1a3: {  	v53 =	vld [tilespmem:s5+$0xC250];
	v58 =	vsub.f32 v20, v54;
	v20 =	vadd.f32 v2, v62  }
0x1a4: {  	v46 =	vsub.f32 v18, v54;
	v17 =	vadd.f32 v40, v61;
	(xrf2) =	vadd.scan.msk.f32 $0xffff, v1;
	v1 =	vld [tilespmem:s5+$0x4250];
	s14 =	smul.f32 s14, s8  }
0x1a5: {  	s15 =	simm.s32 $0x200;
	v50 =	vsub.f32 v21, v54;
	v38 =	vmul.f32 v20, v20;
	v21 =	vadd.f32 v51, v63;
	s24 =	spop (v2sf)  }
0x1a6: {  	v41 =	vld [tilespmem:s15+$0xC210];
	v40 =	vmul.f32 v19, v19;
	v2 =	vmul.f32 v17, v17;
	v18 =	vadd.f32 v56, v24;
	s10 =	spop (v2sf);
	s14 =	ssub.f32 $1.500000000e+00, s14  }
0x1a7: {  	v39 =	vld [tilespmem:s15+$0xC270];
	v27 =	vadd.f32 v55, v27;
	v60 =	vmul.f32 v21, v21;
	v24 =	vadd.f32 v52, v28;
	s10 =	smul.f32 $7.812500000e-03, s10  }
0x1a8: {  	[tilespmem:$0x1FEB0] =	vst v23;
	v23 =	vld [tilespmem:s15+$0xC230];
	v59 =	vadd.f32 v17, v21;
	v52 =	vadd.f32 v20, v18;
	v55 =	vmul.f32 v18, v18;
	s8 =	smul.f32 s14, s8  }
0x1a9: {  	v61 =	vld [tilespmem:s15+$0xC260];
	v2 =	vadd.f32 v2, v60;
	v35 =	vmul.f32 v24, v24;
	v28 =	vadd.f32 v53, v1  }
0x1aa: {  	v63 =	vld [tilespmem:s15+$0xC250];
	v38 =	vadd.f32 v38, v55;
	v52 =	vadd.f32 v52, v59;
	v59 =	vmov s10;
	s1 =	smul.f32 s8, s1  }
0x1ab: {  	(xrf2) =	vadd.scan.msk.f32 $0xffff, v0;
	v56 =	vld [tilespmem:s15+$0xC200];
	v53 =	vmul.f32 v27, v27;
	v62 =	vmul.f32 v28, v28;
	v0 =	vsub.f32 v25, v59  }
0x1ac: {  	v2 =	vadd.f32 v38, v2;
	v38 =	vld [tilespmem:s15+$0x4270];
	s28 =	smul.f32 s1, s8  }
0x1ad: {  	v40 =	vadd.f32 v40, v35;
	v51 =	vadd.f32 v62, v53;
	[tilespmem:$0x1FED0] =	vst v0;
	v0 =	vld [tilespmem:s15+$0x4200]  }
0x1ae: {  	v37 =	vadd.f32 v19, v24;
	v55 =	vld [tilespmem:s15+$0xC240];
	v35 =	vadd.f32 v28, v27;
	s9 =	smul.f32 $7.812500000e-03, s24;
	s11 =	ssub.f32 $1.500000000e+00, s28  }
0x1af: {  	v1 =	vld [tilespmem:s15+$0x4240];
	v62 =	vsub.f32 v22, v54;
	s16 =	smul.f32 s10, s10;
	v60, _, _ =	vpop (xrf2);
	v40 =	vadd.f32 v40, v51  }
0x1b0: {  	(v2sf) =	vpush v60, $0xF;
	v60 =	vld [tilespmem:s15+$0x4210];
	v54 =	vsub.f32 v34, v59;
	s18 =	smul.f32 s11, s8  }
0x1b1: {  	v53 =	vld [tilespmem:s15+$0xC220];
	v34 =	vsub.f32 v26, v59;
	s9 =	ssub.f32 s9, s16;
	v26 =	vadd.f32 v39, v38  }
0x1b2: {  	v22 =	vld [tilespmem:s15+$0x4230];
	v39 =	vsub.f32 v30, v59;
	v30 =	vadd.f32 v56, v0;
	v0 =	vmul.f32 s18, v58  }
0x1b3: {  	v51 =	vld [tilespmem:s15+$0x4220];
	s9 =	sadd.f32 $9.999999740e-06, s9  }
0x1b4: {  	v37 =	vadd.f32 v37, v35;
	v29 =	vadd.f32 v40, v2;
	v2 =	vld [tilespmem:s15+$0x4260];
	v0 =	vmul.f32 v0, v13  }
0x1b5: {  	s2 =	sshra.s32 s9, $0x1;
	v25 =	vadd.f32 v41, v60;
	v41 =	vsub.f32 v31, v59;
	v31 =	vld [tilespmem:s15+$0x4250];
	s1 =	smul.f32 $5.000000000e-01, s9;
	s9 =	simm.s32 $0x280  }
0x1b6: {  	v52 =	vadd.f32 v37, v52;
	v0 =	vadd.f32 v0, v3;
	v3 =	vld [tilespmem:s9+$0xC250]  }
0x1b7: {  	v35, _, _ =	vpop (xrf2);
	v37 =	vsub.f32 v32, v59;
	v32 =	vadd.f32 v55, v1;
	v1 =	vld [tilespmem:s9+$0xC200]  }
0x1b8: {  	(v2sf) =	vpush v35, $0xF;
	v38 =	vsub.f32 v47, v59  }
0x1b9: {  	v22 =	vadd.f32 v23, v22;
	v23 =	vadd.f32 v53, v51  }
0x1ba: {  	(xrf2) =	vadd.scan.msk.f32 $0xffff, v29;
	v29 =	vadd.f32 v61, v2;
	v31 =	vadd.f32 v63, v31;
	v35 =	vld [tilespmem:s9+$0xC210]  }
0x1bb: {  	v47 =	vmul.f32 v22, v22;
	(xrf2) =	vadd.scan.msk.f32 $0xffff, v52;
	v52 =	vmul.f32 v23, v23;
	[tilespmem:$0x1FEF0] =	vst v3;
	v3 =	vld [tilespmem:$0x1FF10]  }
0x1bc: {  	v56 =	vadd.f32 v26, v29;
	v63 =	vadd.f32 v31, v32;
	v53 =	vmul.f32 s18, v57;
	[tilespmem:$0x1FEE0] =	vst v1;
	v1 =	vld [tilespmem:s9+$0xC260]  }
0x1bd: {  	v60 =	vld [tilespmem:s9+$0xC230]  }
0x1be: {  	v47 =	vadd.f32 v47, v52;
	v52 =	vadd.f32 v56, v63;
	v63 =	vld [tilespmem:s9+$0xC240];
	v53 =	vmul.f32 v53, v8  }
0x1bf: {  	v2 =	vmul.f32 v26, v26;
	v55 =	vmul.f32 v29, v29;
	v57 =	vld [tilespmem:s9+$0xC270];
	[tilespmem:s31+$0x14200] =	vst v0  }
0x1c0: {  	v56 =	vld [tilespmem:s9+$0xC220];
	v53 =	vadd.f32 v53, v3  }
0x1c1: {  	v2 =	vadd.f32 v2, v55;
	v58 =	vmul.f32 v32, v32;
	[tilespmem:$0x1FEC0] =	vst v1;
	v55 =	vld [tilespmem:s9+$0x4270]  }
0x1c2: {  	v8 =	vadd.f32 v22, v23;
	v1 =	vmul.f32 v31, v31;
	v0 =	vadd.f32 v25, v30;
	[tilespmem:s31+$0x14270] =	vst v53;
	v53 =	vld [tilespmem:$0x1FFD0];
	_ =	sdelay $0x1  }
0x1c3: {  	v1 =	vadd.f32 v1, v58;
	v0 =	vadd.f32 v8, v0  }
0x1c4: {  	s12 =	ssub.s32 $0x5F3759DF, s2;
	v50 =	vmul.f32 s18, v50  }
0x1c5: {  	v40 =	vsub.f32 v44, v59;
	s14 =	smul.f32 s12, s1;
	s28 =	spop (v2sf);
	v1 =	vadd.f32 v2, v1;
	v2, _, _ =	vpop (xrf2)  }
0x1c6: {  	s20 =	spop (v2sf);
	v46 =	vmul.f32 s18, v46;
	(v2sf) =	vpush v2, $0xF;
	v2 =	vmul.f32 v50, v53  }
0x1c7: {  	v44 =	vmul.f32 v25, v25;
	v51 =	vmul.f32 v30, v30;
	s24 =	smul.f32 s12, s14;
	v59 =	vadd.f32 v52, v0;
	v0, _, _ =	vpop (xrf2)  }
0x1c8: {  	v46 =	vmul.f32 v46, v14;
	(v2sf) =	vpush v0, $0xF;
	v0 =	vadd.f32 v2, v7;
	v2 =	vld [tilespmem:$0x1FEB0]  }
0x1c9: {  	v44 =	vadd.f32 v44, v51;
	s8 =	ssub.f32 $1.500000000e+00, s24  }
0x1ca: {  	v46 =	vadd.f32 v46, v6;
	v6 =	vld [tilespmem:$0x1FF00]  }
0x1cb: {  	v44 =	vadd.f32 v47, v44;
	s8 =	smul.f32 s12, s8;
	v58 =	vmul.f32 s18, v62  }
0x1cc: {  	v3 =	vmov v16  }
0x1cd: {  	s10 =	smul.f32 s8, s1;
	v1 =	vadd.f32 v1, v44;
	v44 =	vmul.f32 v58, v3;
	v47 =	vld [tilespmem:s9+$0x4210];
	v2 =	vmul.f32 s18, v2  }
0x1ce: {  	v50 =	vld [tilespmem:s9+$0x4230];
	[tilespmem:s31+$0x14210] =	vst v46  }
0x1cf: {  	s10 =	smul.f32 s10, s8;
	(xrf2) =	vadd.scan.msk.f32 $0xffff, v1;
	v1 =	vadd.f32 v44, v10;
	v51 =	vld [tilespmem:s9+$0x4260];
	[tilespmem:s31+$0x14220] =	vst v0;
	v0 =	vmul.f32 v2, v6  }
0x1d0: {  	v7 =	vld [tilespmem:s9+$0x4240]  }
0x1d1: {  	s2 =	smul.f32 $7.812500000e-03, s28;
	s10 =	ssub.f32 $1.500000000e+00, s10;
	v2 =	vld [tilespmem:s9+$0x4220];
	[tilespmem:s31+$0x14230] =	vst v1;
	v0 =	vadd.f32 v0, v11  }
0x1d2: {  	s20 =	smul.f32 $7.812500000e-03, s20;
	v8 =	vld [tilespmem:s9+$0x4200]  }
0x1d3: {  	s8 =	smul.f32 s10, s8;
	[tilespmem:s31+$0x14240] =	vst v0;
	v0 =	vld [tilespmem:$0x1FFE0]  }
0x1d4: {  	s23 =	smul.f32 s20, s20  }
0x1d5: {  	v62 =	vmul.f32 s18, v49;
	s1 =	smul.f32 s8, s1  }
0x1d6: {  	v61 =	vmov s20;
	s10 =	ssub.f32 s2, s23;
	v3 =	vld [tilespmem:$0x1FEE0];
	v1 =	vmul.f32 s18, v48  }
0x1d7: {  	v43 =	vsub.f32 v43, v61;
	v45 =	vsub.f32 v45, v61;
	s1 =	smul.f32 s1, s8;
	v44 =	vmul.f32 v62, v5  }
0x1d8: {  	s10 =	sadd.f32 $9.999999740e-06, s10;
	v16 =	vmovc v53;
	v53 =	vsub.f32 v12, v61;
	v12 =	vmov v0;
	v10 =	vmul.f32 v1, v0;
	v0 =	vld [tilespmem:$0x1FEC0]  }
0x1d9: {  	v42 =	vsub.f32 v42, v61;
	v52 =	vsub.f32 v15, v61;
	s11 =	ssub.f32 $1.500000000e+00, s1  }
0x1da: {  	s12 =	sshra.s32 s10, $0x1;
	s1 =	smul.f32 $5.000000000e-01, s10;
	v46 =	vsub.f32 v33, v61;
	v11 =	vld [tilespmem:s9+$0x4250];
	v1 =	vadd.f32 v44, v4  }
0x1db: {  	s24 =	smul.f32 s11, s8;
	v33 =	vadd.f32 v57, v55;
	s18 =	ssub.s32 $0x5F3759DF, s12;
	v49 =	vadd.f32 v3, v8;
	v3 =	vld [tilespmem:$0x1FFF0]  }
0x1dc: {  	v55 =	vsub.f32 v36, v61;
	v35 =	vadd.f32 v35, v47;
	s23 =	smul.f32 s18, s1;
	[tilespmem:s31+$0x14250] =	vst v1;
	v1 =	vld [tilespmem:$0x1FEF0]  }
0x1dd: {  	v36 =	vadd.f32 v60, v50;
	v44 =	vadd.f32 v0, v51;
	v0 =	vld [tilespmem:$0x1FED0]  }
0x1de: {  	v54 =	vmul.f32 s24, v54;
	v60 =	vmul.f32 v35, v35;
	s8 =	smul.f32 s18, s23;
	v47 =	vadd.f32 v56, v2  }
0x1df: {  	v50 =	vsub.f32 v9, v61;
	v62 =	vmul.f32 v36, v36;
	v51 =	vadd.f32 v63, v7  }
0x1e0: {  	v14 =	vmovc v5;
	v2 =	vmul.f32 v33, v33;
	s28 =	ssub.f32 $1.500000000e+00, s8;
	v61 =	vadd.f32 v36, v47;
	v58 =	vadd.f32 v10, v3  }
0x1e1: {  	s14 =	sshll.u32 s13, $0x8;
	v15 =	vmovc v6;
	v57 =	vmul.f32 v44, v44;
	v48 =	vadd.f32 v1, v11;
	v1 =	vmul.f32 v51, v51  }
0x1e2: {  	(xrf2) =	vadd.scan.msk.f32 $0xffff, v59;
	v59, _, _ =	vpop (xrf2);
	s20 =	spop (v2sf);
	s8 =	simm.s32 $0xC00;
	s23 =	smul.f32 s18, s28;
	v63 =	vadd.f32 v33, v44;
	v56 =	vmul.f32 s24, v0;
	v0 =	vmul.f32 v47, v47  }
.LBB2_5:
0x1e3: {  	s10 =	sshra.s32 s8, $0x2  }
0x1e4: {  	v6 =	vld [tilespmem:s10+$0xC270];
	v8 =	vmul.f32 v48, v48  }
0x1e5: {  	[tilespmem:s31+$0x14260] =	vst v58;
	v0 =	vadd.f32 v62, v0;
	v62 =	vld [tilespmem:$0x1FF80]  }
0x1e6: {  	v2 =	vadd.f32 v2, v57;
	v10 =	vld [tilespmem:s10+$0xC210];
	v1 =	vadd.f32 v8, v1  }
0x1e7: {  	v9 =	vmul.f32 s24, v41;
	v3 =	vadd.f32 v35, v49;
	v4 =	vmul.f32 v49, v49;
	s31 =	smov.u32 s29;
	s29 =	smov.u32 s30;
	s30 =	smov.u32 s5;
	v58 =	vld [tilespmem:s10+$0xC200]  }
0x1e8: {  	v57 =	vmovc v18;
	v18 =	vmovc v23;
	v23 =	vmov v47;
	v47 =	vmov v27;
	s5 =	smov.u32 s15;
	s15 =	smov.u32 s9;
	s9 =	smov.u32 s10;
	v1 =	vadd.f32 v2, v1;
	v2 =	vld [tilespmem:$0x1FF70]  }
0x1e9: {  	v27 =	vmovc v32;
	v7 =	vadd.f32 v48, v51;
	v32 =	vmovc v51;
	v51 =	vmov v21;
	v11 =	vld [tilespmem:s9+$0xC250];
	v4 =	vadd.f32 v60, v4  }
0x1ea: {  	v21 =	vmovc v30;
	v30 =	vmovc v49;
	v49 =	vmov v28;
	v28 =	vmov v31;
	v31 =	vmov v48;
	v48 =	vld [tilespmem:s9+$0xC240]  }
0x1eb: {  	v60 =	vmul.f32 v9, v13;
	v9 =	vld [tilespmem:s10+$0xC230];
	v0 =	vadd.f32 v0, v4  }
0x1ec: {  	v4 =	vmul.f32 v56, v62;
	v56 =	vld [tilespmem:s9+$0xC260]  }
0x1ed: {  	v0 =	vadd.f32 v1, v0;
	v1 =	vld [tilespmem:$0x1FFA0];
	v2 =	vadd.f32 v60, v2  }
0x1ee: {  	s11 =	smul.f32 s23, s1;
	s28 =	spop (v2sf);
	v62 =	vld [tilespmem:$0x1FF60]  }
0x1ef: {  	s12 =	smul.f32 $7.812500000e-03, s28;
	v7 =	vadd.f32 v63, v7;
	v3 =	vadd.f32 v61, v3;
	[tilespmem:s31+$0x14200] =	vst v2;
	v2 =	vld [tilespmem:$0x1FF10]  }
0x1f0: {  	s11 =	smul.f32 s11, s23;
	v63 =	vmul.f32 s24, v40  }
0x1f1: {  	v61 =	vld [tilespmem:$0x1FFB0];
	v3 =	vadd.f32 v7, v3  }
0x1f2: {  	v5, _, _ =	vpop (xrf2);
	s20 =	smul.f32 $7.812500000e-03, s20;
	s18 =	ssub.f32 $1.500000000e+00, s11;
	(xrf2) =	vadd.scan.msk.f32 $0xffff, v0;
	v0 =	vmov s12;
	v60 =	vld [tilespmem:$0x1FF50];
	v1 =	vmul.f32 v63, v1  }
0x1f3: {  	v40 =	vmovc v52;
	v52 =	vmul.f32 s24, v39;
	s28 =	smul.f32 s12, s12;
	(xrf2) =	vadd.scan.msk.f32 $0xffff, v3;
	v3 =	vsub.f32 v19, v0;
	v19 =	vld [tilespmem:$0x1FF30]  }
0x1f4: {  	s10 =	smul.f32 s18, s23;
	v1 =	vadd.f32 v1, v62;
	v62 =	vld [tilespmem:$0x1FF20];
	v2 =	vadd.f32 v4, v2  }
0x1f5: {  	v41 =	vmovc v55;
	v55 =	vmul.f32 s24, v38;
	(v2sf) =	vpush v59, $0xF;
	v39 =	vmovc v53;
	v53 =	vmul.f32 v52, v16;
	v8 =	vld [tilespmem:s9+$0x4270]  }
0x1f6: {  	(v2sf) =	vpush v5, $0xF;
	s11 =	ssub.f32 s20, s28;
	s2 =	smul.f32 s10, s1;
	v4 =	vld [tilespmem:s9+$0xC220];
	[tilespmem:s31+$0x14270] =	vst v2  }
0x1f7: {  	v7 =	vmul.f32 v55, v61;
	v63 =	vmul.f32 s24, v37;
	v5 =	vadd.f32 v53, v60;
	v2 =	vld [tilespmem:s9+$0x4210]  }
0x1f8: {  	s11 =	sadd.f32 $9.999999740e-06, s11;
	s1 =	smul.f32 s2, s10;
	v37 =	vmov v43;
	v43 =	vsub.f32 v47, v0;
	v53 =	vld [tilespmem:s9+$0x4230];
	[tilespmem:s31+$0x14210] =	vst v1  }
0x1f9: {  	v47 =	vsub.f32 v49, v0;
	v1 =	vmul.f32 v63, v15;
	v49 =	vld [tilespmem:s9+$0x4260];
	[tilespmem:s31+$0x14220] =	vst v5;
	v5 =	vadd.f32 v7, v62  }
0x1fa: {  	v38 =	vmov v50;
	v50 =	vsub.f32 v24, v0;
	v55 =	vsub.f32 v51, v0;
	s18 =	sshra.s32 s11, $0x1;
	s12 =	ssub.f32 $1.500000000e+00, s1;
	s1 =	smul.f32 $5.000000000e-01, s11;
	v7 =	vld [tilespmem:s9+$0x4220]  }
0x1fb: {  	v52 =	vsub.f32 v17, v0;
	s23 =	ssub.s32 $0x5F3759DF, s18;
	v63 =	vmul.f32 s24, v34;
	v34 =	vmovc v42;
	v1 =	vadd.f32 v1, v19;
	v61 =	vld [tilespmem:s9+$0x4240];
	[tilespmem:s31+$0x14230] =	vst v5  }
0x1fc: {  	s28 =	smul.f32 s23, s1;
	v42 =	vmovc v50;
	v50 =	vsub.f32 v20, v0;
	v19 =	vmovc v26;
	v26 =	vmov v33;
	v33 =	vadd.f32 v6, v8;
	v6 =	vld [tilespmem:s9+$0x4200]  }
0x1fd: {  	v59 =	vmul.f32 v54, v14;
	s24 =	smul.f32 s12, s10;
	[tilespmem:s31+$0x14240] =	vst v1;
	v8 =	vadd.f32 v9, v53;
	v53 =	vsub.f32 v57, v0;
	v0 =	vld [tilespmem:$0x1FF40]  }
0x1fe: {  	v24 =	vmovc v29;
	v29 =	vmovc v44;
	v17 =	vmov v25;
	v25 =	vmov v35;
	v2 =	vadd.f32 v10, v2;
	v1 =	vld [tilespmem:s9+$0x4250]  }
0x1ff: {  	p2 =	sne.s32 s8, $0x7E00;
	s10 =	smul.f32 s23, s28;
	v20 =	vmovc v22;
	v54 =	vmul.f32 s24, v45;
	v44 =	vadd.f32 v56, v49;
	v56 =	vmul.f32 s24, v46;
	v46 =	vmovc v3;
	v3 =	vld [tilespmem:$0x1FFF0]  }
.Ltmp3:
0x200: {  	v45 =	vmovc v47;
	v5 =	vmul.f32 v63, v12;
	v60 =	vmul.f32 v2, v2;
	v47 =	vadd.f32 v4, v7;
	(pc) =	sbr.rel @p2 .LBB2_5-.Ltmp3, $4  }
0x201: {  	v35 =	vmovc v2;
	v62 =	vmul.f32 v8, v8;
	v2 =	vmul.f32 v33, v33;
	v51 =	vadd.f32 v48, v61  }
0x202: {  	s16 =	smov.u32 s8;
	v22 =	vmovc v36;
	s10 =	ssub.f32 $1.500000000e+00, s10;
	v63 =	vadd.f32 v33, v44;
	v57 =	vmul.f32 v44, v44;
	v10 =	vadd.f32 v59, v0  }
0x203: {  	s16 =	sadd.s32 $0x200, s8;
	v36 =	vmovc v8;
	v61 =	vadd.f32 v8, v47;
	v49 =	vadd.f32 v58, v6;
	v0 =	vmul.f32 v47, v47  }
0x204: {  	s8 =	smov.u32 s16;
	s20 =	spop (v2sf);
	s23 =	smul.f32 s23, s10;
	v59, _, _ =	vpop (xrf2);
	v48 =	vadd.f32 v11, v1;
	v1 =	vmul.f32 v51, v51;
	v58 =	vadd.f32 v5, v3;
	[tilespmem:s31+$0x14250] =	vst v10  }
0x205: {  	_ = 	snop  }
0x206: {  	v3 =	vmul.f32 v49, v49;
	v4 =	vmul.f32 v48, v48  }
0x207: {  	v2 =	vadd.f32 v2, v57;
	v0 =	vadd.f32 v62, v0  }
0x208: {  	v3 =	vadd.f32 v60, v3;
	v1 =	vadd.f32 v4, v1  }
0x209: {  	v10 =	vadd.f32 v35, v49;
	v5 =	vadd.f32 v48, v51  }
0x20a: {  	v0 =	vadd.f32 v0, v3;
	v1 =	vadd.f32 v2, v1  }
0x20b: {  	v3 =	vadd.f32 v61, v10  }
0x20c: {  	v2 =	vadd.f32 v63, v5;
	v0 =	vadd.f32 v1, v0;
	_ =	sdelay $0x1  }
0x20d: {  	v1 =	vadd.f32 v2, v3  }
0x20e: {  	s8 =	spop (v2sf);
	(v2sf) =	vpush v59, $0xF;
	(xrf2) =	vadd.scan.msk.f32 $0xffff, v0  }
0x20f: {  	s10 =	smul.f32 $7.812500000e-03, s8;
	v0, _, _ =	vpop (xrf2);
	(xrf2) =	vadd.scan.msk.f32 $0xffff, v1  }
0x210: {  	s11 =	smul.f32 $7.812500000e-03, s20;
	(v2sf) =	vpush v0, $0xF  }
0x211: {  	s8 =	smul.f32 s10, s10  }
0x212: {  	s16 =	smul.f32 s23, s1  }
0x213: {  	s8 =	ssub.f32 s11, s8  }
0x214: {  	s11 =	smul.f32 s16, s23  }
0x215: {  	s8 =	sadd.f32 $9.999999740e-06, s8  }
0x216: {  	s18 =	ssub.f32 $1.500000000e+00, s11  }
0x217: {  	s16 =	sshra.s32 s8, $0x1;
	s20 =	smul.f32 $5.000000000e-01, s8  }
0x218: {  	s8 =	smul.f32 s18, s23;
	s2 =	ssub.s32 $0x5F3759DF, s16;
	v0, _, _ =	vpop (xrf2)  }
0x219: {  	s16 =	smul.f32 s2, s20;
	(v2sf) =	vpush v0, $0xF;
	v1, _, _ =	vpop (xrf2)  }
0x21a: {  	s12 =	smul.f32 s8, s1;
	(v2sf) =	vpush v1, $0xF  }
0x21b: {  	s16 =	smul.f32 s2, s16  }
0x21c: {  	s1 =	smul.f32 s12, s8  }
0x21d: {  	s16 =	ssub.f32 $1.500000000e+00, s16;
	s18 =	spop (v2sf)  }
0x21e: {  	s23 =	smul.f32 $7.812500000e-03, s18  }
0x21f: {  	s11 =	smul.f32 s2, s16;
	s28 =	spop (v2sf)  }
0x220: {  	s28 =	smul.f32 $7.812500000e-03, s28  }
0x221: {  	v60 =	vld [tilespmem:$0x1FF80];
	s16 =	smul.f32 s11, s20  }
0x222: {  	s12 =	smul.f32 s28, s28  }
0x223: {  	v59 =	vld [tilespmem:$0x1FF70];
	s1 =	ssub.f32 $1.500000000e+00, s1;
	s16 =	smul.f32 s16, s11  }
0x224: {  	v62 =	vld [tilespmem:$0x1FFA0];
	s12 =	ssub.f32 s23, s12  }
0x225: {  	v11 =	vmul.f32 s24, v38;
	v6 =	vmov s10;
	v61 =	vld [tilespmem:$0x1FF10];
	s16 =	ssub.f32 $1.500000000e+00, s16  }
0x226: {  	v38 =	vmul.f32 s24, v37;
	v7 =	vsub.f32 v27, v6;
	v2 =	vmul.f32 v56, v60;
	v56 =	vld [tilespmem:$0x1FF50];
	s23 =	smul.f32 s1, s8;
	s2 =	sadd.f32 $9.999999740e-06, s12  }
0x227: {  	v8 =	vsub.f32 v28, v6;
	v9 =	vsub.f32 v24, v6;
	v3 =	vmul.f32 s24, v39;
	v39 =	vld [tilespmem:$0x1FF30];
	s8 =	smul.f32 s16, s11  }
0x228: {  	v10 =	vmul.f32 s24, v34;
	v21 =	vsub.f32 v21, v6;
	v0 =	vmul.f32 s24, v41;
	v41 =	vld [tilespmem:$0x1FFB0];
	s11 =	spop (v2sf);
	s16 =	smul.f32 $5.000000000e-01, s2  }
0x229: {  	v17 =	vsub.f32 v17, v6;
	v63 =	vld [tilespmem:$0x1FF60];
	v5 =	vmul.f32 v38, v15;
	v3 =	vmul.f32 v3, v16;
	s12 =	sshra.s32 s2, $0x1;
	s11 =	smul.f32 $7.812500000e-03, s11;
	s18 =	spop (v2sf)  }
0x22a: {  	v37 =	vld [tilespmem:$0x1FFF0];
	v18 =	vsub.f32 v18, v6;
	v0 =	vmul.f32 v0, v13;
	v1 =	vmul.f32 s24, v40;
	s2 =	ssub.s32 $0x5F3759DF, s12;
	s1 =	smul.f32 $7.812500000e-03, s18  }
0x22b: {  	v10 =	vmul.f32 v10, v12;
	v2 =	vadd.f32 v2, v61;
	v3 =	vadd.f32 v3, v56;
	v40 =	vld [tilespmem:$0x1FF20];
	s12 =	smul.f32 s2, s16  }
0x22c: {  	v38 =	vld [tilespmem:$0x1FF40];
	v5 =	vadd.f32 v5, v39;
	v0 =	vadd.f32 v0, v59;
	v1 =	vmul.f32 v1, v62;
	s18 =	smul.f32 s1, s1  }
0x22d: {  	v4 =	vmul.f32 v11, v41;
	v11 =	vsub.f32 v19, v6;
	v19 =	vmul.f32 v54, v14;
	s12 =	smul.f32 s2, s12  }
0x22e: {  	[tilespmem:s31+$0x14260] =	vst v58;
	v6 =	vsub.f32 v20, v6;
	v1 =	vadd.f32 v1, v63;
	v24 =	vmul.f32 s23, v55;
	s24 =	smul.f32 s8, s20;
	s11 =	ssub.f32 s11, s18  }
0x22f: {  	[tilespmem:s29+$0x14200] =	vst v0;
	v0 =	vadd.f32 v10, v37;
	v27 =	vmul.f32 s23, v45;
	v28 =	vmul.f32 s23, v46;
	s12 =	ssub.f32 $1.500000000e+00, s12  }
0x230: {  	v4 =	vadd.f32 v4, v40;
	v20 =	vmul.f32 v24, v13;
	v24 =	vmul.f32 s23, v52;
	s18 =	smul.f32 s24, s8;
	s11 =	sadd.f32 $9.999999740e-06, s11  }
0x231: {  	v19 =	vadd.f32 v19, v38;
	v45 =	vmul.f32 s23, v53;
	v28 =	vmul.f32 v28, v60;
	s10 =	smul.f32 s2, s12  }
0x232: {  	[tilespmem:s29+$0x14270] =	vst v2;
	v52 =	vmov s28;
	v46 =	vadd.f32 v20, v59;
	v20 =	vmul.f32 v24, v62;
	s2 =	sshra.s32 s11, $0x1;
	s20 =	smul.f32 $5.000000000e-01, s11  }
0x233: {  	[tilespmem:s29+$0x14220] =	vst v3;
	v2 =	vadd.f32 v28, v61;
	v24 =	vmul.f32 v45, v16;
	v28 =	vmul.f32 s23, v50;
	s24 =	smul.f32 s10, s16;
	s12 =	ssub.s32 $0x5F3759DF, s2  }
0x234: {  	[tilespmem:s29+$0x14250] =	vst v19;
	v19 =	vmul.f32 v27, v14;
	v53 =	vsub.f32 v31, v52;
	v29 =	vsub.f32 v29, v52;
	s2 =	smul.f32 s12, s20  }
0x235: {  	[tilespmem:s29+$0x14210] =	vst v1;
	v27 =	vsub.f32 v30, v52;
	v3 =	vadd.f32 v24, v56;
	v24 =	vmul.f32 v28, v41;
	s11 =	smul.f32 s24, s10  }
0x236: {  	[tilespmem:s29+$0x14260] =	vst v0;
	v0 =	vsub.f32 v25, v52;
	v1 =	vadd.f32 v20, v63;
	v20 =	vmul.f32 s23, v43;
	s18 =	ssub.f32 $1.500000000e+00, s18;
	s24 =	smul.f32 s12, s2  }
0x237: {  	[tilespmem:s29+$0x14240] =	vst v5;
	v54 =	vadd.f32 v24, v40;
	v24 =	vsub.f32 v26, v52;
	v26 =	vmul.f32 s23, v42;
	s11 =	ssub.f32 $1.500000000e+00, s11  }
0x238: {  	[tilespmem:s29+$0x14230] =	vst v4;
	v55 =	vsub.f32 v23, v52;
	v28 =	vsub.f32 v32, v52;
	s8 =	smul.f32 s18, s8;
	s2 =	ssub.f32 $1.500000000e+00, s24  }
0x239: {  	[tilespmem:s30+$0x14270] =	vst v2;
	v2 =	vsub.f32 v22, v52;
	v20 =	vmul.f32 v20, v15;
	v25 =	vmul.f32 v26, v12;
	s10 =	smul.f32 s11, s10  }
0x23a: {  	[tilespmem:s30+$0x14210] =	vst v1;
	v1 =	vadd.f32 v19, v38;
	v21 =	vmul.f32 s8, v21;
	v8 =	vmul.f32 s8, v8;
	s23 =	smul.f32 s12, s2  }
0x23b: {  	v20 =	vadd.f32 v20, v39;
	v11 =	vmul.f32 s8, v11;
	v18 =	vmul.f32 s8, v18;
	s24 =	smul.f32 s10, s16  }
0x23c: {  	[tilespmem:s30+$0x14220] =	vst v3;
	v3 =	vadd.f32 v25, v37;
	v17 =	vmul.f32 s8, v17;
	v6 =	vmul.f32 s8, v6;
	s2 =	smul.f32 s23, s20  }
0x23d: {  	[tilespmem:s30+$0x14200] =	vst v46;
	v7 =	vmul.f32 s8, v7;
	v58 =	vmul.f32 v18, v16;
	v18 =	vmov s1;
	s12 =	smul.f32 s24, s10  }
0x23e: {  	[tilespmem:s30+$0x14240] =	vst v20;
	v21 =	vmul.f32 v21, v13;
	v11 =	vmul.f32 v11, v60;
	v32 =	vsub.f32 v51, v18;
	s16 =	smul.f32 s2, s23  }
0x23f: {  	[tilespmem:s30+$0x14260] =	vst v3;
	v17 =	vmul.f32 v17, v62;
	v3 =	vsub.f32 v48, v18;
	v20 =	vsub.f32 v44, v18;
	s12 =	ssub.f32 $1.500000000e+00, s12  }
0x240: {  	[tilespmem:s30+$0x14230] =	vst v54;
	v6 =	vmul.f32 v6, v41;
	v42 =	vsub.f32 v49, v18;
	v19 =	vadd.f32 v21, v59;
	s16 =	ssub.f32 $1.500000000e+00, s16  }
0x241: {  	[tilespmem:s30+$0x14250] =	vst v1;
	v7 =	vmul.f32 v7, v15;
	v43 =	vsub.f32 v36, v18;
	v57 =	vadd.f32 v11, v61;
	s1 =	smul.f32 s12, s10  }
0x242: {  	v9 =	vmul.f32 s8, v9;
	v17 =	vadd.f32 v17, v63;
	v1 =	vadd.f32 v58, v56;
	[tilespmem:s5+$0x14200] =	vst v19;
	s18 =	smul.f32 s16, s23  }
0x243: {  	v8 =	vmul.f32 v8, v14;
	v6 =	vadd.f32 v6, v40;
	v34 =	vadd.f32 v7, v39;
	[tilespmem:s5+$0x14270] =	vst v57  }
0x244: {  	v21 =	vsub.f32 v47, v18;
	v19 =	vsub.f32 v33, v18;
	[tilespmem:s5+$0x14210] =	vst v17;
	v22 =	vmul.f32 s1, v27;
	s20 =	smul.f32 s18, s20  }
0x245: {  	v17 =	vsub.f32 v35, v18;
	[tilespmem:s5+$0x14220] =	vst v1;
	v1 =	vmul.f32 v9, v12;
	v18 =	vmul.f32 s1, v24  }
0x246: {  	v44 =	vadd.f32 v8, v38;
	[tilespmem:s5+$0x14230] =	vst v6;
	v0 =	vmul.f32 s1, v0;
	v45 =	vmul.f32 v22, v13;
	s8 =	smul.f32 s20, s18  }
0x247: {  	[tilespmem:s5+$0x14240] =	vst v34;
	v1 =	vadd.f32 v1, v37;
	v10 =	vmul.f32 s1, v55;
	v46 =	vmul.f32 v18, v60  }
0x248: {  	[tilespmem:s5+$0x14250] =	vst v44;
	v2 =	vmul.f32 s1, v2;
	v0 =	vmul.f32 v0, v62;
	v47 =	vadd.f32 v45, v59;
	s8 =	ssub.f32 $1.500000000e+00, s8  }
0x249: {  	[tilespmem:s5+$0x14260] =	vst v1;
	v49 =	vmul.f32 s1, v28;
	v48 =	vmul.f32 v10, v16;
	v1 =	vadd.f32 v46, v61  }
0x24a: {  	v4 =	vmul.f32 s1, v53;
	v2 =	vmul.f32 v2, v41;
	v0 =	vadd.f32 v0, v63;
	[tilespmem:s15+$0x14200] =	vst v47;
	s23 =	smul.f32 s8, s18  }
0x24b: {  	v51 =	vmul.f32 s1, v29;
	v50 =	vmul.f32 v49, v15;
	[tilespmem:s15+$0x14270] =	vst v1;
	v1 =	vadd.f32 v48, v56  }
0x24c: {  	v4 =	vmul.f32 v4, v14;
	[tilespmem:s15+$0x14210] =	vst v0;
	v0 =	vadd.f32 v2, v40;
	v2 =	vmul.f32 s23, v42  }
0x24d: {  	v52 =	vmul.f32 v51, v12;
	[tilespmem:s15+$0x14220] =	vst v1;
	v1 =	vadd.f32 v50, v39;
	v53 =	vmul.f32 s23, v19  }
0x24e: {  	[tilespmem:s15+$0x14230] =	vst v0;
	v0 =	vadd.f32 v4, v38;
	v54 =	vmul.f32 s23, v17;
	v2 =	vmul.f32 v2, v13  }
0x24f: {  	[tilespmem:s15+$0x14240] =	vst v1;
	v1 =	vadd.f32 v52, v37;
	v57 =	vmul.f32 s23, v21;
	v55 =	vmul.f32 v53, v60  }
0x250: {  	[tilespmem:s15+$0x14250] =	vst v0;
	v58 =	vmul.f32 s23, v43;
	v0 =	vadd.f32 v2, v59;
	v2 =	vmul.f32 v54, v62  }
0x251: {  	v10 =	vmul.f32 s23, v32;
	[tilespmem:s15+$0x14260] =	vst v1;
	v9 =	vmul.f32 v57, v16;
	v1 =	vadd.f32 v55, v61  }
0x252: {  	v3 =	vmul.f32 s23, v3;
	[tilespmem:s9+$0x14200] =	vst v0;
	v0 =	vadd.f32 v2, v63;
	v2 =	vmul.f32 v58, v41  }
0x253: {  	v32 =	vmul.f32 s23, v20;
	v11 =	vmul.f32 v10, v15;
	[tilespmem:s9+$0x14270] =	vst v1;
	v1 =	vadd.f32 v9, v56  }
0x254: {  	v3 =	vmul.f32 v3, v14;
	[tilespmem:s9+$0x14210] =	vst v0;
	v0 =	vadd.f32 v2, v40  }
0x255: {  	[tilespmem:s9+$0x14220] =	vst v1;
	v1 =	vadd.f32 v11, v39;
	v2 =	vmul.f32 v32, v12  }
0x256: {  	s29 =	sshll.u32 s13, $0xF;
	s24 =	rddreg [dreg:$0x8];
	[tilespmem:s9+$0x14230] =	vst v0;
	v0 =	vadd.f32 v3, v38  }
0x257: {  	s1 =	sadd.s32 s24, s29;
	[tilespmem:s9+$0x14240] =	vst v1;
	v1 =	vadd.f32 v2, v37  }
0x258: {  	s1 =	sshrl.u32 s1, $0x3;
	[tilespmem:s9+$0x14250] =	vst v0  }
0x259: {  	p2 =	seq.s32 s13, $0x18;
	s2 =	simm.s32 $0x14200;
	s1 =	sadd.s32 s4, s1;
	[tilespmem:s9+$0x14260] =	vst v1  }
0x25a: {  	[hbm4b:s1+s7] =	stream.linear.scatter [tilespmem:s2], [sflag:$0x9], $0x2000, $0x38;
	[tilespmem:$0x1C300] =	vst v63  }
0x25b: {  	s5 =	simm.s32 @!p2 $0x40;
	s8 =	simm.s32 @!p2 $0x4200;
	s1 =	sadd.s32 @!p2 $0x100, s14  }
0x25c: {  	[tilespmem:s8], [sflag:$0x1] =	stream.indirect.gather @!p2 [hbm4b:s0+s5], $0x80, s1, s5, $0xb8;
	[tilespmem:$0x1C300] =	vst v63  }
0x25d: {  	s1 =	sadd.s32 @!p2 $0x1A00, s14;
	s8 =	simm.s32 @!p2 $0xC200  }
0x25e: {  	[tilespmem:s8], [sflag:$0x5] =	stream.indirect.gather @!p2 [spmem:s6], $0x80, s1, s5, $0xb8;
	[tilespmem:$0x1C300] =	vst v63  }
0x25f: {  	_ =	swait.ge [sflag:s17], $0x2000  }
0x260: {  	[sflag:s17] =	ssyncset.done $0x0  }
0x261: {  	[sflag:s17] =	ssyncadd.s32 $0xFFFFE000  }
0x262: {  	_ =	swait.ge [sflag:s19], $0x2000  }
0x263: {  	[sflag:s19] =	ssyncset.done $0x0  }
0x264: {  	s1 =	simm.s32 @!p1 $0xA;
	[sflag:s19] =	ssyncadd.s32 $0xFFFFE000  }
0x265: {  	_ =	swait.ge @!p1 [sflag:s1], $0x2000  }
0x266: {  	[sflag:s1] =	ssyncset.done @!p1 $0x0  }
0x267: {  	s5 =	simm.s32 $0x0;
	[sflag:s1] =	ssyncadd.s32 @!p1 $0xFFFFE000  }
0x268: {  	v0 =	vld [tilespmem:s5+$0xE270]  }
0x269: {  	v1 =	vld [tilespmem:s5+$0xE210]  }
0x26a: {  	v2 =	vld [tilespmem:s5+$0xE200]  }
0x26b: {  	v3 =	vld [tilespmem:s5+$0xE230]  }
0x26c: {  	v33 =	vld [tilespmem:s5+$0xE260]  }
0x26d: {  	v34 =	vld [tilespmem:s5+$0xE250]  }
0x26e: {  	v35 =	vld [tilespmem:s5+$0xE240]  }
0x26f: {  	v36 =	vld [tilespmem:s5+$0xE220]  }
0x270: {  	v37 =	vld [tilespmem:s5+$0x6270]  }
0x271: {  	v38 =	vld [tilespmem:s5+$0x6210]  }
0x272: {  	v39 =	vld [tilespmem:s5+$0x6230]  }
0x273: {  	v40 =	vld [tilespmem:s5+$0x6260]  }
0x274: {  	v19 =	vld [tilespmem:s5+$0x6220]  }
0x275: {  	v20 =	vld [tilespmem:s5+$0x6200]  }
0x276: {  	v23 =	vld [tilespmem:s5+$0x6240]  }
0x277: {  	v25 =	vld [tilespmem:s5+$0x6250]  }
0x278: {  	s30 =	simm.s32 $0x80;
	v18 =	vadd.f32 v1, v38;
	v22 =	vadd.f32 v3, v39  }
0x279: {  	v41 =	vld [tilespmem:s30+$0xE270];
	v17 =	vadd.f32 v0, v37;
	v21 =	vadd.f32 v36, v19  }
0x27a: {  	v45 =	vld [tilespmem:s30+$0xE210];
	v19 =	vadd.f32 v33, v40;
	v20 =	vadd.f32 v2, v20  }
0x27b: {  	v28 =	vld [tilespmem:s30+$0xE200];
	v24 =	vadd.f32 v35, v23;
	v0 =	vmul.f32 v18, v18;
	v1 =	vmul.f32 v22, v22  }
0x27c: {  	v49 =	vld [tilespmem:s30+$0xE230];
	v27 =	vadd.f32 v34, v25;
	v3 =	vmul.f32 v17, v17;
	v2 =	vmul.f32 v21, v21  }
0x27d: {  	v50 =	vld [tilespmem:s30+$0xE260];
	v42 =	vadd.f32 v22, v21;
	v43 =	vmul.f32 v19, v19;
	v44 =	vmul.f32 v20, v20  }
0x27e: {  	v53 =	vld [tilespmem:s30+$0xE250];
	v46 =	vadd.f32 v17, v19;
	v47 =	vmul.f32 v24, v24;
	v48 =	vmul.f32 v27, v27  }
0x27f: {  	v54 =	vld [tilespmem:s30+$0xE220];
	v3 =	vadd.f32 v3, v43;
	v0 =	vadd.f32 v0, v44  }
0x280: {  	v55 =	vld [tilespmem:s30+$0x6210];
	v1 =	vadd.f32 v1, v2;
	v2 =	vadd.f32 v48, v47  }
0x281: {  	v56 =	vld [tilespmem:s30+$0x6260];
	v51 =	vadd.f32 v18, v20;
	v52 =	vadd.f32 v27, v24  }
0x282: {  	v57 =	vld [tilespmem:s30+$0x6240];
	v0 =	vadd.f32 v1, v0;
	v1 =	vadd.f32 v3, v2  }
0x283: {  	v31 =	vld [tilespmem:s30+$0x6200];
	v5 =	vadd.f32 v42, v51;
	v3 =	vadd.f32 v46, v52  }
0x284: {  	v58 =	vld [tilespmem:s30+$0x6250];
	v0 =	vadd.f32 v1, v0  }
0x285: {  	v2 =	vld [tilespmem:s30+$0xE240];
	v3 =	vadd.f32 v3, v5  }
0x286: {  	v1 =	vld [tilespmem:s30+$0x6270];
	(xrf2) =	vadd.scan.msk.f32 $0xffff, v0  }
0x287: {  	v0 =	vld [tilespmem:s30+$0x6230];
	(xrf2) =	vadd.scan.msk.f32 $0xffff, v3  }
0x288: {  	v3 =	vld [tilespmem:s30+$0x6220]  }
0x289: {  	v26 =	vadd.f32 v50, v56  }
0x28a: {  	v31 =	vadd.f32 v28, v31;
	v34 =	vadd.f32 v53, v58  }
0x28b: {  	v29 =	vadd.f32 v45, v55;
	v38 =	vmul.f32 v26, v26;
	v32 =	vadd.f32 v2, v57  }
0x28c: {  	s31 =	simm.s32 $0x100;
	v39 =	vmul.f32 v31, v31;
	v46 =	vmul.f32 v34, v34;
	v25 =	vadd.f32 v41, v1  }
0x28d: {  	v28 =	vld [tilespmem:s31+$0xE210];
	v45 =	vmul.f32 v32, v32;
	v23 =	vadd.f32 v49, v0;
	v30 =	vadd.f32 v54, v3  }
0x28e: {  	v53 =	vld [tilespmem:s31+$0xE240];
	v50 =	vadd.f32 v34, v32;
	v0 =	vmul.f32 v29, v29;
	v2 =	vmul.f32 v25, v25  }
0x28f: {  	v55 =	vld [tilespmem:s31+$0x6210];
	v47 =	vadd.f32 v46, v45;
	v1 =	vmul.f32 v23, v23;
	v36 =	vmul.f32 v30, v30  }
0x290: {  	v56 =	vld [tilespmem:s31+$0x6260];
	v2 =	vadd.f32 v2, v38;
	v0 =	vadd.f32 v0, v39;
	v37, _, _ =	vpop (xrf2)  }
0x291: {  	v58 =	vld [tilespmem:s31+$0x6200];
	v1 =	vadd.f32 v1, v36;
	v40, _, _ =	vpop (xrf2);
	(v2sf) =	vpush v37, $0xF  }
0x292: {  	v48 =	vld [tilespmem:s31+$0xE230];
	v7 =	vadd.f32 v25, v26;
	(v2sf) =	vpush v40, $0xF  }
0x293: {  	v51 =	vld [tilespmem:s31+$0xE260];
	v0 =	vadd.f32 v1, v0;
	v1 =	vadd.f32 v2, v47  }
0x294: {  	v5 =	vld [tilespmem:s31+$0xE200];
	v49 =	vadd.f32 v29, v31;
	v3 =	vadd.f32 v23, v30  }
0x295: {  	v57 =	vld [tilespmem:s31+$0x6240];
	v0 =	vadd.f32 v1, v0  }
0x296: {  	v41 =	vld [tilespmem:s31+$0xE270];
	v52 =	vadd.f32 v7, v50;
	v3 =	vadd.f32 v3, v49  }
0x297: {  	(xrf2) =	vadd.scan.msk.f32 $0xffff, v0;
	v0 =	vld [tilespmem:s31+$0x6230]  }
0x298: {  	v54 =	vld [tilespmem:s31+$0x6270];
	v3 =	vadd.f32 v52, v3  }
0x299: {  	v2 =	vld [tilespmem:s31+$0xE250]  }
0x29a: {  	v1 =	vld [tilespmem:s31+$0xE220];
	(xrf2) =	vadd.scan.msk.f32 $0xffff, v3  }
0x29b: {  	v3 =	vld [tilespmem:s31+$0x6220]  }
0x29c: {  	v44 =	vadd.f32 v48, v0;
	v0 =	vld [tilespmem:s31+$0x6250]  }
0x29d: {  	v42 =	vadd.f32 v51, v56;
	v43 =	vadd.f32 v53, v57  }
0x29e: {  	s15 =	simm.s32 $0x180;
	v35 =	vadd.f32 v5, v58;
	v33 =	vadd.f32 v41, v54  }
0x29f: {  	v4 =	vld [tilespmem:s15+$0xE270];
	v53 =	vmul.f32 v43, v43;
	v36 =	vadd.f32 v28, v55;
	v28 =	vmul.f32 v42, v42  }
0x2a0: {  	v8 =	vld [tilespmem:s15+$0xE210];
	v37 =	vmul.f32 v35, v35;
	v48 =	vmul.f32 v33, v33;
	v47 =	vadd.f32 v1, v3  }
0x2a1: {  	v11 =	vld [tilespmem:s15+$0xE200];
	v52 =	vadd.f32 v33, v42;
	v1 =	vmul.f32 v36, v36;
	s2 =	spop (v2sf);
	v45 =	vadd.f32 v2, v0  }
0x2a2: {  	v56 =	vld [tilespmem:s15+$0xE220];
	v3 =	vmul.f32 v44, v44;
	v6 =	vadd.f32 v48, v28;
	v50 =	vmul.f32 v47, v47;
	s9 =	spop (v2sf)  }
0x2a3: {  	v58 =	vld [tilespmem:s15+$0x6210];
	v49 =	vadd.f32 v44, v47;
	v1 =	vadd.f32 v1, v37;
	v51, _, _ =	vpop (xrf2);
	s8 =	smul.f32 $7.812500000e-03, s9;
	v28 =	vmul.f32 v45, v45  }
0x2a4: {  	v57 =	vld [tilespmem:s15+$0x6270];
	v3 =	vadd.f32 v3, v50;
	v0, _, _ =	vpop (xrf2);
	(v2sf) =	vpush v51, $0xF;
	s1 =	smul.f32 $7.812500000e-03, s2  }
0x2a5: {  	v38 =	vld [tilespmem:s15+$0xE260];
	(v2sf) =	vpush v0, $0xF;
	s10 =	smul.f32 s8, s8;
	v55 =	vadd.f32 v28, v53  }
0x2a6: {  	v39 =	vld [tilespmem:s15+$0xE250];
	v0 =	vadd.f32 v36, v35;
	v54 =	vadd.f32 v45, v43  }
0x2a7: {  	v41 =	vld [tilespmem:s15+$0x6260];
	v1 =	vadd.f32 v3, v1;
	s1 =	ssub.f32 s1, s10;
	v3 =	vadd.f32 v6, v55  }
0x2a8: {  	v40 =	vld [tilespmem:s15+$0x6230];
	v5 =	vadd.f32 v52, v54;
	v0 =	vadd.f32 v49, v0  }
0x2a9: {  	v2 =	vld [tilespmem:s15+$0xE230];
	s1 =	sadd.f32 $9.999999740e-06, s1;
	v1 =	vadd.f32 v3, v1;
	v3 =	vmov s8  }
0x2aa: {  	v0 =	vadd.f32 v5, v0;
	v55 =	vld [tilespmem:s15+$0x6200];
	v49 =	vsub.f32 v24, v3  }
0x2ab: {  	v37 =	vld [tilespmem:s15+$0xE240];
	v46 =	vsub.f32 v27, v3;
	v19 =	vsub.f32 v19, v3;
	s11 =	sshra.s32 s1, $0x1;
	s1 =	smul.f32 $5.000000000e-01, s1  }
0x2ac: {  	v24 =	vld [tilespmem:s15+$0x6220];
	v52 =	vsub.f32 v17, v3;
	v17 =	vadd.f32 v8, v58;
	s12 =	ssub.s32 $0x5F3759DF, s11  }
0x2ad: {  	v27 =	vld [tilespmem:s15+$0x6240];
	v50 =	vsub.f32 v21, v3;
	[tilespmem:$0x1FEA0] =	vst v19;
	v19 =	vadd.f32 v4, v57;
	s16 =	smul.f32 s12, s1  }
0x2ae: {  	s9 =	simm.s32 $0x200;
	(xrf2) =	vadd.scan.msk.f32 $0xffff, v1;
	v1 =	vld [tilespmem:s15+$0x6250];
	v4 =	vsub.f32 v20, v3;
	v20 =	vadd.f32 v2, v40  }
0x2af: {  	v9 =	vld [tilespmem:s9+$0xE210];
	(xrf2) =	vadd.scan.msk.f32 $0xffff, v0;
	v0 =	vsub.f32 v18, v3;
	v21 =	vadd.f32 v11, v55;
	s8 =	smul.f32 s12, s16  }
0x2b0: {  	v7 =	vld [tilespmem:s9+$0xE200];
	v2 =	vmul.f32 v17, v17;
	v3 =	vsub.f32 v22, v3;
	v6 =	vmul.f32 v20, v20  }
0x2b1: {  	v48 =	vld [tilespmem:s9+$0x6200];
	v58 =	vmul.f32 v21, v21;
	v18 =	vadd.f32 v56, v24;
	v24 =	vadd.f32 v38, v41;
	s8 =	ssub.f32 $1.500000000e+00, s8  }
0x2b2: {  	v53 =	vld [tilespmem:s9+$0xE260];
	v40 =	vadd.f32 v17, v21;
	v56 =	vmul.f32 v19, v19;
	v27 =	vadd.f32 v37, v27  }
0x2b3: {  	v8 =	vld [tilespmem:s9+$0xE270];
	v28 =	vadd.f32 v39, v1;
	v2 =	vadd.f32 v2, v58;
	v38 =	vmul.f32 v24, v24;
	s8 =	smul.f32 s12, s8  }
0x2b4: {  	v22 =	vld [tilespmem:s9+$0x6230];
	v10 =	vadd.f32 v20, v18;
	v57 =	vmul.f32 v18, v18;
	v11 =	vadd.f32 v19, v24  }
0x2b5: {  	v1 =	vld [tilespmem:s9+$0xE230];
	v39 =	vmul.f32 v27, v27;
	v51 =	vmul.f32 v28, v28;
	v5 =	vadd.f32 v56, v38;
	s23 =	smul.f32 s8, s1  }
0x2b6: {  	v55 =	vld [tilespmem:s9+$0xE250];
	v38 =	vadd.f32 v28, v27;
	v6 =	vadd.f32 v6, v57  }
0x2b7: {  	v41 =	vld [tilespmem:s9+$0x6210];
	s18 =	spop (v2sf);
	v10 =	vadd.f32 v10, v40;
	v51 =	vadd.f32 v51, v39;
	s12 =	smul.f32 s23, s8  }
0x2b8: {  	s20 =	spop (v2sf);
	v56 =	vld [tilespmem:s9+$0xE240];
	v11 =	vadd.f32 v11, v38;
	v54, _, _ =	vpop (xrf2);
	v2 =	vadd.f32 v6, v2  }
0x2b9: {  	s11 =	smul.f32 $7.812500000e-03, s20;
	v57 =	vld [tilespmem:s9+$0xE220];
	v58, _, _ =	vpop (xrf2);
	v5 =	vadd.f32 v5, v51;
	(v2sf) =	vpush v54, $0xF;
	s12 =	ssub.f32 $1.500000000e+00, s12  }
0x2ba: {  	v6 =	vld [tilespmem:s9+$0x6270];
	v22 =	vadd.f32 v1, v22;
	(v2sf) =	vpush v58, $0xF  }
0x2bb: {  	v1 =	vld [tilespmem:s9+$0x6250];
	v10 =	vadd.f32 v11, v10;
	v2 =	vadd.f32 v5, v2;
	v5 =	vmov s11;
	s8 =	smul.f32 s12, s8  }
0x2bc: {  	v11 =	vld [tilespmem:s9+$0x6260];
	v37 =	vsub.f32 v32, v5;
	v54 =	vsub.f32 v34, v5  }
0x2bd: {  	v58 =	vld [tilespmem:s9+$0x6240];
	v34 =	vsub.f32 v26, v5;
	v51 =	vsub.f32 v25, v5;
	s1 =	smul.f32 s8, s1  }
0x2be: {  	s10 =	smul.f32 $7.812500000e-03, s18;
	v32 =	vld [tilespmem:s9+$0x6220];
	v25 =	vadd.f32 v9, v41;
	v41 =	vsub.f32 v31, v5  }
0x2bf: {  	v40 =	vsub.f32 v29, v5;
	v39 =	vsub.f32 v30, v5;
	s1 =	smul.f32 s1, s8  }
0x2c0: {  	s24 =	smul.f32 s11, s11;
	v38 =	vsub.f32 v23, v5;
	v30 =	vadd.f32 v7, v48  }
0x2c1: {  	v5 =	vmul.f32 v22, v22;
	v26 =	vadd.f32 v8, v6;
	v31 =	vadd.f32 v55, v1;
	s1 =	ssub.f32 $1.500000000e+00, s1  }
0x2c2: {  	s10 =	ssub.f32 s10, s24;
	s24 =	simm.s32 $0x280;
	v8 =	vmul.f32 v25, v25;
	v48 =	vmul.f32 v30, v30;
	v29 =	vadd.f32 v53, v11  }
0x2c3: {  	(xrf2) =	vadd.scan.msk.f32 $0xffff, v2;
	v6 =	vld [tilespmem:s24+$0xE210];
	v2 =	vmul.f32 v26, v26;
	v23 =	vadd.f32 v57, v32;
	v32 =	vadd.f32 v56, v58;
	s1 =	smul.f32 s1, s8  }
0x2c4: {  	v1 =	vld [tilespmem:s24+$0xE200];
	(xrf2) =	vadd.scan.msk.f32 $0xffff, v10;
	v10 =	vmul.f32 v29, v29;
	v58 =	vmul.f32 v31, v31  }
0x2c5: {  	v11 =	vld [tilespmem:s24+$0xE270];
	v55 =	vmul.f32 v32, v32;
	v9 =	vmul.f32 s1, v52  }
0x2c6: {  	s10 =	sadd.f32 $9.999999740e-06, s10;
	v53 =	vld [tilespmem:$0x1FF50];
	v8 =	vadd.f32 v8, v48;
	v7 =	vmul.f32 v23, v23;
	v4 =	vmul.f32 s1, v4  }
0x2c7: {  	v48 =	vld [tilespmem:s24+$0xE250];
	v2 =	vadd.f32 v2, v10;
	v9 =	vmul.f32 v9, v60;
	v60 =	vadd.f32 v58, v55  }
0x2c8: {  	s2 =	sshra.s32 s10, $0x1;
	s16 =	smul.f32 $5.000000000e-01, s10;
	v56 =	vld [tilespmem:s24+$0xE230];
	v10 =	vadd.f32 v31, v32;
	v5 =	vadd.f32 v5, v7;
	v4 =	vmul.f32 v4, v13  }
0x2c9: {  	s12 =	ssub.s32 $0x5F3759DF, s2;
	v52 =	vadd.f32 v26, v29;
	v2 =	vadd.f32 v2, v60;
	v60 =	vld [tilespmem:$0x1FFD0]  }
0x2ca: {  	s11 =	smul.f32 s12, s16;
	v57 =	vld [tilespmem:s24+$0xE260];
	v5 =	vadd.f32 v5, v8;
	v4 =	vadd.f32 v4, v59  }
0x2cb: {  	v0 =	vmul.f32 s1, v0;
	v7 =	vadd.f32 v52, v10;
	v10 =	vld [tilespmem:s24+$0xE240];
	v52 =	vadd.f32 v22, v23  }
0x2cc: {  	s18 =	smul.f32 s12, s11;
	v50 =	vmul.f32 s1, v50;
	v55 =	vld [tilespmem:$0x1FFB0];
	[tilespmem:s5+$0x16200] =	vst v4;
	v4 =	vadd.f32 v25, v30;
	v2 =	vadd.f32 v2, v5  }
0x2cd: {  	v0 =	vmul.f32 v0, v62;
	v9 =	vadd.f32 v9, v61;
	v59, _, _ =	vpop (xrf2);
	v58 =	vld [tilespmem:s24+$0xE220]  }
0x2ce: {  	s8 =	ssub.f32 $1.500000000e+00, s18;
	v61, _, _ =	vpop (xrf2);
	v4 =	vadd.f32 v52, v4;
	(xrf2) =	vadd.scan.msk.f32 $0xffff, v2;
	v2 =	vld [tilespmem:$0x1FF20];
	v8 =	vmul.f32 v50, v60  }
0x2cf: {  	s20 =	spop (v2sf);
	v3 =	vmul.f32 s1, v3;
	v0 =	vadd.f32 v0, v63;
	v52 =	vld [tilespmem:s24+$0x6270];
	[tilespmem:s5+$0x16270] =	vst v9  }
0x2d0: {  	s8 =	smul.f32 s12, s8;
	s23 =	spop (v2sf);
	v9 =	vld [tilespmem:s24+$0x6210];
	v4 =	vadd.f32 v7, v4;
	v7 =	vadd.f32 v8, v53  }
0x2d1: {  	s12 =	smul.f32 $7.812500000e-03, s23;
	v3 =	vmul.f32 v3, v55;
	v62 =	vld [tilespmem:s24+$0x6230];
	[tilespmem:s5+$0x16210] =	vst v0  }
0x2d2: {  	(v2sf) =	vpush v59, $0xF;
	v59 =	vld [tilespmem:s24+$0x6260];
	[tilespmem:s5+$0x16220] =	vst v7  }
0x2d3: {  	v8 =	vmov s12;
	v2 =	vadd.f32 v3, v2;
	v3 =	vld [tilespmem:s24+$0x6220]  }
0x2d4: {  	v63 =	vmul.f32 s1, v46;
	v46 =	vsub.f32 v33, v8;
	v33 =	vadd.f32 v11, v52;
	v11 =	vld [tilespmem:s24+$0x6240]  }
0x2d5: {  	s10 =	smul.f32 s8, s16;
	[tilespmem:s5+$0x16230] =	vst v2;
	v2 =	vld [tilespmem:$0x1FF30]  }
0x2d6: {  	v0 =	vmul.f32 s1, v49  }
0x2d7: {  	s10 =	smul.f32 s10, s8  }
0x2d8: {  	v0 =	vmul.f32 v0, v15  }
0x2d9: {  	s20 =	smul.f32 $7.812500000e-03, s20;
	s10 =	ssub.f32 $1.500000000e+00, s10  }
0x2da: {  	s2 =	smul.f32 s12, s12;
	v0 =	vadd.f32 v0, v2  }
0x2db: {  	s8 =	smul.f32 s10, s8;
	v55 =	vsub.f32 v35, v8;
	v35 =	vadd.f32 v6, v9;
	v6 =	vld [tilespmem:s24+$0x6200]  }
0x2dc: {  	s10 =	ssub.f32 s20, s2;
	[tilespmem:s5+$0x16240] =	vst v0;
	v0 =	vld [tilespmem:$0x1FF40]  }
0x2dd: {  	s23 =	smul.f32 s8, s16  }
0x2de: {  	(v2sf) =	vpush v61, $0xF;
	s10 =	sadd.f32 $9.999999740e-06, s10;
	v2 =	vld [tilespmem:$0x1FEA0]  }
0x2df: {  	v43 =	vsub.f32 v43, v8;
	s11 =	smul.f32 s23, s8;
	v53 =	vsub.f32 v47, v8;
	v7 =	vmul.f32 v63, v14  }
0x2e0: {  	s2 =	sshra.s32 s10, $0x1;
	s16 =	smul.f32 $5.000000000e-01, s10;
	v50 =	vsub.f32 v44, v8;
	v52 =	vsub.f32 v36, v8  }
0x2e1: {  	s12 =	ssub.s32 $0x5F3759DF, s2;
	s11 =	ssub.f32 $1.500000000e+00, s11;
	v47 =	vadd.f32 v58, v3;
	v3 =	vadd.f32 v7, v0  }
0x2e2: {  	v36 =	vadd.f32 v56, v62;
	s18 =	smul.f32 s12, s16;
	v44 =	vadd.f32 v57, v59;
	v9 =	vld [tilespmem:s24+$0x6250]  }
0x2e3: {  	v45 =	vsub.f32 v45, v8;
	v42 =	vsub.f32 v42, v8;
	v2 =	vmul.f32 s1, v2;
	s1 =	smul.f32 s11, s8;
	[tilespmem:s5+$0x16250] =	vst v3;
	v3 =	vld [tilespmem:$0x1FFF0]  }
0x2e4: {  	v60 =	vmul.f32 v35, v35;
	v62 =	vmul.f32 v36, v36;
	v63 =	vadd.f32 v33, v44;
	s8 =	smul.f32 s12, s18  }
0x2e5: {  	v57 =	vmul.f32 v44, v44;
	v61 =	vadd.f32 v36, v47;
	v5 =	vmul.f32 v2, v12  }
0x2e6: {  	v54 =	vmul.f32 s1, v54;
	v56 =	vmul.f32 s1, v51;
	v51 =	vadd.f32 v10, v11;
	s20 =	ssub.f32 $1.500000000e+00, s8  }
0x2e7: {  	v49 =	vadd.f32 v1, v6;
	v2 =	vmul.f32 v33, v33;
	v0 =	vmul.f32 v47, v47  }
0x2e8: {  	(xrf2) =	vadd.scan.msk.f32 $0xffff, v4;
	v59, _, _ =	vpop (xrf2);
	s23 =	spop (v2sf);
	s8 =	simm.s32 $0xC00;
	v48 =	vadd.f32 v48, v9;
	v1 =	vmul.f32 v51, v51;
	s28 =	smul.f32 s12, s20;
	v58 =	vadd.f32 v5, v3  }
.LBB2_7:
0x2e9: {  	_ = 	snop  }
0x2ea: {  	s10 =	sshra.s32 s8, $0x2;
	v9 =	vmul.f32 v48, v48  }
0x2eb: {  	v7 =	vld [tilespmem:s10+$0xE270];
	[tilespmem:s5+$0x16260] =	vst v58  }
0x2ec: {  	v2 =	vadd.f32 v2, v57;
	v11 =	vld [tilespmem:s10+$0xE210];
	v1 =	vadd.f32 v9, v1  }
0x2ed: {  	s5 =	smov.u32 s30;
	s30 =	smov.u32 s31;
	s31 =	smov.u32 s15;
	v58 =	vld [tilespmem:s10+$0xE200]  }
0x2ee: {  	v6 =	vmov v27;
	v4 =	vmul.f32 v49, v49;
	s15 =	smov.u32 s9;
	s9 =	smov.u32 s24;
	s24 =	smov.u32 s10;
	v1 =	vadd.f32 v2, v1;
	v2 =	vld [tilespmem:$0x1FF70]  }
0x2ef: {  	v27 =	vmovc v32;
	v10 =	vmul.f32 s1, v41;
	v32 =	vmovc v51;
	v3 =	vadd.f32 v35, v49;
	v8 =	vadd.f32 v48, v51;
	v51 =	vld [tilespmem:s24+$0xE260]  }
0x2f0: {  	v57 =	vmovc v18;
	v18 =	vmov v23;
	v0 =	vadd.f32 v62, v0;
	v12 =	vld [tilespmem:s24+$0xE250];
	v4 =	vadd.f32 v60, v4  }
0x2f1: {  	v23 =	vmovc v47;
	v47 =	vmovc v21;
	v21 =	vmov v30;
	v60 =	vmul.f32 v10, v13;
	v3 =	vadd.f32 v61, v3;
	v61 =	vld [tilespmem:$0x1FF80]  }
0x2f2: {  	v30 =	vmovc v49;
	v49 =	vmovc v28;
	v28 =	vmov v31;
	v31 =	vmov v48;
	v48 =	vld [tilespmem:s24+$0xE240];
	v0 =	vadd.f32 v0, v4  }
0x2f3: {  	v10 =	vld [tilespmem:s10+$0xE230];
	v2 =	vadd.f32 v60, v2  }
0x2f4: {  	v0 =	vadd.f32 v1, v0;
	v1 =	vld [tilespmem:$0x1FFA0]  }
0x2f5: {  	[tilespmem:s5+$0x16200] =	vst v2;
	v2 =	vld [tilespmem:$0x1FF10]  }
0x2f6: {  	v4 =	vmul.f32 v56, v61;
	v61 =	vld [tilespmem:$0x1FF90]  }
0x2f7: {  	v14 =	vld [tilespmem:$0x1FFB0];
	v62 =	vmul.f32 s1, v40  }
0x2f8: {  	s11 =	spop (v2sf);
	(v2sf) =	vpush v59, $0xF;
	v59 =	vld [tilespmem:$0x1FF60]  }
0x2f9: {  	s12 =	smov.u32 s8;
	v1 =	vmul.f32 v62, v1;
	v62 =	vld [tilespmem:$0x1FF50]  }
0x2fa: {  	s12 =	smul.f32 s28, s16;
	v9 =	vld [tilespmem:s24+$0x6270];
	v2 =	vadd.f32 v4, v2  }
0x2fb: {  	v56 =	vmul.f32 v54, v61;
	v61 =	vld [tilespmem:$0x1FF20]  }
0x2fc: {  	v8 =	vadd.f32 v63, v8;
	s2 =	smul.f32 s12, s28;
	v63 =	vmul.f32 s1, v39;
	v4 =	vld [tilespmem:s24+$0xE220];
	[tilespmem:s5+$0x16270] =	vst v2  }
0x2fd: {  	s20 =	sadd.s32 $0x200, s8;
	p3 =	sne.s32 s8, $0x7E00;
	s8 =	smul.f32 $7.812500000e-03, s11;
	v1 =	vadd.f32 v1, v59;
	v2 =	vld [tilespmem:s24+$0x6210]  }
0x2fe: {  	v40 =	vmov v52;
	s11 =	ssub.f32 $1.500000000e+00, s2;
	s2 =	smul.f32 $7.812500000e-03, s23;
	v52 =	vmul.f32 v63, v16;
	v63 =	vld [tilespmem:s24+$0x6230]  }
0x2ff: {  	v5, _, _ =	vpop (xrf2);
	v39 =	vmov v53;
	v53 =	vmul.f32 s1, v38;
	v3 =	vadd.f32 v8, v3;
	s12 =	smul.f32 s8, s8;
	[tilespmem:s5+$0x16210] =	vst v1;
	v1 =	vld [tilespmem:$0x1FF00]  }
0x300: {  	(v2sf) =	vpush v5, $0xF;
	s10 =	smul.f32 s11, s28;
	(xrf2) =	vadd.scan.msk.f32 $0xffff, v0;
	v0 =	vmov s8  }
0x301: {  	v8 =	vmul.f32 v53, v14;
	s11 =	ssub.f32 s2, s12;
	(xrf2) =	vadd.scan.msk.f32 $0xffff, v3;
	v3 =	vsub.f32 v19, v0;
	v19 =	vld [tilespmem:$0x1FF30];
	v5 =	vadd.f32 v52, v62  }
0x302: {  	s18 =	smul.f32 s10, s16;
	v60 =	vmul.f32 s1, v37;
	v37 =	vmovc v43;
	v43 =	vsub.f32 v6, v0;
	v6 =	vsub.f32 v49, v0  }
0x303: {  	v41 =	vmov v55;
	s11 =	sadd.f32 $9.999999740e-06, s11;
	v55 =	vsub.f32 v47, v0;
	v53 =	vsub.f32 v57, v0;
	v49 =	vld [tilespmem:s24+$0x6260];
	[tilespmem:s5+$0x16220] =	vst v5  }
0x304: {  	v38 =	vmovc v50;
	v50 =	vsub.f32 v20, v0;
	s23 =	smul.f32 s18, s10;
	v5 =	vadd.f32 v8, v61;
	v8 =	vld [tilespmem:s24+$0x6220];
	v1 =	vmul.f32 v60, v1  }
0x305: {  	s2 =	sshra.s32 s11, $0x1;
	s16 =	smul.f32 $5.000000000e-01, s11;
	v52 =	vsub.f32 v17, v0;
	v60 =	vsub.f32 v24, v0;
	v0 =	vld [tilespmem:$0x1FF40]  }
0x306: {  	s8 =	ssub.f32 $1.500000000e+00, s23;
	s18 =	ssub.s32 $0x5F3759DF, s2;
	v59 =	vld [tilespmem:s24+$0x6240];
	[tilespmem:s5+$0x16230] =	vst v5;
	v1 =	vadd.f32 v1, v19  }
0x307: {  	s23 =	smul.f32 s18, s16;
	v19 =	vmov v26;
	v26 =	vmov v33;
	v33 =	vadd.f32 v7, v9;
	v7 =	vld [tilespmem:s24+$0x6200]  }
0x308: {  	v20 =	vmov v22;
	v62 =	vmul.f32 s1, v34;
	s1 =	smul.f32 s8, s10;
	v9 =	vadd.f32 v10, v63;
	v63 =	vld [tilespmem:$0x1FFE0];
	[tilespmem:s5+$0x16240] =	vst v1  }
0x309: {  	v22 =	vmovc v36;
	v34 =	vmovc v42;
	v17 =	vmov v25;
	v24 =	vmov v29;
	v2 =	vadd.f32 v11, v2;
	v1 =	vld [tilespmem:s24+$0x6250]  }
0x30a: {  	s8 =	smul.f32 s18, s23;
	v29 =	vmovc v44;
	v44 =	vadd.f32 v51, v49;
	v11 =	vadd.f32 v56, v0;
	v56 =	vmul.f32 s1, v46;
	v46 =	vmovc v3;
	v3 =	vld [tilespmem:$0x1FFF0]  }
.Ltmp4:
0x30b: {  	v25 =	vmovc v35;
	v54 =	vmul.f32 s1, v45;
	v42 =	vmovc v60;
	v60 =	vmul.f32 v2, v2;
	v47 =	vadd.f32 v4, v8;
	(pc) =	sbr.rel @p3 .LBB2_7-.Ltmp4, $4  }
0x30c: {  	v35 =	vmovc v2;
	v51 =	vadd.f32 v48, v59;
	v57 =	vmul.f32 v44, v44;
	v2 =	vmul.f32 v33, v33  }
0x30d: {  	v45 =	vmovc v6;
	s8 =	ssub.f32 $1.500000000e+00, s8;
	v61 =	vadd.f32 v9, v47;
	v0 =	vmul.f32 v47, v47;
	v5 =	vmul.f32 v62, v63  }
0x30e: {  	v36 =	vmovc v9;
	v62 =	vmul.f32 v9, v9;
	v49 =	vadd.f32 v58, v7;
	v63 =	vadd.f32 v33, v44  }
0x30f: {  	s23 =	spop (v2sf);
	s28 =	smul.f32 s18, s8;
	s8 =	smov.u32 s20;
	v59, _, _ =	vpop (xrf2);
	[tilespmem:s5+$0x16250] =	vst v11;
	v48 =	vadd.f32 v12, v1;
	v1 =	vmul.f32 v51, v51;
	v58 =	vadd.f32 v5, v3  }
0x310: {  	_ = 	snop  }
0x311: {  	v3 =	vmul.f32 v49, v49;
	v4 =	vmul.f32 v48, v48  }
0x312: {  	v2 =	vadd.f32 v2, v57;
	v0 =	vadd.f32 v62, v0  }
0x313: {  	v3 =	vadd.f32 v60, v3;
	v1 =	vadd.f32 v4, v1  }
0x314: {  	v10 =	vadd.f32 v35, v49;
	v5 =	vadd.f32 v48, v51  }
0x315: {  	v0 =	vadd.f32 v0, v3;
	v1 =	vadd.f32 v2, v1  }
0x316: {  	v3 =	vadd.f32 v61, v10  }
0x317: {  	v2 =	vadd.f32 v63, v5;
	v0 =	vadd.f32 v1, v0;
	_ =	sdelay $0x1  }
0x318: {  	v1 =	vadd.f32 v2, v3  }
0x319: {  	s8 =	spop (v2sf);
	(v2sf) =	vpush v59, $0xF;
	(xrf2) =	vadd.scan.msk.f32 $0xffff, v0  }
0x31a: {  	s11 =	smul.f32 $7.812500000e-03, s8;
	v0, _, _ =	vpop (xrf2);
	(xrf2) =	vadd.scan.msk.f32 $0xffff, v1  }
0x31b: {  	s10 =	smul.f32 $7.812500000e-03, s23;
	(v2sf) =	vpush v0, $0xF  }
0x31c: {  	s8 =	smul.f32 s11, s11  }
0x31d: {  	s23 =	smul.f32 s28, s16  }
0x31e: {  	s8 =	ssub.f32 s10, s8  }
0x31f: {  	s12 =	smul.f32 s23, s28  }
0x320: {  	s8 =	sadd.f32 $9.999999740e-06, s8  }
0x321: {  	s2 =	ssub.f32 $1.500000000e+00, s12  }
0x322: {  	s18 =	sshra.s32 s8, $0x1;
	s10 =	smul.f32 $5.000000000e-01, s8  }
0x323: {  	s20 =	smul.f32 s2, s28;
	s12 =	ssub.s32 $0x5F3759DF, s18;
	v0, _, _ =	vpop (xrf2)  }
0x324: {  	s18 =	smul.f32 s12, s10;
	(v2sf) =	vpush v0, $0xF;
	v1, _, _ =	vpop (xrf2)  }
0x325: {  	s23 =	smul.f32 s20, s16;
	(v2sf) =	vpush v1, $0xF  }
0x326: {  	s18 =	smul.f32 s12, s18  }
0x327: {  	s16 =	smul.f32 s23, s20  }
0x328: {  	s8 =	ssub.f32 $1.500000000e+00, s18;
	s18 =	spop (v2sf)  }
0x329: {  	s18 =	smul.f32 $7.812500000e-03, s18  }
0x32a: {  	v59 =	vld [tilespmem:$0x1FF70];
	s12 =	smul.f32 s12, s8;
	s2 =	spop (v2sf)  }
0x32b: {  	v14 =	vld [tilespmem:$0x1FFA0];
	s8 =	smul.f32 $7.812500000e-03, s2  }
0x32c: {  	v62 =	vld [tilespmem:$0x1FF50];
	s2 =	smul.f32 s12, s10  }
0x32d: {  	v15 =	vld [tilespmem:$0x1FFB0];
	s28 =	smul.f32 s8, s8  }
0x32e: {  	v11 =	vmul.f32 s1, v38;
	v38 =	vmul.f32 s1, v37;
	v37 =	vld [tilespmem:$0x1FFE0];
	s16 =	ssub.f32 $1.500000000e+00, s16;
	s23 =	smul.f32 s2, s12  }
0x32f: {  	v60 =	vld [tilespmem:$0x1FF80];
	s18 =	ssub.f32 s18, s28  }
0x330: {  	v0 =	vmul.f32 s1, v41;
	v41 =	vld [tilespmem:$0x1FF00];
	s23 =	ssub.f32 $1.500000000e+00, s23  }
0x331: {  	v6 =	vmov s11;
	v61 =	vld [tilespmem:$0x1FF10];
	s28 =	smul.f32 s16, s20;
	s20 =	sadd.f32 $9.999999740e-06, s18  }
0x332: {  	v7 =	vsub.f32 v27, v6;
	v8 =	vsub.f32 v28, v6;
	v10 =	vmul.f32 s1, v34;
	v34 =	vld [tilespmem:$0x1FFF0];
	s23 =	smul.f32 s23, s12  }
0x333: {  	v9 =	vsub.f32 v24, v6;
	v17 =	vsub.f32 v17, v6;
	v63 =	vld [tilespmem:$0x1FF60];
	v4 =	vmul.f32 v11, v15;
	s12 =	spop (v2sf);
	s18 =	sshra.s32 s20, $0x1;
	s20 =	smul.f32 $5.000000000e-01, s20  }
0x334: {  	v18 =	vsub.f32 v18, v6;
	v2 =	vmul.f32 v56, v60;
	v3 =	vmul.f32 s1, v39;
	v56 =	vld [tilespmem:$0x1FF20];
	s12 =	smul.f32 $7.812500000e-03, s12;
	s2 =	spop (v2sf)  }
0x335: {  	v11 =	vsub.f32 v19, v6;
	v1 =	vmul.f32 s1, v40;
	v5 =	vmul.f32 v38, v41;
	v38 =	vld [tilespmem:$0x1FF90];
	s11 =	ssub.s32 $0x5F3759DF, s18;
	s16 =	smul.f32 $7.812500000e-03, s2  }
0x336: {  	v19 =	vsub.f32 v21, v6;
	v3 =	vmul.f32 v3, v16;
	v0 =	vmul.f32 v0, v13;
	v40 =	vld [tilespmem:$0x1FF30];
	s18 =	smul.f32 s11, s20  }
0x337: {  	v6 =	vsub.f32 v20, v6;
	v39 =	vld [tilespmem:$0x1FF40];
	v2 =	vadd.f32 v2, v61;
	v1 =	vmul.f32 v1, v14;
	s2 =	smul.f32 s16, s16  }
0x338: {  	v10 =	vmul.f32 v10, v37;
	v3 =	vadd.f32 v3, v62;
	v0 =	vadd.f32 v0, v59;
	s18 =	smul.f32 s11, s18  }
0x339: {  	[tilespmem:s5+$0x16260] =	vst v58;
	v4 =	vadd.f32 v4, v56;
	v1 =	vadd.f32 v1, v63;
	v21 =	vmul.f32 s28, v55;
	s10 =	smul.f32 s23, s10;
	s1 =	ssub.f32 s12, s2  }
0x33a: {  	[tilespmem:s30+$0x16200] =	vst v0;
	v0 =	vadd.f32 v10, v34;
	v12 =	vmul.f32 v54, v38;
	v27 =	vmul.f32 s28, v46;
	s18 =	ssub.f32 $1.500000000e+00, s18  }
0x33b: {  	v5 =	vadd.f32 v5, v40;
	v20 =	vmul.f32 v21, v13;
	v21 =	vmul.f32 s28, v52;
	s2 =	smul.f32 s10, s23;
	s1 =	sadd.f32 $9.999999740e-06, s1  }
0x33c: {  	[tilespmem:s30+$0x16270] =	vst v2;
	v12 =	vadd.f32 v12, v39;
	v28 =	vmul.f32 s28, v53;
	v27 =	vmul.f32 v27, v60;
	s5 =	smul.f32 s11, s18  }
0x33d: {  	[tilespmem:s30+$0x16220] =	vst v3;
	v24 =	vmul.f32 s28, v45;
	v54 =	vadd.f32 v20, v59;
	v20 =	vmul.f32 v21, v14;
	s12 =	sshra.s32 s1, $0x1;
	s1 =	smul.f32 $5.000000000e-01, s1  }
0x33e: {  	[tilespmem:s30+$0x16230] =	vst v4;
	v2 =	vadd.f32 v27, v61;
	v21 =	vmul.f32 v28, v16;
	v28 =	vmov s8;
	s11 =	smul.f32 s5, s20;
	s10 =	ssub.s32 $0x5F3759DF, s12  }
0x33f: {  	[tilespmem:s30+$0x16250] =	vst v12;
	v12 =	vmul.f32 v24, v38;
	v55 =	vsub.f32 v31, v28;
	v29 =	vsub.f32 v29, v28;
	s18 =	smul.f32 s10, s1  }
0x340: {  	[tilespmem:s30+$0x16260] =	vst v0;
	v27 =	vmul.f32 s28, v50;
	v24 =	vsub.f32 v30, v28;
	v0 =	vsub.f32 v25, v28;
	s2 =	ssub.f32 $1.500000000e+00, s2;
	s11 =	smul.f32 s11, s5  }
0x341: {  	[tilespmem:s30+$0x16210] =	vst v1;
	v31 =	vmul.f32 s28, v42;
	v58 =	vsub.f32 v23, v28;
	v1 =	vadd.f32 v20, v63;
	s8 =	smul.f32 s10, s18  }
0x342: {  	[tilespmem:s30+$0x16240] =	vst v5;
	v20 =	vmul.f32 s28, v43;
	v3 =	vadd.f32 v21, v62;
	v21 =	vmul.f32 v27, v15;
	s2 =	smul.f32 s2, s23;
	s11 =	ssub.f32 $1.500000000e+00, s11  }
0x343: {  	v27 =	vsub.f32 v32, v28;
	[tilespmem:s31+$0x16270] =	vst v2;
	v2 =	vsub.f32 v22, v28;
	v25 =	vmul.f32 v31, v37;
	s8 =	ssub.f32 $1.500000000e+00, s8  }
0x344: {  	v20 =	vmul.f32 v20, v41;
	v57 =	vadd.f32 v21, v56;
	v19 =	vmul.f32 s2, v19;
	s5 =	smul.f32 s11, s5  }
0x345: {  	v21 =	vsub.f32 v26, v28;
	v11 =	vmul.f32 s2, v11;
	v17 =	vmul.f32 s2, v17;
	s8 =	smul.f32 s10, s8  }
0x346: {  	[tilespmem:s31+$0x16210] =	vst v1;
	v1 =	vadd.f32 v12, v39;
	v12 =	vmul.f32 s2, v18;
	v6 =	vmul.f32 s2, v6;
	s20 =	smul.f32 s5, s20  }
0x347: {  	[tilespmem:s31+$0x16220] =	vst v3;
	v3 =	vadd.f32 v25, v34;
	v7 =	vmul.f32 s2, v7;
	v19 =	vmul.f32 v19, v13;
	s23 =	smul.f32 s8, s1  }
0x348: {  	[tilespmem:s31+$0x16200] =	vst v54;
	v20 =	vadd.f32 v20, v40;
	v11 =	vmul.f32 v11, v60;
	v17 =	vmul.f32 v17, v14;
	s10 =	smul.f32 s20, s5  }
0x349: {  	[tilespmem:s31+$0x16230] =	vst v57;
	v42 =	vmul.f32 v12, v16;
	v6 =	vmul.f32 v6, v15;
	v18 =	vadd.f32 v19, v59;
	s11 =	smul.f32 s23, s8  }
0x34a: {  	[tilespmem:s31+$0x16250] =	vst v1;
	v7 =	vmul.f32 v7, v41;
	v32 =	vadd.f32 v11, v61;
	v12 =	vadd.f32 v17, v63;
	s10 =	ssub.f32 $1.500000000e+00, s10  }
0x34b: {  	[tilespmem:s31+$0x16260] =	vst v3;
	v17 =	vmov s16;
	v1 =	vadd.f32 v42, v62;
	v6 =	vadd.f32 v6, v56;
	s11 =	ssub.f32 $1.500000000e+00, s11  }
0x34c: {  	[tilespmem:s31+$0x16240] =	vst v20;
	v8 =	vmul.f32 s2, v8;
	v45 =	vadd.f32 v7, v40;
	v43 =	vsub.f32 v51, v17;
	s5 =	smul.f32 s10, s5  }
0x34d: {  	v9 =	vmul.f32 s2, v9;
	v3 =	vsub.f32 v48, v17;
	v19 =	vsub.f32 v44, v17;
	[tilespmem:s15+$0x16200] =	vst v18;
	s8 =	smul.f32 s11, s8  }
0x34e: {  	v8 =	vmul.f32 v8, v38;
	v46 =	vsub.f32 v49, v17;
	v20 =	vsub.f32 v47, v17;
	[tilespmem:s15+$0x16270] =	vst v32  }
0x34f: {  	v48 =	vsub.f32 v36, v17;
	v18 =	vsub.f32 v33, v17;
	[tilespmem:s15+$0x16210] =	vst v12;
	v22 =	vmul.f32 s5, v24;
	s1 =	smul.f32 s8, s1  }
0x350: {  	v12 =	vsub.f32 v35, v17;
	[tilespmem:s15+$0x16220] =	vst v1;
	v1 =	vmul.f32 v9, v37;
	v17 =	vmul.f32 s5, v21  }
0x351: {  	v49 =	vadd.f32 v8, v39;
	[tilespmem:s15+$0x16230] =	vst v6;
	v0 =	vmul.f32 s5, v0;
	v50 =	vmul.f32 v22, v13;
	s1 =	smul.f32 s1, s8  }
0x352: {  	[tilespmem:s15+$0x16240] =	vst v45;
	v1 =	vadd.f32 v1, v34;
	v10 =	vmul.f32 s5, v58;
	v51 =	vmul.f32 v17, v60  }
0x353: {  	[tilespmem:s15+$0x16250] =	vst v49;
	v2 =	vmul.f32 s5, v2;
	v0 =	vmul.f32 v0, v14;
	v52 =	vadd.f32 v50, v59;
	s1 =	ssub.f32 $1.500000000e+00, s1  }
0x354: {  	[tilespmem:s15+$0x16260] =	vst v1;
	v54 =	vmul.f32 s5, v27;
	v53 =	vmul.f32 v10, v16;
	v1 =	vadd.f32 v51, v61  }
0x355: {  	v4 =	vmul.f32 s5, v55;
	v2 =	vmul.f32 v2, v15;
	v0 =	vadd.f32 v0, v63;
	[tilespmem:s9+$0x16200] =	vst v52;
	s1 =	smul.f32 s1, s8  }
0x356: {  	v57 =	vmul.f32 s5, v29;
	v55 =	vmul.f32 v54, v41;
	[tilespmem:s9+$0x16270] =	vst v1;
	v1 =	vadd.f32 v53, v62  }
0x357: {  	v4 =	vmul.f32 v4, v38;
	[tilespmem:s9+$0x16210] =	vst v0;
	v0 =	vadd.f32 v2, v56;
	v2 =	vmul.f32 s1, v46  }
0x358: {  	v58 =	vmul.f32 v57, v37;
	[tilespmem:s9+$0x16220] =	vst v1;
	v1 =	vadd.f32 v55, v40;
	v10 =	vmul.f32 s1, v18  }
0x359: {  	[tilespmem:s9+$0x16230] =	vst v0;
	v0 =	vadd.f32 v4, v39;
	v32 =	vmul.f32 s1, v12;
	v2 =	vmul.f32 v2, v13  }
0x35a: {  	[tilespmem:s9+$0x16240] =	vst v1;
	v1 =	vadd.f32 v58, v34;
	v35 =	vmul.f32 s1, v20;
	v33 =	vmul.f32 v10, v60  }
0x35b: {  	[tilespmem:s9+$0x16250] =	vst v0;
	v36 =	vmul.f32 s1, v48;
	v0 =	vadd.f32 v2, v59;
	v2 =	vmul.f32 v32, v14  }
0x35c: {  	v43 =	vmul.f32 s1, v43;
	[tilespmem:s9+$0x16260] =	vst v1;
	v42 =	vmul.f32 v35, v16;
	v1 =	vadd.f32 v33, v61  }
0x35d: {  	v3 =	vmul.f32 s1, v3;
	[tilespmem:s24+$0x16200] =	vst v0;
	v0 =	vadd.f32 v2, v63;
	v2 =	vmul.f32 v36, v15  }
0x35e: {  	v45 =	vmul.f32 s1, v19;
	v44 =	vmul.f32 v43, v41;
	[tilespmem:s24+$0x16270] =	vst v1;
	v1 =	vadd.f32 v42, v62  }
0x35f: {  	v3 =	vmul.f32 v3, v38;
	[tilespmem:s24+$0x16210] =	vst v0;
	v0 =	vadd.f32 v2, v56  }
0x360: {  	[tilespmem:s24+$0x16220] =	vst v1;
	v1 =	vadd.f32 v44, v40;
	v2 =	vmul.f32 v45, v37  }
0x361: {  	s2 =	rddreg [dreg:$0xa];
	[tilespmem:s24+$0x16230] =	vst v0;
	v0 =	vadd.f32 v3, v39  }
0x362: {  	s1 =	sadd.s32 s14, s2;
	[tilespmem:s24+$0x16240] =	vst v1;
	v1 =	vadd.f32 v2, v34  }
0x363: {  	s1 =	sshll.u32 s1, $0x4;
	[tilespmem:s24+$0x16250] =	vst v0  }
0x364: {  	s5 =	simm.s32 $0x16200;
	s1 =	sadd.s32 s4, s1;
	[tilespmem:s24+$0x16260] =	vst v1  }
0x365: {  	[hbm4b:s1+s7] =	stream.linear.scatter [tilespmem:s5], [sflag:$0xA], $0x2000, $0x38;
	[tilespmem:$0x1C300] =	vst v63  }
0x366: {  	s2 =	simm.s32 @!p2 $0x40;
	s1 =	sadd.s32 @!p2 $0x140, s14;
	s5 =	simm.s32 @!p2 $0x6200  }
0x367: {  	[tilespmem:s5], [sflag:$0x2] =	stream.indirect.gather @!p2 [hbm4b:s0+s2], $0x80, s1, s2, $0xb8;
	[tilespmem:$0x1C300] =	vst v63  }
0x368: {  	s1 =	sadd.s32 @!p2 $0x1A40, s14;
	s5 =	simm.s32 @!p2 $0xE200  }
0x369: {  	[tilespmem:s5], [sflag:$0x6] =	stream.indirect.gather @!p2 [spmem:s6], $0x80, s1, s2, $0xb8;
	[tilespmem:$0x1C300] =	vst v63  }
0x36a: {  	_ =	swait.ge [sflag:s21], $0x2000  }
0x36b: {  	[sflag:s21] =	ssyncset.done $0x0  }
0x36c: {  	[sflag:s21] =	ssyncadd.s32 $0xFFFFE000  }
0x36d: {  	_ =	swait.ge [sflag:s22], $0x2000  }
0x36e: {  	[sflag:s22] =	ssyncset.done $0x0  }
0x36f: {  	s1 =	simm.s32 @!p1 $0xB;
	[sflag:s22] =	ssyncadd.s32 $0xFFFFE000  }
0x370: {  	_ =	swait.ge @!p1 [sflag:s1], $0x2000  }
0x371: {  	[sflag:s1] =	ssyncset.done @!p1 $0x0  }
0x372: {  	s5 =	simm.s32 $0x0;
	[sflag:s1] =	ssyncadd.s32 @!p1 $0xFFFFE000  }
0x373: {  	v0 =	vld [tilespmem:s5+$0x10270]  }
0x374: {  	v1 =	vld [tilespmem:s5+$0x10210]  }
0x375: {  	v2 =	vld [tilespmem:s5+$0x10200]  }
0x376: {  	v3 =	vld [tilespmem:s5+$0x10230]  }
0x377: {  	v46 =	vld [tilespmem:s5+$0x10260]  }
0x378: {  	v47 =	vld [tilespmem:s5+$0x10250]  }
0x379: {  	v48 =	vld [tilespmem:s5+$0x10240]  }
0x37a: {  	v49 =	vld [tilespmem:s5+$0x10220]  }
0x37b: {  	v50 =	vld [tilespmem:s5+$0x8270]  }
0x37c: {  	v51 =	vld [tilespmem:s5+$0x8210]  }
0x37d: {  	v52 =	vld [tilespmem:s5+$0x8230]  }
0x37e: {  	v53 =	vld [tilespmem:s5+$0x8260]  }
0x37f: {  	v12 =	vld [tilespmem:s5+$0x8220]  }
0x380: {  	v20 =	vld [tilespmem:s5+$0x8200]  }
0x381: {  	v23 =	vld [tilespmem:s5+$0x8240]  }
0x382: {  	v25 =	vld [tilespmem:s5+$0x8250]  }
0x383: {  	s30 =	simm.s32 $0x80;
	v18 =	vadd.f32 v1, v51;
	v22 =	vadd.f32 v3, v52  }
0x384: {  	v54 =	vld [tilespmem:s30+$0x10270];
	v17 =	vadd.f32 v0, v50;
	v21 =	vadd.f32 v49, v12  }
0x385: {  	v58 =	vld [tilespmem:s30+$0x10210];
	v19 =	vadd.f32 v46, v53;
	v20 =	vadd.f32 v2, v20  }
0x386: {  	v35 =	vld [tilespmem:s30+$0x10230];
	v24 =	vadd.f32 v48, v23;
	v0 =	vmul.f32 v18, v18;
	v1 =	vmul.f32 v22, v22  }
0x387: {  	v36 =	vld [tilespmem:s30+$0x10260];
	v27 =	vadd.f32 v47, v25;
	v3 =	vmul.f32 v17, v17;
	v2 =	vmul.f32 v21, v21  }
0x388: {  	v28 =	vld [tilespmem:s30+$0x10250];
	v55 =	vadd.f32 v22, v21;
	v56 =	vmul.f32 v19, v19;
	v57 =	vmul.f32 v20, v20  }
0x389: {  	v39 =	vld [tilespmem:s30+$0x10220];
	v32 =	vadd.f32 v17, v19;
	v33 =	vmul.f32 v24, v24;
	v34 =	vmul.f32 v27, v27  }
0x38a: {  	v40 =	vld [tilespmem:s30+$0x8210];
	v3 =	vadd.f32 v3, v56;
	v0 =	vadd.f32 v0, v57  }
0x38b: {  	v41 =	vld [tilespmem:s30+$0x8260];
	v1 =	vadd.f32 v1, v2;
	v2 =	vadd.f32 v34, v33  }
0x38c: {  	v42 =	vld [tilespmem:s30+$0x8240];
	v37 =	vadd.f32 v18, v20;
	v38 =	vadd.f32 v27, v24  }
0x38d: {  	v31 =	vld [tilespmem:s30+$0x8200];
	v0 =	vadd.f32 v1, v0;
	v1 =	vadd.f32 v3, v2  }
0x38e: {  	v43 =	vld [tilespmem:s30+$0x8250];
	v5 =	vadd.f32 v55, v37;
	v3 =	vadd.f32 v32, v38  }
0x38f: {  	v12 =	vld [tilespmem:s30+$0x10200];
	v0 =	vadd.f32 v1, v0  }
0x390: {  	v2 =	vld [tilespmem:s30+$0x10240];
	v3 =	vadd.f32 v3, v5  }
0x391: {  	v1 =	vld [tilespmem:s30+$0x8270];
	(xrf2) =	vadd.scan.msk.f32 $0xffff, v0  }
0x392: {  	v0 =	vld [tilespmem:s30+$0x8230];
	(xrf2) =	vadd.scan.msk.f32 $0xffff, v3  }
0x393: {  	v3 =	vld [tilespmem:s30+$0x8220]  }
0x394: {  	v26 =	vadd.f32 v36, v41  }
0x395: {  	v34 =	vadd.f32 v28, v43;
	v31 =	vadd.f32 v12, v31  }
0x396: {  	v29 =	vadd.f32 v58, v40;
	v46 =	vmul.f32 v26, v26;
	v32 =	vadd.f32 v2, v42  }
0x397: {  	s31 =	simm.s32 $0x100;
	v50 =	vmul.f32 v34, v34;
	v47 =	vmul.f32 v31, v31;
	v25 =	vadd.f32 v54, v1  }
0x398: {  	v10 =	vld [tilespmem:s31+$0x10270];
	v49 =	vmul.f32 v32, v32;
	v23 =	vadd.f32 v35, v0;
	v30 =	vadd.f32 v39, v3  }
0x399: {  	v52 =	vld [tilespmem:s31+$0x10230];
	v53 =	vadd.f32 v29, v31;
	v0 =	vmul.f32 v29, v29;
	v2 =	vmul.f32 v25, v25  }
0x39a: {  	v58 =	vld [tilespmem:s31+$0x8270];
	v51 =	vadd.f32 v50, v49;
	v1 =	vmul.f32 v23, v23;
	v44 =	vmul.f32 v30, v30  }
0x39b: {  	v40 =	vld [tilespmem:s31+$0x8210];
	v2 =	vadd.f32 v2, v46;
	v0 =	vadd.f32 v0, v47;
	v45, _, _ =	vpop (xrf2)  }
0x39c: {  	v41 =	vld [tilespmem:s31+$0x8260];
	v1 =	vadd.f32 v1, v44;
	v48, _, _ =	vpop (xrf2);
	(v2sf) =	vpush v45, $0xF  }
0x39d: {  	v55 =	vld [tilespmem:s31+$0x10260];
	v54 =	vadd.f32 v34, v32;
	(v2sf) =	vpush v48, $0xF  }
0x39e: {  	v57 =	vld [tilespmem:s31+$0x10240];
	v0 =	vadd.f32 v1, v0;
	v1 =	vadd.f32 v2, v51  }
0x39f: {  	v28 =	vld [tilespmem:s31+$0x8240];
	v7 =	vadd.f32 v25, v26;
	v3 =	vadd.f32 v23, v30  }
0x3a0: {  	v12 =	vld [tilespmem:s31+$0x10210];
	v0 =	vadd.f32 v1, v0  }
0x3a1: {  	v5 =	vld [tilespmem:s31+$0x10200];
	v56 =	vadd.f32 v7, v54;
	v3 =	vadd.f32 v3, v53  }
0x3a2: {  	(xrf2) =	vadd.scan.msk.f32 $0xffff, v0;
	v0 =	vld [tilespmem:s31+$0x8230]  }
0x3a3: {  	v2 =	vld [tilespmem:s31+$0x10250];
	v3 =	vadd.f32 v56, v3  }
0x3a4: {  	v48 =	vld [tilespmem:s31+$0x8200]  }
0x3a5: {  	v1 =	vld [tilespmem:s31+$0x10220];
	(xrf2) =	vadd.scan.msk.f32 $0xffff, v3  }
0x3a6: {  	v33 =	vadd.f32 v10, v58;
	v3 =	vld [tilespmem:s31+$0x8220]  }
0x3a7: {  	v42 =	vadd.f32 v55, v41;
	v44 =	vadd.f32 v52, v0;
	v0 =	vld [tilespmem:s31+$0x8250]  }
0x3a8: {  	v43 =	vadd.f32 v57, v28  }
0x3a9: {  	s15 =	simm.s32 $0x180;
	v36 =	vadd.f32 v12, v40;
	v12 =	vmul.f32 v42, v42;
	v49 =	vmul.f32 v33, v33  }
0x3aa: {  	v4 =	vld [tilespmem:s15+$0x10270];
	v35 =	vadd.f32 v5, v48  }
0x3ab: {  	v8 =	vld [tilespmem:s15+$0x10210];
	v54 =	vmul.f32 v43, v43;
	v6 =	vadd.f32 v49, v12;
	v47 =	vadd.f32 v1, v3  }
0x3ac: {  	v11 =	vld [tilespmem:s15+$0x10200];
	v28 =	vmul.f32 v35, v35;
	v1 =	vmul.f32 v36, v36;
	s8 =	spop (v2sf);
	v45 =	vadd.f32 v2, v0  }
0x3ad: {  	v37 =	vld [tilespmem:s15+$0x10260];
	v53 =	vadd.f32 v33, v42;
	v3 =	vmul.f32 v44, v44;
	v51 =	vmul.f32 v47, v47;
	s9 =	spop (v2sf)  }
0x3ae: {  	v58 =	vld [tilespmem:s15+$0x8270];
	v50 =	vadd.f32 v44, v47;
	v1 =	vadd.f32 v1, v28;
	v52, _, _ =	vpop (xrf2);
	s2 =	smul.f32 $7.812500000e-03, s9;
	v12 =	vmul.f32 v45, v45  }
0x3af: {  	v38 =	vld [tilespmem:s15+$0x10250];
	v3 =	vadd.f32 v3, v51;
	v0, _, _ =	vpop (xrf2);
	(v2sf) =	vpush v52, $0xF;
	s1 =	smul.f32 $7.812500000e-03, s8  }
0x3b0: {  	v57 =	vld [tilespmem:s15+$0x10220];
	(v2sf) =	vpush v0, $0xF;
	s10 =	smul.f32 s2, s2;
	v56 =	vadd.f32 v12, v54  }
0x3b1: {  	v40 =	vld [tilespmem:s15+$0x8230];
	v0 =	vadd.f32 v36, v35;
	v55 =	vadd.f32 v45, v43  }
0x3b2: {  	v41 =	vld [tilespmem:s15+$0x8260];
	v1 =	vadd.f32 v3, v1;
	s1 =	ssub.f32 s1, s10;
	v3 =	vadd.f32 v6, v56  }
0x3b3: {  	v39 =	vld [tilespmem:s15+$0x8210];
	v5 =	vadd.f32 v53, v55;
	v0 =	vadd.f32 v50, v0  }
0x3b4: {  	v2 =	vld [tilespmem:s15+$0x10230];
	s1 =	sadd.f32 $9.999999740e-06, s1;
	v1 =	vadd.f32 v3, v1;
	v3 =	vmov s2  }
0x3b5: {  	v55 =	vld [tilespmem:s15+$0x8200];
	v0 =	vadd.f32 v5, v0;
	v49 =	vsub.f32 v24, v3  }
0x3b6: {  	v12 =	vld [tilespmem:s15+$0x8220];
	v46 =	vsub.f32 v27, v3;
	v48 =	vsub.f32 v19, v3;
	s11 =	sshra.s32 s1, $0x1;
	s1 =	smul.f32 $5.000000000e-01, s1  }
0x3b7: {  	v28 =	vld [tilespmem:s15+$0x10240];
	v52 =	vsub.f32 v17, v3;
	v19 =	vadd.f32 v4, v58;
	s8 =	ssub.s32 $0x5F3759DF, s11  }
0x3b8: {  	v27 =	vld [tilespmem:s15+$0x8240];
	v4 =	vsub.f32 v20, v3;
	v17 =	vadd.f32 v8, v39;
	s12 =	smul.f32 s8, s1  }
0x3b9: {  	s9 =	simm.s32 $0x200;
	v20 =	vadd.f32 v2, v40;
	v50 =	vsub.f32 v21, v3;
	(xrf2) =	vadd.scan.msk.f32 $0xffff, v1;
	v1 =	vld [tilespmem:s15+$0x8250]  }
0x3ba: {  	v9 =	vld [tilespmem:s9+$0x10210];
	v24 =	vadd.f32 v37, v41;
	v21 =	vadd.f32 v11, v55;
	s2 =	smul.f32 s8, s12  }
0x3bb: {  	v7 =	vld [tilespmem:s9+$0x10200];
	(xrf2) =	vadd.scan.msk.f32 $0xffff, v0;
	v0 =	vsub.f32 v18, v3;
	v2 =	vmul.f32 v17, v17;
	v18 =	vadd.f32 v57, v12  }
0x3bc: {  	v53 =	vld [tilespmem:s9+$0x10260];
	v6 =	vmul.f32 v20, v20;
	v56 =	vmul.f32 v19, v19;
	v11 =	vadd.f32 v19, v24;
	s2 =	ssub.f32 $1.500000000e+00, s2  }
0x3bd: {  	v8 =	vld [tilespmem:s9+$0x10270];
	v37 =	vmul.f32 v24, v24;
	v39 =	vadd.f32 v17, v21;
	v3 =	vsub.f32 v22, v3  }
0x3be: {  	v40 =	vmul.f32 v21, v21;
	v22 =	vld [tilespmem:s9+$0x8230];
	v27 =	vadd.f32 v28, v27;
	v28 =	vadd.f32 v38, v1;
	s2 =	smul.f32 s8, s2  }
0x3bf: {  	v10 =	vadd.f32 v20, v18;
	v12 =	vmul.f32 v18, v18;
	v5 =	vadd.f32 v56, v37;
	v1 =	vld [tilespmem:s9+$0x10230]  }
0x3c0: {  	v55 =	vld [tilespmem:s9+$0x10250];
	v38 =	vmul.f32 v27, v27;
	v57 =	vadd.f32 v28, v27;
	v58 =	vmul.f32 v28, v28;
	s20 =	smul.f32 s2, s1  }
0x3c1: {  	v41 =	vld [tilespmem:s9+$0x8210];
	v2 =	vadd.f32 v2, v40;
	v6 =	vadd.f32 v6, v12  }
0x3c2: {  	v56 =	vld [tilespmem:s9+$0x10220];
	v10 =	vadd.f32 v10, v39;
	s16 =	spop (v2sf);
	v51 =	vadd.f32 v58, v38;
	s11 =	smul.f32 s20, s2  }
0x3c3: {  	v12 =	vld [tilespmem:s9+$0x10240];
	s18 =	spop (v2sf);
	v2 =	vadd.f32 v6, v2;
	v11 =	vadd.f32 v11, v57  }
0x3c4: {  	v6 =	vld [tilespmem:s9+$0x8270];
	s10 =	smul.f32 $7.812500000e-03, s18;
	v22 =	vadd.f32 v1, v22;
	v57, _, _ =	vpop (xrf2);
	v5 =	vadd.f32 v5, v51;
	s11 =	ssub.f32 $1.500000000e+00, s11  }
0x3c5: {  	v1 =	vld [tilespmem:s9+$0x8250];
	v10 =	vadd.f32 v11, v10;
	v58, _, _ =	vpop (xrf2);
	(v2sf) =	vpush v57, $0xF  }
0x3c6: {  	v11 =	vld [tilespmem:s9+$0x8260];
	(v2sf) =	vpush v58, $0xF;
	v2 =	vadd.f32 v5, v2;
	v5 =	vmov s10;
	s2 =	smul.f32 s11, s2  }
0x3c7: {  	s8 =	smul.f32 $7.812500000e-03, s16;
	v57 =	vld [tilespmem:s9+$0x8240];
	v37 =	vsub.f32 v32, v5;
	v54 =	vsub.f32 v34, v5  }
0x3c8: {  	v32 =	vld [tilespmem:s9+$0x8220];
	v34 =	vsub.f32 v26, v5;
	v51 =	vsub.f32 v25, v5;
	s1 =	smul.f32 s2, s1  }
0x3c9: {  	s23 =	smul.f32 s10, s10;
	v58 =	vld [tilespmem:s9+$0x8200];
	v25 =	vadd.f32 v8, v6;
	v26 =	vadd.f32 v9, v41  }
0x3ca: {  	v41 =	vsub.f32 v31, v5;
	v40 =	vsub.f32 v29, v5;
	s1 =	smul.f32 s1, s2  }
0x3cb: {  	s8 =	ssub.f32 s8, s23;
	v39 =	vsub.f32 v30, v5;
	v38 =	vsub.f32 v23, v5  }
0x3cc: {  	v5 =	vmul.f32 v22, v22;
	v31 =	vadd.f32 v55, v1;
	v29 =	vadd.f32 v53, v11;
	s1 =	ssub.f32 $1.500000000e+00, s1  }
0x3cd: {  	s8 =	sadd.f32 $9.999999740e-06, s8;
	(xrf2) =	vadd.scan.msk.f32 $0xffff, v2;
	v8 =	vmul.f32 v26, v26;
	v2 =	vmul.f32 v25, v25;
	v23 =	vadd.f32 v56, v32  }
0x3ce: {  	v30 =	vadd.f32 v7, v58;
	v58 =	vmul.f32 v29, v29;
	v32 =	vadd.f32 v12, v57;
	s1 =	smul.f32 s1, s2  }
0x3cf: {  	s24 =	sshra.s32 s8, $0x1;
	(xrf2) =	vadd.scan.msk.f32 $0xffff, v10;
	v57 =	vmul.f32 v31, v31;
	v7 =	vmul.f32 v23, v23  }
0x3d0: {  	s11 =	ssub.s32 $0x5F3759DF, s24;
	s24 =	simm.s32 $0x280;
	v55 =	vmul.f32 v32, v32;
	v4 =	vmul.f32 s1, v4  }
0x3d1: {  	v11 =	vld [tilespmem:s24+$0x10270];
	v12 =	vadd.f32 v25, v29;
	v9 =	vmul.f32 s1, v52;
	v52 =	vmul.f32 v30, v30  }
0x3d2: {  	v6 =	vld [tilespmem:s24+$0x10210];
	v2 =	vadd.f32 v2, v58;
	v5 =	vadd.f32 v5, v7;
	v4 =	vmul.f32 v4, v13  }
0x3d3: {  	v1 =	vld [tilespmem:s24+$0x10200];
	v8 =	vadd.f32 v8, v52;
	v9 =	vmul.f32 v9, v60;
	v60 =	vadd.f32 v57, v55  }
0x3d4: {  	v53 =	vld [tilespmem:s24+$0x10230];
	v10 =	vadd.f32 v31, v32;
	v4 =	vadd.f32 v4, v59  }
0x3d5: {  	v56 =	vld [tilespmem:s24+$0x10260];
	v5 =	vadd.f32 v5, v8;
	v2 =	vadd.f32 v2, v60  }
0x3d6: {  	s16 =	smul.f32 $5.000000000e-01, s8;
	v58 =	vld [tilespmem:s24+$0x10250];
	v7 =	vadd.f32 v12, v10;
	v0 =	vmul.f32 s1, v0  }
0x3d7: {  	v10 =	vld [tilespmem:s24+$0x10240];
	v12 =	vadd.f32 v22, v23;
	[tilespmem:s5+$0x18200] =	vst v4;
	v2 =	vadd.f32 v2, v5  }
0x3d8: {  	s10 =	smul.f32 s11, s16;
	v0 =	vmul.f32 v0, v14;
	v55, _, _ =	vpop (xrf2);
	v9 =	vadd.f32 v9, v61;
	v4 =	vadd.f32 v26, v30;
	v57 =	vld [tilespmem:s24+$0x10220]  }
0x3d9: {  	v60, _, _ =	vpop (xrf2);
	(xrf2) =	vadd.scan.msk.f32 $0xffff, v2;
	v2 =	vld [tilespmem:$0x1FF00]  }
0x3da: {  	s12 =	smul.f32 s11, s10;
	v0 =	vadd.f32 v0, v63;
	v4 =	vadd.f32 v12, v4;
	v12 =	vmul.f32 s1, v50;
	v50 =	vld [tilespmem:s24+$0x8270];
	[tilespmem:s5+$0x18270] =	vst v9  }
0x3db: {  	v9 =	vld [tilespmem:s24+$0x8210]  }
0x3dc: {  	s2 =	ssub.f32 $1.500000000e+00, s12;
	v61 =	vld [tilespmem:s24+$0x8230];
	[tilespmem:s5+$0x18210] =	vst v0;
	v0 =	vmul.f32 s1, v49  }
0x3dd: {  	s18 =	spop (v2sf)  }
0x3de: {  	s2 =	smul.f32 s11, s2;
	s20 =	spop (v2sf);
	v59 =	vmul.f32 v12, v16;
	v0 =	vmul.f32 v0, v2;
	v2 =	vld [tilespmem:$0x1FF20]  }
0x3df: {  	v3 =	vmul.f32 s1, v3;
	s11 =	smul.f32 $7.812500000e-03, s20  }
0x3e0: {  	(v2sf) =	vpush v55, $0xF;
	v55 =	vadd.f32 v59, v62  }
0x3e1: {  	v3 =	vmul.f32 v3, v15;
	v59 =	vmov s11  }
0x3e2: {  	v63 =	vmul.f32 s1, v46;
	v12 =	vld [tilespmem:s24+$0x8260];
	v46 =	vsub.f32 v33, v59;
	[tilespmem:s5+$0x18220] =	vst v55  }
0x3e3: {  	v33 =	vadd.f32 v11, v50;
	v11 =	vld [tilespmem:s24+$0x8240];
	v2 =	vadd.f32 v3, v2  }
0x3e4: {  	v3 =	vld [tilespmem:s24+$0x8220]  }
0x3e5: {  	[tilespmem:s5+$0x18230] =	vst v2;
	v2 =	vld [tilespmem:$0x1FF30];
	_ =	sdelay $0x4  }
0x3e6: {  	s8 =	smul.f32 s2, s16;
	v0 =	vadd.f32 v0, v2  }
0x3e7: {  	v55 =	vsub.f32 v35, v59;
	v35 =	vadd.f32 v6, v9;
	v6 =	vld [tilespmem:s24+$0x8200]  }
0x3e8: {  	s8 =	smul.f32 s8, s2;
	[tilespmem:s5+$0x18240] =	vst v0;
	v0 =	vld [tilespmem:$0x1FFE0];
	_ =	sdelay $0x1  }
0x3e9: {  	s10 =	smul.f32 $7.812500000e-03, s18;
	s8 =	ssub.f32 $1.500000000e+00, s8  }
0x3ea: {  	v15 =	vld [tilespmem:$0x1FF90];
	s23 =	smul.f32 s11, s11;
	v2 =	vmul.f32 s1, v48  }
0x3eb: {  	s2 =	smul.f32 s8, s2  }
0x3ec: {  	s8 =	ssub.f32 s10, s23;
	v5 =	vmul.f32 v2, v0;
	v0 =	vld [tilespmem:$0x1FF40]  }
0x3ed: {  	s18 =	smul.f32 s2, s16  }
0x3ee: {  	(v2sf) =	vpush v60, $0xF;
	s8 =	sadd.f32 $9.999999740e-06, s8  }
0x3ef: {  	v4 =	vadd.f32 v7, v4;
	v7 =	vmul.f32 v63, v15;
	s10 =	smul.f32 s18, s2;
	v52 =	vsub.f32 v36, v59  }
0x3f0: {  	s20 =	sshra.s32 s8, $0x1;
	s16 =	smul.f32 $5.000000000e-01, s8;
	v36 =	vadd.f32 v53, v61;
	v53 =	vsub.f32 v47, v59  }
0x3f1: {  	s11 =	ssub.s32 $0x5F3759DF, s20;
	s10 =	ssub.f32 $1.500000000e+00, s10;
	v47 =	vadd.f32 v57, v3;
	v3 =	vadd.f32 v7, v0  }
0x3f2: {  	v43 =	vsub.f32 v43, v59;
	v45 =	vsub.f32 v45, v59;
	s23 =	smul.f32 s11, s16;
	v9 =	vld [tilespmem:s24+$0x8250]  }
0x3f3: {  	v50 =	vsub.f32 v44, v59;
	v44 =	vadd.f32 v56, v12;
	s1 =	smul.f32 s10, s2;
	[tilespmem:s5+$0x18250] =	vst v3;
	v3 =	vld [tilespmem:$0x1FFF0]  }
0x3f4: {  	v42 =	vsub.f32 v42, v59;
	v60 =	vmul.f32 v35, v35;
	v62 =	vmul.f32 v36, v36;
	s2 =	smul.f32 s11, s23  }
0x3f5: {  	v63 =	vadd.f32 v33, v44;
	v56 =	vmul.f32 s1, v51;
	v51 =	vadd.f32 v10, v11  }
0x3f6: {  	v57 =	vmul.f32 v44, v44;
	v61 =	vadd.f32 v36, v47;
	v54 =	vmul.f32 s1, v54;
	s2 =	ssub.f32 $1.500000000e+00, s2  }
0x3f7: {  	v15 =	vmovc v14;
	v49 =	vadd.f32 v1, v6;
	v1 =	vmul.f32 v51, v51;
	v2 =	vmul.f32 v33, v33  }
0x3f8: {  	(xrf2) =	vadd.scan.msk.f32 $0xffff, v4;
	s8 =	simm.s32 $0xC00;
	v59, _, _ =	vpop (xrf2);
	s23 =	spop (v2sf);
	s28 =	smul.f32 s11, s2;
	v48 =	vadd.f32 v58, v9;
	v0 =	vmul.f32 v47, v47;
	v58 =	vadd.f32 v5, v3  }
.LBB2_9:
0x3f9: {  	v10 =	vmul.f32 s1, v41;
	v41 =	vmov v55;
	v55 =	vld [tilespmem:$0x1FF80];
	v4 =	vmul.f32 v49, v49  }
0x3fa: {  	v9 =	vmul.f32 v48, v48  }
0x3fb: {  	s2 =	sshra.s32 s8, $0x2;
	v16 =	vld [tilespmem:$0x1FF60];
	v0 =	vadd.f32 v62, v0;
	v4 =	vadd.f32 v60, v4  }
0x3fc: {  	v2 =	vadd.f32 v2, v57;
	v7 =	vld [tilespmem:s2+$0x10270];
	[tilespmem:s5+$0x18260] =	vst v58;
	v1 =	vadd.f32 v9, v1  }
0x3fd: {  	v11 =	vld [tilespmem:s2+$0x10210];
	v0 =	vadd.f32 v0, v4  }
0x3fe: {  	s5 =	smov.u32 s30;
	s30 =	smov.u32 s31;
	s31 =	smov.u32 s15;
	v58 =	vld [tilespmem:s2+$0x10200];
	v4 =	vmul.f32 v56, v55;
	v1 =	vadd.f32 v2, v1;
	v56 =	vmul.f32 s1, v40  }
0x3ff: {  	v12 =	vmov v21;
	v21 =	vmov v30;
	v3 =	vadd.f32 v35, v49;
	s15 =	smov.u32 s9;
	s9 =	smov.u32 s24;
	s24 =	smov.u32 s2;
	v2 =	vld [tilespmem:$0x1FF70]  }
0x400: {  	v8 =	vadd.f32 v48, v51;
	v30 =	vmovc v49;
	v49 =	vld [tilespmem:s24+$0x10260];
	v0 =	vadd.f32 v1, v0;
	v1 =	vmul.f32 v56, v15  }
0x401: {  	v14 =	vld [tilespmem:s24+$0x10250]  }
0x402: {  	v57 =	vmovc v18;
	v8 =	vadd.f32 v63, v8;
	v63 =	vmul.f32 v10, v13;
	v1 =	vadd.f32 v1, v16;
	v16 =	vld [tilespmem:$0x1FF90]  }
0x403: {  	v18 =	vmovc v23;
	v23 =	vmovc v47;
	v47 =	vmov v28;
	v28 =	vmov v31;
	v31 =	vmov v48;
	v48 =	vld [tilespmem:s24+$0x10240]  }
0x404: {  	v10 =	vld [tilespmem:s2+$0x10230];
	v2 =	vadd.f32 v63, v2  }
0x405: {  	v60 =	vld [tilespmem:$0x1FFD0]  }
0x406: {  	[tilespmem:s5+$0x18200] =	vst v2;
	v2 =	vld [tilespmem:$0x1FF10]  }
0x407: {  	v6 =	vmovc v27;
	v27 =	vmov v32;
	s11 =	smov.u32 s8;
	v32 =	vmov v51;
	v51 =	vmul.f32 v54, v16;
	v16 =	vld [tilespmem:$0x1FF50]  }
0x408: {  	s10 =	spop (v2sf);
	(v2sf) =	vpush v59, $0xF;
	v59 =	vmul.f32 s1, v39;
	s11 =	smul.f32 s28, s16  }
0x409: {  	v5, _, _ =	vpop (xrf2)  }
0x40a: {  	s11 =	smul.f32 s11, s28;
	(v2sf) =	vpush v5, $0xF;
	v5 =	vmul.f32 v59, v60  }
0x40b: {  	v9 =	vld [tilespmem:s24+$0x8270];
	v2 =	vadd.f32 v4, v2  }
0x40c: {  	s23 =	smul.f32 $7.812500000e-03, s23;
	s12 =	ssub.f32 $1.500000000e+00, s11;
	v5 =	vadd.f32 v5, v16;
	v16 =	vld [tilespmem:$0x1FFB0]  }
0x40d: {  	s20 =	sadd.s32 $0x200, s8;
	p3 =	sne.s32 s8, $0x7E00;
	s8 =	smul.f32 $7.812500000e-03, s10;
	v4 =	vld [tilespmem:s24+$0x10220];
	[tilespmem:s5+$0x18270] =	vst v2  }
0x40e: {  	v3 =	vadd.f32 v61, v3;
	s10 =	smul.f32 s12, s28;
	v2 =	vld [tilespmem:s24+$0x8210]  }
0x40f: {  	v62 =	vmul.f32 s1, v37;
	s18 =	smul.f32 s8, s8;
	v61 =	vmul.f32 s1, v38;
	v63 =	vld [tilespmem:s24+$0x8230]  }
0x410: {  	v3 =	vadd.f32 v8, v3;
	s12 =	smul.f32 s10, s16;
	(xrf2) =	vadd.scan.msk.f32 $0xffff, v0;
	v0 =	vmov s8;
	[tilespmem:s5+$0x18210] =	vst v1;
	v1 =	vld [tilespmem:$0x1FF00]  }
0x411: {  	v37 =	vmovc v43;
	s2 =	ssub.f32 s23, s18;
	v43 =	vsub.f32 v6, v0;
	v6 =	vsub.f32 v47, v0;
	v8 =	vmul.f32 v61, v16;
	v61 =	vld [tilespmem:$0x1FF20]  }
0x412: {  	v60 =	vsub.f32 v24, v0;
	(xrf2) =	vadd.scan.msk.f32 $0xffff, v3;
	v3 =	vsub.f32 v19, v0;
	s11 =	smul.f32 s12, s10;
	v16 =	vld [tilespmem:$0x1FF30]  }
0x413: {  	v40 =	vmov v52;
	s2 =	sadd.f32 $9.999999740e-06, s2;
	v55 =	vsub.f32 v12, v0;
	v52 =	vsub.f32 v17, v0;
	v56 =	vld [tilespmem:s24+$0x8260]  }
0x414: {  	v39 =	vmovc v53;
	v38 =	vmov v50;
	v53 =	vsub.f32 v57, v0;
	v50 =	vsub.f32 v20, v0;
	v0 =	vld [tilespmem:$0x1FF40];
	s8 =	ssub.f32 $1.500000000e+00, s11;
	[tilespmem:s5+$0x18220] =	vst v5  }
0x415: {  	s16 =	smul.f32 $5.000000000e-01, s2;
	v19 =	vmovc v25;
	v25 =	vmov v33;
	v33 =	vadd.f32 v7, v9;
	v59 =	vld [tilespmem:s24+$0x8240];
	v1 =	vmul.f32 v62, v1  }
0x416: {  	s12 =	sshra.s32 s2, $0x1;
	v62 =	vmul.f32 s1, v34;
	s1 =	smul.f32 s8, s10;
	v9 =	vadd.f32 v10, v63;
	v63 =	vld [tilespmem:$0x1FFE0];
	v5 =	vadd.f32 v8, v61  }
0x417: {  	v24 =	vmov v29;
	v29 =	vmov v44;
	s18 =	ssub.s32 $0x5F3759DF, s12;
	v8 =	vld [tilespmem:s24+$0x8220];
	v1 =	vadd.f32 v1, v16  }
0x418: {  	s23 =	smul.f32 s18, s16;
	v2 =	vadd.f32 v11, v2;
	v44 =	vadd.f32 v49, v56;
	v56 =	vmul.f32 s1, v46;
	v46 =	vmovc v3;
	v3 =	vld [tilespmem:$0x1FFF0];
	[tilespmem:s5+$0x18230] =	vst v5  }
0x419: {  	v7 =	vld [tilespmem:s24+$0x8200];
	[tilespmem:s5+$0x18240] =	vst v1  }
0x41a: {  	v17 =	vmovc v26;
	v26 =	vmovc v35;
	v34 =	vmov v42;
	v42 =	vmov v60;
	s8 =	smul.f32 s18, s23;
	v60 =	vmul.f32 v2, v2;
	v1 =	vld [tilespmem:s24+$0x8250]  }
.Ltmp5:
0x41b: {  	v20 =	vmovc v22;
	v11 =	vadd.f32 v51, v0;
	v54 =	vmul.f32 s1, v45;
	v35 =	vmovc v2;
	v2 =	vmul.f32 v33, v33;
	(pc) =	sbr.rel @p3 .LBB2_9-.Ltmp5, $4  }
0x41c: {  	v22 =	vmovc v36;
	v51 =	vadd.f32 v48, v59;
	v57 =	vmul.f32 v44, v44;
	v47 =	vadd.f32 v4, v8  }
0x41d: {  	v45 =	vmovc v6;
	s8 =	ssub.f32 $1.500000000e+00, s8;
	v5 =	vmul.f32 v62, v63;
	v62 =	vmul.f32 v9, v9;
	v63 =	vadd.f32 v33, v44  }
0x41e: {  	v36 =	vmovc v9;
	v61 =	vadd.f32 v9, v47;
	v0 =	vmul.f32 v47, v47;
	v49 =	vadd.f32 v58, v7  }
0x41f: {  	s23 =	spop (v2sf);
	v59, _, _ =	vpop (xrf2);
	s28 =	smul.f32 s18, s8;
	s8 =	smov.u32 s20;
	[tilespmem:s5+$0x18250] =	vst v11;
	v58 =	vadd.f32 v5, v3;
	v48 =	vadd.f32 v14, v1;
	v1 =	vmul.f32 v51, v51  }
0x420: {  	_ = 	snop  }
0x421: {  	v3 =	vmul.f32 v49, v49;
	v4 =	vmul.f32 v48, v48  }
0x422: {  	v2 =	vadd.f32 v2, v57;
	v0 =	vadd.f32 v62, v0  }
0x423: {  	v3 =	vadd.f32 v60, v3;
	v1 =	vadd.f32 v4, v1  }
0x424: {  	v11 =	vadd.f32 v35, v49;
	v5 =	vadd.f32 v48, v51  }
0x425: {  	v0 =	vadd.f32 v0, v3;
	v1 =	vadd.f32 v2, v1  }
0x426: {  	v3 =	vadd.f32 v61, v11  }
0x427: {  	v2 =	vadd.f32 v63, v5;
	v0 =	vadd.f32 v1, v0;
	_ =	sdelay $0x1  }
0x428: {  	s2 =	spop (v2sf);
	v1 =	vadd.f32 v2, v3  }
0x429: {  	(v2sf) =	vpush v59, $0xF;
	s2 =	smul.f32 $7.812500000e-03, s2;
	(xrf2) =	vadd.scan.msk.f32 $0xffff, v0  }
0x42a: {  	s10 =	smul.f32 $7.812500000e-03, s23;
	v0, _, _ =	vpop (xrf2);
	(xrf2) =	vadd.scan.msk.f32 $0xffff, v1  }
0x42b: {  	s8 =	smul.f32 s2, s2;
	(v2sf) =	vpush v0, $0xF;
	_ =	sdelay $0x1  }
0x42c: {  	s8 =	ssub.f32 s10, s8  }
0x42d: {  	s18 =	smul.f32 s28, s16  }
0x42e: {  	s8 =	sadd.f32 $9.999999740e-06, s8  }
0x42f: {  	s11 =	smul.f32 s18, s28  }
0x430: {  	s12 =	sshra.s32 s8, $0x1;
	s10 =	smul.f32 $5.000000000e-01, s8  }
0x431: {  	s20 =	ssub.f32 $1.500000000e+00, s11;
	s23 =	ssub.s32 $0x5F3759DF, s12  }
0x432: {  	s12 =	smul.f32 s23, s10;
	v0, _, _ =	vpop (xrf2)  }
0x433: {  	s18 =	smul.f32 s20, s28;
	(v2sf) =	vpush v0, $0xF;
	v1, _, _ =	vpop (xrf2)  }
0x434: {  	s12 =	smul.f32 s23, s12;
	(v2sf) =	vpush v1, $0xF  }
0x435: {  	s20 =	smul.f32 s18, s16  }
0x436: {  	s8 =	ssub.f32 $1.500000000e+00, s12  }
0x437: {  	s16 =	spop (v2sf);
	s12 =	smul.f32 s20, s18  }
0x438: {  	s16 =	smul.f32 $7.812500000e-03, s16  }
0x439: {  	v16 =	vld [tilespmem:$0x1FF70];
	s11 =	smul.f32 s23, s8;
	s20 =	spop (v2sf)  }
0x43a: {  	v62 =	vld [tilespmem:$0x1FF10];
	s8 =	smul.f32 $7.812500000e-03, s20  }
0x43b: {  	v14 =	vld [tilespmem:$0x1FFD0];
	s23 =	smul.f32 s11, s10  }
0x43c: {  	v61 =	vld [tilespmem:$0x1FF80];
	s28 =	smul.f32 s8, s8  }
0x43d: {  	v59 =	vld [tilespmem:$0x1FF50];
	s12 =	ssub.f32 $1.500000000e+00, s12;
	s20 =	smul.f32 s23, s11  }
0x43e: {  	v57 =	vld [tilespmem:$0x1FF20];
	s16 =	ssub.f32 s16, s28  }
0x43f: {  	v6 =	vmov s2;
	v63 =	vld [tilespmem:$0x1FF00];
	v3 =	vmul.f32 s1, v39;
	s20 =	ssub.f32 $1.500000000e+00, s20  }
0x440: {  	v10 =	vmul.f32 s1, v34;
	v11 =	vld [tilespmem:$0x1FFB0];
	v7 =	vsub.f32 v27, v6;
	s23 =	smul.f32 s12, s18;
	s18 =	sadd.f32 $9.999999740e-06, s16  }
0x441: {  	v60 =	vld [tilespmem:$0x1FF60];
	v8 =	vsub.f32 v28, v6;
	v2 =	vmul.f32 v56, v61;
	v3 =	vmul.f32 v3, v14;
	s28 =	smul.f32 s20, s11  }
0x442: {  	v9 =	vsub.f32 v24, v6;
	v39 =	vld [tilespmem:$0x1FF90];
	v0 =	vmul.f32 s1, v41;
	v41 =	vmul.f32 s1, v37;
	s11 =	spop (v2sf);
	s20 =	smul.f32 $5.000000000e-01, s18  }
0x443: {  	v17 =	vsub.f32 v17, v6;
	v1 =	vmul.f32 s1, v40;
	v40 =	vmul.f32 s1, v38;
	v38 =	vld [tilespmem:$0x1FFE0];
	s16 =	sshra.s32 s18, $0x1;
	s11 =	smul.f32 $7.812500000e-03, s11;
	s18 =	spop (v2sf)  }
0x444: {  	v18 =	vsub.f32 v18, v6;
	v0 =	vmul.f32 v0, v13;
	v5 =	vmul.f32 v41, v63;
	v41 =	vld [tilespmem:$0x1FF40];
	s2 =	ssub.s32 $0x5F3759DF, s16;
	s16 =	smul.f32 $7.812500000e-03, s18  }
0x445: {  	v2 =	vadd.f32 v2, v62;
	v3 =	vadd.f32 v3, v59;
	v4 =	vmul.f32 v40, v11;
	v40 =	vld [tilespmem:$0x1FF30];
	s12 =	smul.f32 s2, s20  }
0x446: {  	v56 =	vmovc v13;
	v37 =	vld [tilespmem:$0x1FFF0];
	v13 =	vsub.f32 v21, v6;
	v0 =	vadd.f32 v0, v16;
	v1 =	vmul.f32 v1, v15;
	s18 =	smul.f32 s16, s16  }
0x447: {  	v34 =	vmovc v11;
	v12 =	vmul.f32 v54, v39;
	v11 =	vsub.f32 v19, v6;
	v6 =	vsub.f32 v20, v6;
	s12 =	smul.f32 s2, s12  }
0x448: {  	v1 =	vadd.f32 v1, v60;
	v4 =	vadd.f32 v4, v57;
	v19 =	vmul.f32 s23, v55;
	s10 =	smul.f32 s28, s10;
	s1 =	ssub.f32 s11, s18  }
0x449: {  	v10 =	vmul.f32 v10, v38;
	v12 =	vadd.f32 v12, v41;
	v24 =	vmul.f32 s23, v46;
	s11 =	ssub.f32 $1.500000000e+00, s12  }
0x44a: {  	[tilespmem:s5+$0x18260] =	vst v58;
	v5 =	vadd.f32 v5, v40;
	v20 =	vmul.f32 s23, v52;
	v19 =	vmul.f32 v19, v56;
	s10 =	smul.f32 s10, s28;
	s1 =	sadd.f32 $9.999999740e-06, s1  }
0x44b: {  	[tilespmem:s30+$0x18200] =	vst v0;
	v0 =	vadd.f32 v10, v37;
	v27 =	vmul.f32 s23, v53;
	v24 =	vmul.f32 v24, v61;
	s2 =	smul.f32 s2, s11  }
0x44c: {  	v21 =	vmul.f32 s23, v45;
	v53 =	vadd.f32 v19, v16;
	v19 =	vmul.f32 v20, v15;
	s18 =	sshra.s32 s1, $0x1;
	s1 =	smul.f32 $5.000000000e-01, s1  }
0x44d: {  	[tilespmem:s30+$0x18270] =	vst v2;
	v2 =	vadd.f32 v24, v62;
	v20 =	vmul.f32 v27, v14;
	v27 =	vmov s8;
	s11 =	smul.f32 s2, s20;
	s12 =	ssub.s32 $0x5F3759DF, s18  }
0x44e: {  	[tilespmem:s30+$0x18210] =	vst v1;
	v24 =	vmul.f32 s23, v50;
	v54 =	vsub.f32 v31, v27;
	v28 =	vsub.f32 v29, v27;
	s5 =	smul.f32 s12, s1  }
0x44f: {  	[tilespmem:s30+$0x18250] =	vst v12;
	v12 =	vmul.f32 v21, v39;
	v21 =	vsub.f32 v30, v27;
	v1 =	vadd.f32 v19, v60;
	s10 =	ssub.f32 $1.500000000e+00, s10;
	s11 =	smul.f32 s11, s2  }
0x450: {  	[tilespmem:s30+$0x18220] =	vst v3;
	v19 =	vmul.f32 s23, v43;
	v3 =	vadd.f32 v20, v59;
	v20 =	vmul.f32 v24, v34;
	s18 =	smul.f32 s12, s5  }
0x451: {  	[tilespmem:s30+$0x18260] =	vst v0;
	v29 =	vmul.f32 s23, v42;
	v0 =	vsub.f32 v26, v27;
	v58 =	vsub.f32 v23, v27;
	s5 =	smul.f32 s10, s28;
	s10 =	ssub.f32 $1.500000000e+00, s11  }
0x452: {  	[tilespmem:s30+$0x18230] =	vst v4;
	v24 =	vsub.f32 v32, v27;
	v19 =	vmul.f32 v19, v63;
	v55 =	vadd.f32 v20, v57;
	s11 =	ssub.f32 $1.500000000e+00, s18  }
0x453: {  	[tilespmem:s30+$0x18240] =	vst v5;
	v20 =	vsub.f32 v25, v27;
	v25 =	vmul.f32 v29, v38;
	v13 =	vmul.f32 s5, v13;
	s2 =	smul.f32 s10, s2  }
0x454: {  	[tilespmem:s31+$0x18270] =	vst v2;
	v2 =	vsub.f32 v22, v27;
	v11 =	vmul.f32 s5, v11;
	v17 =	vmul.f32 s5, v17;
	s18 =	smul.f32 s12, s11  }
0x455: {  	[tilespmem:s31+$0x18210] =	vst v1;
	v1 =	vadd.f32 v12, v41;
	v12 =	vmul.f32 s5, v18;
	v6 =	vmul.f32 s5, v6;
	s23 =	smul.f32 s2, s20  }
0x456: {  	[tilespmem:s31+$0x18200] =	vst v53;
	v19 =	vadd.f32 v19, v40;
	v7 =	vmul.f32 s5, v7;
	v13 =	vmul.f32 v13, v56;
	s28 =	smul.f32 s18, s1  }
0x457: {  	[tilespmem:s31+$0x18220] =	vst v3;
	v3 =	vadd.f32 v25, v37;
	v11 =	vmul.f32 v11, v61;
	v17 =	vmul.f32 v17, v15;
	s10 =	smul.f32 s23, s2  }
0x458: {  	[tilespmem:s31+$0x18230] =	vst v55;
	v42 =	vmul.f32 v12, v14;
	v6 =	vmul.f32 v6, v34;
	v13 =	vadd.f32 v13, v16;
	s11 =	smul.f32 s28, s18  }
0x459: {  	[tilespmem:s31+$0x18250] =	vst v1;
	v7 =	vmul.f32 v7, v63;
	v32 =	vadd.f32 v11, v62;
	v12 =	vadd.f32 v17, v60;
	s10 =	ssub.f32 $1.500000000e+00, s10  }
0x45a: {  	[tilespmem:s31+$0x18240] =	vst v19;
	v17 =	vmov s16;
	v1 =	vadd.f32 v42, v59;
	v6 =	vadd.f32 v6, v57;
	s11 =	ssub.f32 $1.500000000e+00, s11  }
0x45b: {  	[tilespmem:s31+$0x18260] =	vst v3;
	v8 =	vmul.f32 s5, v8;
	v43 =	vsub.f32 v51, v17;
	v3 =	vsub.f32 v48, v17;
	s2 =	smul.f32 s10, s2  }
0x45c: {  	v9 =	vmul.f32 s5, v9;
	v18 =	vsub.f32 v44, v17;
	v44 =	vadd.f32 v7, v40;
	[tilespmem:s15+$0x18200] =	vst v13;
	s8 =	smul.f32 s11, s18  }
0x45d: {  	v8 =	vmul.f32 v8, v39;
	v45 =	vsub.f32 v49, v17;
	v19 =	vsub.f32 v47, v17;
	[tilespmem:s15+$0x18270] =	vst v32  }
0x45e: {  	v46 =	vsub.f32 v36, v17;
	v13 =	vsub.f32 v33, v17;
	[tilespmem:s15+$0x18210] =	vst v12;
	v21 =	vmul.f32 s2, v21;
	s1 =	smul.f32 s8, s1  }
0x45f: {  	v12 =	vsub.f32 v35, v17;
	[tilespmem:s15+$0x18220] =	vst v1;
	v1 =	vmul.f32 v9, v38;
	v17 =	vmul.f32 s2, v20  }
0x460: {  	v47 =	vadd.f32 v8, v41;
	[tilespmem:s15+$0x18230] =	vst v6;
	v0 =	vmul.f32 s2, v0;
	v48 =	vmul.f32 v21, v56;
	s1 =	smul.f32 s1, s8  }
0x461: {  	[tilespmem:s15+$0x18240] =	vst v44;
	v1 =	vadd.f32 v1, v37;
	v10 =	vmul.f32 s2, v58;
	v49 =	vmul.f32 v17, v61  }
0x462: {  	[tilespmem:s15+$0x18250] =	vst v47;
	v2 =	vmul.f32 s2, v2;
	v0 =	vmul.f32 v0, v15;
	v50 =	vadd.f32 v48, v16;
	s1 =	ssub.f32 $1.500000000e+00, s1  }
0x463: {  	[tilespmem:s15+$0x18260] =	vst v1;
	v52 =	vmul.f32 s2, v24;
	v51 =	vmul.f32 v10, v14;
	v1 =	vadd.f32 v49, v62  }
0x464: {  	v4 =	vmul.f32 s2, v54;
	v2 =	vmul.f32 v2, v34;
	v0 =	vadd.f32 v0, v60;
	[tilespmem:s9+$0x18200] =	vst v50;
	s1 =	smul.f32 s1, s8  }
0x465: {  	v54 =	vmul.f32 s2, v28;
	v53 =	vmul.f32 v52, v63;
	[tilespmem:s9+$0x18270] =	vst v1;
	v1 =	vadd.f32 v51, v59  }
0x466: {  	v4 =	vmul.f32 v4, v39;
	[tilespmem:s9+$0x18210] =	vst v0;
	v0 =	vadd.f32 v2, v57;
	v2 =	vmul.f32 s1, v45  }
0x467: {  	v55 =	vmul.f32 v54, v38;
	[tilespmem:s9+$0x18220] =	vst v1;
	v1 =	vadd.f32 v53, v40;
	v58 =	vmul.f32 s1, v13  }
0x468: {  	[tilespmem:s9+$0x18230] =	vst v0;
	v0 =	vadd.f32 v4, v41;
	v10 =	vmul.f32 s1, v12;
	v2 =	vmul.f32 v2, v56  }
0x469: {  	[tilespmem:s9+$0x18240] =	vst v1;
	v1 =	vadd.f32 v55, v37;
	v33 =	vmul.f32 s1, v19;
	v32 =	vmul.f32 v58, v61  }
0x46a: {  	[tilespmem:s9+$0x18250] =	vst v0;
	v35 =	vmul.f32 s1, v46;
	v0 =	vadd.f32 v2, v16;
	v2 =	vmul.f32 v10, v15  }
0x46b: {  	v42 =	vmul.f32 s1, v43;
	[tilespmem:s9+$0x18260] =	vst v1;
	v36 =	vmul.f32 v33, v14;
	v1 =	vadd.f32 v32, v62  }
0x46c: {  	v3 =	vmul.f32 s1, v3;
	[tilespmem:s24+$0x18200] =	vst v0;
	v0 =	vadd.f32 v2, v60;
	v2 =	vmul.f32 v35, v34  }
0x46d: {  	v44 =	vmul.f32 s1, v18;
	v43 =	vmul.f32 v42, v63;
	[tilespmem:s24+$0x18270] =	vst v1;
	v1 =	vadd.f32 v36, v59  }
0x46e: {  	v3 =	vmul.f32 v3, v39;
	[tilespmem:s24+$0x18210] =	vst v0;
	v0 =	vadd.f32 v2, v57  }
0x46f: {  	[tilespmem:s24+$0x18220] =	vst v1;
	v1 =	vadd.f32 v43, v40;
	v2 =	vmul.f32 v44, v38  }
0x470: {  	s12 =	rddreg [dreg:$0xb];
	[tilespmem:s24+$0x18230] =	vst v0;
	v0 =	vadd.f32 v3, v41  }
0x471: {  	s1 =	sadd.s32 s29, s12;
	[tilespmem:s24+$0x18240] =	vst v1;
	v1 =	vadd.f32 v2, v37  }
0x472: {  	s1 =	sshrl.u32 s1, $0x3;
	[tilespmem:s24+$0x18250] =	vst v0  }
0x473: {  	s15 =	simm.s32 $0x18200;
	s1 =	sadd.s32 s4, s1;
	[tilespmem:s24+$0x18260] =	vst v1  }
0x474: {  	[hbm4b:s1+s7] =	stream.linear.scatter [tilespmem:s15], [sflag:$0xB], $0x2000, $0x38;
	[tilespmem:$0x1C300] =	vst v63  }
0x475: {  	s5 =	simm.s32 @!p2 $0x8200;
	s2 =	simm.s32 @!p2 $0x40;
	s1 =	sadd.s32 @!p2 $0x180, s14  }
0x476: {  	[tilespmem:s5], [sflag:$0x3] =	stream.indirect.gather @!p2 [hbm4b:s0+s2], $0x80, s1, s2, $0xb8;
	[tilespmem:$0x1C300] =	vst v63  }
0x477: {  	s1 =	sadd.s32 @!p2 $0x1A80, s14;
	s5 =	simm.s32 @!p2 $0x10200  }
0x478: {  	[tilespmem:s5], [sflag:$0x7] =	stream.indirect.gather @!p2 [spmem:s6], $0x80, s1, s2, $0xb8;
	[tilespmem:$0x1C300] =	vst v63  }
0x479: {  	_ =	swait.ge [sflag:s25], $0x2000  }
0x47a: {  	[sflag:s25] =	ssyncset.done $0x0  }
0x47b: {  	[sflag:s25] =	ssyncadd.s32 $0xFFFFE000  }
0x47c: {  	_ =	swait.ge [sflag:s26], $0x2000  }
0x47d: {  	[sflag:s26] =	ssyncset.done $0x0  }
0x47e: {  	s1 =	simm.s32 @!p1 $0xC;
	[sflag:s26] =	ssyncadd.s32 $0xFFFFE000  }
0x47f: {  	_ =	swait.ge @!p1 [sflag:s1], $0x2000  }
0x480: {  	[sflag:s1] =	ssyncset.done @!p1 $0x0  }
0x481: {  	s5 =	simm.s32 $0x0;
	[sflag:s1] =	ssyncadd.s32 @!p1 $0xFFFFE000  }
0x482: {  	v0 =	vld [tilespmem:s5+$0x12270]  }
0x483: {  	v1 =	vld [tilespmem:s5+$0x12210]  }
0x484: {  	v2 =	vld [tilespmem:s5+$0x12200]  }
0x485: {  	v3 =	vld [tilespmem:s5+$0x12230]  }
0x486: {  	v45 =	vld [tilespmem:s5+$0x12260]  }
0x487: {  	v46 =	vld [tilespmem:s5+$0x12250]  }
0x488: {  	v47 =	vld [tilespmem:s5+$0x12240]  }
0x489: {  	v48 =	vld [tilespmem:s5+$0x12220]  }
0x48a: {  	v49 =	vld [tilespmem:s5+$0xA270]  }
0x48b: {  	v50 =	vld [tilespmem:s5+$0xA210]  }
0x48c: {  	v51 =	vld [tilespmem:s5+$0xA230]  }
0x48d: {  	v52 =	vld [tilespmem:s5+$0xA260]  }
0x48e: {  	v12 =	vld [tilespmem:s5+$0xA220]  }
0x48f: {  	v18 =	vld [tilespmem:s5+$0xA200]  }
0x490: {  	v13 =	vld [tilespmem:s5+$0xA240]  }
0x491: {  	v24 =	vld [tilespmem:s5+$0xA250]  }
0x492: {  	s29 =	simm.s32 $0x80;
	v19 =	vadd.f32 v1, v50;
	v21 =	vadd.f32 v3, v51  }
0x493: {  	v53 =	vld [tilespmem:s29+$0x12270];
	v17 =	vadd.f32 v0, v49;
	v22 =	vadd.f32 v48, v12  }
0x494: {  	v32 =	vld [tilespmem:s29+$0x12210];
	v20 =	vadd.f32 v45, v52;
	v18 =	vadd.f32 v2, v18  }
0x495: {  	v36 =	vld [tilespmem:s29+$0x12230];
	v23 =	vadd.f32 v47, v13;
	v0 =	vmul.f32 v19, v19;
	v1 =	vmul.f32 v21, v21  }
0x496: {  	v37 =	vld [tilespmem:s29+$0x12260];
	v25 =	vadd.f32 v46, v24;
	v3 =	vmul.f32 v17, v17;
	v2 =	vmul.f32 v22, v22  }
0x497: {  	v40 =	vld [tilespmem:s29+$0x12220];
	v54 =	vadd.f32 v21, v22;
	v55 =	vmul.f32 v20, v20;
	v58 =	vmul.f32 v18, v18  }
0x498: {  	v41 =	vld [tilespmem:s29+$0xA210];
	v33 =	vadd.f32 v17, v20;
	v34 =	vmul.f32 v23, v23;
	v35 =	vmul.f32 v25, v25  }
0x499: {  	v42 =	vld [tilespmem:s29+$0xA260];
	v3 =	vadd.f32 v3, v55;
	v0 =	vadd.f32 v0, v58  }
0x49a: {  	v43 =	vld [tilespmem:s29+$0xA240];
	v1 =	vadd.f32 v1, v2;
	v2 =	vadd.f32 v35, v34  }
0x49b: {  	v26 =	vld [tilespmem:s29+$0xA200];
	v38 =	vadd.f32 v19, v18;
	v39 =	vadd.f32 v25, v23  }
0x49c: {  	v44 =	vld [tilespmem:s29+$0xA250];
	v0 =	vadd.f32 v1, v0;
	v1 =	vadd.f32 v3, v2  }
0x49d: {  	v12 =	vld [tilespmem:s29+$0x12200];
	v5 =	vadd.f32 v54, v38;
	v3 =	vadd.f32 v33, v39  }
0x49e: {  	v13 =	vld [tilespmem:s29+$0x12250];
	v0 =	vadd.f32 v1, v0  }
0x49f: {  	v2 =	vld [tilespmem:s29+$0x12240];
	v3 =	vadd.f32 v3, v5  }
0x4a0: {  	v1 =	vld [tilespmem:s29+$0xA270];
	(xrf2) =	vadd.scan.msk.f32 $0xffff, v0  }
0x4a1: {  	v0 =	vld [tilespmem:s29+$0xA230];
	(xrf2) =	vadd.scan.msk.f32 $0xffff, v3  }
0x4a2: {  	v28 =	vadd.f32 v32, v41;
	v3 =	vld [tilespmem:s29+$0xA220]  }
0x4a3: {  	v31 =	vadd.f32 v37, v42;
	v30 =	vadd.f32 v12, v26  }
0x4a4: {  	v33 =	vadd.f32 v13, v44;
	v24 =	vadd.f32 v2, v43  }
0x4a5: {  	v47 =	vmul.f32 v31, v31;
	v48 =	vmul.f32 v30, v30;
	v35 =	vadd.f32 v28, v30  }
0x4a6: {  	s30 =	simm.s32 $0x100;
	v55 =	vmul.f32 v33, v33;
	v29 =	vadd.f32 v53, v1;
	v54 =	vmul.f32 v24, v24  }
0x4a7: {  	v50 =	vld [tilespmem:s30+$0x12270];
	v27 =	vadd.f32 v36, v0;
	v0 =	vmul.f32 v28, v28;
	v32 =	vadd.f32 v40, v3  }
0x4a8: {  	v37 =	vld [tilespmem:s30+$0x12260];
	v2 =	vmul.f32 v29, v29;
	v7 =	vadd.f32 v29, v31;
	v58 =	vadd.f32 v55, v54  }
0x4a9: {  	v51 =	vld [tilespmem:s30+$0xA270];
	v36 =	vadd.f32 v33, v24;
	v1 =	vmul.f32 v27, v27;
	v45 =	vmul.f32 v32, v32  }
0x4aa: {  	v52 =	vld [tilespmem:s30+$0xA210];
	v2 =	vadd.f32 v2, v47;
	v0 =	vadd.f32 v0, v48;
	v46, _, _ =	vpop (xrf2)  }
0x4ab: {  	v34 =	vld [tilespmem:s30+$0x12230];
	v1 =	vadd.f32 v1, v45;
	v49, _, _ =	vpop (xrf2);
	(v2sf) =	vpush v46, $0xF  }
0x4ac: {  	v12 =	vld [tilespmem:s30+$0x12210];
	v3 =	vadd.f32 v27, v32;
	(v2sf) =	vpush v49, $0xF  }
0x4ad: {  	v26 =	vld [tilespmem:s30+$0xA200];
	v0 =	vadd.f32 v1, v0;
	v1 =	vadd.f32 v2, v58  }
0x4ae: {  	v39 =	vld [tilespmem:s30+$0x12240];
	v38 =	vadd.f32 v7, v36  }
0x4af: {  	v13 =	vld [tilespmem:s30+$0xA240];
	v3 =	vadd.f32 v3, v35;
	v0 =	vadd.f32 v1, v0  }
0x4b0: {  	v53 =	vld [tilespmem:s30+$0xA260]  }
0x4b1: {  	v3 =	vadd.f32 v38, v3;
	(xrf2) =	vadd.scan.msk.f32 $0xffff, v0;
	v0 =	vld [tilespmem:s30+$0xA230]  }
0x4b2: {  	v5 =	vld [tilespmem:s30+$0x12200]  }
0x4b3: {  	v1 =	vld [tilespmem:s30+$0x12220];
	(xrf2) =	vadd.scan.msk.f32 $0xffff, v3  }
0x4b4: {  	v3 =	vld [tilespmem:s30+$0xA220]  }
0x4b5: {  	v42 =	vadd.f32 v50, v51;
	v35 =	vadd.f32 v37, v53;
	v2 =	vld [tilespmem:s30+$0x12250]  }
0x4b6: {  	v46 =	vadd.f32 v34, v0;
	v0 =	vld [tilespmem:s30+$0xA250]  }
0x4b7: {  	s15 =	simm.s32 $0x180;
	v54 =	vmul.f32 v42, v42;
	v45 =	vadd.f32 v12, v52;
	v12 =	vmul.f32 v35, v35  }
0x4b8: {  	v4 =	vld [tilespmem:s15+$0x12270];
	v44 =	vadd.f32 v5, v26;
	v47 =	vadd.f32 v42, v35  }
0x4b9: {  	v8 =	vld [tilespmem:s15+$0x12210];
	v6 =	vadd.f32 v54, v12;
	v48 =	vadd.f32 v1, v3  }
0x4ba: {  	v11 =	vld [tilespmem:s15+$0x12200];
	v34 =	vadd.f32 v39, v13;
	v13 =	vmul.f32 v44, v44;
	v1 =	vmul.f32 v45, v45;
	s16 =	spop (v2sf)  }
0x4bb: {  	v10 =	vld [tilespmem:s15+$0x12220];
	v3 =	vmul.f32 v46, v46;
	v58 =	vmul.f32 v48, v48;
	v43 =	vadd.f32 v2, v0;
	s18 =	spop (v2sf)  }
0x4bc: {  	v26 =	vld [tilespmem:s15+$0x12260];
	v49 =	vmul.f32 v34, v34;
	v55 =	vadd.f32 v46, v48;
	v1 =	vadd.f32 v1, v13;
	v39, _, _ =	vpop (xrf2);
	s2 =	smul.f32 $7.812500000e-03, s18  }
0x4bd: {  	v36 =	vld [tilespmem:s15+$0x12250];
	v3 =	vadd.f32 v3, v58;
	v0, _, _ =	vpop (xrf2);
	(v2sf) =	vpush v39, $0xF;
	s1 =	smul.f32 $7.812500000e-03, s16;
	v12 =	vmul.f32 v43, v43  }
0x4be: {  	v52 =	vld [tilespmem:s15+$0xA270];
	(v2sf) =	vpush v0, $0xF;
	v50 =	vadd.f32 v43, v34;
	s20 =	smul.f32 s2, s2  }
0x4bf: {  	v53 =	vld [tilespmem:s15+$0xA210];
	v0 =	vadd.f32 v45, v44;
	v51 =	vadd.f32 v12, v49  }
0x4c0: {  	v54 =	vld [tilespmem:s15+$0xA200];
	v1 =	vadd.f32 v3, v1;
	v5 =	vadd.f32 v47, v50;
	s1 =	ssub.f32 s1, s20  }
0x4c1: {  	v2 =	vld [tilespmem:s15+$0x12230];
	v0 =	vadd.f32 v55, v0;
	v3 =	vadd.f32 v6, v51  }
0x4c2: {  	v55 =	vld [tilespmem:s15+$0xA230];
	s1 =	sadd.f32 $9.999999740e-06, s1  }
0x4c3: {  	v12 =	vld [tilespmem:s15+$0xA220];
	v0 =	vadd.f32 v5, v0;
	v1 =	vadd.f32 v3, v1;
	v3 =	vmov s2  }
0x4c4: {  	v58 =	vld [tilespmem:s15+$0xA260];
	v38 =	vsub.f32 v23, v3;
	v49 =	vsub.f32 v25, v3;
	s23 =	sshra.s32 s1, $0x1;
	s1 =	smul.f32 $5.000000000e-01, s1  }
0x4c5: {  	v13 =	vld [tilespmem:s15+$0x12240];
	v47 =	vsub.f32 v20, v3;
	v39 =	vsub.f32 v17, v3;
	s8 =	ssub.s32 $0x5F3759DF, s23  }
0x4c6: {  	v23 =	vld [tilespmem:s15+$0xA240];
	v17 =	vadd.f32 v4, v52;
	v4 =	vsub.f32 v18, v3;
	s24 =	smul.f32 s8, s1  }
0x4c7: {  	v18 =	vadd.f32 v8, v53;
	v20 =	vadd.f32 v2, v55;
	(xrf2) =	vadd.scan.msk.f32 $0xffff, v1;
	v1 =	vld [tilespmem:s15+$0xA250]  }
0x4c8: {  	(xrf2) =	vadd.scan.msk.f32 $0xffff, v0;
	v0 =	vsub.f32 v19, v3;
	v19 =	vadd.f32 v10, v12;
	s2 =	smul.f32 s8, s24  }
0x4c9: {  	s9 =	simm.s32 $0x200;
	v51 =	vsub.f32 v22, v3;
	v22 =	vadd.f32 v26, v58;
	v2 =	vmul.f32 v18, v18  }
0x4ca: {  	v9 =	vld [tilespmem:s9+$0x12210];
	v6 =	vmul.f32 v20, v20;
	v55 =	vmul.f32 v17, v17;
	v10 =	vadd.f32 v20, v19;
	s2 =	ssub.f32 $1.500000000e+00, s2  }
0x4cb: {  	v41 =	vld [tilespmem:s9+$0x12260];
	v12 =	vmul.f32 v19, v19;
	v25 =	vadd.f32 v13, v23;
	v23 =	vadd.f32 v11, v54  }
0x4cc: {  	v8 =	vld [tilespmem:s9+$0x12270];
	v11 =	vadd.f32 v17, v22;
	v13 =	vmul.f32 v22, v22;
	v26 =	vadd.f32 v36, v1;
	s2 =	smul.f32 s8, s2  }
0x4cd: {  	v53 =	vld [tilespmem:s9+$0x12250];
	v6 =	vadd.f32 v6, v12;
	v36 =	vmul.f32 v25, v25;
	v40 =	vmul.f32 v23, v23  }
0x4ce: {  	v54 =	vld [tilespmem:s9+$0xA220];
	v5 =	vadd.f32 v55, v13;
	v13 =	vadd.f32 v26, v25;
	v58 =	vmul.f32 v26, v26;
	s16 =	smul.f32 s2, s1  }
0x4cf: {  	v1 =	vld [tilespmem:s9+$0x12230];
	v37 =	vadd.f32 v18, v23;
	v2 =	vadd.f32 v2, v40  }
0x4d0: {  	v12 =	vld [tilespmem:s9+$0x12240];
	s28 =	spop (v2sf);
	v11 =	vadd.f32 v11, v13;
	v13 =	vadd.f32 v58, v36;
	s11 =	smul.f32 s16, s2  }
0x4d1: {  	v3 =	vsub.f32 v21, v3;
	v55 =	vld [tilespmem:s9+$0xA240];
	s12 =	spop (v2sf);
	v10 =	vadd.f32 v10, v37  }
0x4d2: {  	s10 =	smul.f32 $7.812500000e-03, s12;
	v40 =	vld [tilespmem:s9+$0xA230];
	v2 =	vadd.f32 v6, v2;
	v58, _, _ =	vpop (xrf2);
	v5 =	vadd.f32 v5, v13;
	s11 =	ssub.f32 $1.500000000e+00, s11  }
0x4d3: {  	v36 =	vld [tilespmem:s9+$0x12220];
	v10 =	vadd.f32 v11, v10;
	v50, _, _ =	vpop (xrf2);
	(v2sf) =	vpush v58, $0xF  }
0x4d4: {  	v6 =	vld [tilespmem:s9+$0xA270];
	(v2sf) =	vpush v50, $0xF;
	v2 =	vadd.f32 v5, v2;
	v5 =	vmov s10;
	s2 =	smul.f32 s11, s2  }
0x4d5: {  	v11 =	vld [tilespmem:s9+$0xA260];
	v24 =	vsub.f32 v24, v5;
	v50 =	vsub.f32 v33, v5  }
0x4d6: {  	v13 =	vld [tilespmem:s9+$0xA210];
	v21 =	vsub.f32 v31, v5;
	v58 =	vsub.f32 v29, v5;
	s1 =	smul.f32 s2, s1  }
0x4d7: {  	v37 =	vsub.f32 v30, v5;
	v33 =	vadd.f32 v1, v40;
	v1 =	vld [tilespmem:s9+$0xA250]  }
0x4d8: {  	v30 =	vsub.f32 v28, v5;
	v28 =	vsub.f32 v32, v5;
	s20 =	smul.f32 s1, s2  }
0x4d9: {  	v7 =	vld [tilespmem:s9+$0x12200];
	v27 =	vsub.f32 v27, v5;
	v32 =	vadd.f32 v36, v54  }
0x4da: {  	v52 =	vld [tilespmem:s9+$0xA200];
	v29 =	vadd.f32 v8, v6;
	(xrf2) =	vadd.scan.msk.f32 $0xffff, v2;
	v36 =	vadd.f32 v41, v11;
	s24 =	ssub.f32 $1.500000000e+00, s20  }
0x4db: {  	v31 =	vadd.f32 v9, v13;
	v41 =	vadd.f32 v12, v55  }
0x4dc: {  	(xrf2) =	vadd.scan.msk.f32 $0xffff, v10;
	v2 =	vmul.f32 v29, v29;
	v10 =	vmul.f32 v36, v36;
	v40 =	vadd.f32 v53, v1;
	s16 =	smul.f32 s24, s2  }
0x4dd: {  	s8 =	smul.f32 $7.812500000e-03, s28;
	v5 =	vmul.f32 v33, v33;
	v8 =	vmul.f32 v31, v31;
	v1 =	vadd.f32 v29, v36  }
0x4de: {  	s18 =	smul.f32 s10, s10;
	v2 =	vadd.f32 v2, v10;
	v10 =	vadd.f32 v40, v41;
	s24 =	simm.s32 $0x280;
	v4 =	vmul.f32 s16, v4  }
0x4df: {  	v11 =	vld [tilespmem:s24+$0x12270];
	v9 =	vmul.f32 s16, v39;
	v39 =	vadd.f32 v7, v52;
	v7 =	vmul.f32 v32, v32  }
0x4e0: {  	s8 =	ssub.f32 s8, s18;
	v54 =	vmul.f32 v41, v41;
	v1 =	vadd.f32 v1, v10;
	v6 =	vld [tilespmem:s24+$0x12210];
	v4 =	vmul.f32 v4, v56  }
0x4e1: {  	v53 =	vld [tilespmem:s24+$0x12230];
	v56 =	vmul.f32 v40, v40;
	v5 =	vadd.f32 v5, v7;
	v7 =	vmul.f32 v9, v61  }
0x4e2: {  	s8 =	sadd.f32 $9.999999740e-06, s8;
	v10 =	vadd.f32 v33, v32;
	v55 =	vld [tilespmem:s24+$0x12260];
	v0 =	vmul.f32 s16, v0;
	v13 =	vmul.f32 v39, v39  }
0x4e3: {  	v12 =	vld [tilespmem:s24+$0x12240];
	v54 =	vadd.f32 v56, v54;
	v7 =	vadd.f32 v7, v62;
	v62 =	vmul.f32 s16, v51  }
0x4e4: {  	s23 =	sshra.s32 s8, $0x1;
	s1 =	smul.f32 $5.000000000e-01, s8;
	v52 =	vld [tilespmem:s24+$0x12200];
	s20 =	spop (v2sf);
	v61 =	vadd.f32 v31, v39;
	v0 =	vmul.f32 v0, v15;
	v4 =	vadd.f32 v4, v16;
	v9, _, _ =	vpop (xrf2)  }
0x4e5: {  	s28 =	ssub.s32 $0x5F3759DF, s23;
	s23 =	spop (v2sf);
	(v2sf) =	vpush v9, $0xF;
	v9 =	vmovc v14;
	v2 =	vadd.f32 v2, v54;
	v54 =	vmul.f32 v62, v14;
	v14 =	vld [tilespmem:$0x1FFB0]  }
0x4e6: {  	s11 =	smul.f32 s28, s1;
	v8 =	vadd.f32 v8, v13;
	v13 =	vld [tilespmem:s24+$0x12250];
	[tilespmem:s5+$0x1A200] =	vst v4;
	v4 =	vadd.f32 v10, v61  }
0x4e7: {  	v0 =	vadd.f32 v0, v60;
	v56 =	vld [tilespmem:s24+$0x12220]  }
0x4e8: {  	s12 =	smul.f32 s28, s11;
	v3 =	vmul.f32 s16, v3;
	v5 =	vadd.f32 v5, v8;
	v51 =	vld [tilespmem:s24+$0xA270];
	[tilespmem:s5+$0x1A270] =	vst v7;
	v4 =	vadd.f32 v1, v4;
	v1, _, _ =	vpop (xrf2)  }
0x4e9: {  	s11 =	smul.f32 $7.812500000e-03, s23;
	v61 =	vld [tilespmem:s24+$0xA210];
	(v2sf) =	vpush v1, $0xF;
	v1 =	vadd.f32 v54, v59  }
0x4ea: {  	v2 =	vadd.f32 v2, v5;
	v62 =	vld [tilespmem:s24+$0xA230];
	[tilespmem:s5+$0x1A210] =	vst v0;
	v3 =	vmul.f32 v3, v14  }
0x4eb: {  	s2 =	ssub.f32 $1.500000000e+00, s12;
	v54 =	vmov s11;
	v59 =	vld [tilespmem:s24+$0xA260];
	[tilespmem:s5+$0x1A220] =	vst v1  }
0x4ec: {  	v0 =	vmul.f32 s16, v38;
	v38 =	vsub.f32 v34, v54;
	(xrf2) =	vadd.scan.msk.f32 $0xffff, v2;
	v2 =	vld [tilespmem:s24+$0xA220];
	v1 =	vadd.f32 v3, v57  }
0x4ed: {  	s2 =	smul.f32 s28, s2;
	v34 =	vsub.f32 v43, v54;
	v43 =	vadd.f32 v11, v51;
	v11 =	vld [tilespmem:s24+$0xA240]  }
0x4ee: {  	[tilespmem:s5+$0x1A230] =	vst v1;
	v1 =	vld [tilespmem:$0x1FF30]  }
0x4ef: {  	s18 =	smul.f32 s2, s1;
	_ =	sdelay $0x1  }
0x4f0: {  	s8 =	smul.f32 s18, s2;
	v0 =	vmul.f32 v0, v63;
	_ =	sdelay $0x1  }
0x4f1: {  	s8 =	ssub.f32 $1.500000000e+00, s8;
	v0 =	vadd.f32 v0, v1  }
0x4f2: {  	s28 =	smul.f32 s11, s11;
	v51 =	vsub.f32 v44, v54;
	v44 =	vadd.f32 v6, v61;
	v6 =	vld [tilespmem:s24+$0xA200]  }
0x4f3: {  	s2 =	smul.f32 s8, s2;
	[tilespmem:s5+$0x1A240] =	vst v0;
	v0 =	vld [tilespmem:$0x1FFE0]  }
0x4f4: {  	s18 =	smul.f32 $7.812500000e-03, s20  }
0x4f5: {  	s1 =	smul.f32 s2, s1  }
0x4f6: {  	v16 =	vld [tilespmem:$0x1FF90];
	s8 =	ssub.f32 s18, s28;
	v1 =	vmul.f32 s16, v47  }
0x4f7: {  	s1 =	smul.f32 s1, s2  }
0x4f8: {  	s8 =	sadd.f32 $9.999999740e-06, s8;
	v5 =	vmul.f32 v1, v0;
	v0 =	vld [tilespmem:$0x1FF40]  }
0x4f9: {  	v3 =	vmul.f32 s16, v49;
	s20 =	ssub.f32 $1.500000000e+00, s1  }
0x4fa: {  	v35 =	vsub.f32 v35, v54;
	s23 =	sshra.s32 s8, $0x1;
	s1 =	smul.f32 $5.000000000e-01, s8  }
0x4fb: {  	v42 =	vsub.f32 v42, v54;
	v48 =	vsub.f32 v48, v54;
	v3 =	vmul.f32 v3, v16;
	s11 =	ssub.s32 $0x5F3759DF, s23;
	s31 =	smul.f32 s20, s2  }
0x4fc: {  	s28 =	smul.f32 s11, s1;
	v47 =	vsub.f32 v45, v54;
	v45 =	vadd.f32 v53, v62;
	v8 =	vld [tilespmem:s24+$0xA250]  }
0x4fd: {  	v57 =	vmul.f32 v43, v43;
	v53 =	vadd.f32 v56, v2;
	v2 =	vadd.f32 v3, v0;
	v3 =	vld [tilespmem:$0x1FFF0]  }
0x4fe: {  	v46 =	vsub.f32 v46, v54;
	v61 =	vmul.f32 v44, v44;
	v49 =	vmul.f32 s31, v50;
	s2 =	smul.f32 s11, s28  }
0x4ff: {  	v50 =	vadd.f32 v55, v59;
	v55 =	vmul.f32 s31, v58;
	v56 =	vadd.f32 v12, v11  }
0x500: {  	(xrf2) =	vadd.scan.msk.f32 $0xffff, v4;
	v54 =	vadd.f32 v52, v6;
	v63 =	vmul.f32 v45, v45;
	v62 =	vadd.f32 v45, v53;
	s2 =	ssub.f32 $1.500000000e+00, s2  }
0x501: {  	v16 =	vmovc v9;
	v58 =	vmul.f32 v50, v50;
	v1 =	vmul.f32 v53, v53;
	v52 =	vadd.f32 v13, v8  }
0x502: {  	s8 =	simm.s32 $0xC00;
	v60, _, _ =	vpop (xrf2);
	s23 =	spop (v2sf);
	s20 =	smul.f32 s11, s2;
	v0 =	vadd.f32 v43, v50;
	[tilespmem:s5+$0x1A250] =	vst v2;
	v2 =	vmul.f32 v56, v56;
	v59 =	vadd.f32 v5, v3  }
.LBB2_11:
0x503: {  	s2 =	sshra.s32 s8, $0x2;
	s10 =	spop (v2sf);
	(v2sf) =	vpush v60, $0xF;
	v60 =	vld [tilespmem:$0x1FF10]  }
0x504: {  	v8 =	vld [tilespmem:s2+$0x12270]  }
0x505: {  	[tilespmem:s5+$0x1A260] =	vst v59;
	v59 =	vld [tilespmem:$0x1FFC0]  }
0x506: {  	v4 =	vmul.f32 v54, v54;
	v12 =	vld [tilespmem:s2+$0x12210]  }
0x507: {  	v3 =	vadd.f32 v44, v54;
	v5 =	vadd.f32 v57, v58;
	v58 =	vld [tilespmem:s2+$0x12200]  }
0x508: {  	s5 =	smov.u32 s29;
	s29 =	smov.u32 s30;
	s30 =	smov.u32 s15;
	v4 =	vadd.f32 v61, v4;
	v61 =	vld [tilespmem:$0x1FF80]  }
0x509: {  	v13 =	vmovc v23;
	v23 =	vmovc v39;
	v57 =	vmov v19;
	v10 =	vmul.f32 v52, v52;
	s15 =	smov.u32 s9;
	s9 =	smov.u32 s24;
	s24 =	smov.u32 s2;
	v3 =	vadd.f32 v62, v3;
	v62 =	vld [tilespmem:$0x1FF70]  }
0x50a: {  	v19 =	vmovc v32;
	v32 =	vmovc v53;
	v9 =	vadd.f32 v52, v56;
	v53 =	vmul.f32 s31, v37;
	v39 =	vmov v54;
	v54 =	vld [tilespmem:s24+$0x12260]  }
0x50b: {  	v11 =	vmovc v26;
	v26 =	vmovc v40;
	v1 =	vadd.f32 v63, v1;
	v40 =	vmov v52;
	v52 =	vld [tilespmem:s24+$0x12240];
	v2 =	vadd.f32 v10, v2  }
0x50c: {  	v0 =	vadd.f32 v0, v9;
	v10 =	vld [tilespmem:s2+$0x12230];
	v9 =	vmul.f32 v53, v59  }
0x50d: {  	v63 =	vmul.f32 s31, v30;
	v1 =	vadd.f32 v1, v4;
	v2 =	vadd.f32 v5, v2;
	v59 =	vld [tilespmem:s24+$0x12250]  }
0x50e: {  	s11 =	smov.u32 s8;
	v4 =	vmul.f32 v55, v61;
	v5 =	vadd.f32 v9, v62;
	v62 =	vld [tilespmem:$0x1FF60]  }
0x50f: {  	s11 =	smul.f32 s20, s1;
	v1 =	vadd.f32 v2, v1;
	v2 =	vmul.f32 v63, v15;
	v63 =	vmul.f32 s31, v24;
	v24 =	vld [tilespmem:$0x1FF90]  }
0x510: {  	[tilespmem:s5+$0x1A200] =	vst v5;
	v4 =	vadd.f32 v4, v60;
	v60 =	vld [tilespmem:$0x1FF50]  }
0x511: {  	s11 =	smul.f32 s11, s20;
	v0 =	vadd.f32 v0, v3;
	v3 =	vmul.f32 s31, v28;
	v5 =	vld [tilespmem:s24+$0x12220]  }
0x512: {  	s16 =	sadd.s32 $0x200, s8;
	p1 =	sne.s32 s8, $0x7E00;
	s8 =	smul.f32 $7.812500000e-03, s10;
	v61 =	vmul.f32 s31, v27;
	v9 =	vld [tilespmem:s24+$0xA270];
	[tilespmem:s5+$0x1A270] =	vst v4  }
0x513: {  	v6, _, _ =	vpop (xrf2);
	s23 =	smul.f32 $7.812500000e-03, s23;
	s12 =	ssub.f32 $1.500000000e+00, s11;
	v3 =	vmul.f32 v3, v16;
	v2 =	vadd.f32 v2, v62;
	v4 =	vld [tilespmem:s24+$0xA210]  }
0x514: {  	(v2sf) =	vpush v6, $0xF;
	s18 =	smul.f32 s8, s8;
	v6 =	vmul.f32 v61, v14;
	v61 =	vld [tilespmem:s24+$0xA230]  }
0x515: {  	v7 =	vmovc v25;
	s10 =	smul.f32 s12, s20;
	(xrf2) =	vadd.scan.msk.f32 $0xffff, v1;
	v1 =	vmov s8;
	v3 =	vadd.f32 v3, v60;
	[tilespmem:s5+$0x1A210] =	vst v2;
	v2 =	vld [tilespmem:$0x1FF00]  }
0x516: {  	v55 =	vmul.f32 v49, v24;
	v24 =	vmovc v38;
	v38 =	vsub.f32 v7, v1;
	v7 =	vsub.f32 v11, v1;
	v11 =	vld [tilespmem:s24+$0xA260]  }
0x517: {  	s2 =	ssub.f32 s23, s18;
	s28 =	smul.f32 s10, s1;
	[tilespmem:s5+$0x1A220] =	vst v3;
	v3 =	vld [tilespmem:$0x1FF20]  }
0x518: {  	v37 =	vmovc v51;
	(xrf2) =	vadd.scan.msk.f32 $0xffff, v0;
	v0 =	vsub.f32 v17, v1;
	v17 =	vld [tilespmem:$0x1FF30];
	v51 =	vsub.f32 v13, v1  }
0x519: {  	v30 =	vmovc v47;
	v28 =	vmov v48;
	s2 =	sadd.f32 $9.999999740e-06, s2;
	v47 =	vsub.f32 v18, v1;
	v48 =	vsub.f32 v57, v1;
	s1 =	smul.f32 s28, s10  }
0x51a: {  	v27 =	vmov v46;
	v46 =	vsub.f32 v20, v1;
	v62 =	vsub.f32 v22, v1;
	v1 =	vld [tilespmem:$0x1FF40]  }
0x51b: {  	s18 =	sshra.s32 s2, $0x1;
	s12 =	ssub.f32 $1.500000000e+00, s1;
	s1 =	smul.f32 $5.000000000e-01, s2;
	v2 =	vmul.f32 v63, v2;
	v63 =	vld [tilespmem:$0x1FFE0]  }
0x51c: {  	s20 =	ssub.s32 $0x5F3759DF, s18;
	v3 =	vadd.f32 v6, v3;
	v6 =	vld [tilespmem:s24+$0xA220]  }
0x51d: {  	v25 =	vmovc v41;
	v41 =	vmovc v56;
	v18 =	vmov v31;
	v31 =	vmov v44;
	s28 =	smul.f32 s20, s1;
	v56 =	vld [tilespmem:s24+$0xA240];
	v2 =	vadd.f32 v2, v17  }
0x51e: {  	v13 =	vld [tilespmem:$0x1FFF0];
	v22 =	vmovc v36;
	v36 =	vmov v50;
	v4 =	vadd.f32 v12, v4;
	v50 =	vadd.f32 v54, v11;
	[tilespmem:s5+$0x1A230] =	vst v3  }
0x51f: {  	v20 =	vmovc v33;
	s8 =	smul.f32 s20, s28;
	v17 =	vmovc v29;
	v29 =	vmov v43;
	v43 =	vadd.f32 v8, v9;
	v3 =	vmul.f32 s31, v21;
	v8 =	vld [tilespmem:s24+$0xA200];
	[tilespmem:s5+$0x1A240] =	vst v2  }
0x520: {  	v33 =	vmovc v45;
	v9 =	vadd.f32 v10, v61;
	v61 =	vmul.f32 v4, v4;
	v10 =	vadd.f32 v55, v1;
	s31 =	smul.f32 s12, s10;
	v2 =	vld [tilespmem:s24+$0xA250]  }
.Ltmp6:
0x521: {  	v44 =	vmovc v4;
	v57 =	vmul.f32 v43, v43;
	v3 =	vmul.f32 v3, v63;
	v53 =	vadd.f32 v5, v6;
	(pc) =	sbr.rel @p1 .LBB2_11-.Ltmp6, $4  }
0x522: {  	v56 =	vadd.f32 v52, v56;
	v21 =	vmovc v35;
	v35 =	vmovc v62;
	v49 =	vmul.f32 s31, v34;
	v63 =	vmul.f32 v9, v9  }
0x523: {  	s8 =	ssub.f32 $1.500000000e+00, s8;
	v45 =	vmovc v9;
	v55 =	vmul.f32 s31, v42;
	v42 =	vmovc v0;
	v0 =	vadd.f32 v43, v50;
	v62 =	vadd.f32 v9, v53  }
0x524: {  	v34 =	vmovc v7;
	v1 =	vmul.f32 v53, v53;
	v54 =	vadd.f32 v58, v8;
	v58 =	vmul.f32 v50, v50  }
0x525: {  	s23 =	spop (v2sf);
	v60, _, _ =	vpop (xrf2);
	s20 =	smul.f32 s20, s8;
	s8 =	smov.u32 s16;
	[tilespmem:s5+$0x1A250] =	vst v10;
	v52 =	vadd.f32 v59, v2;
	v2 =	vmul.f32 v56, v56;
	v59 =	vadd.f32 v3, v13  }
0x526: {  	_ = 	snop  }
0x527: {  	v3 =	vmul.f32 v54, v54;
	v4 =	vmul.f32 v52, v52  }
0x528: {  	v5 =	vadd.f32 v57, v58;
	v1 =	vadd.f32 v63, v1  }
0x529: {  	v3 =	vadd.f32 v61, v3;
	v2 =	vadd.f32 v4, v2  }
0x52a: {  	v63 =	vadd.f32 v44, v54;
	v6 =	vadd.f32 v52, v56  }
0x52b: {  	v1 =	vadd.f32 v1, v3;
	v2 =	vadd.f32 v5, v2  }
0x52c: {  	v0 =	vadd.f32 v0, v6;
	v6 =	vadd.f32 v62, v63  }
0x52d: {  	v1 =	vadd.f32 v2, v1  }
0x52e: {  	v0 =	vadd.f32 v0, v6  }
0x52f: {  	(xrf2) =	vadd.scan.msk.f32 $0xffff, v1  }
0x530: {  	s2 =	spop (v2sf);
	(v2sf) =	vpush v60, $0xF;
	(xrf2) =	vadd.scan.msk.f32 $0xffff, v0  }
0x531: {  	v7, _, _ =	vpop (xrf2);
	s2 =	smul.f32 $7.812500000e-03, s2  }
0x532: {  	s10 =	smul.f32 $7.812500000e-03, s23;
	(v2sf) =	vpush v7, $0xF  }
0x533: {  	s8 =	smul.f32 s2, s2;
	_ =	sdelay $0x1  }
0x534: {  	s8 =	ssub.f32 s10, s8;
	_ =	sdelay $0x1  }
0x535: {  	s8 =	sadd.f32 $9.999999740e-06, s8  }
0x536: {  	s11 =	smul.f32 s20, s1  }
0x537: {  	s18 =	sshra.s32 s8, $0x1;
	s8 =	smul.f32 $5.000000000e-01, s8;
	v8, _, _ =	vpop (xrf2)  }
0x538: {  	s11 =	smul.f32 s11, s20;
	s10 =	ssub.s32 $0x5F3759DF, s18;
	(v2sf) =	vpush v8, $0xF;
	v9, _, _ =	vpop (xrf2)  }
0x539: {  	s12 =	smul.f32 s10, s8;
	(v2sf) =	vpush v9, $0xF  }
0x53a: {  	s11 =	ssub.f32 $1.500000000e+00, s11  }
0x53b: {  	s12 =	smul.f32 s10, s12  }
0x53c: {  	s11 =	smul.f32 s11, s20  }
0x53d: {  	s12 =	ssub.f32 $1.500000000e+00, s12;
	s16 =	spop (v2sf)  }
0x53e: {  	s16 =	smul.f32 $7.812500000e-03, s16  }
0x53f: {  	s18 =	spop (v2sf);
	s10 =	smul.f32 s10, s12  }
0x540: {  	s12 =	smul.f32 $7.812500000e-03, s18  }
0x541: {  	s20 =	smul.f32 s10, s8  }
0x542: {  	s23 =	smul.f32 s12, s12  }
0x543: {  	v10 =	vmov s2;
	s18 =	smul.f32 s20, s10  }
0x544: {  	v60 =	vld [tilespmem:$0x1FFC0];
	v58 =	vsub.f32 v25, v10;
	v57 =	vsub.f32 v26, v10;
	s28 =	smul.f32 s11, s1;
	s20 =	ssub.f32 s16, s23  }
0x545: {  	v11 =	vmul.f32 s31, v37;
	v25 =	vsub.f32 v22, v10;
	v3 =	vsub.f32 v23, v10;
	s23 =	ssub.f32 $1.500000000e+00, s18  }
0x546: {  	v12 =	vmul.f32 s31, v24;
	v4 =	vsub.f32 v18, v10;
	v5 =	vsub.f32 v19, v10;
	s18 =	smul.f32 s28, s11;
	s28 =	sadd.f32 $9.999999740e-06, s20  }
0x547: {  	v1 =	vsub.f32 v17, v10;
	v0 =	vsub.f32 v20, v10;
	v26 =	vmov s12;
	s16 =	smul.f32 s23, s10;
	s2 =	spop (v2sf)  }
0x548: {  	v63 =	vmul.f32 s31, v21;
	v23 =	vsub.f32 v41, v26;
	v22 =	vsub.f32 v40, v26;
	v41 =	vld [tilespmem:$0x1FF80];
	s12 =	sshra.s32 s28, $0x1;
	s1 =	smul.f32 $5.000000000e-01, s28;
	s20 =	spop (v2sf)  }
0x549: {  	v21 =	vld [tilespmem:$0x1FF20];
	v2 =	vmul.f32 v11, v60;
	v20 =	vsub.f32 v36, v26;
	v36 =	vsub.f32 v29, v26;
	s10 =	ssub.s32 $0x5F3759DF, s12;
	s12 =	smul.f32 $7.812500000e-03, s20  }
0x54a: {  	v11 =	vmul.f32 s31, v27;
	v8 =	vsub.f32 v39, v26;
	v37 =	vsub.f32 v31, v26;
	v40 =	vld [tilespmem:$0x1FF70]  }
0x54b: {  	v31 =	vsub.f32 v32, v26;
	v29 =	vsub.f32 v33, v26;
	v39 =	vld [tilespmem:$0x1FF60];
	s23 =	smul.f32 s10, s1;
	v33 =	vmov s12  }
0x54c: {  	v10 =	vmul.f32 s31, v28;
	v32 =	vld [tilespmem:$0x1FF30];
	s2 =	smul.f32 $7.812500000e-03, s2;
	v18 =	vsub.f32 v56, v33;
	v19 =	vsub.f32 v52, v33  }
0x54d: {  	v7 =	vmul.f32 v55, v41;
	v55 =	vld [tilespmem:$0x1FF10];
	s28 =	smul.f32 s12, s12;
	v17 =	vsub.f32 v50, v33;
	v27 =	vsub.f32 v43, v33  }
0x54e: {  	v9 =	vmul.f32 s31, v30;
	s18 =	ssub.f32 $1.500000000e+00, s18;
	s20 =	smul.f32 s10, s23;
	v30 =	vsub.f32 v54, v33;
	v28 =	vsub.f32 v44, v33;
	v44 =	vld [tilespmem:$0x1FF00]  }
0x54f: {  	[tilespmem:s5+$0x1A260] =	vst v59;
	v59 =	vmul.f32 v11, v14;
	v26 =	vsub.f32 v53, v33;
	v24 =	vsub.f32 v45, v33;
	v33 =	vld [tilespmem:$0x1FF50];
	s2 =	ssub.f32 s2, s28;
	s28 =	smul.f32 s16, s8  }
0x550: {  	v45 =	vld [tilespmem:$0x1FFE0];
	s8 =	smul.f32 s18, s11;
	s18 =	ssub.f32 $1.500000000e+00, s20  }
0x551: {  	v6 =	vadd.f32 v59, v21;
	v43 =	vld [tilespmem:$0x1FF90];
	s20 =	smul.f32 s28, s16;
	s2 =	sadd.f32 $9.999999740e-06, s2  }
0x552: {  	v9 =	vmul.f32 v9, v15;
	v2 =	vadd.f32 v2, v40;
	s10 =	smul.f32 s10, s18  }
0x553: {  	v10 =	vmul.f32 v10, v16;
	[tilespmem:s29+$0x1A230] =	vst v6;
	v7 =	vadd.f32 v7, v55;
	s23 =	sshra.s32 s2, $0x1;
	s5 =	smul.f32 $5.000000000e-01, s2;
	v62 =	vmul.f32 v12, v44;
	v12 =	vld [tilespmem:$0x1FF40]  }
0x554: {  	[tilespmem:s29+$0x1A200] =	vst v2;
	v56 =	vadd.f32 v9, v39;
	s28 =	smul.f32 s10, s1;
	s11 =	ssub.s32 $0x5F3759DF, s23  }
0x555: {  	[tilespmem:s29+$0x1A270] =	vst v7;
	v52 =	vmul.f32 s8, v51;
	v61 =	vadd.f32 v10, v33;
	v54 =	vmul.f32 v63, v45;
	s31 =	smul.f32 s11, s5  }
0x556: {  	[tilespmem:s29+$0x1A210] =	vst v56;
	v56 =	vmul.f32 s8, v42;
	v50 =	vmul.f32 v49, v43;
	v53 =	vadd.f32 v62, v32;
	s2 =	smul.f32 s28, s10  }
0x557: {  	v59 =	vmul.f32 v52, v60;
	s12 =	ssub.f32 $1.500000000e+00, s20;
	[tilespmem:s29+$0x1A220] =	vst v61;
	v61 =	vmul.f32 s8, v47;
	v62 =	vadd.f32 v54, v13;
	s18 =	smul.f32 s11, s31  }
0x558: {  	v42 =	vmul.f32 s8, v48;
	v63 =	vmul.f32 v56, v41;
	[tilespmem:s29+$0x1A240] =	vst v53;
	s2 =	ssub.f32 $1.500000000e+00, s2;
	v2 =	vadd.f32 v50, v12  }
0x559: {  	v49 =	vmul.f32 s8, v46;
	s12 =	smul.f32 s12, s16;
	v47 =	vadd.f32 v59, v40;
	v48 =	vmul.f32 v61, v15;
	[tilespmem:s29+$0x1A260] =	vst v62;
	s20 =	ssub.f32 $1.500000000e+00, s18  }
0x55a: {  	v51 =	vmul.f32 v42, v16;
	v52 =	vmul.f32 s8, v38;
	v50 =	vadd.f32 v63, v55;
	s2 =	smul.f32 s2, s10;
	[tilespmem:s29+$0x1A250] =	vst v2  }
0x55b: {  	v11 =	vmul.f32 v49, v14;
	v59 =	vmul.f32 s8, v35;
	v6 =	vadd.f32 v48, v39;
	[tilespmem:s30+$0x1A200] =	vst v47;
	s23 =	smul.f32 s11, s20  }
0x55c: {  	v54 =	vadd.f32 v51, v33;
	v56 =	vmul.f32 v52, v44;
	v53 =	vmul.f32 s8, v34;
	[tilespmem:s30+$0x1A270] =	vst v50;
	s1 =	smul.f32 s2, s1  }
0x55d: {  	v61 =	vadd.f32 v11, v21;
	v3 =	vmul.f32 s12, v3;
	v63 =	vmul.f32 v59, v45;
	[tilespmem:s30+$0x1A210] =	vst v6;
	s28 =	smul.f32 s23, s5  }
0x55e: {  	v62 =	vadd.f32 v56, v32;
	v1 =	vmul.f32 s12, v1;
	v2 =	vmul.f32 v53, v43;
	[tilespmem:s30+$0x1A220] =	vst v54;
	s1 =	smul.f32 s1, s2  }
0x55f: {  	v4 =	vmul.f32 s12, v4;
	v3 =	vmul.f32 v3, v60;
	v9 =	vadd.f32 v63, v13;
	[tilespmem:s30+$0x1A230] =	vst v61;
	s8 =	smul.f32 s28, s23  }
0x560: {  	v5 =	vmul.f32 s12, v5;
	v1 =	vmul.f32 v1, v41;
	[tilespmem:s30+$0x1A240] =	vst v62;
	v2 =	vadd.f32 v2, v12;
	s1 =	ssub.f32 $1.500000000e+00, s1  }
0x561: {  	v0 =	vmul.f32 s12, v0;
	v11 =	vmul.f32 v4, v15;
	v10 =	vadd.f32 v3, v40;
	[tilespmem:s30+$0x1A260] =	vst v9;
	s8 =	ssub.f32 $1.500000000e+00, s8  }
0x562: {  	v35 =	vmul.f32 s12, v58;
	v34 =	vmul.f32 v5, v16;
	v1 =	vadd.f32 v1, v55;
	[tilespmem:s30+$0x1A250] =	vst v2;
	s1 =	smul.f32 s1, s2  }
0x563: {  	v0 =	vmul.f32 v0, v14;
	v3 =	vadd.f32 v11, v39;
	v47 =	vmul.f32 s12, v25;
	[tilespmem:s15+$0x1A200] =	vst v10;
	s29 =	smul.f32 s8, s23  }
0x564: {  	v38 =	vmul.f32 s12, v57;
	v46 =	vmul.f32 v35, v44;
	v42 =	vadd.f32 v34, v33;
	[tilespmem:s15+$0x1A270] =	vst v1  }
0x565: {  	v0 =	vadd.f32 v0, v21;
	v50 =	vmul.f32 v47, v45;
	[tilespmem:s15+$0x1A210] =	vst v3;
	v48 =	vmul.f32 s1, v8;
	s5 =	smul.f32 s29, s5  }
0x566: {  	v49 =	vadd.f32 v46, v32;
	v2 =	vmul.f32 v38, v43;
	[tilespmem:s15+$0x1A220] =	vst v42;
	v51 =	vmul.f32 s1, v36  }
0x567: {  	[tilespmem:s15+$0x1A230] =	vst v0;
	v56 =	vadd.f32 v50, v13;
	v54 =	vmul.f32 s1, v37;
	v53 =	vmul.f32 v48, v60;
	s5 =	smul.f32 s5, s29  }
0x568: {  	[tilespmem:s15+$0x1A240] =	vst v49;
	v52 =	vadd.f32 v2, v12;
	v58 =	vmul.f32 s1, v31;
	v57 =	vmul.f32 v51, v41  }
0x569: {  	[tilespmem:s15+$0x1A260] =	vst v56;
	v62 =	vmul.f32 s1, v29;
	v61 =	vmul.f32 v54, v15;
	v59 =	vadd.f32 v53, v40;
	s5 =	ssub.f32 $1.500000000e+00, s5  }
0x56a: {  	[tilespmem:s15+$0x1A250] =	vst v52;
	v9 =	vmul.f32 s1, v23;
	v8 =	vmul.f32 v58, v16;
	v63 =	vadd.f32 v57, v55  }
0x56b: {  	v10 =	vmul.f32 s1, v22;
	v3 =	vmul.f32 v62, v14;
	v2 =	vadd.f32 v61, v39;
	[tilespmem:s9+$0x1A200] =	vst v59;
	s2 =	smul.f32 s5, s29  }
0x56c: {  	v29 =	vmul.f32 s1, v20;
	v25 =	vmul.f32 v9, v44;
	v11 =	vadd.f32 v8, v33;
	[tilespmem:s9+$0x1A270] =	vst v63  }
0x56d: {  	v0 =	vmul.f32 v10, v43;
	v31 =	vadd.f32 v3, v21;
	[tilespmem:s9+$0x1A210] =	vst v2;
	v34 =	vmul.f32 s2, v30  }
0x56e: {  	v36 =	vmul.f32 v29, v45;
	v35 =	vadd.f32 v25, v32;
	[tilespmem:s9+$0x1A220] =	vst v11;
	v37 =	vmul.f32 s2, v27  }
0x56f: {  	v0 =	vadd.f32 v0, v12;
	[tilespmem:s9+$0x1A230] =	vst v31;
	v42 =	vmul.f32 s2, v28;
	v38 =	vmul.f32 v34, v60  }
0x570: {  	v46 =	vadd.f32 v36, v13;
	[tilespmem:s9+$0x1A240] =	vst v35;
	v48 =	vmul.f32 s2, v26;
	v47 =	vmul.f32 v37, v41  }
0x571: {  	[tilespmem:s9+$0x1A250] =	vst v0;
	v51 =	vmul.f32 s2, v24;
	v50 =	vmul.f32 v42, v15;
	v49 =	vadd.f32 v38, v40  }
0x572: {  	[tilespmem:s9+$0x1A260] =	vst v46;
	v54 =	vmul.f32 s2, v18;
	v53 =	vmul.f32 v48, v16;
	v52 =	vadd.f32 v47, v55  }
0x573: {  	v58 =	vmul.f32 s2, v17;
	v3 =	vmul.f32 v51, v14;
	v2 =	vadd.f32 v50, v39;
	[tilespmem:s24+$0x1A200] =	vst v49  }
0x574: {  	v57 =	vmul.f32 v54, v44;
	v55 =	vmul.f32 s2, v19;
	v56 =	vadd.f32 v53, v33;
	[tilespmem:s24+$0x1A270] =	vst v52  }
0x575: {  	v62 =	vmul.f32 v58, v45;
	v59 =	vadd.f32 v3, v21;
	[tilespmem:s24+$0x1A210] =	vst v2  }
0x576: {  	v61 =	vadd.f32 v57, v32;
	v0 =	vmul.f32 v55, v43;
	[tilespmem:s24+$0x1A220] =	vst v56  }
.Ltmp7:
0x577: {  	s30 =	rddreg [dreg:$0xc];
	v63 =	vadd.f32 v62, v13;
	[tilespmem:s24+$0x1A230] =	vst v59;
	(pc) =	sbr.rel @p2 .LBB2_14-.Ltmp7, $4  }
0x578: {  	s1 =	sadd.s32 s14, s30;
	[tilespmem:s24+$0x1A240] =	vst v61;
	v0 =	vadd.f32 v0, v12  }
0x579: {  	s1 =	sshll.u32 s1, $0x4;
	[tilespmem:s24+$0x1A260] =	vst v63  }
0x57a: {  	s31 =	simm.s32 $0x1A200;
	s1 =	sadd.s32 s4, s1;
	[tilespmem:s24+$0x1A250] =	vst v0  }
0x57b: {  	[hbm4b:s1+s7] =	stream.linear.scatter [tilespmem:s31], [sflag:$0xC], $0x2000, $0x38;
	[tilespmem:$0x1C300] =	vst v63  }
.Ltmp8:
0x57c: {  	(pc) =	sbr.rel .LBB2_4-.Ltmp8, $4  }
0x57d: {  	s1 =	sadd.s32 $0x1C0, s14;
	s2 =	simm.s32 $0x40;
	s5 =	simm.s32 $0xA200  }
0x57e: {  	v2 =	vmov v12;
	v13 =	vmov v60;
	[tilespmem:s5], [sflag:$0x4] =	stream.indirect.gather [hbm4b:s0+s2], $0x80, s1, s2, $0xb8;
	[tilespmem:$0x1C300] =	vst v63  }
0x57f: {  	v5 =	vmovc v43;
	v10 =	vmovc v21;
	v11 =	vmov v32;
	v16 =	vmov v14;
	v14 =	vmov v15;
	s30 =	sadd.s32 $0x1AC0, s14;
	s31 =	simm.s32 $0x12200;
	s13 =	sadd.s32 $0x1, s13  }
0x580: {  	v15 =	vmovc v41;
	v3 =	vmovc v40;
	v12 =	vmov v39;
	v6 =	vmov v33;
	v7 =	vmov v2;
	[tilespmem:s31], [sflag:$0x8] =	stream.indirect.gather [spmem:s6], $0x80, s30, s2, $0xb8;
	[tilespmem:$0x1C300] =	vst v63  }
.LBB2_15:
0x581: {  	_ =	sfence.sel $0x180000  }
0x582: {  	[bflag:$0x0] =	sbarrier.arrive $0xFFFF  }
0x583: {  	_ =	strace $0x90000047  }
0x584: {  	[bflag:$0x2] =	sbarrier.arrive $0xFFFF  }
0x585: {  	s0 =	rddreg [dreg:$0x7]  }
0x586: {  	s0 =	sadd.s32 @!p0 $0x100000, s0  }
0x587: {  	[sflag:s0] =	ssyncadd.tile.s32 @!p0 $0x1;
	_ =	shalt  }
.Lfunc_end2:
_tile_overlayer_lowered:
.L_overlay_start_2:
0x588: {  	(tag) =	ssettag $0x2  }
0x589: {  	s0 =	rddreg [dreg:$0x0];
	s2 =	stileid.u32  }
0x58a: {  	s1 =	rddreg [dreg:$0x1];
	p0 =	sne.s32 s2, $0x0  }
0x58b: {  	s3 =	rddreg [dreg:$0x2];
	[bflag:$0x3] =	sbarrier.arrive $0xFFFF;
	s2 =	simm.s32 @!p0 $0x1C0D  }
0x58c: {  	[timem:s3], [sflag:s2] =	dma.local @!p0 [hbm:s0], s1  }
0x58d: {  	s0 =	simm.s32 @!p0 $0xD  }
0x58e: {  	_ =	swait.ge @!p0 [sflag:s0], s1  }
0x58f: {  	s1 =	ssub.s32 @!p0 $0x0, s1;
	[sflag:s0] =	ssyncset.done @!p0 $0x0  }
0x590: {  	[sflag:s0] =	ssyncadd.s32 @!p0 s1  }
0x591: {  	[bflag:$0x3] =	sbarrier.arrive $0xFFFF  }
0x592: {  	_ =	shalt  }

</sc_bundles>
